<compile_context>
chip_gen: v7x
topology: tpu7x:2x2x1
jax: 0.10.2.dev20260603
libtpu: 0.0.44.dev20260713+nightly
codegen_flags: <defaults>
</compile_context>

<pallas_src>
import jax
import jax.numpy as jnp
from jax import lax
from jax.experimental import pallas as pl
from jax.experimental.pallas import tpu as pltpu
from jax.experimental.pallas import tpu_sc as plsc

N = 10000
E = 160000
D_IN = 256
D_HID = 512
D_OUT = 256

NS = 16
L = 16
W = 128
CH = 80
EPT = E // NS
NCH = EPT // CH
RPT = 640
NP = NS * RPT
RPT_LAST = N - (NS - 1) * RPT
SG = 80

_mesh = plsc.VectorSubcoreMesh(core_axis_name="c", subcore_axis_name="s")


CC = 40
NCC = E // (2 * NS) // CC


def _count_body(dst, zero_w, one_w, c_out, didx0, didx1, ones_v, acc,
                sem0, sem1):
  cid = lax.axis_index("c")
  sid = lax.axis_index("s")

  wbase = pl.multiple_of(sid * RPT, 8)
  pltpu.sync_copy(zero_w, ones_v)
  for j in range(RPT // SG):
    a = pl.multiple_of(wbase + j * SG, 8)
    pltpu.sync_copy(ones_v, acc.at[pl.ds(a, SG)])
  pltpu.sync_copy(one_w, ones_v)
  plsc.subcore_barrier()

  ones_cc = ones_v.at[pl.ds(0, CC)]
  didx = (didx0, didx1)
  sems = (sem0, sem1)
  ebase = (cid * NS + sid) * (E // (2 * NS))

  def load_idx(c, b):
    base = pl.multiple_of(ebase + c * CC, 8)
    pltpu.sync_copy(dst.at[pl.ds(base, CC)], didx[b])

  def start_scatter(b):
    pltpu.async_copy(ones_cc, acc.at[didx[b]], sems[b], add=True)

  def wait_scatter(b):
    pltpu.make_async_copy(ones_cc, acc.at[didx[b]], sems[b]).wait()

  load_idx(0, 0)
  start_scatter(0)

  def cpair(g, carry):
    load_idx(2 * g + 1, 1)
    wait_scatter(0)
    start_scatter(1)
    load_idx(2 * g + 2, 0)
    wait_scatter(1)
    start_scatter(0)
    return carry

  lax.fori_loop(0, (NCC - 1) // 2, cpair, 0)
  wait_scatter(0)
  plsc.subcore_barrier()

  obase = pl.multiple_of(cid * N + sid * RPT, 8)

  def flush(blocks):
    for j in range(blocks):
      a = pl.multiple_of(wbase + j * SG, 8)
      o = pl.multiple_of(obase + j * SG, 8)
      pltpu.sync_copy(acc.at[pl.ds(a, SG)], ones_v)
      pltpu.sync_copy(ones_v, c_out.at[pl.ds(o, SG)])

  @pl.when(sid < NS - 1)
  def _():
    flush(RPT // SG)

  @pl.when(sid == NS - 1)
  def _():
    flush(RPT_LAST // SG)


_sc_count = pl.kernel(
    _count_body,
    out_type=[jax.ShapeDtypeStruct((2 * N, W), jnp.float32)],
    mesh=_mesh,
    scratch_types=[
        pltpu.VMEM((CC,), jnp.int32),
        pltpu.VMEM((CC,), jnp.int32),
        pltpu.VMEM((CH, W), jnp.float32),
        pltpu.VMEM_SHARED((NP, W), jnp.float32),
        pltpu.SemaphoreType.DMA,
        pltpu.SemaphoreType.DMA,
    ],
)


def _mean_body(tab, src2, dst, zero_w, s_out,
               gidx0, didx0, rows0, gidx1, didx1, rows1, acc,
               sem0, sem1, semi0, semi1):
  cid = lax.axis_index("c")
  sid = lax.axis_index("s")
  gidx = (gidx0, gidx1)
  didx = (didx0, didx1)
  rows = (rows0, rows1)
  sems = (sem0, sem1)
  semi = (semi0, semi1)

  wbase = pl.multiple_of(sid * RPT, 8)
  pltpu.sync_copy(zero_w, rows0)
  for j in range(RPT // SG):
    a = pl.multiple_of(wbase + j * SG, 8)
    pltpu.sync_copy(rows0, acc.at[pl.ds(a, SG)])
  plsc.subcore_barrier()

  def issue_idx(c, b, asynchronous=True):
    base = pl.multiple_of(sid * EPT + c * CH, 8)
    gbase = pl.multiple_of(cid * E + sid * EPT + c * CH, 8)
    if asynchronous:
      pltpu.async_copy(src2.at[pl.ds(gbase, CH)], gidx[b], semi[b])
      pltpu.async_copy(dst.at[pl.ds(base, CH)], didx[b], semi[b])
    else:
      pltpu.sync_copy(src2.at[pl.ds(gbase, CH)], gidx[b])
      pltpu.sync_copy(dst.at[pl.ds(base, CH)], didx[b])

  def start_gather(c, b, wait_idx=True):
    if wait_idx:
      gbase = pl.multiple_of(cid * E + sid * EPT + c * CH, 8)
      base = pl.multiple_of(sid * EPT + c * CH, 8)
      pltpu.make_async_copy(src2.at[pl.ds(gbase, CH)], gidx[b],
                            semi[b]).wait()
      pltpu.make_async_copy(dst.at[pl.ds(base, CH)], didx[b],
                            semi[b]).wait()
    pltpu.async_copy(tab.at[gidx[b]], rows[b], sems[b])

  def drain_scatter(b):
    pltpu.make_async_copy(tab.at[gidx[b]], rows[b], sems[b]).wait()
    pltpu.sync_copy(rows[b], acc.at[didx[b]], add=True)

  issue_idx(0, 0, asynchronous=False)
  start_gather(0, 0, wait_idx=False)
  issue_idx(1, 1)

  def pair(g, carry):
    c = 2 * g + 1
    start_gather(c, 1)
    drain_scatter(0)
    issue_idx(c + 1, 0)
    start_gather(c + 1, 0)
    drain_scatter(1)

    @pl.when(c + 2 < NCH)
    def _():
      issue_idx(c + 2, 1)

    return carry

  lax.fori_loop(0, (NCH - 1) // 2, pair, 0)
  drain_scatter(0)
  plsc.subcore_barrier()

  obase = pl.multiple_of(cid * N + sid * RPT, 8)

  def flush(blocks):
    for j in range(blocks):
      a = pl.multiple_of(wbase + j * SG, 8)
      o = pl.multiple_of(obase + j * SG, 8)
      b = j % 2
      if j >= 2:
        o2 = pl.multiple_of(obase + (j - 2) * SG, 8)
        pltpu.make_async_copy(rows[b], s_out.at[pl.ds(o2, SG)],
                              semi[b]).wait()
      pltpu.async_copy(acc.at[pl.ds(a, SG)], rows[b], sems[b])
      pltpu.make_async_copy(acc.at[pl.ds(a, SG)], rows[b], sems[b]).wait()
      pltpu.async_copy(rows[b], s_out.at[pl.ds(o, SG)], semi[b])
    for j in range(max(blocks - 2, 0), blocks):
      o = pl.multiple_of(obase + j * SG, 8)
      pltpu.make_async_copy(rows[j % 2], s_out.at[pl.ds(o, SG)],
                            semi[j % 2]).wait()

  @pl.when(sid < NS - 1)
  def _():
    flush(RPT // SG)

  @pl.when(sid == NS - 1)
  def _():
    flush(RPT_LAST // SG)


_sc_segmean = pl.kernel(
    _mean_body,
    out_type=[jax.ShapeDtypeStruct((2 * N, W), jnp.float32)],
    mesh=_mesh,
    scratch_types=[
        pltpu.VMEM((CH,), jnp.int32),
        pltpu.VMEM((CH,), jnp.int32),
        pltpu.VMEM((CH, W), jnp.float32),
        pltpu.VMEM((CH,), jnp.int32),
        pltpu.VMEM((CH,), jnp.int32),
        pltpu.VMEM((CH, W), jnp.float32),
        pltpu.VMEM_SHARED((NP, W), jnp.float32),
        pltpu.SemaphoreType.DMA,
        pltpu.SemaphoreType.DMA,
        pltpu.SemaphoreType.DMA,
        pltpu.SemaphoreType.DMA,
    ],
)

R = 400
NBLK = N // R


def _tc1_body(s1l, s1r, c0, c1, x, w1l, w1r, b1, w2l, w2r, b2,
              h1o, p2o, r2o):
  iv = 1.0 / jnp.maximum(c0[...][:, 0:1] + c1[...][:, 0:1], 1.0)
  mean = jnp.concatenate([s1l[...], s1r[...]], axis=1) * iv
  h1 = jnp.dot(mean, w1l[...], preferred_element_type=jnp.float32)
  h1 += jnp.dot(x[...], w1r[...], preferred_element_type=jnp.float32)
  h1 = jnp.maximum(h1 + b1[...], 0.0)
  h1o[...] = h1
  p2o[...] = jnp.dot(h1, w2l[...], preferred_element_type=jnp.float32)
  r2o[...] = jnp.dot(h1, w2r[...], preferred_element_type=jnp.float32) + b2[...]


_tc1 = pl.pallas_call(
    _tc1_body,
    grid=(NBLK,),
    in_specs=[
        pl.BlockSpec((R, W), lambda i: (i, 0)),
        pl.BlockSpec((R, W), lambda i: (i + NBLK, 0)),
        pl.BlockSpec((R, W), lambda i: (i, 0)),
        pl.BlockSpec((R, W), lambda i: (i + NBLK, 0)),
        pl.BlockSpec((R, D_IN), lambda i: (i, 0)),
        pl.BlockSpec((D_IN, D_HID), lambda i: (0, 0)),
        pl.BlockSpec((D_IN, D_HID), lambda i: (0, 0)),
        pl.BlockSpec((1, D_HID), lambda i: (0, 0)),
        pl.BlockSpec((D_HID, D_OUT), lambda i: (0, 0)),
        pl.BlockSpec((D_HID, D_OUT), lambda i: (0, 0)),
        pl.BlockSpec((1, D_OUT), lambda i: (0, 0)),
    ],
    out_specs=[
        pl.BlockSpec((R, D_HID), lambda i: (i, 0)),
        pl.BlockSpec((R, D_OUT), lambda i: (i, 0)),
        pl.BlockSpec((R, D_OUT), lambda i: (i, 0)),
    ],
    out_shape=[
        jax.ShapeDtypeStruct((N, D_HID), jnp.float32),
        jax.ShapeDtypeStruct((N, D_OUT), jnp.float32),
        jax.ShapeDtypeStruct((N, D_OUT), jnp.float32),
    ],
)


def _tc2_body(s2l, s2r, c0, c1, r2, out):
  iv = 1.0 / jnp.maximum(c0[...][:, 0:1] + c1[...][:, 0:1], 1.0)
  out[...] = jnp.concatenate([s2l[...], s2r[...]], axis=1) * iv + r2[...]


_tc2 = pl.pallas_call(
    _tc2_body,
    grid=(NBLK,),
    in_specs=[
        pl.BlockSpec((R, W), lambda i: (i, 0)),
        pl.BlockSpec((R, W), lambda i: (i + NBLK, 0)),
        pl.BlockSpec((R, W), lambda i: (i, 0)),
        pl.BlockSpec((R, W), lambda i: (i + NBLK, 0)),
        pl.BlockSpec((R, D_OUT), lambda i: (i, 0)),
    ],
    out_specs=pl.BlockSpec((R, D_OUT), lambda i: (i, 0)),
    out_shape=jax.ShapeDtypeStruct((N, D_OUT), jnp.float32),
)


def kernel(x, edge_index, W1l, W1r, b1, W2l, W2r, b2):
  src = edge_index[0].astype(jnp.int32)
  dst = edge_index[1].astype(jnp.int32)
  src2 = jnp.concatenate([src * 2, src * 2 + 1])
  zero_w = jnp.zeros((SG, W), jnp.float32)
  one_w = jnp.ones((CH, W), jnp.float32)

  (cnt2,) = _sc_count(dst, zero_w, one_w)
  (s1,) = _sc_segmean(x.reshape(2 * N, W), src2, dst, zero_w)
  h1, p2, r2 = _tc1(s1, s1, cnt2, cnt2, x, W1l, W1r, b1.reshape(1, D_HID),
                    W2l, W2r, b2.reshape(1, D_OUT))
  (s2,) = _sc_segmean(p2.reshape(2 * N, W), src2, dst, zero_w)
  out = _tc2(s2, s2, cnt2, cnt2, r2)
  return (h1, out)

# --- scband reference (transcript-rebuilt; emitter-appended) ---
"""Pipeline reference for scband-graph-sage-28200755265749 (READ-ONLY COPY).

The authoritative reference and input builder live on the scoring server;
editing this copy changes nothing except your own understanding.
"""

import jax, jax.numpy as jnp
import numpy as np

N = 10000
E = 160000
D_IN = 256
D_HID = 512
D_OUT = 256


def setup_inputs(seed: int = 0) -> dict:
    key = jax.random.key(seed)
    ks = jax.random.split(key, 8)
    x = jax.random.normal(ks[0], (N, D_IN), dtype=jnp.float32)
    edge_index = jax.random.randint(ks[1], (2, E), 0, N)
    W1l = jax.random.normal(ks[2], (D_IN, D_HID), dtype=jnp.float32) * (1.0 / np.sqrt(D_IN))
    W1r = jax.random.normal(ks[3], (D_IN, D_HID), dtype=jnp.float32) * (1.0 / np.sqrt(D_IN))
    b1 = jnp.zeros((D_HID,), dtype=jnp.float32)
    W2l = jax.random.normal(ks[4], (D_HID, D_OUT), dtype=jnp.float32) * (1.0 / np.sqrt(D_HID))
    W2r = jax.random.normal(ks[5], (D_HID, D_OUT), dtype=jnp.float32) * (1.0 / np.sqrt(D_HID))
    b2 = jnp.zeros((D_OUT,), dtype=jnp.float32)
    return {"x": x, "edge_index": edge_index, "W1l": W1l, "W1r": W1r, "b1": b1, "W2l": W2l, "W2r": W2r, "b2": b2}


def _sage_conv(h, src, dst, Wl, Wr, b, num_nodes):
    # PyG SAGEConv with mean aggregation:
    # out = lin_l(mean_{j in N(i)} x_j) + lin_r(x_i)
    msgs = h[src]
    summed = jax.ops.segment_sum(msgs, dst, num_segments=num_nodes)
    cnt = jax.ops.segment_sum(jnp.ones((src.shape[0],), jnp.float32), dst, num_segments=num_nodes)
    mean = summed / jnp.clip(cnt, 1.0)[:, None]
    return mean @ Wl + h @ Wr + b


def reference(x, edge_index, W1l, W1r, b1, W2l, W2r, b2):
    src = edge_index[0]
    dst = edge_index[1]
    h1 = _sage_conv(x, src, dst, W1l, W1r, b1, N)
    h1 = jax.nn.relu(h1)
    embedding = h1  # dropout treated as identity (eval/deterministic reference)
    out = _sage_conv(embedding, src, dst, W2l, W2r, b2, N)
    return (embedding, out)

if __name__ == "__main__":
    import jax
    _d = setup_inputs()
    print(jax.jit(kernel)(*tuple(_d.values())))

</pallas_src>

<mosaic_0001>
#map = affine_map<(d0, d1) -> (0)>
#map1 = affine_map<(d0, d1) -> (0, 0)>
module attributes {stable_mosaic.version = 14 : i64} {
  func.func @_count_body(%arg0: i32, %arg1: i32, %arg2: memref<160000xi32, #tpu.memory_space<hbm>>, %arg3: memref<80x128xf32, #tpu.memory_space<hbm>>, %arg4: memref<80x128xf32, #tpu.memory_space<hbm>>, %arg5: memref<20000x128xf32, #tpu.memory_space<hbm>>, %arg6: memref<40xi32, #tpu.memory_space<vmem>>, %arg7: memref<40xi32, #tpu.memory_space<vmem>>, %arg8: memref<80x128xf32, #tpu.memory_space<vmem>>, %arg9: memref<10240x128xf32, #tpu.memory_space<vmem_shared>>, %arg10: memref<!tpu.dma_semaphore, #tpu.memory_space<semaphore_mem>>, %arg11: memref<!tpu.dma_semaphore, #tpu.memory_space<semaphore_mem>>) attributes {dimension_semantics = [#tpu.dimension_semantics<core_parallel>, #tpu.dimension_semantics<subcore_parallel>], iteration_bounds = array<i64: 2, 16>, scalar_prefetch = 0 : i64, scratch_operands = 6 : i64, tpu.core_type = #tpu.core_type<sc_vector_subcore>, window_params = [{transform_indices = #map}, {transform_indices = #map1}, {transform_indices = #map1}, {transform_indices = #map1}]} {
    %mul3A = arith.constant 640 : i32
    %mul3A_0 = arith.muli %arg1, %mul3A : i32
    %multiple_of3A = tpu.assume_multiple %mul3A_0, 8 : i32
    "tpu.region"() ({
      %run_scoped3A = tpu.sem_alloc : memref<!tpu.dma_semaphore, #tpu.memory_space<semaphore_mem>>
      tpu.enqueue_dma source(%arg3 : memref<80x128xf32, #tpu.memory_space<hbm>>) target(%arg8 : memref<80x128xf32, #tpu.memory_space<vmem>>) target_semaphore(%run_scoped3A : memref<!tpu.dma_semaphore, #tpu.memory_space<semaphore_mem>>)
      tpu.wait_dma2 semaphore(%run_scoped3A : memref<!tpu.dma_semaphore, #tpu.memory_space<semaphore_mem>>) src(%arg3 : memref<80x128xf32, #tpu.memory_space<hbm>>) dst(%arg8 : memref<80x128xf32, #tpu.memory_space<vmem>>)
      tpu.yield
    }) : () -> ()
    %add3A = arith.constant 0 : i32
    %add3A_1 = arith.addi %multiple_of3A, %add3A : i32
    %multiple_of3A_2 = tpu.assume_multiple %add3A_1, 8 : i32
    "tpu.region"() ({
      %run_scoped3A = tpu.sem_alloc : memref<!tpu.dma_semaphore, #tpu.memory_space<semaphore_mem>>
      %dma_start3A_60 = arith.constant 0 : i32
      %dma_start3A_61 = tpu.memref_slice %arg9[%multiple_of3A_2, %dma_start3A_60] : memref<10240x128xf32, #tpu.memory_space<vmem_shared>> -> memref<80x128xf32, #tpu.memory_space<vmem_shared>>
      %dma_start3A_62 = arith.constant 0 : i32
      %dma_start3A_63 = tpu.memref_slice %arg9[%multiple_of3A_2, %dma_start3A_62] : memref<10240x128xf32, #tpu.memory_space<vmem_shared>> -> memref<80x128xf32, #tpu.memory_space<vmem_shared>>
      tpu.enqueue_dma source(%arg8 : memref<80x128xf32, #tpu.memory_space<vmem>>) target(%dma_start3A_63 : memref<80x128xf32, #tpu.memory_space<vmem_shared>>) target_semaphore(%run_scoped3A : memref<!tpu.dma_semaphore, #tpu.memory_space<semaphore_mem>>)
      %dma_wait3A_64 = arith.constant 0 : i32
      %dma_wait3A_65 = tpu.memref_slice %arg9[%multiple_of3A_2, %dma_wait3A_64] : memref<10240x128xf32, #tpu.memory_space<vmem_shared>> -> memref<80x128xf32, #tpu.memory_space<vmem_shared>>
      %dma_wait3A_66 = arith.constant 0 : i32
      %dma_wait3A_67 = tpu.memref_slice %arg9[%multiple_of3A_2, %dma_wait3A_66] : memref<10240x128xf32, #tpu.memory_space<vmem_shared>> -> memref<80x128xf32, #tpu.memory_space<vmem_shared>>
      tpu.wait_dma2 semaphore(%run_scoped3A : memref<!tpu.dma_semaphore, #tpu.memory_space<semaphore_mem>>) src(%arg8 : memref<80x128xf32, #tpu.memory_space<vmem>>) dst(%dma_wait3A_67 : memref<80x128xf32, #tpu.memory_space<vmem_shared>>)
      tpu.yield
    }) : () -> ()
    %add3A_3 = arith.constant 80 : i32
    %add3A_4 = arith.addi %multiple_of3A, %add3A_3 : i32
    %multiple_of3A_5 = tpu.assume_multiple %add3A_4, 8 : i32
    "tpu.region"() ({
      %run_scoped3A = tpu.sem_alloc : memref<!tpu.dma_semaphore, #tpu.memory_space<semaphore_mem>>
      %dma_start3A_60 = arith.constant 0 : i32
      %dma_start3A_61 = tpu.memref_slice %arg9[%multiple_of3A_5, %dma_start3A_60] : memref<10240x128xf32, #tpu.memory_space<vmem_shared>> -> memref<80x128xf32, #tpu.memory_space<vmem_shared>>
      %dma_start3A_62 = arith.constant 0 : i32
      %dma_start3A_63 = tpu.memref_slice %arg9[%multiple_of3A_5, %dma_start3A_62] : memref<10240x128xf32, #tpu.memory_space<vmem_shared>> -> memref<80x128xf32, #tpu.memory_space<vmem_shared>>
      tpu.enqueue_dma source(%arg8 : memref<80x128xf32, #tpu.memory_space<vmem>>) target(%dma_start3A_63 : memref<80x128xf32, #tpu.memory_space<vmem_shared>>) target_semaphore(%run_scoped3A : memref<!tpu.dma_semaphore, #tpu.memory_space<semaphore_mem>>)
      %dma_wait3A_64 = arith.constant 0 : i32
      %dma_wait3A_65 = tpu.memref_slice %arg9[%multiple_of3A_5, %dma_wait3A_64] : memref<10240x128xf32, #tpu.memory_space<vmem_shared>> -> memref<80x128xf32, #tpu.memory_space<vmem_shared>>
      %dma_wait3A_66 = arith.constant 0 : i32
      %dma_wait3A_67 = tpu.memref_slice %arg9[%multiple_of3A_5, %dma_wait3A_66] : memref<10240x128xf32, #tpu.memory_space<vmem_shared>> -> memref<80x128xf32, #tpu.memory_space<vmem_shared>>
      tpu.wait_dma2 semaphore(%run_scoped3A : memref<!tpu.dma_semaphore, #tpu.memory_space<semaphore_mem>>) src(%arg8 : memref<80x128xf32, #tpu.memory_space<vmem>>) dst(%dma_wait3A_67 : memref<80x128xf32, #tpu.memory_space<vmem_shared>>)
      tpu.yield
    }) : () -> ()
    %add3A_6 = arith.constant 160 : i32
    %add3A_7 = arith.addi %multiple_of3A, %add3A_6 : i32
    %multiple_of3A_8 = tpu.assume_multiple %add3A_7, 8 : i32
    "tpu.region"() ({
      %run_scoped3A = tpu.sem_alloc : memref<!tpu.dma_semaphore, #tpu.memory_space<semaphore_mem>>
      %dma_start3A_60 = arith.constant 0 : i32
      %dma_start3A_61 = tpu.memref_slice %arg9[%multiple_of3A_8, %dma_start3A_60] : memref<10240x128xf32, #tpu.memory_space<vmem_shared>> -> memref<80x128xf32, #tpu.memory_space<vmem_shared>>
      %dma_start3A_62 = arith.constant 0 : i32
      %dma_start3A_63 = tpu.memref_slice %arg9[%multiple_of3A_8, %dma_start3A_62] : memref<10240x128xf32, #tpu.memory_space<vmem_shared>> -> memref<80x128xf32, #tpu.memory_space<vmem_shared>>
      tpu.enqueue_dma source(%arg8 : memref<80x128xf32, #tpu.memory_space<vmem>>) target(%dma_start3A_63 : memref<80x128xf32, #tpu.memory_space<vmem_shared>>) target_semaphore(%run_scoped3A : memref<!tpu.dma_semaphore, #tpu.memory_space<semaphore_mem>>)
      %dma_wait3A_64 = arith.constant 0 : i32
      %dma_wait3A_65 = tpu.memref_slice %arg9[%multiple_of3A_8, %dma_wait3A_64] : memref<10240x128xf32, #tpu.memory_space<vmem_shared>> -> memref<80x128xf32, #tpu.memory_space<vmem_shared>>
      %dma_wait3A_66 = arith.constant 0 : i32
      %dma_wait3A_67 = tpu.memref_slice %arg9[%multiple_of3A_8, %dma_wait3A_66] : memref<10240x128xf32, #tpu.memory_space<vmem_shared>> -> memref<80x128xf32, #tpu.memory_space<vmem_shared>>
      tpu.wait_dma2 semaphore(%run_scoped3A : memref<!tpu.dma_semaphore, #tpu.memory_space<semaphore_mem>>) src(%arg8 : memref<80x128xf32, #tpu.memory_space<vmem>>) dst(%dma_wait3A_67 : memref<80x128xf32, #tpu.memory_space<vmem_shared>>)
      tpu.yield
    }) : () -> ()
    %add3A_9 = arith.constant 240 : i32
    %add3A_10 = arith.addi %multiple_of3A, %add3A_9 : i32
    %multiple_of3A_11 = tpu.assume_multiple %add3A_10, 8 : i32
    "tpu.region"() ({
      %run_scoped3A = tpu.sem_alloc : memref<!tpu.dma_semaphore, #tpu.memory_space<semaphore_mem>>
      %dma_start3A_60 = arith.constant 0 : i32
      %dma_start3A_61 = tpu.memref_slice %arg9[%multiple_of3A_11, %dma_start3A_60] : memref<10240x128xf32, #tpu.memory_space<vmem_shared>> -> memref<80x128xf32, #tpu.memory_space<vmem_shared>>
      %dma_start3A_62 = arith.constant 0 : i32
      %dma_start3A_63 = tpu.memref_slice %arg9[%multiple_of3A_11, %dma_start3A_62] : memref<10240x128xf32, #tpu.memory_space<vmem_shared>> -> memref<80x128xf32, #tpu.memory_space<vmem_shared>>
      tpu.enqueue_dma source(%arg8 : memref<80x128xf32, #tpu.memory_space<vmem>>) target(%dma_start3A_63 : memref<80x128xf32, #tpu.memory_space<vmem_shared>>) target_semaphore(%run_scoped3A : memref<!tpu.dma_semaphore, #tpu.memory_space<semaphore_mem>>)
      %dma_wait3A_64 = arith.constant 0 : i32
      %dma_wait3A_65 = tpu.memref_slice %arg9[%multiple_of3A_11, %dma_wait3A_64] : memref<10240x128xf32, #tpu.memory_space<vmem_shared>> -> memref<80x128xf32, #tpu.memory_space<vmem_shared>>
      %dma_wait3A_66 = arith.constant 0 : i32
      %dma_wait3A_67 = tpu.memref_slice %arg9[%multiple_of3A_11, %dma_wait3A_66] : memref<10240x128xf32, #tpu.memory_space<vmem_shared>> -> memref<80x128xf32, #tpu.memory_space<vmem_shared>>
      tpu.wait_dma2 semaphore(%run_scoped3A : memref<!tpu.dma_semaphore, #tpu.memory_space<semaphore_mem>>) src(%arg8 : memref<80x128xf32, #tpu.memory_space<vmem>>) dst(%dma_wait3A_67 : memref<80x128xf32, #tpu.memory_space<vmem_shared>>)
      tpu.yield
    }) : () -> ()
    %add3A_12 = arith.constant 320 : i32
    %add3A_13 = arith.addi %multiple_of3A, %add3A_12 : i32
    %multiple_of3A_14 = tpu.assume_multiple %add3A_13, 8 : i32
    "tpu.region"() ({
      %run_scoped3A = tpu.sem_alloc : memref<!tpu.dma_semaphore, #tpu.memory_space<semaphore_mem>>
      %dma_start3A_60 = arith.constant 0 : i32
      %dma_start3A_61 = tpu.memref_slice %arg9[%multiple_of3A_14, %dma_start3A_60] : memref<10240x128xf32, #tpu.memory_space<vmem_shared>> -> memref<80x128xf32, #tpu.memory_space<vmem_shared>>
      %dma_start3A_62 = arith.constant 0 : i32
      %dma_start3A_63 = tpu.memref_slice %arg9[%multiple_of3A_14, %dma_start3A_62] : memref<10240x128xf32, #tpu.memory_space<vmem_shared>> -> memref<80x128xf32, #tpu.memory_space<vmem_shared>>
      tpu.enqueue_dma source(%arg8 : memref<80x128xf32, #tpu.memory_space<vmem>>) target(%dma_start3A_63 : memref<80x128xf32, #tpu.memory_space<vmem_shared>>) target_semaphore(%run_scoped3A : memref<!tpu.dma_semaphore, #tpu.memory_space<semaphore_mem>>)
      %dma_wait3A_64 = arith.constant 0 : i32
      %dma_wait3A_65 = tpu.memref_slice %arg9[%multiple_of3A_14, %dma_wait3A_64] : memref<10240x128xf32, #tpu.memory_space<vmem_shared>> -> memref<80x128xf32, #tpu.memory_space<vmem_shared>>
      %dma_wait3A_66 = arith.constant 0 : i32
      %dma_wait3A_67 = tpu.memref_slice %arg9[%multiple_of3A_14, %dma_wait3A_66] : memref<10240x128xf32, #tpu.memory_space<vmem_shared>> -> memref<80x128xf32, #tpu.memory_space<vmem_shared>>
      tpu.wait_dma2 semaphore(%run_scoped3A : memref<!tpu.dma_semaphore, #tpu.memory_space<semaphore_mem>>) src(%arg8 : memref<80x128xf32, #tpu.memory_space<vmem>>) dst(%dma_wait3A_67 : memref<80x128xf32, #tpu.memory_space<vmem_shared>>)
      tpu.yield
    }) : () -> ()
    %add3A_15 = arith.constant 400 : i32
    %add3A_16 = arith.addi %multiple_of3A, %add3A_15 : i32
    %multiple_of3A_17 = tpu.assume_multiple %add3A_16, 8 : i32
    "tpu.region"() ({
      %run_scoped3A = tpu.sem_alloc : memref<!tpu.dma_semaphore, #tpu.memory_space<semaphore_mem>>
      %dma_start3A_60 = arith.constant 0 : i32
      %dma_start3A_61 = tpu.memref_slice %arg9[%multiple_of3A_17, %dma_start3A_60] : memref<10240x128xf32, #tpu.memory_space<vmem_shared>> -> memref<80x128xf32, #tpu.memory_space<vmem_shared>>
      %dma_start3A_62 = arith.constant 0 : i32
      %dma_start3A_63 = tpu.memref_slice %arg9[%multiple_of3A_17, %dma_start3A_62] : memref<10240x128xf32, #tpu.memory_space<vmem_shared>> -> memref<80x128xf32, #tpu.memory_space<vmem_shared>>
      tpu.enqueue_dma source(%arg8 : memref<80x128xf32, #tpu.memory_space<vmem>>) target(%dma_start3A_63 : memref<80x128xf32, #tpu.memory_space<vmem_shared>>) target_semaphore(%run_scoped3A : memref<!tpu.dma_semaphore, #tpu.memory_space<semaphore_mem>>)
      %dma_wait3A_64 = arith.constant 0 : i32
      %dma_wait3A_65 = tpu.memref_slice %arg9[%multiple_of3A_17, %dma_wait3A_64] : memref<10240x128xf32, #tpu.memory_space<vmem_shared>> -> memref<80x128xf32, #tpu.memory_space<vmem_shared>>
      %dma_wait3A_66 = arith.constant 0 : i32
      %dma_wait3A_67 = tpu.memref_slice %arg9[%multiple_of3A_17, %dma_wait3A_66] : memref<10240x128xf32, #tpu.memory_space<vmem_shared>> -> memref<80x128xf32, #tpu.memory_space<vmem_shared>>
      tpu.wait_dma2 semaphore(%run_scoped3A : memref<!tpu.dma_semaphore, #tpu.memory_space<semaphore_mem>>) src(%arg8 : memref<80x128xf32, #tpu.memory_space<vmem>>) dst(%dma_wait3A_67 : memref<80x128xf32, #tpu.memory_space<vmem_shared>>)
      tpu.yield
    }) : () -> ()
    %add3A_18 = arith.constant 480 : i32
    %add3A_19 = arith.addi %multiple_of3A, %add3A_18 : i32
    %multiple_of3A_20 = tpu.assume_multiple %add3A_19, 8 : i32
    "tpu.region"() ({
      %run_scoped3A = tpu.sem_alloc : memref<!tpu.dma_semaphore, #tpu.memory_space<semaphore_mem>>
      %dma_start3A_60 = arith.constant 0 : i32
      %dma_start3A_61 = tpu.memref_slice %arg9[%multiple_of3A_20, %dma_start3A_60] : memref<10240x128xf32, #tpu.memory_space<vmem_shared>> -> memref<80x128xf32, #tpu.memory_space<vmem_shared>>
      %dma_start3A_62 = arith.constant 0 : i32
      %dma_start3A_63 = tpu.memref_slice %arg9[%multiple_of3A_20, %dma_start3A_62] : memref<10240x128xf32, #tpu.memory_space<vmem_shared>> -> memref<80x128xf32, #tpu.memory_space<vmem_shared>>
      tpu.enqueue_dma source(%arg8 : memref<80x128xf32, #tpu.memory_space<vmem>>) target(%dma_start3A_63 : memref<80x128xf32, #tpu.memory_space<vmem_shared>>) target_semaphore(%run_scoped3A : memref<!tpu.dma_semaphore, #tpu.memory_space<semaphore_mem>>)
      %dma_wait3A_64 = arith.constant 0 : i32
      %dma_wait3A_65 = tpu.memref_slice %arg9[%multiple_of3A_20, %dma_wait3A_64] : memref<10240x128xf32, #tpu.memory_space<vmem_shared>> -> memref<80x128xf32, #tpu.memory_space<vmem_shared>>
      %dma_wait3A_66 = arith.constant 0 : i32
      %dma_wait3A_67 = tpu.memref_slice %arg9[%multiple_of3A_20, %dma_wait3A_66] : memref<10240x128xf32, #tpu.memory_space<vmem_shared>> -> memref<80x128xf32, #tpu.memory_space<vmem_shared>>
      tpu.wait_dma2 semaphore(%run_scoped3A : memref<!tpu.dma_semaphore, #tpu.memory_space<semaphore_mem>>) src(%arg8 : memref<80x128xf32, #tpu.memory_space<vmem>>) dst(%dma_wait3A_67 : memref<80x128xf32, #tpu.memory_space<vmem_shared>>)
      tpu.yield
    }) : () -> ()
    %add3A_21 = arith.constant 560 : i32
    %add3A_22 = arith.addi %multiple_of3A, %add3A_21 : i32
    %multiple_of3A_23 = tpu.assume_multiple %add3A_22, 8 : i32
    "tpu.region"() ({
      %run_scoped3A = tpu.sem_alloc : memref<!tpu.dma_semaphore, #tpu.memory_space<semaphore_mem>>
      %dma_start3A_60 = arith.constant 0 : i32
      %dma_start3A_61 = tpu.memref_slice %arg9[%multiple_of3A_23, %dma_start3A_60] : memref<10240x128xf32, #tpu.memory_space<vmem_shared>> -> memref<80x128xf32, #tpu.memory_space<vmem_shared>>
      %dma_start3A_62 = arith.constant 0 : i32
      %dma_start3A_63 = tpu.memref_slice %arg9[%multiple_of3A_23, %dma_start3A_62] : memref<10240x128xf32, #tpu.memory_space<vmem_shared>> -> memref<80x128xf32, #tpu.memory_space<vmem_shared>>
      tpu.enqueue_dma source(%arg8 : memref<80x128xf32, #tpu.memory_space<vmem>>) target(%dma_start3A_63 : memref<80x128xf32, #tpu.memory_space<vmem_shared>>) target_semaphore(%run_scoped3A : memref<!tpu.dma_semaphore, #tpu.memory_space<semaphore_mem>>)
      %dma_wait3A_64 = arith.constant 0 : i32
      %dma_wait3A_65 = tpu.memref_slice %arg9[%multiple_of3A_23, %dma_wait3A_64] : memref<10240x128xf32, #tpu.memory_space<vmem_shared>> -> memref<80x128xf32, #tpu.memory_space<vmem_shared>>
      %dma_wait3A_66 = arith.constant 0 : i32
      %dma_wait3A_67 = tpu.memref_slice %arg9[%multiple_of3A_23, %dma_wait3A_66] : memref<10240x128xf32, #tpu.memory_space<vmem_shared>> -> memref<80x128xf32, #tpu.memory_space<vmem_shared>>
      tpu.wait_dma2 semaphore(%run_scoped3A : memref<!tpu.dma_semaphore, #tpu.memory_space<semaphore_mem>>) src(%arg8 : memref<80x128xf32, #tpu.memory_space<vmem>>) dst(%dma_wait3A_67 : memref<80x128xf32, #tpu.memory_space<vmem_shared>>)
      tpu.yield
    }) : () -> ()
    "tpu.region"() ({
      %run_scoped3A = tpu.sem_alloc : memref<!tpu.dma_semaphore, #tpu.memory_space<semaphore_mem>>
      tpu.enqueue_dma source(%arg4 : memref<80x128xf32, #tpu.memory_space<hbm>>) target(%arg8 : memref<80x128xf32, #tpu.memory_space<vmem>>) target_semaphore(%run_scoped3A : memref<!tpu.dma_semaphore, #tpu.memory_space<semaphore_mem>>)
      tpu.wait_dma2 semaphore(%run_scoped3A : memref<!tpu.dma_semaphore, #tpu.memory_space<semaphore_mem>>) src(%arg4 : memref<80x128xf32, #tpu.memory_space<hbm>>) dst(%arg8 : memref<80x128xf32, #tpu.memory_space<vmem>>)
      tpu.yield
    }) : () -> ()
    %barrier3A = arith.constant 0 : index
    tpu.barrier barrier_id(%barrier3A)
    %mul3A_24 = arith.constant 16 : i32
    %mul3A_25 = arith.muli %arg0, %mul3A_24 : i32
    %add3A_26 = arith.addi %mul3A_25, %arg1 : i32
    %mul3A_27 = arith.constant 5000 : i32
    %mul3A_28 = arith.muli %add3A_26, %mul3A_27 : i32
    %add3A_29 = arith.constant 0 : i32
    %add3A_30 = arith.addi %mul3A_28, %add3A_29 : i32
    %multiple_of3A_31 = tpu.assume_multiple %add3A_30, 8 : i32
    "tpu.region"() ({
      %run_scoped3A = tpu.sem_alloc : memref<!tpu.dma_semaphore, #tpu.memory_space<semaphore_mem>>
      %dma_start3A_60 = tpu.memref_slice %arg2[%multiple_of3A_31] : memref<160000xi32, #tpu.memory_space<hbm>> -> memref<40xi32, #tpu.memory_space<hbm>>
      %dma_start3A_61 = tpu.memref_slice %arg2[%multiple_of3A_31] : memref<160000xi32, #tpu.memory_space<hbm>> -> memref<40xi32, #tpu.memory_space<hbm>>
      tpu.enqueue_dma source(%dma_start3A_61 : memref<40xi32, #tpu.memory_space<hbm>>) target(%arg6 : memref<40xi32, #tpu.memory_space<vmem>>) target_semaphore(%run_scoped3A : memref<!tpu.dma_semaphore, #tpu.memory_space<semaphore_mem>>)
      %dma_wait3A_62 = tpu.memref_slice %arg2[%multiple_of3A_31] : memref<160000xi32, #tpu.memory_space<hbm>> -> memref<40xi32, #tpu.memory_space<hbm>>
      %dma_wait3A_63 = tpu.memref_slice %arg2[%multiple_of3A_31] : memref<160000xi32, #tpu.memory_space<hbm>> -> memref<40xi32, #tpu.memory_space<hbm>>
      tpu.wait_dma2 semaphore(%run_scoped3A : memref<!tpu.dma_semaphore, #tpu.memory_space<semaphore_mem>>) src(%dma_wait3A_63 : memref<40xi32, #tpu.memory_space<hbm>>) dst(%arg6 : memref<40xi32, #tpu.memory_space<vmem>>)
      tpu.yield
    }) : () -> ()
    %dma_start3A = arith.constant 0 : i32
    %dma_start3A_32 = arith.constant 0 : i32
    %dma_start3A_33 = tpu.memref_slice %arg8[%dma_start3A, %dma_start3A_32] : memref<80x128xf32, #tpu.memory_space<vmem>> -> memref<40x128xf32, #tpu.memory_space<vmem>>
    %dma_start3A_34 = arith.constant 0 : i32
    %dma_start3A_35 = arith.constant 0 : i32
    %dma_start3A_36 = tpu.memref_slice %arg9[%dma_start3A_34, %dma_start3A_35] : memref<10240x128xf32, #tpu.memory_space<vmem_shared>> -> memref<10240x128xf32, #tpu.memory_space<vmem_shared>>
    tpu.enqueue_indirect_dma source(%dma_start3A_33 : memref<40x128xf32, #tpu.memory_space<vmem>>) target(%dma_start3A_36 : memref<10240x128xf32, #tpu.memory_space<vmem_shared>>) offsets(%arg6 : memref<40xi32, #tpu.memory_space<vmem>>) semaphore(%arg10 : memref<!tpu.dma_semaphore, #tpu.memory_space<semaphore_mem>>) {add = true}
    %scan3A = arith.constant 0 : i32
    %scan3A_37 = arith.constant 0 : i32
    %scan3A_38 = arith.constant 62 : i32
    %scan3A_39 = arith.addi %scan3A_37, %scan3A_38 : i32
    %scan3A_40 = arith.constant 1 : i32
    scf.for %scan3A_60 = %scan3A_37 to %scan3A_39 step %scan3A_40  : i32 {
      %mul3A_61 = arith.constant 2 : i32
      %mul3A_62 = arith.muli %mul3A_61, %scan3A_60 : i32
      %add3A_63 = arith.constant 1 : i32
      %add3A_64 = arith.addi %mul3A_62, %add3A_63 : i32
      %mul3A_65 = arith.constant 40 : i32
      %mul3A_66 = arith.muli %add3A_64, %mul3A_65 : i32
      %add3A_67 = arith.addi %mul3A_28, %mul3A_66 : i32
      %multiple_of3A_68 = tpu.assume_multiple %add3A_67, 8 : i32
      "tpu.region"() ({
        %run_scoped3A = tpu.sem_alloc : memref<!tpu.dma_semaphore, #tpu.memory_space<semaphore_mem>>
        %dma_start3A_101 = tpu.memref_slice %arg2[%multiple_of3A_68] : memref<160000xi32, #tpu.memory_space<hbm>> -> memref<40xi32, #tpu.memory_space<hbm>>
        %dma_start3A_102 = tpu.memref_slice %arg2[%multiple_of3A_68] : memref<160000xi32, #tpu.memory_space<hbm>> -> memref<40xi32, #tpu.memory_space<hbm>>
        tpu.enqueue_dma source(%dma_start3A_102 : memref<40xi32, #tpu.memory_space<hbm>>) target(%arg7 : memref<40xi32, #tpu.memory_space<vmem>>) target_semaphore(%run_scoped3A : memref<!tpu.dma_semaphore, #tpu.memory_space<semaphore_mem>>)
        %dma_wait3A_103 = tpu.memref_slice %arg2[%multiple_of3A_68] : memref<160000xi32, #tpu.memory_space<hbm>> -> memref<40xi32, #tpu.memory_space<hbm>>
        %dma_wait3A_104 = tpu.memref_slice %arg2[%multiple_of3A_68] : memref<160000xi32, #tpu.memory_space<hbm>> -> memref<40xi32, #tpu.memory_space<hbm>>
        tpu.wait_dma2 semaphore(%run_scoped3A : memref<!tpu.dma_semaphore, #tpu.memory_space<semaphore_mem>>) src(%dma_wait3A_104 : memref<40xi32, #tpu.memory_space<hbm>>) dst(%arg7 : memref<40xi32, #tpu.memory_space<vmem>>)
        tpu.yield
      }) : () -> ()
      %dma_wait3A_69 = arith.constant 0 : i32
      %dma_wait3A_70 = arith.constant 0 : i32
      %dma_wait3A_71 = tpu.memref_slice %arg8[%dma_wait3A_69, %dma_wait3A_70] : memref<80x128xf32, #tpu.memory_space<vmem>> -> memref<40x128xf32, #tpu.memory_space<vmem>>
      %dma_wait3A_72 = arith.constant 0 : i32
      %dma_wait3A_73 = arith.constant 0 : i32
      %dma_wait3A_74 = tpu.memref_slice %arg9[%dma_wait3A_72, %dma_wait3A_73] : memref<10240x128xf32, #tpu.memory_space<vmem_shared>> -> memref<10240x128xf32, #tpu.memory_space<vmem_shared>>
      tpu.wait_indirect_dma semaphore(%arg10 : memref<!tpu.dma_semaphore, #tpu.memory_space<semaphore_mem>>) src(%dma_wait3A_71 : memref<40x128xf32, #tpu.memory_space<vmem>>) dst(%dma_wait3A_74 : memref<10240x128xf32, #tpu.memory_space<vmem_shared>>)
      %dma_start3A_75 = arith.constant 0 : i32
      %dma_start3A_76 = arith.constant 0 : i32
      %dma_start3A_77 = tpu.memref_slice %arg8[%dma_start3A_75, %dma_start3A_76] : memref<80x128xf32, #tpu.memory_space<vmem>> -> memref<40x128xf32, #tpu.memory_space<vmem>>
      %dma_start3A_78 = arith.constant 0 : i32
      %dma_start3A_79 = arith.constant 0 : i32
      %dma_start3A_80 = tpu.memref_slice %arg9[%dma_start3A_78, %dma_start3A_79] : memref<10240x128xf32, #tpu.memory_space<vmem_shared>> -> memref<10240x128xf32, #tpu.memory_space<vmem_shared>>
      tpu.enqueue_indirect_dma source(%dma_start3A_77 : memref<40x128xf32, #tpu.memory_space<vmem>>) target(%dma_start3A_80 : memref<10240x128xf32, #tpu.memory_space<vmem_shared>>) offsets(%arg7 : memref<40xi32, #tpu.memory_space<vmem>>) semaphore(%arg11 : memref<!tpu.dma_semaphore, #tpu.memory_space<semaphore_mem>>) {add = true}
      %mul3A_81 = arith.constant 2 : i32
      %mul3A_82 = arith.muli %mul3A_81, %scan3A_60 : i32
      %add3A_83 = arith.constant 2 : i32
      %add3A_84 = arith.addi %mul3A_82, %add3A_83 : i32
      %mul3A_85 = arith.constant 40 : i32
      %mul3A_86 = arith.muli %add3A_84, %mul3A_85 : i32
      %add3A_87 = arith.addi %mul3A_28, %mul3A_86 : i32
      %multiple_of3A_88 = tpu.assume_multiple %add3A_87, 8 : i32
      "tpu.region"() ({
        %run_scoped3A = tpu.sem_alloc : memref<!tpu.dma_semaphore, #tpu.memory_space<semaphore_mem>>
        %dma_start3A_101 = tpu.memref_slice %arg2[%multiple_of3A_88] : memref<160000xi32, #tpu.memory_space<hbm>> -> memref<40xi32, #tpu.memory_space<hbm>>
        %dma_start3A_102 = tpu.memref_slice %arg2[%multiple_of3A_88] : memref<160000xi32, #tpu.memory_space<hbm>> -> memref<40xi32, #tpu.memory_space<hbm>>
        tpu.enqueue_dma source(%dma_start3A_102 : memref<40xi32, #tpu.memory_space<hbm>>) target(%arg6 : memref<40xi32, #tpu.memory_space<vmem>>) target_semaphore(%run_scoped3A : memref<!tpu.dma_semaphore, #tpu.memory_space<semaphore_mem>>)
        %dma_wait3A_103 = tpu.memref_slice %arg2[%multiple_of3A_88] : memref<160000xi32, #tpu.memory_space<hbm>> -> memref<40xi32, #tpu.memory_space<hbm>>
        %dma_wait3A_104 = tpu.memref_slice %arg2[%multiple_of3A_88] : memref<160000xi32, #tpu.memory_space<hbm>> -> memref<40xi32, #tpu.memory_space<hbm>>
        tpu.wait_dma2 semaphore(%run_scoped3A : memref<!tpu.dma_semaphore, #tpu.memory_space<semaphore_mem>>) src(%dma_wait3A_104 : memref<40xi32, #tpu.memory_space<hbm>>) dst(%arg6 : memref<40xi32, #tpu.memory_space<vmem>>)
        tpu.yield
      }) : () -> ()
      %dma_wait3A_89 = arith.constant 0 : i32
      %dma_wait3A_90 = arith.constant 0 : i32
      %dma_wait3A_91 = tpu.memref_slice %arg8[%dma_wait3A_89, %dma_wait3A_90] : memref<80x128xf32, #tpu.memory_space<vmem>> -> memref<40x128xf32, #tpu.memory_space<vmem>>
      %dma_wait3A_92 = arith.constant 0 : i32
      %dma_wait3A_93 = arith.constant 0 : i32
      %dma_wait3A_94 = tpu.memref_slice %arg9[%dma_wait3A_92, %dma_wait3A_93] : memref<10240x128xf32, #tpu.memory_space<vmem_shared>> -> memref<10240x128xf32, #tpu.memory_space<vmem_shared>>
      tpu.wait_indirect_dma semaphore(%arg11 : memref<!tpu.dma_semaphore, #tpu.memory_space<semaphore_mem>>) src(%dma_wait3A_91 : memref<40x128xf32, #tpu.memory_space<vmem>>) dst(%dma_wait3A_94 : memref<10240x128xf32, #tpu.memory_space<vmem_shared>>)
      %dma_start3A_95 = arith.constant 0 : i32
      %dma_start3A_96 = arith.constant 0 : i32
      %dma_start3A_97 = tpu.memref_slice %arg8[%dma_start3A_95, %dma_start3A_96] : memref<80x128xf32, #tpu.memory_space<vmem>> -> memref<40x128xf32, #tpu.memory_space<vmem>>
      %dma_start3A_98 = arith.constant 0 : i32
      %dma_start3A_99 = arith.constant 0 : i32
      %dma_start3A_100 = tpu.memref_slice %arg9[%dma_start3A_98, %dma_start3A_99] : memref<10240x128xf32, #tpu.memory_space<vmem_shared>> -> memref<10240x128xf32, #tpu.memory_space<vmem_shared>>
      tpu.enqueue_indirect_dma source(%dma_start3A_97 : memref<40x128xf32, #tpu.memory_space<vmem>>) target(%dma_start3A_100 : memref<10240x128xf32, #tpu.memory_space<vmem_shared>>) offsets(%arg6 : memref<40xi32, #tpu.memory_space<vmem>>) semaphore(%arg10 : memref<!tpu.dma_semaphore, #tpu.memory_space<semaphore_mem>>) {add = true}
    }
    %scan3A_41 = arith.constant 62 : i32
    %dma_wait3A = arith.constant 0 : i32
    %dma_wait3A_42 = arith.constant 0 : i32
    %dma_wait3A_43 = tpu.memref_slice %arg8[%dma_wait3A, %dma_wait3A_42] : memref<80x128xf32, #tpu.memory_space<vmem>> -> memref<40x128xf32, #tpu.memory_space<vmem>>
    %dma_wait3A_44 = arith.constant 0 : i32
    %dma_wait3A_45 = arith.constant 0 : i32
    %dma_wait3A_46 = tpu.memref_slice %arg9[%dma_wait3A_44, %dma_wait3A_45] : memref<10240x128xf32, #tpu.memory_space<vmem_shared>> -> memref<10240x128xf32, #tpu.memory_space<vmem_shared>>
    tpu.wait_indirect_dma semaphore(%arg10 : memref<!tpu.dma_semaphore, #tpu.memory_space<semaphore_mem>>) src(%dma_wait3A_43 : memref<40x128xf32, #tpu.memory_space<vmem>>) dst(%dma_wait3A_46 : memref<10240x128xf32, #tpu.memory_space<vmem_shared>>)
    %barrier3A_47 = arith.constant 0 : index
    tpu.barrier barrier_id(%barrier3A_47)
    %mul3A_48 = arith.constant 10000 : i32
    %mul3A_49 = arith.muli %arg0, %mul3A_48 : i32
    %mul3A_50 = arith.constant 640 : i32
    %mul3A_51 = arith.muli %arg1, %mul3A_50 : i32
    %add3A_52 = arith.addi %mul3A_49, %mul3A_51 : i32
    %multiple_of3A_53 = tpu.assume_multiple %add3A_52, 8 : i32
    %lt3A = arith.constant 15 : i32
    %lt3A_54 = arith.cmpi slt, %arg1, %lt3A : i32
    %convert_element_type3A = arith.extui %lt3A_54 : i1 to i32
    %cond3A = arith.constant 0 : i32
    %cond3A_55 = arith.cmpi ne, %convert_element_type3A, %cond3A : i32
    scf.if %cond3A_55 {
      %add3A_60 = arith.constant 0 : i32
      %add3A_61 = arith.addi %multiple_of3A, %add3A_60 : i32
      %multiple_of3A_62 = tpu.assume_multiple %add3A_61, 8 : i32
      %add3A_63 = arith.constant 0 : i32
      %add3A_64 = arith.addi %multiple_of3A_53, %add3A_63 : i32
      %multiple_of3A_65 = tpu.assume_multiple %add3A_64, 8 : i32
      "tpu.region"() ({
        %run_scoped3A = tpu.sem_alloc : memref<!tpu.dma_semaphore, #tpu.memory_space<semaphore_mem>>
        %dma_start3A_108 = arith.constant 0 : i32
        %dma_start3A_109 = tpu.memref_slice %arg9[%multiple_of3A_62, %dma_start3A_108] : memref<10240x128xf32, #tpu.memory_space<vmem_shared>> -> memref<80x128xf32, #tpu.memory_space<vmem_shared>>
        %dma_start3A_110 = arith.constant 0 : i32
        %dma_start3A_111 = tpu.memref_slice %arg9[%multiple_of3A_62, %dma_start3A_110] : memref<10240x128xf32, #tpu.memory_space<vmem_shared>> -> memref<80x128xf32, #tpu.memory_space<vmem_shared>>
        tpu.enqueue_dma source(%dma_start3A_111 : memref<80x128xf32, #tpu.memory_space<vmem_shared>>) target(%arg8 : memref<80x128xf32, #tpu.memory_space<vmem>>) target_semaphore(%run_scoped3A : memref<!tpu.dma_semaphore, #tpu.memory_space<semaphore_mem>>)
        %dma_wait3A_112 = arith.constant 0 : i32
        %dma_wait3A_113 = tpu.memref_slice %arg9[%multiple_of3A_62, %dma_wait3A_112] : memref<10240x128xf32, #tpu.memory_space<vmem_shared>> -> memref<80x128xf32, #tpu.memory_space<vmem_shared>>
        %dma_wait3A_114 = arith.constant 0 : i32
        %dma_wait3A_115 = tpu.memref_slice %arg9[%multiple_of3A_62, %dma_wait3A_114] : memref<10240x128xf32, #tpu.memory_space<vmem_shared>> -> memref<80x128xf32, #tpu.memory_space<vmem_shared>>
        tpu.wait_dma2 semaphore(%run_scoped3A : memref<!tpu.dma_semaphore, #tpu.memory_space<semaphore_mem>>) src(%dma_wait3A_115 : memref<80x128xf32, #tpu.memory_space<vmem_shared>>) dst(%arg8 : memref<80x128xf32, #tpu.memory_space<vmem>>)
        tpu.yield
      }) : () -> ()
      "tpu.region"() ({
        %run_scoped3A = tpu.sem_alloc : memref<!tpu.dma_semaphore, #tpu.memory_space<semaphore_mem>>
        %dma_start3A_108 = arith.constant 0 : i32
        %dma_start3A_109 = tpu.memref_slice %arg5[%multiple_of3A_65, %dma_start3A_108] : memref<20000x128xf32, #tpu.memory_space<hbm>> -> memref<80x128xf32, #tpu.memory_space<hbm>>
        %dma_start3A_110 = arith.constant 0 : i32
        %dma_start3A_111 = tpu.memref_slice %arg5[%multiple_of3A_65, %dma_start3A_110] : memref<20000x128xf32, #tpu.memory_space<hbm>> -> memref<80x128xf32, #tpu.memory_space<hbm>>
        tpu.enqueue_dma source(%arg8 : memref<80x128xf32, #tpu.memory_space<vmem>>) target(%dma_start3A_111 : memref<80x128xf32, #tpu.memory_space<hbm>>) target_semaphore(%run_scoped3A : memref<!tpu.dma_semaphore, #tpu.memory_space<semaphore_mem>>)
        %dma_wait3A_112 = arith.constant 0 : i32
        %dma_wait3A_113 = tpu.memref_slice %arg5[%multiple_of3A_65, %dma_wait3A_112] : memref<20000x128xf32, #tpu.memory_space<hbm>> -> memref<80x128xf32, #tpu.memory_space<hbm>>
        %dma_wait3A_114 = arith.constant 0 : i32
        %dma_wait3A_115 = tpu.memref_slice %arg5[%multiple_of3A_65, %dma_wait3A_114] : memref<20000x128xf32, #tpu.memory_space<hbm>> -> memref<80x128xf32, #tpu.memory_space<hbm>>
        tpu.wait_dma2 semaphore(%run_scoped3A : memref<!tpu.dma_semaphore, #tpu.memory_space<semaphore_mem>>) src(%arg8 : memref<80x128xf32, #tpu.memory_space<vmem>>) dst(%dma_wait3A_115 : memref<80x128xf32, #tpu.memory_space<hbm>>)
        tpu.yield
      }) : () -> ()
      %add3A_66 = arith.constant 80 : i32
      %add3A_67 = arith.addi %multiple_of3A, %add3A_66 : i32
      %multiple_of3A_68 = tpu.assume_multiple %add3A_67, 8 : i32
      %add3A_69 = arith.constant 80 : i32
      %add3A_70 = arith.addi %multiple_of3A_53, %add3A_69 : i32
      %multiple_of3A_71 = tpu.assume_multiple %add3A_70, 8 : i32
      "tpu.region"() ({
        %run_scoped3A = tpu.sem_alloc : memref<!tpu.dma_semaphore, #tpu.memory_space<semaphore_mem>>
        %dma_start3A_108 = arith.constant 0 : i32
        %dma_start3A_109 = tpu.memref_slice %arg9[%multiple_of3A_68, %dma_start3A_108] : memref<10240x128xf32, #tpu.memory_space<vmem_shared>> -> memref<80x128xf32, #tpu.memory_space<vmem_shared>>
        %dma_start3A_110 = arith.constant 0 : i32
        %dma_start3A_111 = tpu.memref_slice %arg9[%multiple_of3A_68, %dma_start3A_110] : memref<10240x128xf32, #tpu.memory_space<vmem_shared>> -> memref<80x128xf32, #tpu.memory_space<vmem_shared>>
        tpu.enqueue_dma source(%dma_start3A_111 : memref<80x128xf32, #tpu.memory_space<vmem_shared>>) target(%arg8 : memref<80x128xf32, #tpu.memory_space<vmem>>) target_semaphore(%run_scoped3A : memref<!tpu.dma_semaphore, #tpu.memory_space<semaphore_mem>>)
        %dma_wait3A_112 = arith.constant 0 : i32
        %dma_wait3A_113 = tpu.memref_slice %arg9[%multiple_of3A_68, %dma_wait3A_112] : memref<10240x128xf32, #tpu.memory_space<vmem_shared>> -> memref<80x128xf32, #tpu.memory_space<vmem_shared>>
        %dma_wait3A_114 = arith.constant 0 : i32
        %dma_wait3A_115 = tpu.memref_slice %arg9[%multiple_of3A_68, %dma_wait3A_114] : memref<10240x128xf32, #tpu.memory_space<vmem_shared>> -> memref<80x128xf32, #tpu.memory_space<vmem_shared>>
        tpu.wait_dma2 semaphore(%run_scoped3A : memref<!tpu.dma_semaphore, #tpu.memory_space<semaphore_mem>>) src(%dma_wait3A_115 : memref<80x128xf32, #tpu.memory_space<vmem_shared>>) dst(%arg8 : memref<80x128xf32, #tpu.memory_space<vmem>>)
        tpu.yield
      }) : () -> ()
      "tpu.region"() ({
        %run_scoped3A = tpu.sem_alloc : memref<!tpu.dma_semaphore, #tpu.memory_space<semaphore_mem>>
        %dma_start3A_108 = arith.constant 0 : i32
        %dma_start3A_109 = tpu.memref_slice %arg5[%multiple_of3A_71, %dma_start3A_108] : memref<20000x128xf32, #tpu.memory_space<hbm>> -> memref<80x128xf32, #tpu.memory_space<hbm>>
        %dma_start3A_110 = arith.constant 0 : i32
        %dma_start3A_111 = tpu.memref_slice %arg5[%multiple_of3A_71, %dma_start3A_110] : memref<20000x128xf32, #tpu.memory_space<hbm>> -> memref<80x128xf32, #tpu.memory_space<hbm>>
        tpu.enqueue_dma source(%arg8 : memref<80x128xf32, #tpu.memory_space<vmem>>) target(%dma_start3A_111 : memref<80x128xf32, #tpu.memory_space<hbm>>) target_semaphore(%run_scoped3A : memref<!tpu.dma_semaphore, #tpu.memory_space<semaphore_mem>>)
        %dma_wait3A_112 = arith.constant 0 : i32
        %dma_wait3A_113 = tpu.memref_slice %arg5[%multiple_of3A_71, %dma_wait3A_112] : memref<20000x128xf32, #tpu.memory_space<hbm>> -> memref<80x128xf32, #tpu.memory_space<hbm>>
        %dma_wait3A_114 = arith.constant 0 : i32
        %dma_wait3A_115 = tpu.memref_slice %arg5[%multiple_of3A_71, %dma_wait3A_114] : memref<20000x128xf32, #tpu.memory_space<hbm>> -> memref<80x128xf32, #tpu.memory_space<hbm>>
        tpu.wait_dma2 semaphore(%run_scoped3A : memref<!tpu.dma_semaphore, #tpu.memory_space<semaphore_mem>>) src(%arg8 : memref<80x128xf32, #tpu.memory_space<vmem>>) dst(%dma_wait3A_115 : memref<80x128xf32, #tpu.memory_space<hbm>>)
        tpu.yield
      }) : () -> ()
      %add3A_72 = arith.constant 160 : i32
      %add3A_73 = arith.addi %multiple_of3A, %add3A_72 : i32
      %multiple_of3A_74 = tpu.assume_multiple %add3A_73, 8 : i32
      %add3A_75 = arith.constant 160 : i32
      %add3A_76 = arith.addi %multiple_of3A_53, %add3A_75 : i32
      %multiple_of3A_77 = tpu.assume_multiple %add3A_76, 8 : i32
      "tpu.region"() ({
        %run_scoped3A = tpu.sem_alloc : memref<!tpu.dma_semaphore, #tpu.memory_space<semaphore_mem>>
        %dma_start3A_108 = arith.constant 0 : i32
        %dma_start3A_109 = tpu.memref_slice %arg9[%multiple_of3A_74, %dma_start3A_108] : memref<10240x128xf32, #tpu.memory_space<vmem_shared>> -> memref<80x128xf32, #tpu.memory_space<vmem_shared>>
        %dma_start3A_110 = arith.constant 0 : i32
        %dma_start3A_111 = tpu.memref_slice %arg9[%multiple_of3A_74, %dma_start3A_110] : memref<10240x128xf32, #tpu.memory_space<vmem_shared>> -> memref<80x128xf32, #tpu.memory_space<vmem_shared>>
        tpu.enqueue_dma source(%dma_start3A_111 : memref<80x128xf32, #tpu.memory_space<vmem_shared>>) target(%arg8 : memref<80x128xf32, #tpu.memory_space<vmem>>) target_semaphore(%run_scoped3A : memref<!tpu.dma_semaphore, #tpu.memory_space<semaphore_mem>>)
        %dma_wait3A_112 = arith.constant 0 : i32
        %dma_wait3A_113 = tpu.memref_slice %arg9[%multiple_of3A_74, %dma_wait3A_112] : memref<10240x128xf32, #tpu.memory_space<vmem_shared>> -> memref<80x128xf32, #tpu.memory_space<vmem_shared>>
        %dma_wait3A_114 = arith.constant 0 : i32
        %dma_wait3A_115 = tpu.memref_slice %arg9[%multiple_of3A_74, %dma_wait3A_114] : memref<10240x128xf32, #tpu.memory_space<vmem_shared>> -> memref<80x128xf32, #tpu.memory_space<vmem_shared>>
        tpu.wait_dma2 semaphore(%run_scoped3A : memref<!tpu.dma_semaphore, #tpu.memory_space<semaphore_mem>>) src(%dma_wait3A_115 : memref<80x128xf32, #tpu.memory_space<vmem_shared>>) dst(%arg8 : memref<80x128xf32, #tpu.memory_space<vmem>>)
        tpu.yield
      }) : () -> ()
      "tpu.region"() ({
        %run_scoped3A = tpu.sem_alloc : memref<!tpu.dma_semaphore, #tpu.memory_space<semaphore_mem>>
        %dma_start3A_108 = arith.constant 0 : i32
        %dma_start3A_109 = tpu.memref_slice %arg5[%multiple_of3A_77, %dma_start3A_108] : memref<20000x128xf32, #tpu.memory_space<hbm>> -> memref<80x128xf32, #tpu.memory_space<hbm>>
        %dma_start3A_110 = arith.constant 0 : i32
        %dma_start3A_111 = tpu.memref_slice %arg5[%multiple_of3A_77, %dma_start3A_110] : memref<20000x128xf32, #tpu.memory_space<hbm>> -> memref<80x128xf32, #tpu.memory_space<hbm>>
        tpu.enqueue_dma source(%arg8 : memref<80x128xf32, #tpu.memory_space<vmem>>) target(%dma_start3A_111 : memref<80x128xf32, #tpu.memory_space<hbm>>) target_semaphore(%run_scoped3A : memref<!tpu.dma_semaphore, #tpu.memory_space<semaphore_mem>>)
        %dma_wait3A_112 = arith.constant 0 : i32
        %dma_wait3A_113 = tpu.memref_slice %arg5[%multiple_of3A_77, %dma_wait3A_112] : memref<20000x128xf32, #tpu.memory_space<hbm>> -> memref<80x128xf32, #tpu.memory_space<hbm>>
        %dma_wait3A_114 = arith.constant 0 : i32
        %dma_wait3A_115 = tpu.memref_slice %arg5[%multiple_of3A_77, %dma_wait3A_114] : memref<20000x128xf32, #tpu.memory_space<hbm>> -> memref<80x128xf32, #tpu.memory_space<hbm>>
        tpu.wait_dma2 semaphore(%run_scoped3A : memref<!tpu.dma_semaphore, #tpu.memory_space<semaphore_mem>>) src(%arg8 : memref<80x128xf32, #tpu.memory_space<vmem>>) dst(%dma_wait3A_115 : memref<80x128xf32, #tpu.memory_space<hbm>>)
        tpu.yield
      }) : () -> ()
      %add3A_78 = arith.constant 240 : i32
      %add3A_79 = arith.addi %multiple_of3A, %add3A_78 : i32
      %multiple_of3A_80 = tpu.assume_multiple %add3A_79, 8 : i32
      %add3A_81 = arith.constant 240 : i32
      %add3A_82 = arith.addi %multiple_of3A_53, %add3A_81 : i32
      %multiple_of3A_83 = tpu.assume_multiple %add3A_82, 8 : i32
      "tpu.region"() ({
        %run_scoped3A = tpu.sem_alloc : memref<!tpu.dma_semaphore, #tpu.memory_space<semaphore_mem>>
        %dma_start3A_108 = arith.constant 0 : i32
        %dma_start3A_109 = tpu.memref_slice %arg9[%multiple_of3A_80, %dma_start3A_108] : memref<10240x128xf32, #tpu.memory_space<vmem_shared>> -> memref<80x128xf32, #tpu.memory_space<vmem_shared>>
        %dma_start3A_110 = arith.constant 0 : i32
        %dma_start3A_111 = tpu.memref_slice %arg9[%multiple_of3A_80, %dma_start3A_110] : memref<10240x128xf32, #tpu.memory_space<vmem_shared>> -> memref<80x128xf32, #tpu.memory_space<vmem_shared>>
        tpu.enqueue_dma source(%dma_start3A_111 : memref<80x128xf32, #tpu.memory_space<vmem_shared>>) target(%arg8 : memref<80x128xf32, #tpu.memory_space<vmem>>) target_semaphore(%run_scoped3A : memref<!tpu.dma_semaphore, #tpu.memory_space<semaphore_mem>>)
        %dma_wait3A_112 = arith.constant 0 : i32
        %dma_wait3A_113 = tpu.memref_slice %arg9[%multiple_of3A_80, %dma_wait3A_112] : memref<10240x128xf32, #tpu.memory_space<vmem_shared>> -> memref<80x128xf32, #tpu.memory_space<vmem_shared>>
        %dma_wait3A_114 = arith.constant 0 : i32
        %dma_wait3A_115 = tpu.memref_slice %arg9[%multiple_of3A_80, %dma_wait3A_114] : memref<10240x128xf32, #tpu.memory_space<vmem_shared>> -> memref<80x128xf32, #tpu.memory_space<vmem_shared>>
        tpu.wait_dma2 semaphore(%run_scoped3A : memref<!tpu.dma_semaphore, #tpu.memory_space<semaphore_mem>>) src(%dma_wait3A_115 : memref<80x128xf32, #tpu.memory_space<vmem_shared>>) dst(%arg8 : memref<80x128xf32, #tpu.memory_space<vmem>>)
        tpu.yield
      }) : () -> ()
      "tpu.region"() ({
        %run_scoped3A = tpu.sem_alloc : memref<!tpu.dma_semaphore, #tpu.memory_space<semaphore_mem>>
        %dma_start3A_108 = arith.constant 0 : i32
        %dma_start3A_109 = tpu.memref_slice %arg5[%multiple_of3A_83, %dma_start3A_108] : memref<20000x128xf32, #tpu.memory_space<hbm>> -> memref<80x128xf32, #tpu.memory_space<hbm>>
        %dma_start3A_110 = arith.constant 0 : i32
        %dma_start3A_111 = tpu.memref_slice %arg5[%multiple_of3A_83, %dma_start3A_110] : memref<20000x128xf32, #tpu.memory_space<hbm>> -> memref<80x128xf32, #tpu.memory_space<hbm>>
        tpu.enqueue_dma source(%arg8 : memref<80x128xf32, #tpu.memory_space<vmem>>) target(%dma_start3A_111 : memref<80x128xf32, #tpu.memory_space<hbm>>) target_semaphore(%run_scoped3A : memref<!tpu.dma_semaphore, #tpu.memory_space<semaphore_mem>>)
        %dma_wait3A_112 = arith.constant 0 : i32
        %dma_wait3A_113 = tpu.memref_slice %arg5[%multiple_of3A_83, %dma_wait3A_112] : memref<20000x128xf32, #tpu.memory_space<hbm>> -> memref<80x128xf32, #tpu.memory_space<hbm>>
        %dma_wait3A_114 = arith.constant 0 : i32
        %dma_wait3A_115 = tpu.memref_slice %arg5[%multiple_of3A_83, %dma_wait3A_114] : memref<20000x128xf32, #tpu.memory_space<hbm>> -> memref<80x128xf32, #tpu.memory_space<hbm>>
        tpu.wait_dma2 semaphore(%run_scoped3A : memref<!tpu.dma_semaphore, #tpu.memory_space<semaphore_mem>>) src(%arg8 : memref<80x128xf32, #tpu.memory_space<vmem>>) dst(%dma_wait3A_115 : memref<80x128xf32, #tpu.memory_space<hbm>>)
        tpu.yield
      }) : () -> ()
      %add3A_84 = arith.constant 320 : i32
      %add3A_85 = arith.addi %multiple_of3A, %add3A_84 : i32
      %multiple_of3A_86 = tpu.assume_multiple %add3A_85, 8 : i32
      %add3A_87 = arith.constant 320 : i32
      %add3A_88 = arith.addi %multiple_of3A_53, %add3A_87 : i32
      %multiple_of3A_89 = tpu.assume_multiple %add3A_88, 8 : i32
      "tpu.region"() ({
        %run_scoped3A = tpu.sem_alloc : memref<!tpu.dma_semaphore, #tpu.memory_space<semaphore_mem>>
        %dma_start3A_108 = arith.constant 0 : i32
        %dma_start3A_109 = tpu.memref_slice %arg9[%multiple_of3A_86, %dma_start3A_108] : memref<10240x128xf32, #tpu.memory_space<vmem_shared>> -> memref<80x128xf32, #tpu.memory_space<vmem_shared>>
        %dma_start3A_110 = arith.constant 0 : i32
        %dma_start3A_111 = tpu.memref_slice %arg9[%multiple_of3A_86, %dma_start3A_110] : memref<10240x128xf32, #tpu.memory_space<vmem_shared>> -> memref<80x128xf32, #tpu.memory_space<vmem_shared>>
        tpu.enqueue_dma source(%dma_start3A_111 : memref<80x128xf32, #tpu.memory_space<vmem_shared>>) target(%arg8 : memref<80x128xf32, #tpu.memory_space<vmem>>) target_semaphore(%run_scoped3A : memref<!tpu.dma_semaphore, #tpu.memory_space<semaphore_mem>>)
        %dma_wait3A_112 = arith.constant 0 : i32
        %dma_wait3A_113 = tpu.memref_slice %arg9[%multiple_of3A_86, %dma_wait3A_112] : memref<10240x128xf32, #tpu.memory_space<vmem_shared>> -> memref<80x128xf32, #tpu.memory_space<vmem_shared>>
        %dma_wait3A_114 = arith.constant 0 : i32
        %dma_wait3A_115 = tpu.memref_slice %arg9[%multiple_of3A_86, %dma_wait3A_114] : memref<10240x128xf32, #tpu.memory_space<vmem_shared>> -> memref<80x128xf32, #tpu.memory_space<vmem_shared>>
        tpu.wait_dma2 semaphore(%run_scoped3A : memref<!tpu.dma_semaphore, #tpu.memory_space<semaphore_mem>>) src(%dma_wait3A_115 : memref<80x128xf32, #tpu.memory_space<vmem_shared>>) dst(%arg8 : memref<80x128xf32, #tpu.memory_space<vmem>>)
        tpu.yield
      }) : () -> ()
      "tpu.region"() ({
        %run_scoped3A = tpu.sem_alloc : memref<!tpu.dma_semaphore, #tpu.memory_space<semaphore_mem>>
        %dma_start3A_108 = arith.constant 0 : i32
        %dma_start3A_109 = tpu.memref_slice %arg5[%multiple_of3A_89, %dma_start3A_108] : memref<20000x128xf32, #tpu.memory_space<hbm>> -> memref<80x128xf32, #tpu.memory_space<hbm>>
        %dma_start3A_110 = arith.constant 0 : i32
        %dma_start3A_111 = tpu.memref_slice %arg5[%multiple_of3A_89, %dma_start3A_110] : memref<20000x128xf32, #tpu.memory_space<hbm>> -> memref<80x128xf32, #tpu.memory_space<hbm>>
        tpu.enqueue_dma source(%arg8 : memref<80x128xf32, #tpu.memory_space<vmem>>) target(%dma_start3A_111 : memref<80x128xf32, #tpu.memory_space<hbm>>) target_semaphore(%run_scoped3A : memref<!tpu.dma_semaphore, #tpu.memory_space<semaphore_mem>>)
        %dma_wait3A_112 = arith.constant 0 : i32
        %dma_wait3A_113 = tpu.memref_slice %arg5[%multiple_of3A_89, %dma_wait3A_112] : memref<20000x128xf32, #tpu.memory_space<hbm>> -> memref<80x128xf32, #tpu.memory_space<hbm>>
        %dma_wait3A_114 = arith.constant 0 : i32
        %dma_wait3A_115 = tpu.memref_slice %arg5[%multiple_of3A_89, %dma_wait3A_114] : memref<20000x128xf32, #tpu.memory_space<hbm>> -> memref<80x128xf32, #tpu.memory_space<hbm>>
        tpu.wait_dma2 semaphore(%run_scoped3A : memref<!tpu.dma_semaphore, #tpu.memory_space<semaphore_mem>>) src(%arg8 : memref<80x128xf32, #tpu.memory_space<vmem>>) dst(%dma_wait3A_115 : memref<80x128xf32, #tpu.memory_space<hbm>>)
        tpu.yield
      }) : () -> ()
      %add3A_90 = arith.constant 400 : i32
      %add3A_91 = arith.addi %multiple_of3A, %add3A_90 : i32
      %multiple_of3A_92 = tpu.assume_multiple %add3A_91, 8 : i32
      %add3A_93 = arith.constant 400 : i32
      %add3A_94 = arith.addi %multiple_of3A_53, %add3A_93 : i32
      %multiple_of3A_95 = tpu.assume_multiple %add3A_94, 8 : i32
      "tpu.region"() ({
        %run_scoped3A = tpu.sem_alloc : memref<!tpu.dma_semaphore, #tpu.memory_space<semaphore_mem>>
        %dma_start3A_108 = arith.constant 0 : i32
        %dma_start3A_109 = tpu.memref_slice %arg9[%multiple_of3A_92, %dma_start3A_108] : memref<10240x128xf32, #tpu.memory_space<vmem_shared>> -> memref<80x128xf32, #tpu.memory_space<vmem_shared>>
        %dma_start3A_110 = arith.constant 0 : i32
        %dma_start3A_111 = tpu.memref_slice %arg9[%multiple_of3A_92, %dma_start3A_110] : memref<10240x128xf32, #tpu.memory_space<vmem_shared>> -> memref<80x128xf32, #tpu.memory_space<vmem_shared>>
        tpu.enqueue_dma source(%dma_start3A_111 : memref<80x128xf32, #tpu.memory_space<vmem_shared>>) target(%arg8 : memref<80x128xf32, #tpu.memory_space<vmem>>) target_semaphore(%run_scoped3A : memref<!tpu.dma_semaphore, #tpu.memory_space<semaphore_mem>>)
        %dma_wait3A_112 = arith.constant 0 : i32
        %dma_wait3A_113 = tpu.memref_slice %arg9[%multiple_of3A_92, %dma_wait3A_112] : memref<10240x128xf32, #tpu.memory_space<vmem_shared>> -> memref<80x128xf32, #tpu.memory_space<vmem_shared>>
        %dma_wait3A_114 = arith.constant 0 : i32
        %dma_wait3A_115 = tpu.memref_slice %arg9[%multiple_of3A_92, %dma_wait3A_114] : memref<10240x128xf32, #tpu.memory_space<vmem_shared>> -> memref<80x128xf32, #tpu.memory_space<vmem_shared>>
        tpu.wait_dma2 semaphore(%run_scoped3A : memref<!tpu.dma_semaphore, #tpu.memory_space<semaphore_mem>>) src(%dma_wait3A_115 : memref<80x128xf32, #tpu.memory_space<vmem_shared>>) dst(%arg8 : memref<80x128xf32, #tpu.memory_space<vmem>>)
        tpu.yield
      }) : () -> ()
      "tpu.region"() ({
        %run_scoped3A = tpu.sem_alloc : memref<!tpu.dma_semaphore, #tpu.memory_space<semaphore_mem>>
        %dma_start3A_108 = arith.constant 0 : i32
        %dma_start3A_109 = tpu.memref_slice %arg5[%multiple_of3A_95, %dma_start3A_108] : memref<20000x128xf32, #tpu.memory_space<hbm>> -> memref<80x128xf32, #tpu.memory_space<hbm>>
        %dma_start3A_110 = arith.constant 0 : i32
        %dma_start3A_111 = tpu.memref_slice %arg5[%multiple_of3A_95, %dma_start3A_110] : memref<20000x128xf32, #tpu.memory_space<hbm>> -> memref<80x128xf32, #tpu.memory_space<hbm>>
        tpu.enqueue_dma source(%arg8 : memref<80x128xf32, #tpu.memory_space<vmem>>) target(%dma_start3A_111 : memref<80x128xf32, #tpu.memory_space<hbm>>) target_semaphore(%run_scoped3A : memref<!tpu.dma_semaphore, #tpu.memory_space<semaphore_mem>>)
        %dma_wait3A_112 = arith.constant 0 : i32
        %dma_wait3A_113 = tpu.memref_slice %arg5[%multiple_of3A_95, %dma_wait3A_112] : memref<20000x128xf32, #tpu.memory_space<hbm>> -> memref<80x128xf32, #tpu.memory_space<hbm>>
        %dma_wait3A_114 = arith.constant 0 : i32
        %dma_wait3A_115 = tpu.memref_slice %arg5[%multiple_of3A_95, %dma_wait3A_114] : memref<20000x128xf32, #tpu.memory_space<hbm>> -> memref<80x128xf32, #tpu.memory_space<hbm>>
        tpu.wait_dma2 semaphore(%run_scoped3A : memref<!tpu.dma_semaphore, #tpu.memory_space<semaphore_mem>>) src(%arg8 : memref<80x128xf32, #tpu.memory_space<vmem>>) dst(%dma_wait3A_115 : memref<80x128xf32, #tpu.memory_space<hbm>>)
        tpu.yield
      }) : () -> ()
      %add3A_96 = arith.constant 480 : i32
      %add3A_97 = arith.addi %multiple_of3A, %add3A_96 : i32
      %multiple_of3A_98 = tpu.assume_multiple %add3A_97, 8 : i32
      %add3A_99 = arith.constant 480 : i32
      %add3A_100 = arith.addi %multiple_of3A_53, %add3A_99 : i32
      %multiple_of3A_101 = tpu.assume_multiple %add3A_100, 8 : i32
      "tpu.region"() ({
        %run_scoped3A = tpu.sem_alloc : memref<!tpu.dma_semaphore, #tpu.memory_space<semaphore_mem>>
        %dma_start3A_108 = arith.constant 0 : i32
        %dma_start3A_109 = tpu.memref_slice %arg9[%multiple_of3A_98, %dma_start3A_108] : memref<10240x128xf32, #tpu.memory_space<vmem_shared>> -> memref<80x128xf32, #tpu.memory_space<vmem_shared>>
        %dma_start3A_110 = arith.constant 0 : i32
        %dma_start3A_111 = tpu.memref_slice %arg9[%multiple_of3A_98, %dma_start3A_110] : memref<10240x128xf32, #tpu.memory_space<vmem_shared>> -> memref<80x128xf32, #tpu.memory_space<vmem_shared>>
        tpu.enqueue_dma source(%dma_start3A_111 : memref<80x128xf32, #tpu.memory_space<vmem_shared>>) target(%arg8 : memref<80x128xf32, #tpu.memory_space<vmem>>) target_semaphore(%run_scoped3A : memref<!tpu.dma_semaphore, #tpu.memory_space<semaphore_mem>>)
        %dma_wait3A_112 = arith.constant 0 : i32
        %dma_wait3A_113 = tpu.memref_slice %arg9[%multiple_of3A_98, %dma_wait3A_112] : memref<10240x128xf32, #tpu.memory_space<vmem_shared>> -> memref<80x128xf32, #tpu.memory_space<vmem_shared>>
        %dma_wait3A_114 = arith.constant 0 : i32
        %dma_wait3A_115 = tpu.memref_slice %arg9[%multiple_of3A_98, %dma_wait3A_114] : memref<10240x128xf32, #tpu.memory_space<vmem_shared>> -> memref<80x128xf32, #tpu.memory_space<vmem_shared>>
        tpu.wait_dma2 semaphore(%run_scoped3A : memref<!tpu.dma_semaphore, #tpu.memory_space<semaphore_mem>>) src(%dma_wait3A_115 : memref<80x128xf32, #tpu.memory_space<vmem_shared>>) dst(%arg8 : memref<80x128xf32, #tpu.memory_space<vmem>>)
        tpu.yield
      }) : () -> ()
      "tpu.region"() ({
        %run_scoped3A = tpu.sem_alloc : memref<!tpu.dma_semaphore, #tpu.memory_space<semaphore_mem>>
        %dma_start3A_108 = arith.constant 0 : i32
        %dma_start3A_109 = tpu.memref_slice %arg5[%multiple_of3A_101, %dma_start3A_108] : memref<20000x128xf32, #tpu.memory_space<hbm>> -> memref<80x128xf32, #tpu.memory_space<hbm>>
        %dma_start3A_110 = arith.constant 0 : i32
        %dma_start3A_111 = tpu.memref_slice %arg5[%multiple_of3A_101, %dma_start3A_110] : memref<20000x128xf32, #tpu.memory_space<hbm>> -> memref<80x128xf32, #tpu.memory_space<hbm>>
        tpu.enqueue_dma source(%arg8 : memref<80x128xf32, #tpu.memory_space<vmem>>) target(%dma_start3A_111 : memref<80x128xf32, #tpu.memory_space<hbm>>) target_semaphore(%run_scoped3A : memref<!tpu.dma_semaphore, #tpu.memory_space<semaphore_mem>>)
        %dma_wait3A_112 = arith.constant 0 : i32
        %dma_wait3A_113 = tpu.memref_slice %arg5[%multiple_of3A_101, %dma_wait3A_112] : memref<20000x128xf32, #tpu.memory_space<hbm>> -> memref<80x128xf32, #tpu.memory_space<hbm>>
        %dma_wait3A_114 = arith.constant 0 : i32
        %dma_wait3A_115 = tpu.memref_slice %arg5[%multiple_of3A_101, %dma_wait3A_114] : memref<20000x128xf32, #tpu.memory_space<hbm>> -> memref<80x128xf32, #tpu.memory_space<hbm>>
        tpu.wait_dma2 semaphore(%run_scoped3A : memref<!tpu.dma_semaphore, #tpu.memory_space<semaphore_mem>>) src(%arg8 : memref<80x128xf32, #tpu.memory_space<vmem>>) dst(%dma_wait3A_115 : memref<80x128xf32, #tpu.memory_space<hbm>>)
        tpu.yield
      }) : () -> ()
      %add3A_102 = arith.constant 560 : i32
      %add3A_103 = arith.addi %multiple_of3A, %add3A_102 : i32
      %multiple_of3A_104 = tpu.assume_multiple %add3A_103, 8 : i32
      %add3A_105 = arith.constant 560 : i32
      %add3A_106 = arith.addi %multiple_of3A_53, %add3A_105 : i32
      %multiple_of3A_107 = tpu.assume_multiple %add3A_106, 8 : i32
      "tpu.region"() ({
        %run_scoped3A = tpu.sem_alloc : memref<!tpu.dma_semaphore, #tpu.memory_space<semaphore_mem>>
        %dma_start3A_108 = arith.constant 0 : i32
        %dma_start3A_109 = tpu.memref_slice %arg9[%multiple_of3A_104, %dma_start3A_108] : memref<10240x128xf32, #tpu.memory_space<vmem_shared>> -> memref<80x128xf32, #tpu.memory_space<vmem_shared>>
        %dma_start3A_110 = arith.constant 0 : i32
        %dma_start3A_111 = tpu.memref_slice %arg9[%multiple_of3A_104, %dma_start3A_110] : memref<10240x128xf32, #tpu.memory_space<vmem_shared>> -> memref<80x128xf32, #tpu.memory_space<vmem_shared>>
        tpu.enqueue_dma source(%dma_start3A_111 : memref<80x128xf32, #tpu.memory_space<vmem_shared>>) target(%arg8 : memref<80x128xf32, #tpu.memory_space<vmem>>) target_semaphore(%run_scoped3A : memref<!tpu.dma_semaphore, #tpu.memory_space<semaphore_mem>>)
        %dma_wait3A_112 = arith.constant 0 : i32
        %dma_wait3A_113 = tpu.memref_slice %arg9[%multiple_of3A_104, %dma_wait3A_112] : memref<10240x128xf32, #tpu.memory_space<vmem_shared>> -> memref<80x128xf32, #tpu.memory_space<vmem_shared>>
        %dma_wait3A_114 = arith.constant 0 : i32
        %dma_wait3A_115 = tpu.memref_slice %arg9[%multiple_of3A_104, %dma_wait3A_114] : memref<10240x128xf32, #tpu.memory_space<vmem_shared>> -> memref<80x128xf32, #tpu.memory_space<vmem_shared>>
        tpu.wait_dma2 semaphore(%run_scoped3A : memref<!tpu.dma_semaphore, #tpu.memory_space<semaphore_mem>>) src(%dma_wait3A_115 : memref<80x128xf32, #tpu.memory_space<vmem_shared>>) dst(%arg8 : memref<80x128xf32, #tpu.memory_space<vmem>>)
        tpu.yield
      }) : () -> ()
      "tpu.region"() ({
        %run_scoped3A = tpu.sem_alloc : memref<!tpu.dma_semaphore, #tpu.memory_space<semaphore_mem>>
        %dma_start3A_108 = arith.constant 0 : i32
        %dma_start3A_109 = tpu.memref_slice %arg5[%multiple_of3A_107, %dma_start3A_108] : memref<20000x128xf32, #tpu.memory_space<hbm>> -> memref<80x128xf32, #tpu.memory_space<hbm>>
        %dma_start3A_110 = arith.constant 0 : i32
        %dma_start3A_111 = tpu.memref_slice %arg5[%multiple_of3A_107, %dma_start3A_110] : memref<20000x128xf32, #tpu.memory_space<hbm>> -> memref<80x128xf32, #tpu.memory_space<hbm>>
        tpu.enqueue_dma source(%arg8 : memref<80x128xf32, #tpu.memory_space<vmem>>) target(%dma_start3A_111 : memref<80x128xf32, #tpu.memory_space<hbm>>) target_semaphore(%run_scoped3A : memref<!tpu.dma_semaphore, #tpu.memory_space<semaphore_mem>>)
        %dma_wait3A_112 = arith.constant 0 : i32
        %dma_wait3A_113 = tpu.memref_slice %arg5[%multiple_of3A_107, %dma_wait3A_112] : memref<20000x128xf32, #tpu.memory_space<hbm>> -> memref<80x128xf32, #tpu.memory_space<hbm>>
        %dma_wait3A_114 = arith.constant 0 : i32
        %dma_wait3A_115 = tpu.memref_slice %arg5[%multiple_of3A_107, %dma_wait3A_114] : memref<20000x128xf32, #tpu.memory_space<hbm>> -> memref<80x128xf32, #tpu.memory_space<hbm>>
        tpu.wait_dma2 semaphore(%run_scoped3A : memref<!tpu.dma_semaphore, #tpu.memory_space<semaphore_mem>>) src(%arg8 : memref<80x128xf32, #tpu.memory_space<vmem>>) dst(%dma_wait3A_115 : memref<80x128xf32, #tpu.memory_space<hbm>>)
        tpu.yield
      }) : () -> ()
    } else {
    }
    %eq3A = arith.constant 15 : i32
    %eq3A_56 = arith.cmpi eq, %arg1, %eq3A : i32
    %convert_element_type3A_57 = arith.extui %eq3A_56 : i1 to i32
    %cond3A_58 = arith.constant 0 : i32
    %cond3A_59 = arith.cmpi ne, %convert_element_type3A_57, %cond3A_58 : i32
    scf.if %cond3A_59 {
      %add3A_60 = arith.constant 0 : i32
      %add3A_61 = arith.addi %multiple_of3A, %add3A_60 : i32
      %multiple_of3A_62 = tpu.assume_multiple %add3A_61, 8 : i32
      %add3A_63 = arith.constant 0 : i32
      %add3A_64 = arith.addi %multiple_of3A_53, %add3A_63 : i32
      %multiple_of3A_65 = tpu.assume_multiple %add3A_64, 8 : i32
      "tpu.region"() ({
        %run_scoped3A = tpu.sem_alloc : memref<!tpu.dma_semaphore, #tpu.memory_space<semaphore_mem>>
        %dma_start3A_90 = arith.constant 0 : i32
        %dma_start3A_91 = tpu.memref_slice %arg9[%multiple_of3A_62, %dma_start3A_90] : memref<10240x128xf32, #tpu.memory_space<vmem_shared>> -> memref<80x128xf32, #tpu.memory_space<vmem_shared>>
        %dma_start3A_92 = arith.constant 0 : i32
        %dma_start3A_93 = tpu.memref_slice %arg9[%multiple_of3A_62, %dma_start3A_92] : memref<10240x128xf32, #tpu.memory_space<vmem_shared>> -> memref<80x128xf32, #tpu.memory_space<vmem_shared>>
        tpu.enqueue_dma source(%dma_start3A_93 : memref<80x128xf32, #tpu.memory_space<vmem_shared>>) target(%arg8 : memref<80x128xf32, #tpu.memory_space<vmem>>) target_semaphore(%run_scoped3A : memref<!tpu.dma_semaphore, #tpu.memory_space<semaphore_mem>>)
        %dma_wait3A_94 = arith.constant 0 : i32
        %dma_wait3A_95 = tpu.memref_slice %arg9[%multiple_of3A_62, %dma_wait3A_94] : memref<10240x128xf32, #tpu.memory_space<vmem_shared>> -> memref<80x128xf32, #tpu.memory_space<vmem_shared>>
        %dma_wait3A_96 = arith.constant 0 : i32
        %dma_wait3A_97 = tpu.memref_slice %arg9[%multiple_of3A_62, %dma_wait3A_96] : memref<10240x128xf32, #tpu.memory_space<vmem_shared>> -> memref<80x128xf32, #tpu.memory_space<vmem_shared>>
        tpu.wait_dma2 semaphore(%run_scoped3A : memref<!tpu.dma_semaphore, #tpu.memory_space<semaphore_mem>>) src(%dma_wait3A_97 : memref<80x128xf32, #tpu.memory_space<vmem_shared>>) dst(%arg8 : memref<80x128xf32, #tpu.memory_space<vmem>>)
        tpu.yield
      }) : () -> ()
      "tpu.region"() ({
        %run_scoped3A = tpu.sem_alloc : memref<!tpu.dma_semaphore, #tpu.memory_space<semaphore_mem>>
        %dma_start3A_90 = arith.constant 0 : i32
        %dma_start3A_91 = tpu.memref_slice %arg5[%multiple_of3A_65, %dma_start3A_90] : memref<20000x128xf32, #tpu.memory_space<hbm>> -> memref<80x128xf32, #tpu.memory_space<hbm>>
        %dma_start3A_92 = arith.constant 0 : i32
        %dma_start3A_93 = tpu.memref_slice %arg5[%multiple_of3A_65, %dma_start3A_92] : memref<20000x128xf32, #tpu.memory_space<hbm>> -> memref<80x128xf32, #tpu.memory_space<hbm>>
        tpu.enqueue_dma source(%arg8 : memref<80x128xf32, #tpu.memory_space<vmem>>) target(%dma_start3A_93 : memref<80x128xf32, #tpu.memory_space<hbm>>) target_semaphore(%run_scoped3A : memref<!tpu.dma_semaphore, #tpu.memory_space<semaphore_mem>>)
        %dma_wait3A_94 = arith.constant 0 : i32
        %dma_wait3A_95 = tpu.memref_slice %arg5[%multiple_of3A_65, %dma_wait3A_94] : memref<20000x128xf32, #tpu.memory_space<hbm>> -> memref<80x128xf32, #tpu.memory_space<hbm>>
        %dma_wait3A_96 = arith.constant 0 : i32
        %dma_wait3A_97 = tpu.memref_slice %arg5[%multiple_of3A_65, %dma_wait3A_96] : memref<20000x128xf32, #tpu.memory_space<hbm>> -> memref<80x128xf32, #tpu.memory_space<hbm>>
        tpu.wait_dma2 semaphore(%run_scoped3A : memref<!tpu.dma_semaphore, #tpu.memory_space<semaphore_mem>>) src(%arg8 : memref<80x128xf32, #tpu.memory_space<vmem>>) dst(%dma_wait3A_97 : memref<80x128xf32, #tpu.memory_space<hbm>>)
        tpu.yield
      }) : () -> ()
      %add3A_66 = arith.constant 80 : i32
      %add3A_67 = arith.addi %multiple_of3A, %add3A_66 : i32
      %multiple_of3A_68 = tpu.assume_multiple %add3A_67, 8 : i32
      %add3A_69 = arith.constant 80 : i32
      %add3A_70 = arith.addi %multiple_of3A_53, %add3A_69 : i32
      %multiple_of3A_71 = tpu.assume_multiple %add3A_70, 8 : i32
      "tpu.region"() ({
        %run_scoped3A = tpu.sem_alloc : memref<!tpu.dma_semaphore, #tpu.memory_space<semaphore_mem>>
        %dma_start3A_90 = arith.constant 0 : i32
        %dma_start3A_91 = tpu.memref_slice %arg9[%multiple_of3A_68, %dma_start3A_90] : memref<10240x128xf32, #tpu.memory_space<vmem_shared>> -> memref<80x128xf32, #tpu.memory_space<vmem_shared>>
        %dma_start3A_92 = arith.constant 0 : i32
        %dma_start3A_93 = tpu.memref_slice %arg9[%multiple_of3A_68, %dma_start3A_92] : memref<10240x128xf32, #tpu.memory_space<vmem_shared>> -> memref<80x128xf32, #tpu.memory_space<vmem_shared>>
        tpu.enqueue_dma source(%dma_start3A_93 : memref<80x128xf32, #tpu.memory_space<vmem_shared>>) target(%arg8 : memref<80x128xf32, #tpu.memory_space<vmem>>) target_semaphore(%run_scoped3A : memref<!tpu.dma_semaphore, #tpu.memory_space<semaphore_mem>>)
        %dma_wait3A_94 = arith.constant 0 : i32
        %dma_wait3A_95 = tpu.memref_slice %arg9[%multiple_of3A_68, %dma_wait3A_94] : memref<10240x128xf32, #tpu.memory_space<vmem_shared>> -> memref<80x128xf32, #tpu.memory_space<vmem_shared>>
        %dma_wait3A_96 = arith.constant 0 : i32
        %dma_wait3A_97 = tpu.memref_slice %arg9[%multiple_of3A_68, %dma_wait3A_96] : memref<10240x128xf32, #tpu.memory_space<vmem_shared>> -> memref<80x128xf32, #tpu.memory_space<vmem_shared>>
        tpu.wait_dma2 semaphore(%run_scoped3A : memref<!tpu.dma_semaphore, #tpu.memory_space<semaphore_mem>>) src(%dma_wait3A_97 : memref<80x128xf32, #tpu.memory_space<vmem_shared>>) dst(%arg8 : memref<80x128xf32, #tpu.memory_space<vmem>>)
        tpu.yield
      }) : () -> ()
      "tpu.region"() ({
        %run_scoped3A = tpu.sem_alloc : memref<!tpu.dma_semaphore, #tpu.memory_space<semaphore_mem>>
        %dma_start3A_90 = arith.constant 0 : i32
        %dma_start3A_91 = tpu.memref_slice %arg5[%multiple_of3A_71, %dma_start3A_90] : memref<20000x128xf32, #tpu.memory_space<hbm>> -> memref<80x128xf32, #tpu.memory_space<hbm>>
        %dma_start3A_92 = arith.constant 0 : i32
        %dma_start3A_93 = tpu.memref_slice %arg5[%multiple_of3A_71, %dma_start3A_92] : memref<20000x128xf32, #tpu.memory_space<hbm>> -> memref<80x128xf32, #tpu.memory_space<hbm>>
        tpu.enqueue_dma source(%arg8 : memref<80x128xf32, #tpu.memory_space<vmem>>) target(%dma_start3A_93 : memref<80x128xf32, #tpu.memory_space<hbm>>) target_semaphore(%run_scoped3A : memref<!tpu.dma_semaphore, #tpu.memory_space<semaphore_mem>>)
        %dma_wait3A_94 = arith.constant 0 : i32
        %dma_wait3A_95 = tpu.memref_slice %arg5[%multiple_of3A_71, %dma_wait3A_94] : memref<20000x128xf32, #tpu.memory_space<hbm>> -> memref<80x128xf32, #tpu.memory_space<hbm>>
        %dma_wait3A_96 = arith.constant 0 : i32
        %dma_wait3A_97 = tpu.memref_slice %arg5[%multiple_of3A_71, %dma_wait3A_96] : memref<20000x128xf32, #tpu.memory_space<hbm>> -> memref<80x128xf32, #tpu.memory_space<hbm>>
        tpu.wait_dma2 semaphore(%run_scoped3A : memref<!tpu.dma_semaphore, #tpu.memory_space<semaphore_mem>>) src(%arg8 : memref<80x128xf32, #tpu.memory_space<vmem>>) dst(%dma_wait3A_97 : memref<80x128xf32, #tpu.memory_space<hbm>>)
        tpu.yield
      }) : () -> ()
      %add3A_72 = arith.constant 160 : i32
      %add3A_73 = arith.addi %multiple_of3A, %add3A_72 : i32
      %multiple_of3A_74 = tpu.assume_multiple %add3A_73, 8 : i32
      %add3A_75 = arith.constant 160 : i32
      %add3A_76 = arith.addi %multiple_of3A_53, %add3A_75 : i32
      %multiple_of3A_77 = tpu.assume_multiple %add3A_76, 8 : i32
      "tpu.region"() ({
        %run_scoped3A = tpu.sem_alloc : memref<!tpu.dma_semaphore, #tpu.memory_space<semaphore_mem>>
        %dma_start3A_90 = arith.constant 0 : i32
        %dma_start3A_91 = tpu.memref_slice %arg9[%multiple_of3A_74, %dma_start3A_90] : memref<10240x128xf32, #tpu.memory_space<vmem_shared>> -> memref<80x128xf32, #tpu.memory_space<vmem_shared>>
        %dma_start3A_92 = arith.constant 0 : i32
        %dma_start3A_93 = tpu.memref_slice %arg9[%multiple_of3A_74, %dma_start3A_92] : memref<10240x128xf32, #tpu.memory_space<vmem_shared>> -> memref<80x128xf32, #tpu.memory_space<vmem_shared>>
        tpu.enqueue_dma source(%dma_start3A_93 : memref<80x128xf32, #tpu.memory_space<vmem_shared>>) target(%arg8 : memref<80x128xf32, #tpu.memory_space<vmem>>) target_semaphore(%run_scoped3A : memref<!tpu.dma_semaphore, #tpu.memory_space<semaphore_mem>>)
        %dma_wait3A_94 = arith.constant 0 : i32
        %dma_wait3A_95 = tpu.memref_slice %arg9[%multiple_of3A_74, %dma_wait3A_94] : memref<10240x128xf32, #tpu.memory_space<vmem_shared>> -> memref<80x128xf32, #tpu.memory_space<vmem_shared>>
        %dma_wait3A_96 = arith.constant 0 : i32
        %dma_wait3A_97 = tpu.memref_slice %arg9[%multiple_of3A_74, %dma_wait3A_96] : memref<10240x128xf32, #tpu.memory_space<vmem_shared>> -> memref<80x128xf32, #tpu.memory_space<vmem_shared>>
        tpu.wait_dma2 semaphore(%run_scoped3A : memref<!tpu.dma_semaphore, #tpu.memory_space<semaphore_mem>>) src(%dma_wait3A_97 : memref<80x128xf32, #tpu.memory_space<vmem_shared>>) dst(%arg8 : memref<80x128xf32, #tpu.memory_space<vmem>>)
        tpu.yield
      }) : () -> ()
      "tpu.region"() ({
        %run_scoped3A = tpu.sem_alloc : memref<!tpu.dma_semaphore, #tpu.memory_space<semaphore_mem>>
        %dma_start3A_90 = arith.constant 0 : i32
        %dma_start3A_91 = tpu.memref_slice %arg5[%multiple_of3A_77, %dma_start3A_90] : memref<20000x128xf32, #tpu.memory_space<hbm>> -> memref<80x128xf32, #tpu.memory_space<hbm>>
        %dma_start3A_92 = arith.constant 0 : i32
        %dma_start3A_93 = tpu.memref_slice %arg5[%multiple_of3A_77, %dma_start3A_92] : memref<20000x128xf32, #tpu.memory_space<hbm>> -> memref<80x128xf32, #tpu.memory_space<hbm>>
        tpu.enqueue_dma source(%arg8 : memref<80x128xf32, #tpu.memory_space<vmem>>) target(%dma_start3A_93 : memref<80x128xf32, #tpu.memory_space<hbm>>) target_semaphore(%run_scoped3A : memref<!tpu.dma_semaphore, #tpu.memory_space<semaphore_mem>>)
        %dma_wait3A_94 = arith.constant 0 : i32
        %dma_wait3A_95 = tpu.memref_slice %arg5[%multiple_of3A_77, %dma_wait3A_94] : memref<20000x128xf32, #tpu.memory_space<hbm>> -> memref<80x128xf32, #tpu.memory_space<hbm>>
        %dma_wait3A_96 = arith.constant 0 : i32
        %dma_wait3A_97 = tpu.memref_slice %arg5[%multiple_of3A_77, %dma_wait3A_96] : memref<20000x128xf32, #tpu.memory_space<hbm>> -> memref<80x128xf32, #tpu.memory_space<hbm>>
        tpu.wait_dma2 semaphore(%run_scoped3A : memref<!tpu.dma_semaphore, #tpu.memory_space<semaphore_mem>>) src(%arg8 : memref<80x128xf32, #tpu.memory_space<vmem>>) dst(%dma_wait3A_97 : memref<80x128xf32, #tpu.memory_space<hbm>>)
        tpu.yield
      }) : () -> ()
      %add3A_78 = arith.constant 240 : i32
      %add3A_79 = arith.addi %multiple_of3A, %add3A_78 : i32
      %multiple_of3A_80 = tpu.assume_multiple %add3A_79, 8 : i32
      %add3A_81 = arith.constant 240 : i32
      %add3A_82 = arith.addi %multiple_of3A_53, %add3A_81 : i32
      %multiple_of3A_83 = tpu.assume_multiple %add3A_82, 8 : i32
      "tpu.region"() ({
        %run_scoped3A = tpu.sem_alloc : memref<!tpu.dma_semaphore, #tpu.memory_space<semaphore_mem>>
        %dma_start3A_90 = arith.constant 0 : i32
        %dma_start3A_91 = tpu.memref_slice %arg9[%multiple_of3A_80, %dma_start3A_90] : memref<10240x128xf32, #tpu.memory_space<vmem_shared>> -> memref<80x128xf32, #tpu.memory_space<vmem_shared>>
        %dma_start3A_92 = arith.constant 0 : i32
        %dma_start3A_93 = tpu.memref_slice %arg9[%multiple_of3A_80, %dma_start3A_92] : memref<10240x128xf32, #tpu.memory_space<vmem_shared>> -> memref<80x128xf32, #tpu.memory_space<vmem_shared>>
        tpu.enqueue_dma source(%dma_start3A_93 : memref<80x128xf32, #tpu.memory_space<vmem_shared>>) target(%arg8 : memref<80x128xf32, #tpu.memory_space<vmem>>) target_semaphore(%run_scoped3A : memref<!tpu.dma_semaphore, #tpu.memory_space<semaphore_mem>>)
        %dma_wait3A_94 = arith.constant 0 : i32
        %dma_wait3A_95 = tpu.memref_slice %arg9[%multiple_of3A_80, %dma_wait3A_94] : memref<10240x128xf32, #tpu.memory_space<vmem_shared>> -> memref<80x128xf32, #tpu.memory_space<vmem_shared>>
        %dma_wait3A_96 = arith.constant 0 : i32
        %dma_wait3A_97 = tpu.memref_slice %arg9[%multiple_of3A_80, %dma_wait3A_96] : memref<10240x128xf32, #tpu.memory_space<vmem_shared>> -> memref<80x128xf32, #tpu.memory_space<vmem_shared>>
        tpu.wait_dma2 semaphore(%run_scoped3A : memref<!tpu.dma_semaphore, #tpu.memory_space<semaphore_mem>>) src(%dma_wait3A_97 : memref<80x128xf32, #tpu.memory_space<vmem_shared>>) dst(%arg8 : memref<80x128xf32, #tpu.memory_space<vmem>>)
        tpu.yield
      }) : () -> ()
      "tpu.region"() ({
        %run_scoped3A = tpu.sem_alloc : memref<!tpu.dma_semaphore, #tpu.memory_space<semaphore_mem>>
        %dma_start3A_90 = arith.constant 0 : i32
        %dma_start3A_91 = tpu.memref_slice %arg5[%multiple_of3A_83, %dma_start3A_90] : memref<20000x128xf32, #tpu.memory_space<hbm>> -> memref<80x128xf32, #tpu.memory_space<hbm>>
        %dma_start3A_92 = arith.constant 0 : i32
        %dma_start3A_93 = tpu.memref_slice %arg5[%multiple_of3A_83, %dma_start3A_92] : memref<20000x128xf32, #tpu.memory_space<hbm>> -> memref<80x128xf32, #tpu.memory_space<hbm>>
        tpu.enqueue_dma source(%arg8 : memref<80x128xf32, #tpu.memory_space<vmem>>) target(%dma_start3A_93 : memref<80x128xf32, #tpu.memory_space<hbm>>) target_semaphore(%run_scoped3A : memref<!tpu.dma_semaphore, #tpu.memory_space<semaphore_mem>>)
        %dma_wait3A_94 = arith.constant 0 : i32
        %dma_wait3A_95 = tpu.memref_slice %arg5[%multiple_of3A_83, %dma_wait3A_94] : memref<20000x128xf32, #tpu.memory_space<hbm>> -> memref<80x128xf32, #tpu.memory_space<hbm>>
        %dma_wait3A_96 = arith.constant 0 : i32
        %dma_wait3A_97 = tpu.memref_slice %arg5[%multiple_of3A_83, %dma_wait3A_96] : memref<20000x128xf32, #tpu.memory_space<hbm>> -> memref<80x128xf32, #tpu.memory_space<hbm>>
        tpu.wait_dma2 semaphore(%run_scoped3A : memref<!tpu.dma_semaphore, #tpu.memory_space<semaphore_mem>>) src(%arg8 : memref<80x128xf32, #tpu.memory_space<vmem>>) dst(%dma_wait3A_97 : memref<80x128xf32, #tpu.memory_space<hbm>>)
        tpu.yield
      }) : () -> ()
      %add3A_84 = arith.constant 320 : i32
      %add3A_85 = arith.addi %multiple_of3A, %add3A_84 : i32
      %multiple_of3A_86 = tpu.assume_multiple %add3A_85, 8 : i32
      %add3A_87 = arith.constant 320 : i32
      %add3A_88 = arith.addi %multiple_of3A_53, %add3A_87 : i32
      %multiple_of3A_89 = tpu.assume_multiple %add3A_88, 8 : i32
      "tpu.region"() ({
        %run_scoped3A = tpu.sem_alloc : memref<!tpu.dma_semaphore, #tpu.memory_space<semaphore_mem>>
        %dma_start3A_90 = arith.constant 0 : i32
        %dma_start3A_91 = tpu.memref_slice %arg9[%multiple_of3A_86, %dma_start3A_90] : memref<10240x128xf32, #tpu.memory_space<vmem_shared>> -> memref<80x128xf32, #tpu.memory_space<vmem_shared>>
        %dma_start3A_92 = arith.constant 0 : i32
        %dma_start3A_93 = tpu.memref_slice %arg9[%multiple_of3A_86, %dma_start3A_92] : memref<10240x128xf32, #tpu.memory_space<vmem_shared>> -> memref<80x128xf32, #tpu.memory_space<vmem_shared>>
        tpu.enqueue_dma source(%dma_start3A_93 : memref<80x128xf32, #tpu.memory_space<vmem_shared>>) target(%arg8 : memref<80x128xf32, #tpu.memory_space<vmem>>) target_semaphore(%run_scoped3A : memref<!tpu.dma_semaphore, #tpu.memory_space<semaphore_mem>>)
        %dma_wait3A_94 = arith.constant 0 : i32
        %dma_wait3A_95 = tpu.memref_slice %arg9[%multiple_of3A_86, %dma_wait3A_94] : memref<10240x128xf32, #tpu.memory_space<vmem_shared>> -> memref<80x128xf32, #tpu.memory_space<vmem_shared>>
        %dma_wait3A_96 = arith.constant 0 : i32
        %dma_wait3A_97 = tpu.memref_slice %arg9[%multiple_of3A_86, %dma_wait3A_96] : memref<10240x128xf32, #tpu.memory_space<vmem_shared>> -> memref<80x128xf32, #tpu.memory_space<vmem_shared>>
        tpu.wait_dma2 semaphore(%run_scoped3A : memref<!tpu.dma_semaphore, #tpu.memory_space<semaphore_mem>>) src(%dma_wait3A_97 : memref<80x128xf32, #tpu.memory_space<vmem_shared>>) dst(%arg8 : memref<80x128xf32, #tpu.memory_space<vmem>>)
        tpu.yield
      }) : () -> ()
      "tpu.region"() ({
        %run_scoped3A = tpu.sem_alloc : memref<!tpu.dma_semaphore, #tpu.memory_space<semaphore_mem>>
        %dma_start3A_90 = arith.constant 0 : i32
        %dma_start3A_91 = tpu.memref_slice %arg5[%multiple_of3A_89, %dma_start3A_90] : memref<20000x128xf32, #tpu.memory_space<hbm>> -> memref<80x128xf32, #tpu.memory_space<hbm>>
        %dma_start3A_92 = arith.constant 0 : i32
        %dma_start3A_93 = tpu.memref_slice %arg5[%multiple_of3A_89, %dma_start3A_92] : memref<20000x128xf32, #tpu.memory_space<hbm>> -> memref<80x128xf32, #tpu.memory_space<hbm>>
        tpu.enqueue_dma source(%arg8 : memref<80x128xf32, #tpu.memory_space<vmem>>) target(%dma_start3A_93 : memref<80x128xf32, #tpu.memory_space<hbm>>) target_semaphore(%run_scoped3A : memref<!tpu.dma_semaphore, #tpu.memory_space<semaphore_mem>>)
        %dma_wait3A_94 = arith.constant 0 : i32
        %dma_wait3A_95 = tpu.memref_slice %arg5[%multiple_of3A_89, %dma_wait3A_94] : memref<20000x128xf32, #tpu.memory_space<hbm>> -> memref<80x128xf32, #tpu.memory_space<hbm>>
        %dma_wait3A_96 = arith.constant 0 : i32
        %dma_wait3A_97 = tpu.memref_slice %arg5[%multiple_of3A_89, %dma_wait3A_96] : memref<20000x128xf32, #tpu.memory_space<hbm>> -> memref<80x128xf32, #tpu.memory_space<hbm>>
        tpu.wait_dma2 semaphore(%run_scoped3A : memref<!tpu.dma_semaphore, #tpu.memory_space<semaphore_mem>>) src(%arg8 : memref<80x128xf32, #tpu.memory_space<vmem>>) dst(%dma_wait3A_97 : memref<80x128xf32, #tpu.memory_space<hbm>>)
        tpu.yield
      }) : () -> ()
    } else {
    }
    return
  }
}

#map = affine_map<(d0, d1) -> (0, 0)>
#map1 = affine_map<(d0, d1) -> (0)>
module attributes {stable_mosaic.version = 14 : i64} {
  func.func @_mean_body(%arg0: i32, %arg1: i32, %arg2: memref<20000x128xf32, #tpu.memory_space<hbm>>, %arg3: memref<320000xi32, #tpu.memory_space<hbm>>, %arg4: memref<160000xi32, #tpu.memory_space<hbm>>, %arg5: memref<80x128xf32, #tpu.memory_space<hbm>>, %arg6: memref<20000x128xf32, #tpu.memory_space<hbm>>, %arg7: memref<80xi32, #tpu.memory_space<vmem>>, %arg8: memref<80xi32, #tpu.memory_space<vmem>>, %arg9: memref<80x128xf32, #tpu.memory_space<vmem>>, %arg10: memref<80xi32, #tpu.memory_space<vmem>>, %arg11: memref<80xi32, #tpu.memory_space<vmem>>, %arg12: memref<80x128xf32, #tpu.memory_space<vmem>>, %arg13: memref<10240x128xf32, #tpu.memory_space<vmem_shared>>, %arg14: memref<!tpu.dma_semaphore, #tpu.memory_space<semaphore_mem>>, %arg15: memref<!tpu.dma_semaphore, #tpu.memory_space<semaphore_mem>>, %arg16: memref<!tpu.dma_semaphore, #tpu.memory_space<semaphore_mem>>, %arg17: memref<!tpu.dma_semaphore, #tpu.memory_space<semaphore_mem>>) attributes {dimension_semantics = [#tpu.dimension_semantics<core_parallel>, #tpu.dimension_semantics<subcore_parallel>], iteration_bounds = array<i64: 2, 16>, scalar_prefetch = 0 : i64, scratch_operands = 11 : i64, tpu.core_type = #tpu.core_type<sc_vector_subcore>, window_params = [{transform_indices = #map}, {transform_indices = #map1}, {transform_indices = #map1}, {transform_indices = #map}, {transform_indices = #map}]} {
    %mul3A = arith.constant 640 : i32
    %mul3A_0 = arith.muli %arg1, %mul3A : i32
    %multiple_of3A = tpu.assume_multiple %mul3A_0, 8 : i32
    "tpu.region"() ({
      %run_scoped3A = tpu.sem_alloc : memref<!tpu.dma_semaphore, #tpu.memory_space<semaphore_mem>>
      tpu.enqueue_dma source(%arg5 : memref<80x128xf32, #tpu.memory_space<hbm>>) target(%arg9 : memref<80x128xf32, #tpu.memory_space<vmem>>) target_semaphore(%run_scoped3A : memref<!tpu.dma_semaphore, #tpu.memory_space<semaphore_mem>>)
      tpu.wait_dma2 semaphore(%run_scoped3A : memref<!tpu.dma_semaphore, #tpu.memory_space<semaphore_mem>>) src(%arg5 : memref<80x128xf32, #tpu.memory_space<hbm>>) dst(%arg9 : memref<80x128xf32, #tpu.memory_space<vmem>>)
      tpu.yield
    }) : () -> ()
    %add3A = arith.constant 0 : i32
    %add3A_1 = arith.addi %multiple_of3A, %add3A : i32
    %multiple_of3A_2 = tpu.assume_multiple %add3A_1, 8 : i32
    "tpu.region"() ({
      %run_scoped3A = tpu.sem_alloc : memref<!tpu.dma_semaphore, #tpu.memory_space<semaphore_mem>>
      %dma_start3A_76 = arith.constant 0 : i32
      %dma_start3A_77 = tpu.memref_slice %arg13[%multiple_of3A_2, %dma_start3A_76] : memref<10240x128xf32, #tpu.memory_space<vmem_shared>> -> memref<80x128xf32, #tpu.memory_space<vmem_shared>>
      %dma_start3A_78 = arith.constant 0 : i32
      %dma_start3A_79 = tpu.memref_slice %arg13[%multiple_of3A_2, %dma_start3A_78] : memref<10240x128xf32, #tpu.memory_space<vmem_shared>> -> memref<80x128xf32, #tpu.memory_space<vmem_shared>>
      tpu.enqueue_dma source(%arg9 : memref<80x128xf32, #tpu.memory_space<vmem>>) target(%dma_start3A_79 : memref<80x128xf32, #tpu.memory_space<vmem_shared>>) target_semaphore(%run_scoped3A : memref<!tpu.dma_semaphore, #tpu.memory_space<semaphore_mem>>)
      %dma_wait3A_80 = arith.constant 0 : i32
      %dma_wait3A_81 = tpu.memref_slice %arg13[%multiple_of3A_2, %dma_wait3A_80] : memref<10240x128xf32, #tpu.memory_space<vmem_shared>> -> memref<80x128xf32, #tpu.memory_space<vmem_shared>>
      %dma_wait3A_82 = arith.constant 0 : i32
      %dma_wait3A_83 = tpu.memref_slice %arg13[%multiple_of3A_2, %dma_wait3A_82] : memref<10240x128xf32, #tpu.memory_space<vmem_shared>> -> memref<80x128xf32, #tpu.memory_space<vmem_shared>>
      tpu.wait_dma2 semaphore(%run_scoped3A : memref<!tpu.dma_semaphore, #tpu.memory_space<semaphore_mem>>) src(%arg9 : memref<80x128xf32, #tpu.memory_space<vmem>>) dst(%dma_wait3A_83 : memref<80x128xf32, #tpu.memory_space<vmem_shared>>)
      tpu.yield
    }) : () -> ()
    %add3A_3 = arith.constant 80 : i32
    %add3A_4 = arith.addi %multiple_of3A, %add3A_3 : i32
    %multiple_of3A_5 = tpu.assume_multiple %add3A_4, 8 : i32
    "tpu.region"() ({
      %run_scoped3A = tpu.sem_alloc : memref<!tpu.dma_semaphore, #tpu.memory_space<semaphore_mem>>
      %dma_start3A_76 = arith.constant 0 : i32
      %dma_start3A_77 = tpu.memref_slice %arg13[%multiple_of3A_5, %dma_start3A_76] : memref<10240x128xf32, #tpu.memory_space<vmem_shared>> -> memref<80x128xf32, #tpu.memory_space<vmem_shared>>
      %dma_start3A_78 = arith.constant 0 : i32
      %dma_start3A_79 = tpu.memref_slice %arg13[%multiple_of3A_5, %dma_start3A_78] : memref<10240x128xf32, #tpu.memory_space<vmem_shared>> -> memref<80x128xf32, #tpu.memory_space<vmem_shared>>
      tpu.enqueue_dma source(%arg9 : memref<80x128xf32, #tpu.memory_space<vmem>>) target(%dma_start3A_79 : memref<80x128xf32, #tpu.memory_space<vmem_shared>>) target_semaphore(%run_scoped3A : memref<!tpu.dma_semaphore, #tpu.memory_space<semaphore_mem>>)
      %dma_wait3A_80 = arith.constant 0 : i32
      %dma_wait3A_81 = tpu.memref_slice %arg13[%multiple_of3A_5, %dma_wait3A_80] : memref<10240x128xf32, #tpu.memory_space<vmem_shared>> -> memref<80x128xf32, #tpu.memory_space<vmem_shared>>
      %dma_wait3A_82 = arith.constant 0 : i32
      %dma_wait3A_83 = tpu.memref_slice %arg13[%multiple_of3A_5, %dma_wait3A_82] : memref<10240x128xf32, #tpu.memory_space<vmem_shared>> -> memref<80x128xf32, #tpu.memory_space<vmem_shared>>
      tpu.wait_dma2 semaphore(%run_scoped3A : memref<!tpu.dma_semaphore, #tpu.memory_space<semaphore_mem>>) src(%arg9 : memref<80x128xf32, #tpu.memory_space<vmem>>) dst(%dma_wait3A_83 : memref<80x128xf32, #tpu.memory_space<vmem_shared>>)
      tpu.yield
    }) : () -> ()
    %add3A_6 = arith.constant 160 : i32
    %add3A_7 = arith.addi %multiple_of3A, %add3A_6 : i32
    %multiple_of3A_8 = tpu.assume_multiple %add3A_7, 8 : i32
    "tpu.region"() ({
      %run_scoped3A = tpu.sem_alloc : memref<!tpu.dma_semaphore, #tpu.memory_space<semaphore_mem>>
      %dma_start3A_76 = arith.constant 0 : i32
      %dma_start3A_77 = tpu.memref_slice %arg13[%multiple_of3A_8, %dma_start3A_76] : memref<10240x128xf32, #tpu.memory_space<vmem_shared>> -> memref<80x128xf32, #tpu.memory_space<vmem_shared>>
      %dma_start3A_78 = arith.constant 0 : i32
      %dma_start3A_79 = tpu.memref_slice %arg13[%multiple_of3A_8, %dma_start3A_78] : memref<10240x128xf32, #tpu.memory_space<vmem_shared>> -> memref<80x128xf32, #tpu.memory_space<vmem_shared>>
      tpu.enqueue_dma source(%arg9 : memref<80x128xf32, #tpu.memory_space<vmem>>) target(%dma_start3A_79 : memref<80x128xf32, #tpu.memory_space<vmem_shared>>) target_semaphore(%run_scoped3A : memref<!tpu.dma_semaphore, #tpu.memory_space<semaphore_mem>>)
      %dma_wait3A_80 = arith.constant 0 : i32
      %dma_wait3A_81 = tpu.memref_slice %arg13[%multiple_of3A_8, %dma_wait3A_80] : memref<10240x128xf32, #tpu.memory_space<vmem_shared>> -> memref<80x128xf32, #tpu.memory_space<vmem_shared>>
      %dma_wait3A_82 = arith.constant 0 : i32
      %dma_wait3A_83 = tpu.memref_slice %arg13[%multiple_of3A_8, %dma_wait3A_82] : memref<10240x128xf32, #tpu.memory_space<vmem_shared>> -> memref<80x128xf32, #tpu.memory_space<vmem_shared>>
      tpu.wait_dma2 semaphore(%run_scoped3A : memref<!tpu.dma_semaphore, #tpu.memory_space<semaphore_mem>>) src(%arg9 : memref<80x128xf32, #tpu.memory_space<vmem>>) dst(%dma_wait3A_83 : memref<80x128xf32, #tpu.memory_space<vmem_shared>>)
      tpu.yield
    }) : () -> ()
    %add3A_9 = arith.constant 240 : i32
    %add3A_10 = arith.addi %multiple_of3A, %add3A_9 : i32
    %multiple_of3A_11 = tpu.assume_multiple %add3A_10, 8 : i32
    "tpu.region"() ({
      %run_scoped3A = tpu.sem_alloc : memref<!tpu.dma_semaphore, #tpu.memory_space<semaphore_mem>>
      %dma_start3A_76 = arith.constant 0 : i32
      %dma_start3A_77 = tpu.memref_slice %arg13[%multiple_of3A_11, %dma_start3A_76] : memref<10240x128xf32, #tpu.memory_space<vmem_shared>> -> memref<80x128xf32, #tpu.memory_space<vmem_shared>>
      %dma_start3A_78 = arith.constant 0 : i32
      %dma_start3A_79 = tpu.memref_slice %arg13[%multiple_of3A_11, %dma_start3A_78] : memref<10240x128xf32, #tpu.memory_space<vmem_shared>> -> memref<80x128xf32, #tpu.memory_space<vmem_shared>>
      tpu.enqueue_dma source(%arg9 : memref<80x128xf32, #tpu.memory_space<vmem>>) target(%dma_start3A_79 : memref<80x128xf32, #tpu.memory_space<vmem_shared>>) target_semaphore(%run_scoped3A : memref<!tpu.dma_semaphore, #tpu.memory_space<semaphore_mem>>)
      %dma_wait3A_80 = arith.constant 0 : i32
      %dma_wait3A_81 = tpu.memref_slice %arg13[%multiple_of3A_11, %dma_wait3A_80] : memref<10240x128xf32, #tpu.memory_space<vmem_shared>> -> memref<80x128xf32, #tpu.memory_space<vmem_shared>>
      %dma_wait3A_82 = arith.constant 0 : i32
      %dma_wait3A_83 = tpu.memref_slice %arg13[%multiple_of3A_11, %dma_wait3A_82] : memref<10240x128xf32, #tpu.memory_space<vmem_shared>> -> memref<80x128xf32, #tpu.memory_space<vmem_shared>>
      tpu.wait_dma2 semaphore(%run_scoped3A : memref<!tpu.dma_semaphore, #tpu.memory_space<semaphore_mem>>) src(%arg9 : memref<80x128xf32, #tpu.memory_space<vmem>>) dst(%dma_wait3A_83 : memref<80x128xf32, #tpu.memory_space<vmem_shared>>)
      tpu.yield
    }) : () -> ()
    %add3A_12 = arith.constant 320 : i32
    %add3A_13 = arith.addi %multiple_of3A, %add3A_12 : i32
    %multiple_of3A_14 = tpu.assume_multiple %add3A_13, 8 : i32
    "tpu.region"() ({
      %run_scoped3A = tpu.sem_alloc : memref<!tpu.dma_semaphore, #tpu.memory_space<semaphore_mem>>
      %dma_start3A_76 = arith.constant 0 : i32
      %dma_start3A_77 = tpu.memref_slice %arg13[%multiple_of3A_14, %dma_start3A_76] : memref<10240x128xf32, #tpu.memory_space<vmem_shared>> -> memref<80x128xf32, #tpu.memory_space<vmem_shared>>
      %dma_start3A_78 = arith.constant 0 : i32
      %dma_start3A_79 = tpu.memref_slice %arg13[%multiple_of3A_14, %dma_start3A_78] : memref<10240x128xf32, #tpu.memory_space<vmem_shared>> -> memref<80x128xf32, #tpu.memory_space<vmem_shared>>
      tpu.enqueue_dma source(%arg9 : memref<80x128xf32, #tpu.memory_space<vmem>>) target(%dma_start3A_79 : memref<80x128xf32, #tpu.memory_space<vmem_shared>>) target_semaphore(%run_scoped3A : memref<!tpu.dma_semaphore, #tpu.memory_space<semaphore_mem>>)
      %dma_wait3A_80 = arith.constant 0 : i32
      %dma_wait3A_81 = tpu.memref_slice %arg13[%multiple_of3A_14, %dma_wait3A_80] : memref<10240x128xf32, #tpu.memory_space<vmem_shared>> -> memref<80x128xf32, #tpu.memory_space<vmem_shared>>
      %dma_wait3A_82 = arith.constant 0 : i32
      %dma_wait3A_83 = tpu.memref_slice %arg13[%multiple_of3A_14, %dma_wait3A_82] : memref<10240x128xf32, #tpu.memory_space<vmem_shared>> -> memref<80x128xf32, #tpu.memory_space<vmem_shared>>
      tpu.wait_dma2 semaphore(%run_scoped3A : memref<!tpu.dma_semaphore, #tpu.memory_space<semaphore_mem>>) src(%arg9 : memref<80x128xf32, #tpu.memory_space<vmem>>) dst(%dma_wait3A_83 : memref<80x128xf32, #tpu.memory_space<vmem_shared>>)
      tpu.yield
    }) : () -> ()
    %add3A_15 = arith.constant 400 : i32
    %add3A_16 = arith.addi %multiple_of3A, %add3A_15 : i32
    %multiple_of3A_17 = tpu.assume_multiple %add3A_16, 8 : i32
    "tpu.region"() ({
      %run_scoped3A = tpu.sem_alloc : memref<!tpu.dma_semaphore, #tpu.memory_space<semaphore_mem>>
      %dma_start3A_76 = arith.constant 0 : i32
      %dma_start3A_77 = tpu.memref_slice %arg13[%multiple_of3A_17, %dma_start3A_76] : memref<10240x128xf32, #tpu.memory_space<vmem_shared>> -> memref<80x128xf32, #tpu.memory_space<vmem_shared>>
      %dma_start3A_78 = arith.constant 0 : i32
      %dma_start3A_79 = tpu.memref_slice %arg13[%multiple_of3A_17, %dma_start3A_78] : memref<10240x128xf32, #tpu.memory_space<vmem_shared>> -> memref<80x128xf32, #tpu.memory_space<vmem_shared>>
      tpu.enqueue_dma source(%arg9 : memref<80x128xf32, #tpu.memory_space<vmem>>) target(%dma_start3A_79 : memref<80x128xf32, #tpu.memory_space<vmem_shared>>) target_semaphore(%run_scoped3A : memref<!tpu.dma_semaphore, #tpu.memory_space<semaphore_mem>>)
      %dma_wait3A_80 = arith.constant 0 : i32
      %dma_wait3A_81 = tpu.memref_slice %arg13[%multiple_of3A_17, %dma_wait3A_80] : memref<10240x128xf32, #tpu.memory_space<vmem_shared>> -> memref<80x128xf32, #tpu.memory_space<vmem_shared>>
      %dma_wait3A_82 = arith.constant 0 : i32
      %dma_wait3A_83 = tpu.memref_slice %arg13[%multiple_of3A_17, %dma_wait3A_82] : memref<10240x128xf32, #tpu.memory_space<vmem_shared>> -> memref<80x128xf32, #tpu.memory_space<vmem_shared>>
      tpu.wait_dma2 semaphore(%run_scoped3A : memref<!tpu.dma_semaphore, #tpu.memory_space<semaphore_mem>>) src(%arg9 : memref<80x128xf32, #tpu.memory_space<vmem>>) dst(%dma_wait3A_83 : memref<80x128xf32, #tpu.memory_space<vmem_shared>>)
      tpu.yield
    }) : () -> ()
    %add3A_18 = arith.constant 480 : i32
    %add3A_19 = arith.addi %multiple_of3A, %add3A_18 : i32
    %multiple_of3A_20 = tpu.assume_multiple %add3A_19, 8 : i32
    "tpu.region"() ({
      %run_scoped3A = tpu.sem_alloc : memref<!tpu.dma_semaphore, #tpu.memory_space<semaphore_mem>>
      %dma_start3A_76 = arith.constant 0 : i32
      %dma_start3A_77 = tpu.memref_slice %arg13[%multiple_of3A_20, %dma_start3A_76] : memref<10240x128xf32, #tpu.memory_space<vmem_shared>> -> memref<80x128xf32, #tpu.memory_space<vmem_shared>>
      %dma_start3A_78 = arith.constant 0 : i32
      %dma_start3A_79 = tpu.memref_slice %arg13[%multiple_of3A_20, %dma_start3A_78] : memref<10240x128xf32, #tpu.memory_space<vmem_shared>> -> memref<80x128xf32, #tpu.memory_space<vmem_shared>>
      tpu.enqueue_dma source(%arg9 : memref<80x128xf32, #tpu.memory_space<vmem>>) target(%dma_start3A_79 : memref<80x128xf32, #tpu.memory_space<vmem_shared>>) target_semaphore(%run_scoped3A : memref<!tpu.dma_semaphore, #tpu.memory_space<semaphore_mem>>)
      %dma_wait3A_80 = arith.constant 0 : i32
      %dma_wait3A_81 = tpu.memref_slice %arg13[%multiple_of3A_20, %dma_wait3A_80] : memref<10240x128xf32, #tpu.memory_space<vmem_shared>> -> memref<80x128xf32, #tpu.memory_space<vmem_shared>>
      %dma_wait3A_82 = arith.constant 0 : i32
      %dma_wait3A_83 = tpu.memref_slice %arg13[%multiple_of3A_20, %dma_wait3A_82] : memref<10240x128xf32, #tpu.memory_space<vmem_shared>> -> memref<80x128xf32, #tpu.memory_space<vmem_shared>>
      tpu.wait_dma2 semaphore(%run_scoped3A : memref<!tpu.dma_semaphore, #tpu.memory_space<semaphore_mem>>) src(%arg9 : memref<80x128xf32, #tpu.memory_space<vmem>>) dst(%dma_wait3A_83 : memref<80x128xf32, #tpu.memory_space<vmem_shared>>)
      tpu.yield
    }) : () -> ()
    %add3A_21 = arith.constant 560 : i32
    %add3A_22 = arith.addi %multiple_of3A, %add3A_21 : i32
    %multiple_of3A_23 = tpu.assume_multiple %add3A_22, 8 : i32
    "tpu.region"() ({
      %run_scoped3A = tpu.sem_alloc : memref<!tpu.dma_semaphore, #tpu.memory_space<semaphore_mem>>
      %dma_start3A_76 = arith.constant 0 : i32
      %dma_start3A_77 = tpu.memref_slice %arg13[%multiple_of3A_23, %dma_start3A_76] : memref<10240x128xf32, #tpu.memory_space<vmem_shared>> -> memref<80x128xf32, #tpu.memory_space<vmem_shared>>
      %dma_start3A_78 = arith.constant 0 : i32
      %dma_start3A_79 = tpu.memref_slice %arg13[%multiple_of3A_23, %dma_start3A_78] : memref<10240x128xf32, #tpu.memory_space<vmem_shared>> -> memref<80x128xf32, #tpu.memory_space<vmem_shared>>
      tpu.enqueue_dma source(%arg9 : memref<80x128xf32, #tpu.memory_space<vmem>>) target(%dma_start3A_79 : memref<80x128xf32, #tpu.memory_space<vmem_shared>>) target_semaphore(%run_scoped3A : memref<!tpu.dma_semaphore, #tpu.memory_space<semaphore_mem>>)
      %dma_wait3A_80 = arith.constant 0 : i32
      %dma_wait3A_81 = tpu.memref_slice %arg13[%multiple_of3A_23, %dma_wait3A_80] : memref<10240x128xf32, #tpu.memory_space<vmem_shared>> -> memref<80x128xf32, #tpu.memory_space<vmem_shared>>
      %dma_wait3A_82 = arith.constant 0 : i32
      %dma_wait3A_83 = tpu.memref_slice %arg13[%multiple_of3A_23, %dma_wait3A_82] : memref<10240x128xf32, #tpu.memory_space<vmem_shared>> -> memref<80x128xf32, #tpu.memory_space<vmem_shared>>
      tpu.wait_dma2 semaphore(%run_scoped3A : memref<!tpu.dma_semaphore, #tpu.memory_space<semaphore_mem>>) src(%arg9 : memref<80x128xf32, #tpu.memory_space<vmem>>) dst(%dma_wait3A_83 : memref<80x128xf32, #tpu.memory_space<vmem_shared>>)
      tpu.yield
    }) : () -> ()
    %barrier3A = arith.constant 0 : index
    tpu.barrier barrier_id(%barrier3A)
    %mul3A_24 = arith.constant 10000 : i32
    %mul3A_25 = arith.muli %arg1, %mul3A_24 : i32
    %add3A_26 = arith.constant 0 : i32
    %add3A_27 = arith.addi %mul3A_25, %add3A_26 : i32
    %multiple_of3A_28 = tpu.assume_multiple %add3A_27, 8 : i32
    %mul3A_29 = arith.constant 160000 : i32
    %mul3A_30 = arith.muli %arg0, %mul3A_29 : i32
    %mul3A_31 = arith.constant 10000 : i32
    %mul3A_32 = arith.muli %arg1, %mul3A_31 : i32
    %add3A_33 = arith.addi %mul3A_30, %mul3A_32 : i32
    %add3A_34 = arith.constant 0 : i32
    %add3A_35 = arith.addi %add3A_33, %add3A_34 : i32
    %multiple_of3A_36 = tpu.assume_multiple %add3A_35, 8 : i32
    "tpu.region"() ({
      %run_scoped3A = tpu.sem_alloc : memref<!tpu.dma_semaphore, #tpu.memory_space<semaphore_mem>>
      %dma_start3A_76 = tpu.memref_slice %arg3[%multiple_of3A_36] : memref<320000xi32, #tpu.memory_space<hbm>> -> memref<80xi32, #tpu.memory_space<hbm>>
      %dma_start3A_77 = tpu.memref_slice %arg3[%multiple_of3A_36] : memref<320000xi32, #tpu.memory_space<hbm>> -> memref<80xi32, #tpu.memory_space<hbm>>
      tpu.enqueue_dma source(%dma_start3A_77 : memref<80xi32, #tpu.memory_space<hbm>>) target(%arg7 : memref<80xi32, #tpu.memory_space<vmem>>) target_semaphore(%run_scoped3A : memref<!tpu.dma_semaphore, #tpu.memory_space<semaphore_mem>>)
      %dma_wait3A_78 = tpu.memref_slice %arg3[%multiple_of3A_36] : memref<320000xi32, #tpu.memory_space<hbm>> -> memref<80xi32, #tpu.memory_space<hbm>>
      %dma_wait3A_79 = tpu.memref_slice %arg3[%multiple_of3A_36] : memref<320000xi32, #tpu.memory_space<hbm>> -> memref<80xi32, #tpu.memory_space<hbm>>
      tpu.wait_dma2 semaphore(%run_scoped3A : memref<!tpu.dma_semaphore, #tpu.memory_space<semaphore_mem>>) src(%dma_wait3A_79 : memref<80xi32, #tpu.memory_space<hbm>>) dst(%arg7 : memref<80xi32, #tpu.memory_space<vmem>>)
      tpu.yield
    }) : () -> ()
    "tpu.region"() ({
      %run_scoped3A = tpu.sem_alloc : memref<!tpu.dma_semaphore, #tpu.memory_space<semaphore_mem>>
      %dma_start3A_76 = tpu.memref_slice %arg4[%multiple_of3A_28] : memref<160000xi32, #tpu.memory_space<hbm>> -> memref<80xi32, #tpu.memory_space<hbm>>
      %dma_start3A_77 = tpu.memref_slice %arg4[%multiple_of3A_28] : memref<160000xi32, #tpu.memory_space<hbm>> -> memref<80xi32, #tpu.memory_space<hbm>>
      tpu.enqueue_dma source(%dma_start3A_77 : memref<80xi32, #tpu.memory_space<hbm>>) target(%arg8 : memref<80xi32, #tpu.memory_space<vmem>>) target_semaphore(%run_scoped3A : memref<!tpu.dma_semaphore, #tpu.memory_space<semaphore_mem>>)
      %dma_wait3A_78 = tpu.memref_slice %arg4[%multiple_of3A_28] : memref<160000xi32, #tpu.memory_space<hbm>> -> memref<80xi32, #tpu.memory_space<hbm>>
      %dma_wait3A_79 = tpu.memref_slice %arg4[%multiple_of3A_28] : memref<160000xi32, #tpu.memory_space<hbm>> -> memref<80xi32, #tpu.memory_space<hbm>>
      tpu.wait_dma2 semaphore(%run_scoped3A : memref<!tpu.dma_semaphore, #tpu.memory_space<semaphore_mem>>) src(%dma_wait3A_79 : memref<80xi32, #tpu.memory_space<hbm>>) dst(%arg8 : memref<80xi32, #tpu.memory_space<vmem>>)
      tpu.yield
    }) : () -> ()
    %dma_start3A = arith.constant 0 : i32
    %dma_start3A_37 = arith.constant 0 : i32
    %dma_start3A_38 = tpu.memref_slice %arg2[%dma_start3A, %dma_start3A_37] : memref<20000x128xf32, #tpu.memory_space<hbm>> -> memref<20000x128xf32, #tpu.memory_space<hbm>>
    tpu.enqueue_indirect_dma source(%dma_start3A_38 : memref<20000x128xf32, #tpu.memory_space<hbm>>) target(%arg9 : memref<80x128xf32, #tpu.memory_space<vmem>>) offsets(%arg7 : memref<80xi32, #tpu.memory_space<vmem>>) semaphore(%arg14 : memref<!tpu.dma_semaphore, #tpu.memory_space<semaphore_mem>>)
    %mul3A_39 = arith.constant 10000 : i32
    %mul3A_40 = arith.muli %arg1, %mul3A_39 : i32
    %add3A_41 = arith.constant 80 : i32
    %add3A_42 = arith.addi %mul3A_40, %add3A_41 : i32
    %multiple_of3A_43 = tpu.assume_multiple %add3A_42, 8 : i32
    %mul3A_44 = arith.constant 160000 : i32
    %mul3A_45 = arith.muli %arg0, %mul3A_44 : i32
    %mul3A_46 = arith.constant 10000 : i32
    %mul3A_47 = arith.muli %arg1, %mul3A_46 : i32
    %add3A_48 = arith.addi %mul3A_45, %mul3A_47 : i32
    %add3A_49 = arith.constant 80 : i32
    %add3A_50 = arith.addi %add3A_48, %add3A_49 : i32
    %multiple_of3A_51 = tpu.assume_multiple %add3A_50, 8 : i32
    %dma_start3A_52 = tpu.memref_slice %arg3[%multiple_of3A_51] : memref<320000xi32, #tpu.memory_space<hbm>> -> memref<80xi32, #tpu.memory_space<hbm>>
    %dma_start3A_53 = tpu.memref_slice %arg3[%multiple_of3A_51] : memref<320000xi32, #tpu.memory_space<hbm>> -> memref<80xi32, #tpu.memory_space<hbm>>
    tpu.enqueue_dma source(%dma_start3A_53 : memref<80xi32, #tpu.memory_space<hbm>>) target(%arg10 : memref<80xi32, #tpu.memory_space<vmem>>) target_semaphore(%arg17 : memref<!tpu.dma_semaphore, #tpu.memory_space<semaphore_mem>>)
    %dma_start3A_54 = tpu.memref_slice %arg4[%multiple_of3A_43] : memref<160000xi32, #tpu.memory_space<hbm>> -> memref<80xi32, #tpu.memory_space<hbm>>
    %dma_start3A_55 = tpu.memref_slice %arg4[%multiple_of3A_43] : memref<160000xi32, #tpu.memory_space<hbm>> -> memref<80xi32, #tpu.memory_space<hbm>>
    tpu.enqueue_dma source(%dma_start3A_55 : memref<80xi32, #tpu.memory_space<hbm>>) target(%arg11 : memref<80xi32, #tpu.memory_space<vmem>>) target_semaphore(%arg17 : memref<!tpu.dma_semaphore, #tpu.memory_space<semaphore_mem>>)
    %scan3A = arith.constant 0 : i32
    %scan3A_56 = arith.constant 0 : i32
    %scan3A_57 = arith.constant 62 : i32
    %scan3A_58 = arith.addi %scan3A_56, %scan3A_57 : i32
    %scan3A_59 = arith.constant 1 : i32
    scf.for %scan3A_76 = %scan3A_56 to %scan3A_58 step %scan3A_59  : i32 {
      %mul3A_77 = arith.constant 2 : i32
      %mul3A_78 = arith.muli %mul3A_77, %scan3A_76 : i32
      %add3A_79 = arith.constant 1 : i32
      %add3A_80 = arith.addi %mul3A_78, %add3A_79 : i32
      %mul3A_81 = arith.constant 160000 : i32
      %mul3A_82 = arith.muli %arg0, %mul3A_81 : i32
      %mul3A_83 = arith.constant 10000 : i32
      %mul3A_84 = arith.muli %arg1, %mul3A_83 : i32
      %add3A_85 = arith.addi %mul3A_82, %mul3A_84 : i32
      %mul3A_86 = arith.constant 80 : i32
      %mul3A_87 = arith.muli %add3A_80, %mul3A_86 : i32
      %add3A_88 = arith.addi %add3A_85, %mul3A_87 : i32
      %multiple_of3A_89 = tpu.assume_multiple %add3A_88, 8 : i32
      %mul3A_90 = arith.constant 10000 : i32
      %mul3A_91 = arith.muli %arg1, %mul3A_90 : i32
      %mul3A_92 = arith.constant 80 : i32
      %mul3A_93 = arith.muli %add3A_80, %mul3A_92 : i32
      %add3A_94 = arith.addi %mul3A_91, %mul3A_93 : i32
      %multiple_of3A_95 = tpu.assume_multiple %add3A_94, 8 : i32
      %dma_wait3A_96 = tpu.memref_slice %arg3[%multiple_of3A_89] : memref<320000xi32, #tpu.memory_space<hbm>> -> memref<80xi32, #tpu.memory_space<hbm>>
      %dma_wait3A_97 = tpu.memref_slice %arg3[%multiple_of3A_89] : memref<320000xi32, #tpu.memory_space<hbm>> -> memref<80xi32, #tpu.memory_space<hbm>>
      tpu.wait_dma2 semaphore(%arg17 : memref<!tpu.dma_semaphore, #tpu.memory_space<semaphore_mem>>) src(%dma_wait3A_97 : memref<80xi32, #tpu.memory_space<hbm>>) dst(%arg10 : memref<80xi32, #tpu.memory_space<vmem>>)
      %dma_wait3A_98 = tpu.memref_slice %arg4[%multiple_of3A_95] : memref<160000xi32, #tpu.memory_space<hbm>> -> memref<80xi32, #tpu.memory_space<hbm>>
      %dma_wait3A_99 = tpu.memref_slice %arg4[%multiple_of3A_95] : memref<160000xi32, #tpu.memory_space<hbm>> -> memref<80xi32, #tpu.memory_space<hbm>>
      tpu.wait_dma2 semaphore(%arg17 : memref<!tpu.dma_semaphore, #tpu.memory_space<semaphore_mem>>) src(%dma_wait3A_99 : memref<80xi32, #tpu.memory_space<hbm>>) dst(%arg11 : memref<80xi32, #tpu.memory_space<vmem>>)
      %dma_start3A_100 = arith.constant 0 : i32
      %dma_start3A_101 = arith.constant 0 : i32
      %dma_start3A_102 = tpu.memref_slice %arg2[%dma_start3A_100, %dma_start3A_101] : memref<20000x128xf32, #tpu.memory_space<hbm>> -> memref<20000x128xf32, #tpu.memory_space<hbm>>
      tpu.enqueue_indirect_dma source(%dma_start3A_102 : memref<20000x128xf32, #tpu.memory_space<hbm>>) target(%arg12 : memref<80x128xf32, #tpu.memory_space<vmem>>) offsets(%arg10 : memref<80xi32, #tpu.memory_space<vmem>>) semaphore(%arg15 : memref<!tpu.dma_semaphore, #tpu.memory_space<semaphore_mem>>)
      %dma_wait3A_103 = arith.constant 0 : i32
      %dma_wait3A_104 = arith.constant 0 : i32
      %dma_wait3A_105 = tpu.memref_slice %arg2[%dma_wait3A_103, %dma_wait3A_104] : memref<20000x128xf32, #tpu.memory_space<hbm>> -> memref<20000x128xf32, #tpu.memory_space<hbm>>
      tpu.wait_indirect_dma semaphore(%arg14 : memref<!tpu.dma_semaphore, #tpu.memory_space<semaphore_mem>>) src(%dma_wait3A_105 : memref<20000x128xf32, #tpu.memory_space<hbm>>) dst(%arg9 : memref<80x128xf32, #tpu.memory_space<vmem>>)
      "tpu.region"() ({
        %run_scoped3A = tpu.sem_alloc : memref<!tpu.dma_semaphore, #tpu.memory_space<semaphore_mem>>
        %dma_start3A_161 = arith.constant 0 : i32
        %dma_start3A_162 = arith.constant 0 : i32
        %dma_start3A_163 = tpu.memref_slice %arg13[%dma_start3A_161, %dma_start3A_162] : memref<10240x128xf32, #tpu.memory_space<vmem_shared>> -> memref<10240x128xf32, #tpu.memory_space<vmem_shared>>
        tpu.enqueue_indirect_dma source(%arg9 : memref<80x128xf32, #tpu.memory_space<vmem>>) target(%dma_start3A_163 : memref<10240x128xf32, #tpu.memory_space<vmem_shared>>) offsets(%arg8 : memref<80xi32, #tpu.memory_space<vmem>>) semaphore(%run_scoped3A : memref<!tpu.dma_semaphore, #tpu.memory_space<semaphore_mem>>) {add = true}
        %dma_wait3A_164 = arith.constant 0 : i32
        %dma_wait3A_165 = arith.constant 0 : i32
        %dma_wait3A_166 = tpu.memref_slice %arg13[%dma_wait3A_164, %dma_wait3A_165] : memref<10240x128xf32, #tpu.memory_space<vmem_shared>> -> memref<10240x128xf32, #tpu.memory_space<vmem_shared>>
        tpu.wait_indirect_dma semaphore(%run_scoped3A : memref<!tpu.dma_semaphore, #tpu.memory_space<semaphore_mem>>) src(%arg9 : memref<80x128xf32, #tpu.memory_space<vmem>>) dst(%dma_wait3A_166 : memref<10240x128xf32, #tpu.memory_space<vmem_shared>>)
        tpu.yield
      }) : () -> ()
      %add3A_106 = arith.constant 1 : i32
      %add3A_107 = arith.addi %add3A_80, %add3A_106 : i32
      %mul3A_108 = arith.constant 10000 : i32
      %mul3A_109 = arith.muli %arg1, %mul3A_108 : i32
      %mul3A_110 = arith.constant 80 : i32
      %mul3A_111 = arith.muli %add3A_107, %mul3A_110 : i32
      %add3A_112 = arith.addi %mul3A_109, %mul3A_111 : i32
      %multiple_of3A_113 = tpu.assume_multiple %add3A_112, 8 : i32
      %mul3A_114 = arith.constant 160000 : i32
      %mul3A_115 = arith.muli %arg0, %mul3A_114 : i32
      %mul3A_116 = arith.constant 10000 : i32
      %mul3A_117 = arith.muli %arg1, %mul3A_116 : i32
      %add3A_118 = arith.addi %mul3A_115, %mul3A_117 : i32
      %mul3A_119 = arith.constant 80 : i32
      %mul3A_120 = arith.muli %add3A_107, %mul3A_119 : i32
      %add3A_121 = arith.addi %add3A_118, %mul3A_120 : i32
      %multiple_of3A_122 = tpu.assume_multiple %add3A_121, 8 : i32
      %dma_start3A_123 = tpu.memref_slice %arg3[%multiple_of3A_122] : memref<320000xi32, #tpu.memory_space<hbm>> -> memref<80xi32, #tpu.memory_space<hbm>>
      %dma_start3A_124 = tpu.memref_slice %arg3[%multiple_of3A_122] : memref<320000xi32, #tpu.memory_space<hbm>> -> memref<80xi32, #tpu.memory_space<hbm>>
      tpu.enqueue_dma source(%dma_start3A_124 : memref<80xi32, #tpu.memory_space<hbm>>) target(%arg7 : memref<80xi32, #tpu.memory_space<vmem>>) target_semaphore(%arg16 : memref<!tpu.dma_semaphore, #tpu.memory_space<semaphore_mem>>)
      %dma_start3A_125 = tpu.memref_slice %arg4[%multiple_of3A_113] : memref<160000xi32, #tpu.memory_space<hbm>> -> memref<80xi32, #tpu.memory_space<hbm>>
      %dma_start3A_126 = tpu.memref_slice %arg4[%multiple_of3A_113] : memref<160000xi32, #tpu.memory_space<hbm>> -> memref<80xi32, #tpu.memory_space<hbm>>
      tpu.enqueue_dma source(%dma_start3A_126 : memref<80xi32, #tpu.memory_space<hbm>>) target(%arg8 : memref<80xi32, #tpu.memory_space<vmem>>) target_semaphore(%arg16 : memref<!tpu.dma_semaphore, #tpu.memory_space<semaphore_mem>>)
      %add3A_127 = arith.constant 1 : i32
      %add3A_128 = arith.addi %add3A_80, %add3A_127 : i32
      %mul3A_129 = arith.constant 160000 : i32
      %mul3A_130 = arith.muli %arg0, %mul3A_129 : i32
      %mul3A_131 = arith.constant 10000 : i32
      %mul3A_132 = arith.muli %arg1, %mul3A_131 : i32
      %add3A_133 = arith.addi %mul3A_130, %mul3A_132 : i32
      %mul3A_134 = arith.constant 80 : i32
      %mul3A_135 = arith.muli %add3A_128, %mul3A_134 : i32
      %add3A_136 = arith.addi %add3A_133, %mul3A_135 : i32
      %multiple_of3A_137 = tpu.assume_multiple %add3A_136, 8 : i32
      %mul3A_138 = arith.constant 10000 : i32
      %mul3A_139 = arith.muli %arg1, %mul3A_138 : i32
      %mul3A_140 = arith.constant 80 : i32
      %mul3A_141 = arith.muli %add3A_128, %mul3A_140 : i32
      %add3A_142 = arith.addi %mul3A_139, %mul3A_141 : i32
      %multiple_of3A_143 = tpu.assume_multiple %add3A_142, 8 : i32
      %dma_wait3A_144 = tpu.memref_slice %arg3[%multiple_of3A_137] : memref<320000xi32, #tpu.memory_space<hbm>> -> memref<80xi32, #tpu.memory_space<hbm>>
      %dma_wait3A_145 = tpu.memref_slice %arg3[%multiple_of3A_137] : memref<320000xi32, #tpu.memory_space<hbm>> -> memref<80xi32, #tpu.memory_space<hbm>>
      tpu.wait_dma2 semaphore(%arg16 : memref<!tpu.dma_semaphore, #tpu.memory_space<semaphore_mem>>) src(%dma_wait3A_145 : memref<80xi32, #tpu.memory_space<hbm>>) dst(%arg7 : memref<80xi32, #tpu.memory_space<vmem>>)
      %dma_wait3A_146 = tpu.memref_slice %arg4[%multiple_of3A_143] : memref<160000xi32, #tpu.memory_space<hbm>> -> memref<80xi32, #tpu.memory_space<hbm>>
      %dma_wait3A_147 = tpu.memref_slice %arg4[%multiple_of3A_143] : memref<160000xi32, #tpu.memory_space<hbm>> -> memref<80xi32, #tpu.memory_space<hbm>>
      tpu.wait_dma2 semaphore(%arg16 : memref<!tpu.dma_semaphore, #tpu.memory_space<semaphore_mem>>) src(%dma_wait3A_147 : memref<80xi32, #tpu.memory_space<hbm>>) dst(%arg8 : memref<80xi32, #tpu.memory_space<vmem>>)
      %dma_start3A_148 = arith.constant 0 : i32
      %dma_start3A_149 = arith.constant 0 : i32
      %dma_start3A_150 = tpu.memref_slice %arg2[%dma_start3A_148, %dma_start3A_149] : memref<20000x128xf32, #tpu.memory_space<hbm>> -> memref<20000x128xf32, #tpu.memory_space<hbm>>
      tpu.enqueue_indirect_dma source(%dma_start3A_150 : memref<20000x128xf32, #tpu.memory_space<hbm>>) target(%arg9 : memref<80x128xf32, #tpu.memory_space<vmem>>) offsets(%arg7 : memref<80xi32, #tpu.memory_space<vmem>>) semaphore(%arg14 : memref<!tpu.dma_semaphore, #tpu.memory_space<semaphore_mem>>)
      %dma_wait3A_151 = arith.constant 0 : i32
      %dma_wait3A_152 = arith.constant 0 : i32
      %dma_wait3A_153 = tpu.memref_slice %arg2[%dma_wait3A_151, %dma_wait3A_152] : memref<20000x128xf32, #tpu.memory_space<hbm>> -> memref<20000x128xf32, #tpu.memory_space<hbm>>
      tpu.wait_indirect_dma semaphore(%arg15 : memref<!tpu.dma_semaphore, #tpu.memory_space<semaphore_mem>>) src(%dma_wait3A_153 : memref<20000x128xf32, #tpu.memory_space<hbm>>) dst(%arg12 : memref<80x128xf32, #tpu.memory_space<vmem>>)
      "tpu.region"() ({
        %run_scoped3A = tpu.sem_alloc : memref<!tpu.dma_semaphore, #tpu.memory_space<semaphore_mem>>
        %dma_start3A_161 = arith.constant 0 : i32
        %dma_start3A_162 = arith.constant 0 : i32
        %dma_start3A_163 = tpu.memref_slice %arg13[%dma_start3A_161, %dma_start3A_162] : memref<10240x128xf32, #tpu.memory_space<vmem_shared>> -> memref<10240x128xf32, #tpu.memory_space<vmem_shared>>
        tpu.enqueue_indirect_dma source(%arg12 : memref<80x128xf32, #tpu.memory_space<vmem>>) target(%dma_start3A_163 : memref<10240x128xf32, #tpu.memory_space<vmem_shared>>) offsets(%arg11 : memref<80xi32, #tpu.memory_space<vmem>>) semaphore(%run_scoped3A : memref<!tpu.dma_semaphore, #tpu.memory_space<semaphore_mem>>) {add = true}
        %dma_wait3A_164 = arith.constant 0 : i32
        %dma_wait3A_165 = arith.constant 0 : i32
        %dma_wait3A_166 = tpu.memref_slice %arg13[%dma_wait3A_164, %dma_wait3A_165] : memref<10240x128xf32, #tpu.memory_space<vmem_shared>> -> memref<10240x128xf32, #tpu.memory_space<vmem_shared>>
        tpu.wait_indirect_dma semaphore(%run_scoped3A : memref<!tpu.dma_semaphore, #tpu.memory_space<semaphore_mem>>) src(%arg12 : memref<80x128xf32, #tpu.memory_space<vmem>>) dst(%dma_wait3A_166 : memref<10240x128xf32, #tpu.memory_space<vmem_shared>>)
        tpu.yield
      }) : () -> ()
      %add3A_154 = arith.constant 2 : i32
      %add3A_155 = arith.addi %add3A_80, %add3A_154 : i32
      %lt3A_156 = arith.constant 125 : i32
      %lt3A_157 = arith.cmpi slt, %add3A_155, %lt3A_156 : i32
      %convert_element_type3A_158 = arith.extui %lt3A_157 : i1 to i32
      %cond3A_159 = arith.constant 0 : i32
      %cond3A_160 = arith.cmpi ne, %convert_element_type3A_158, %cond3A_159 : i32
      scf.if %cond3A_160 {
        %add3A_161 = arith.constant 2 : i32
        %add3A_162 = arith.addi %add3A_80, %add3A_161 : i32
        %mul3A_163 = arith.constant 10000 : i32
        %mul3A_164 = arith.muli %arg1, %mul3A_163 : i32
        %mul3A_165 = arith.constant 80 : i32
        %mul3A_166 = arith.muli %add3A_162, %mul3A_165 : i32
        %add3A_167 = arith.addi %mul3A_164, %mul3A_166 : i32
        %multiple_of3A_168 = tpu.assume_multiple %add3A_167, 8 : i32
        %mul3A_169 = arith.constant 160000 : i32
        %mul3A_170 = arith.muli %arg0, %mul3A_169 : i32
        %mul3A_171 = arith.constant 10000 : i32
        %mul3A_172 = arith.muli %arg1, %mul3A_171 : i32
        %add3A_173 = arith.addi %mul3A_170, %mul3A_172 : i32
        %mul3A_174 = arith.constant 80 : i32
        %mul3A_175 = arith.muli %add3A_162, %mul3A_174 : i32
        %add3A_176 = arith.addi %add3A_173, %mul3A_175 : i32
        %multiple_of3A_177 = tpu.assume_multiple %add3A_176, 8 : i32
        %dma_start3A_178 = tpu.memref_slice %arg3[%multiple_of3A_177] : memref<320000xi32, #tpu.memory_space<hbm>> -> memref<80xi32, #tpu.memory_space<hbm>>
        %dma_start3A_179 = tpu.memref_slice %arg3[%multiple_of3A_177] : memref<320000xi32, #tpu.memory_space<hbm>> -> memref<80xi32, #tpu.memory_space<hbm>>
        tpu.enqueue_dma source(%dma_start3A_179 : memref<80xi32, #tpu.memory_space<hbm>>) target(%arg10 : memref<80xi32, #tpu.memory_space<vmem>>) target_semaphore(%arg17 : memref<!tpu.dma_semaphore, #tpu.memory_space<semaphore_mem>>)
        %dma_start3A_180 = tpu.memref_slice %arg4[%multiple_of3A_168] : memref<160000xi32, #tpu.memory_space<hbm>> -> memref<80xi32, #tpu.memory_space<hbm>>
        %dma_start3A_181 = tpu.memref_slice %arg4[%multiple_of3A_168] : memref<160000xi32, #tpu.memory_space<hbm>> -> memref<80xi32, #tpu.memory_space<hbm>>
        tpu.enqueue_dma source(%dma_start3A_181 : memref<80xi32, #tpu.memory_space<hbm>>) target(%arg11 : memref<80xi32, #tpu.memory_space<vmem>>) target_semaphore(%arg17 : memref<!tpu.dma_semaphore, #tpu.memory_space<semaphore_mem>>)
      } else {
      }
    }
    %scan3A_60 = arith.constant 62 : i32
    %dma_wait3A = arith.constant 0 : i32
    %dma_wait3A_61 = arith.constant 0 : i32
    %dma_wait3A_62 = tpu.memref_slice %arg2[%dma_wait3A, %dma_wait3A_61] : memref<20000x128xf32, #tpu.memory_space<hbm>> -> memref<20000x128xf32, #tpu.memory_space<hbm>>
    tpu.wait_indirect_dma semaphore(%arg14 : memref<!tpu.dma_semaphore, #tpu.memory_space<semaphore_mem>>) src(%dma_wait3A_62 : memref<20000x128xf32, #tpu.memory_space<hbm>>) dst(%arg9 : memref<80x128xf32, #tpu.memory_space<vmem>>)
    "tpu.region"() ({
      %run_scoped3A = tpu.sem_alloc : memref<!tpu.dma_semaphore, #tpu.memory_space<semaphore_mem>>
      %dma_start3A_76 = arith.constant 0 : i32
      %dma_start3A_77 = arith.constant 0 : i32
      %dma_start3A_78 = tpu.memref_slice %arg13[%dma_start3A_76, %dma_start3A_77] : memref<10240x128xf32, #tpu.memory_space<vmem_shared>> -> memref<10240x128xf32, #tpu.memory_space<vmem_shared>>
      tpu.enqueue_indirect_dma source(%arg9 : memref<80x128xf32, #tpu.memory_space<vmem>>) target(%dma_start3A_78 : memref<10240x128xf32, #tpu.memory_space<vmem_shared>>) offsets(%arg8 : memref<80xi32, #tpu.memory_space<vmem>>) semaphore(%run_scoped3A : memref<!tpu.dma_semaphore, #tpu.memory_space<semaphore_mem>>) {add = true}
      %dma_wait3A_79 = arith.constant 0 : i32
      %dma_wait3A_80 = arith.constant 0 : i32
      %dma_wait3A_81 = tpu.memref_slice %arg13[%dma_wait3A_79, %dma_wait3A_80] : memref<10240x128xf32, #tpu.memory_space<vmem_shared>> -> memref<10240x128xf32, #tpu.memory_space<vmem_shared>>
      tpu.wait_indirect_dma semaphore(%run_scoped3A : memref<!tpu.dma_semaphore, #tpu.memory_space<semaphore_mem>>) src(%arg9 : memref<80x128xf32, #tpu.memory_space<vmem>>) dst(%dma_wait3A_81 : memref<10240x128xf32, #tpu.memory_space<vmem_shared>>)
      tpu.yield
    }) : () -> ()
    %barrier3A_63 = arith.constant 0 : index
    tpu.barrier barrier_id(%barrier3A_63)
    %mul3A_64 = arith.constant 10000 : i32
    %mul3A_65 = arith.muli %arg0, %mul3A_64 : i32
    %mul3A_66 = arith.constant 640 : i32
    %mul3A_67 = arith.muli %arg1, %mul3A_66 : i32
    %add3A_68 = arith.addi %mul3A_65, %mul3A_67 : i32
    %multiple_of3A_69 = tpu.assume_multiple %add3A_68, 8 : i32
    %lt3A = arith.constant 15 : i32
    %lt3A_70 = arith.cmpi slt, %arg1, %lt3A : i32
    %convert_element_type3A = arith.extui %lt3A_70 : i1 to i32
    %cond3A = arith.constant 0 : i32
    %cond3A_71 = arith.cmpi ne, %convert_element_type3A, %cond3A : i32
    scf.if %cond3A_71 {
      %add3A_76 = arith.constant 0 : i32
      %add3A_77 = arith.addi %multiple_of3A, %add3A_76 : i32
      %multiple_of3A_78 = tpu.assume_multiple %add3A_77, 8 : i32
      %add3A_79 = arith.constant 0 : i32
      %add3A_80 = arith.addi %multiple_of3A_69, %add3A_79 : i32
      %multiple_of3A_81 = tpu.assume_multiple %add3A_80, 8 : i32
      %dma_start3A_82 = arith.constant 0 : i32
      %dma_start3A_83 = tpu.memref_slice %arg13[%multiple_of3A_78, %dma_start3A_82] : memref<10240x128xf32, #tpu.memory_space<vmem_shared>> -> memref<80x128xf32, #tpu.memory_space<vmem_shared>>
      %dma_start3A_84 = arith.constant 0 : i32
      %dma_start3A_85 = tpu.memref_slice %arg13[%multiple_of3A_78, %dma_start3A_84] : memref<10240x128xf32, #tpu.memory_space<vmem_shared>> -> memref<80x128xf32, #tpu.memory_space<vmem_shared>>
      tpu.enqueue_dma source(%dma_start3A_85 : memref<80x128xf32, #tpu.memory_space<vmem_shared>>) target(%arg9 : memref<80x128xf32, #tpu.memory_space<vmem>>) target_semaphore(%arg14 : memref<!tpu.dma_semaphore, #tpu.memory_space<semaphore_mem>>)
      %dma_wait3A_86 = arith.constant 0 : i32
      %dma_wait3A_87 = tpu.memref_slice %arg13[%multiple_of3A_78, %dma_wait3A_86] : memref<10240x128xf32, #tpu.memory_space<vmem_shared>> -> memref<80x128xf32, #tpu.memory_space<vmem_shared>>
      %dma_wait3A_88 = arith.constant 0 : i32
      %dma_wait3A_89 = tpu.memref_slice %arg13[%multiple_of3A_78, %dma_wait3A_88] : memref<10240x128xf32, #tpu.memory_space<vmem_shared>> -> memref<80x128xf32, #tpu.memory_space<vmem_shared>>
      tpu.wait_dma2 semaphore(%arg14 : memref<!tpu.dma_semaphore, #tpu.memory_space<semaphore_mem>>) src(%dma_wait3A_89 : memref<80x128xf32, #tpu.memory_space<vmem_shared>>) dst(%arg9 : memref<80x128xf32, #tpu.memory_space<vmem>>)
      %dma_start3A_90 = arith.constant 0 : i32
      %dma_start3A_91 = tpu.memref_slice %arg6[%multiple_of3A_81, %dma_start3A_90] : memref<20000x128xf32, #tpu.memory_space<hbm>> -> memref<80x128xf32, #tpu.memory_space<hbm>>
      %dma_start3A_92 = arith.constant 0 : i32
      %dma_start3A_93 = tpu.memref_slice %arg6[%multiple_of3A_81, %dma_start3A_92] : memref<20000x128xf32, #tpu.memory_space<hbm>> -> memref<80x128xf32, #tpu.memory_space<hbm>>
      tpu.enqueue_dma source(%arg9 : memref<80x128xf32, #tpu.memory_space<vmem>>) target(%dma_start3A_93 : memref<80x128xf32, #tpu.memory_space<hbm>>) target_semaphore(%arg16 : memref<!tpu.dma_semaphore, #tpu.memory_space<semaphore_mem>>)
      %add3A_94 = arith.constant 80 : i32
      %add3A_95 = arith.addi %multiple_of3A, %add3A_94 : i32
      %multiple_of3A_96 = tpu.assume_multiple %add3A_95, 8 : i32
      %add3A_97 = arith.constant 80 : i32
      %add3A_98 = arith.addi %multiple_of3A_69, %add3A_97 : i32
      %multiple_of3A_99 = tpu.assume_multiple %add3A_98, 8 : i32
      %dma_start3A_100 = arith.constant 0 : i32
      %dma_start3A_101 = tpu.memref_slice %arg13[%multiple_of3A_96, %dma_start3A_100] : memref<10240x128xf32, #tpu.memory_space<vmem_shared>> -> memref<80x128xf32, #tpu.memory_space<vmem_shared>>
      %dma_start3A_102 = arith.constant 0 : i32
      %dma_start3A_103 = tpu.memref_slice %arg13[%multiple_of3A_96, %dma_start3A_102] : memref<10240x128xf32, #tpu.memory_space<vmem_shared>> -> memref<80x128xf32, #tpu.memory_space<vmem_shared>>
      tpu.enqueue_dma source(%dma_start3A_103 : memref<80x128xf32, #tpu.memory_space<vmem_shared>>) target(%arg12 : memref<80x128xf32, #tpu.memory_space<vmem>>) target_semaphore(%arg15 : memref<!tpu.dma_semaphore, #tpu.memory_space<semaphore_mem>>)
      %dma_wait3A_104 = arith.constant 0 : i32
      %dma_wait3A_105 = tpu.memref_slice %arg13[%multiple_of3A_96, %dma_wait3A_104] : memref<10240x128xf32, #tpu.memory_space<vmem_shared>> -> memref<80x128xf32, #tpu.memory_space<vmem_shared>>
      %dma_wait3A_106 = arith.constant 0 : i32
      %dma_wait3A_107 = tpu.memref_slice %arg13[%multiple_of3A_96, %dma_wait3A_106] : memref<10240x128xf32, #tpu.memory_space<vmem_shared>> -> memref<80x128xf32, #tpu.memory_space<vmem_shared>>
      tpu.wait_dma2 semaphore(%arg15 : memref<!tpu.dma_semaphore, #tpu.memory_space<semaphore_mem>>) src(%dma_wait3A_107 : memref<80x128xf32, #tpu.memory_space<vmem_shared>>) dst(%arg12 : memref<80x128xf32, #tpu.memory_space<vmem>>)
      %dma_start3A_108 = arith.constant 0 : i32
      %dma_start3A_109 = tpu.memref_slice %arg6[%multiple_of3A_99, %dma_start3A_108] : memref<20000x128xf32, #tpu.memory_space<hbm>> -> memref<80x128xf32, #tpu.memory_space<hbm>>
      %dma_start3A_110 = arith.constant 0 : i32
      %dma_start3A_111 = tpu.memref_slice %arg6[%multiple_of3A_99, %dma_start3A_110] : memref<20000x128xf32, #tpu.memory_space<hbm>> -> memref<80x128xf32, #tpu.memory_space<hbm>>
      tpu.enqueue_dma source(%arg12 : memref<80x128xf32, #tpu.memory_space<vmem>>) target(%dma_start3A_111 : memref<80x128xf32, #tpu.memory_space<hbm>>) target_semaphore(%arg17 : memref<!tpu.dma_semaphore, #tpu.memory_space<semaphore_mem>>)
      %add3A_112 = arith.constant 160 : i32
      %add3A_113 = arith.addi %multiple_of3A, %add3A_112 : i32
      %multiple_of3A_114 = tpu.assume_multiple %add3A_113, 8 : i32
      %add3A_115 = arith.constant 160 : i32
      %add3A_116 = arith.addi %multiple_of3A_69, %add3A_115 : i32
      %multiple_of3A_117 = tpu.assume_multiple %add3A_116, 8 : i32
      %add3A_118 = arith.constant 0 : i32
      %add3A_119 = arith.addi %multiple_of3A_69, %add3A_118 : i32
      %multiple_of3A_120 = tpu.assume_multiple %add3A_119, 8 : i32
      %dma_wait3A_121 = arith.constant 0 : i32
      %dma_wait3A_122 = tpu.memref_slice %arg6[%multiple_of3A_120, %dma_wait3A_121] : memref<20000x128xf32, #tpu.memory_space<hbm>> -> memref<80x128xf32, #tpu.memory_space<hbm>>
      %dma_wait3A_123 = arith.constant 0 : i32
      %dma_wait3A_124 = tpu.memref_slice %arg6[%multiple_of3A_120, %dma_wait3A_123] : memref<20000x128xf32, #tpu.memory_space<hbm>> -> memref<80x128xf32, #tpu.memory_space<hbm>>
      tpu.wait_dma2 semaphore(%arg16 : memref<!tpu.dma_semaphore, #tpu.memory_space<semaphore_mem>>) src(%arg9 : memref<80x128xf32, #tpu.memory_space<vmem>>) dst(%dma_wait3A_124 : memref<80x128xf32, #tpu.memory_space<hbm>>)
      %dma_start3A_125 = arith.constant 0 : i32
      %dma_start3A_126 = tpu.memref_slice %arg13[%multiple_of3A_114, %dma_start3A_125] : memref<10240x128xf32, #tpu.memory_space<vmem_shared>> -> memref<80x128xf32, #tpu.memory_space<vmem_shared>>
      %dma_start3A_127 = arith.constant 0 : i32
      %dma_start3A_128 = tpu.memref_slice %arg13[%multiple_of3A_114, %dma_start3A_127] : memref<10240x128xf32, #tpu.memory_space<vmem_shared>> -> memref<80x128xf32, #tpu.memory_space<vmem_shared>>
      tpu.enqueue_dma source(%dma_start3A_128 : memref<80x128xf32, #tpu.memory_space<vmem_shared>>) target(%arg9 : memref<80x128xf32, #tpu.memory_space<vmem>>) target_semaphore(%arg14 : memref<!tpu.dma_semaphore, #tpu.memory_space<semaphore_mem>>)
      %dma_wait3A_129 = arith.constant 0 : i32
      %dma_wait3A_130 = tpu.memref_slice %arg13[%multiple_of3A_114, %dma_wait3A_129] : memref<10240x128xf32, #tpu.memory_space<vmem_shared>> -> memref<80x128xf32, #tpu.memory_space<vmem_shared>>
      %dma_wait3A_131 = arith.constant 0 : i32
      %dma_wait3A_132 = tpu.memref_slice %arg13[%multiple_of3A_114, %dma_wait3A_131] : memref<10240x128xf32, #tpu.memory_space<vmem_shared>> -> memref<80x128xf32, #tpu.memory_space<vmem_shared>>
      tpu.wait_dma2 semaphore(%arg14 : memref<!tpu.dma_semaphore, #tpu.memory_space<semaphore_mem>>) src(%dma_wait3A_132 : memref<80x128xf32, #tpu.memory_space<vmem_shared>>) dst(%arg9 : memref<80x128xf32, #tpu.memory_space<vmem>>)
      %dma_start3A_133 = arith.constant 0 : i32
      %dma_start3A_134 = tpu.memref_slice %arg6[%multiple_of3A_117, %dma_start3A_133] : memref<20000x128xf32, #tpu.memory_space<hbm>> -> memref<80x128xf32, #tpu.memory_space<hbm>>
      %dma_start3A_135 = arith.constant 0 : i32
      %dma_start3A_136 = tpu.memref_slice %arg6[%multiple_of3A_117, %dma_start3A_135] : memref<20000x128xf32, #tpu.memory_space<hbm>> -> memref<80x128xf32, #tpu.memory_space<hbm>>
      tpu.enqueue_dma source(%arg9 : memref<80x128xf32, #tpu.memory_space<vmem>>) target(%dma_start3A_136 : memref<80x128xf32, #tpu.memory_space<hbm>>) target_semaphore(%arg16 : memref<!tpu.dma_semaphore, #tpu.memory_space<semaphore_mem>>)
      %add3A_137 = arith.constant 240 : i32
      %add3A_138 = arith.addi %multiple_of3A, %add3A_137 : i32
      %multiple_of3A_139 = tpu.assume_multiple %add3A_138, 8 : i32
      %add3A_140 = arith.constant 240 : i32
      %add3A_141 = arith.addi %multiple_of3A_69, %add3A_140 : i32
      %multiple_of3A_142 = tpu.assume_multiple %add3A_141, 8 : i32
      %add3A_143 = arith.constant 80 : i32
      %add3A_144 = arith.addi %multiple_of3A_69, %add3A_143 : i32
      %multiple_of3A_145 = tpu.assume_multiple %add3A_144, 8 : i32
      %dma_wait3A_146 = arith.constant 0 : i32
      %dma_wait3A_147 = tpu.memref_slice %arg6[%multiple_of3A_145, %dma_wait3A_146] : memref<20000x128xf32, #tpu.memory_space<hbm>> -> memref<80x128xf32, #tpu.memory_space<hbm>>
      %dma_wait3A_148 = arith.constant 0 : i32
      %dma_wait3A_149 = tpu.memref_slice %arg6[%multiple_of3A_145, %dma_wait3A_148] : memref<20000x128xf32, #tpu.memory_space<hbm>> -> memref<80x128xf32, #tpu.memory_space<hbm>>
      tpu.wait_dma2 semaphore(%arg17 : memref<!tpu.dma_semaphore, #tpu.memory_space<semaphore_mem>>) src(%arg12 : memref<80x128xf32, #tpu.memory_space<vmem>>) dst(%dma_wait3A_149 : memref<80x128xf32, #tpu.memory_space<hbm>>)
      %dma_start3A_150 = arith.constant 0 : i32
      %dma_start3A_151 = tpu.memref_slice %arg13[%multiple_of3A_139, %dma_start3A_150] : memref<10240x128xf32, #tpu.memory_space<vmem_shared>> -> memref<80x128xf32, #tpu.memory_space<vmem_shared>>
      %dma_start3A_152 = arith.constant 0 : i32
      %dma_start3A_153 = tpu.memref_slice %arg13[%multiple_of3A_139, %dma_start3A_152] : memref<10240x128xf32, #tpu.memory_space<vmem_shared>> -> memref<80x128xf32, #tpu.memory_space<vmem_shared>>
      tpu.enqueue_dma source(%dma_start3A_153 : memref<80x128xf32, #tpu.memory_space<vmem_shared>>) target(%arg12 : memref<80x128xf32, #tpu.memory_space<vmem>>) target_semaphore(%arg15 : memref<!tpu.dma_semaphore, #tpu.memory_space<semaphore_mem>>)
      %dma_wait3A_154 = arith.constant 0 : i32
      %dma_wait3A_155 = tpu.memref_slice %arg13[%multiple_of3A_139, %dma_wait3A_154] : memref<10240x128xf32, #tpu.memory_space<vmem_shared>> -> memref<80x128xf32, #tpu.memory_space<vmem_shared>>
      %dma_wait3A_156 = arith.constant 0 : i32
      %dma_wait3A_157 = tpu.memref_slice %arg13[%multiple_of3A_139, %dma_wait3A_156] : memref<10240x128xf32, #tpu.memory_space<vmem_shared>> -> memref<80x128xf32, #tpu.memory_space<vmem_shared>>
      tpu.wait_dma2 semaphore(%arg15 : memref<!tpu.dma_semaphore, #tpu.memory_space<semaphore_mem>>) src(%dma_wait3A_157 : memref<80x128xf32, #tpu.memory_space<vmem_shared>>) dst(%arg12 : memref<80x128xf32, #tpu.memory_space<vmem>>)
      %dma_start3A_158 = arith.constant 0 : i32
      %dma_start3A_159 = tpu.memref_slice %arg6[%multiple_of3A_142, %dma_start3A_158] : memref<20000x128xf32, #tpu.memory_space<hbm>> -> memref<80x128xf32, #tpu.memory_space<hbm>>
      %dma_start3A_160 = arith.constant 0 : i32
      %dma_start3A_161 = tpu.memref_slice %arg6[%multiple_of3A_142, %dma_start3A_160] : memref<20000x128xf32, #tpu.memory_space<hbm>> -> memref<80x128xf32, #tpu.memory_space<hbm>>
      tpu.enqueue_dma source(%arg12 : memref<80x128xf32, #tpu.memory_space<vmem>>) target(%dma_start3A_161 : memref<80x128xf32, #tpu.memory_space<hbm>>) target_semaphore(%arg17 : memref<!tpu.dma_semaphore, #tpu.memory_space<semaphore_mem>>)
      %add3A_162 = arith.constant 320 : i32
      %add3A_163 = arith.addi %multiple_of3A, %add3A_162 : i32
      %multiple_of3A_164 = tpu.assume_multiple %add3A_163, 8 : i32
      %add3A_165 = arith.constant 320 : i32
      %add3A_166 = arith.addi %multiple_of3A_69, %add3A_165 : i32
      %multiple_of3A_167 = tpu.assume_multiple %add3A_166, 8 : i32
      %add3A_168 = arith.constant 160 : i32
      %add3A_169 = arith.addi %multiple_of3A_69, %add3A_168 : i32
      %multiple_of3A_170 = tpu.assume_multiple %add3A_169, 8 : i32
      %dma_wait3A_171 = arith.constant 0 : i32
      %dma_wait3A_172 = tpu.memref_slice %arg6[%multiple_of3A_170, %dma_wait3A_171] : memref<20000x128xf32, #tpu.memory_space<hbm>> -> memref<80x128xf32, #tpu.memory_space<hbm>>
      %dma_wait3A_173 = arith.constant 0 : i32
      %dma_wait3A_174 = tpu.memref_slice %arg6[%multiple_of3A_170, %dma_wait3A_173] : memref<20000x128xf32, #tpu.memory_space<hbm>> -> memref<80x128xf32, #tpu.memory_space<hbm>>
      tpu.wait_dma2 semaphore(%arg16 : memref<!tpu.dma_semaphore, #tpu.memory_space<semaphore_mem>>) src(%arg9 : memref<80x128xf32, #tpu.memory_space<vmem>>) dst(%dma_wait3A_174 : memref<80x128xf32, #tpu.memory_space<hbm>>)
      %dma_start3A_175 = arith.constant 0 : i32
      %dma_start3A_176 = tpu.memref_slice %arg13[%multiple_of3A_164, %dma_start3A_175] : memref<10240x128xf32, #tpu.memory_space<vmem_shared>> -> memref<80x128xf32, #tpu.memory_space<vmem_shared>>
      %dma_start3A_177 = arith.constant 0 : i32
      %dma_start3A_178 = tpu.memref_slice %arg13[%multiple_of3A_164, %dma_start3A_177] : memref<10240x128xf32, #tpu.memory_space<vmem_shared>> -> memref<80x128xf32, #tpu.memory_space<vmem_shared>>
      tpu.enqueue_dma source(%dma_start3A_178 : memref<80x128xf32, #tpu.memory_space<vmem_shared>>) target(%arg9 : memref<80x128xf32, #tpu.memory_space<vmem>>) target_semaphore(%arg14 : memref<!tpu.dma_semaphore, #tpu.memory_space<semaphore_mem>>)
      %dma_wait3A_179 = arith.constant 0 : i32
      %dma_wait3A_180 = tpu.memref_slice %arg13[%multiple_of3A_164, %dma_wait3A_179] : memref<10240x128xf32, #tpu.memory_space<vmem_shared>> -> memref<80x128xf32, #tpu.memory_space<vmem_shared>>
      %dma_wait3A_181 = arith.constant 0 : i32
      %dma_wait3A_182 = tpu.memref_slice %arg13[%multiple_of3A_164, %dma_wait3A_181] : memref<10240x128xf32, #tpu.memory_space<vmem_shared>> -> memref<80x128xf32, #tpu.memory_space<vmem_shared>>
      tpu.wait_dma2 semaphore(%arg14 : memref<!tpu.dma_semaphore, #tpu.memory_space<semaphore_mem>>) src(%dma_wait3A_182 : memref<80x128xf32, #tpu.memory_space<vmem_shared>>) dst(%arg9 : memref<80x128xf32, #tpu.memory_space<vmem>>)
      %dma_start3A_183 = arith.constant 0 : i32
      %dma_start3A_184 = tpu.memref_slice %arg6[%multiple_of3A_167, %dma_start3A_183] : memref<20000x128xf32, #tpu.memory_space<hbm>> -> memref<80x128xf32, #tpu.memory_space<hbm>>
      %dma_start3A_185 = arith.constant 0 : i32
      %dma_start3A_186 = tpu.memref_slice %arg6[%multiple_of3A_167, %dma_start3A_185] : memref<20000x128xf32, #tpu.memory_space<hbm>> -> memref<80x128xf32, #tpu.memory_space<hbm>>
      tpu.enqueue_dma source(%arg9 : memref<80x128xf32, #tpu.memory_space<vmem>>) target(%dma_start3A_186 : memref<80x128xf32, #tpu.memory_space<hbm>>) target_semaphore(%arg16 : memref<!tpu.dma_semaphore, #tpu.memory_space<semaphore_mem>>)
      %add3A_187 = arith.constant 400 : i32
      %add3A_188 = arith.addi %multiple_of3A, %add3A_187 : i32
      %multiple_of3A_189 = tpu.assume_multiple %add3A_188, 8 : i32
      %add3A_190 = arith.constant 400 : i32
      %add3A_191 = arith.addi %multiple_of3A_69, %add3A_190 : i32
      %multiple_of3A_192 = tpu.assume_multiple %add3A_191, 8 : i32
      %add3A_193 = arith.constant 240 : i32
      %add3A_194 = arith.addi %multiple_of3A_69, %add3A_193 : i32
      %multiple_of3A_195 = tpu.assume_multiple %add3A_194, 8 : i32
      %dma_wait3A_196 = arith.constant 0 : i32
      %dma_wait3A_197 = tpu.memref_slice %arg6[%multiple_of3A_195, %dma_wait3A_196] : memref<20000x128xf32, #tpu.memory_space<hbm>> -> memref<80x128xf32, #tpu.memory_space<hbm>>
      %dma_wait3A_198 = arith.constant 0 : i32
      %dma_wait3A_199 = tpu.memref_slice %arg6[%multiple_of3A_195, %dma_wait3A_198] : memref<20000x128xf32, #tpu.memory_space<hbm>> -> memref<80x128xf32, #tpu.memory_space<hbm>>
      tpu.wait_dma2 semaphore(%arg17 : memref<!tpu.dma_semaphore, #tpu.memory_space<semaphore_mem>>) src(%arg12 : memref<80x128xf32, #tpu.memory_space<vmem>>) dst(%dma_wait3A_199 : memref<80x128xf32, #tpu.memory_space<hbm>>)
      %dma_start3A_200 = arith.constant 0 : i32
      %dma_start3A_201 = tpu.memref_slice %arg13[%multiple_of3A_189, %dma_start3A_200] : memref<10240x128xf32, #tpu.memory_space<vmem_shared>> -> memref<80x128xf32, #tpu.memory_space<vmem_shared>>
      %dma_start3A_202 = arith.constant 0 : i32
      %dma_start3A_203 = tpu.memref_slice %arg13[%multiple_of3A_189, %dma_start3A_202] : memref<10240x128xf32, #tpu.memory_space<vmem_shared>> -> memref<80x128xf32, #tpu.memory_space<vmem_shared>>
      tpu.enqueue_dma source(%dma_start3A_203 : memref<80x128xf32, #tpu.memory_space<vmem_shared>>) target(%arg12 : memref<80x128xf32, #tpu.memory_space<vmem>>) target_semaphore(%arg15 : memref<!tpu.dma_semaphore, #tpu.memory_space<semaphore_mem>>)
      %dma_wait3A_204 = arith.constant 0 : i32
      %dma_wait3A_205 = tpu.memref_slice %arg13[%multiple_of3A_189, %dma_wait3A_204] : memref<10240x128xf32, #tpu.memory_space<vmem_shared>> -> memref<80x128xf32, #tpu.memory_space<vmem_shared>>
      %dma_wait3A_206 = arith.constant 0 : i32
      %dma_wait3A_207 = tpu.memref_slice %arg13[%multiple_of3A_189, %dma_wait3A_206] : memref<10240x128xf32, #tpu.memory_space<vmem_shared>> -> memref<80x128xf32, #tpu.memory_space<vmem_shared>>
      tpu.wait_dma2 semaphore(%arg15 : memref<!tpu.dma_semaphore, #tpu.memory_space<semaphore_mem>>) src(%dma_wait3A_207 : memref<80x128xf32, #tpu.memory_space<vmem_shared>>) dst(%arg12 : memref<80x128xf32, #tpu.memory_space<vmem>>)
      %dma_start3A_208 = arith.constant 0 : i32
      %dma_start3A_209 = tpu.memref_slice %arg6[%multiple_of3A_192, %dma_start3A_208] : memref<20000x128xf32, #tpu.memory_space<hbm>> -> memref<80x128xf32, #tpu.memory_space<hbm>>
      %dma_start3A_210 = arith.constant 0 : i32
      %dma_start3A_211 = tpu.memref_slice %arg6[%multiple_of3A_192, %dma_start3A_210] : memref<20000x128xf32, #tpu.memory_space<hbm>> -> memref<80x128xf32, #tpu.memory_space<hbm>>
      tpu.enqueue_dma source(%arg12 : memref<80x128xf32, #tpu.memory_space<vmem>>) target(%dma_start3A_211 : memref<80x128xf32, #tpu.memory_space<hbm>>) target_semaphore(%arg17 : memref<!tpu.dma_semaphore, #tpu.memory_space<semaphore_mem>>)
      %add3A_212 = arith.constant 480 : i32
      %add3A_213 = arith.addi %multiple_of3A, %add3A_212 : i32
      %multiple_of3A_214 = tpu.assume_multiple %add3A_213, 8 : i32
      %add3A_215 = arith.constant 480 : i32
      %add3A_216 = arith.addi %multiple_of3A_69, %add3A_215 : i32
      %multiple_of3A_217 = tpu.assume_multiple %add3A_216, 8 : i32
      %add3A_218 = arith.constant 320 : i32
      %add3A_219 = arith.addi %multiple_of3A_69, %add3A_218 : i32
      %multiple_of3A_220 = tpu.assume_multiple %add3A_219, 8 : i32
      %dma_wait3A_221 = arith.constant 0 : i32
      %dma_wait3A_222 = tpu.memref_slice %arg6[%multiple_of3A_220, %dma_wait3A_221] : memref<20000x128xf32, #tpu.memory_space<hbm>> -> memref<80x128xf32, #tpu.memory_space<hbm>>
      %dma_wait3A_223 = arith.constant 0 : i32
      %dma_wait3A_224 = tpu.memref_slice %arg6[%multiple_of3A_220, %dma_wait3A_223] : memref<20000x128xf32, #tpu.memory_space<hbm>> -> memref<80x128xf32, #tpu.memory_space<hbm>>
      tpu.wait_dma2 semaphore(%arg16 : memref<!tpu.dma_semaphore, #tpu.memory_space<semaphore_mem>>) src(%arg9 : memref<80x128xf32, #tpu.memory_space<vmem>>) dst(%dma_wait3A_224 : memref<80x128xf32, #tpu.memory_space<hbm>>)
      %dma_start3A_225 = arith.constant 0 : i32
      %dma_start3A_226 = tpu.memref_slice %arg13[%multiple_of3A_214, %dma_start3A_225] : memref<10240x128xf32, #tpu.memory_space<vmem_shared>> -> memref<80x128xf32, #tpu.memory_space<vmem_shared>>
      %dma_start3A_227 = arith.constant 0 : i32
      %dma_start3A_228 = tpu.memref_slice %arg13[%multiple_of3A_214, %dma_start3A_227] : memref<10240x128xf32, #tpu.memory_space<vmem_shared>> -> memref<80x128xf32, #tpu.memory_space<vmem_shared>>
      tpu.enqueue_dma source(%dma_start3A_228 : memref<80x128xf32, #tpu.memory_space<vmem_shared>>) target(%arg9 : memref<80x128xf32, #tpu.memory_space<vmem>>) target_semaphore(%arg14 : memref<!tpu.dma_semaphore, #tpu.memory_space<semaphore_mem>>)
      %dma_wait3A_229 = arith.constant 0 : i32
      %dma_wait3A_230 = tpu.memref_slice %arg13[%multiple_of3A_214, %dma_wait3A_229] : memref<10240x128xf32, #tpu.memory_space<vmem_shared>> -> memref<80x128xf32, #tpu.memory_space<vmem_shared>>
      %dma_wait3A_231 = arith.constant 0 : i32
      %dma_wait3A_232 = tpu.memref_slice %arg13[%multiple_of3A_214, %dma_wait3A_231] : memref<10240x128xf32, #tpu.memory_space<vmem_shared>> -> memref<80x128xf32, #tpu.memory_space<vmem_shared>>
      tpu.wait_dma2 semaphore(%arg14 : memref<!tpu.dma_semaphore, #tpu.memory_space<semaphore_mem>>) src(%dma_wait3A_232 : memref<80x128xf32, #tpu.memory_space<vmem_shared>>) dst(%arg9 : memref<80x128xf32, #tpu.memory_space<vmem>>)
      %dma_start3A_233 = arith.constant 0 : i32
      %dma_start3A_234 = tpu.memref_slice %arg6[%multiple_of3A_217, %dma_start3A_233] : memref<20000x128xf32, #tpu.memory_space<hbm>> -> memref<80x128xf32, #tpu.memory_space<hbm>>
      %dma_start3A_235 = arith.constant 0 : i32
      %dma_start3A_236 = tpu.memref_slice %arg6[%multiple_of3A_217, %dma_start3A_235] : memref<20000x128xf32, #tpu.memory_space<hbm>> -> memref<80x128xf32, #tpu.memory_space<hbm>>
      tpu.enqueue_dma source(%arg9 : memref<80x128xf32, #tpu.memory_space<vmem>>) target(%dma_start3A_236 : memref<80x128xf32, #tpu.memory_space<hbm>>) target_semaphore(%arg16 : memref<!tpu.dma_semaphore, #tpu.memory_space<semaphore_mem>>)
      %add3A_237 = arith.constant 560 : i32
      %add3A_238 = arith.addi %multiple_of3A, %add3A_237 : i32
      %multiple_of3A_239 = tpu.assume_multiple %add3A_238, 8 : i32
      %add3A_240 = arith.constant 560 : i32
      %add3A_241 = arith.addi %multiple_of3A_69, %add3A_240 : i32
      %multiple_of3A_242 = tpu.assume_multiple %add3A_241, 8 : i32
      %add3A_243 = arith.constant 400 : i32
      %add3A_244 = arith.addi %multiple_of3A_69, %add3A_243 : i32
      %multiple_of3A_245 = tpu.assume_multiple %add3A_244, 8 : i32
      %dma_wait3A_246 = arith.constant 0 : i32
      %dma_wait3A_247 = tpu.memref_slice %arg6[%multiple_of3A_245, %dma_wait3A_246] : memref<20000x128xf32, #tpu.memory_space<hbm>> -> memref<80x128xf32, #tpu.memory_space<hbm>>
      %dma_wait3A_248 = arith.constant 0 : i32
      %dma_wait3A_249 = tpu.memref_slice %arg6[%multiple_of3A_245, %dma_wait3A_248] : memref<20000x128xf32, #tpu.memory_space<hbm>> -> memref<80x128xf32, #tpu.memory_space<hbm>>
      tpu.wait_dma2 semaphore(%arg17 : memref<!tpu.dma_semaphore, #tpu.memory_space<semaphore_mem>>) src(%arg12 : memref<80x128xf32, #tpu.memory_space<vmem>>) dst(%dma_wait3A_249 : memref<80x128xf32, #tpu.memory_space<hbm>>)
      %dma_start3A_250 = arith.constant 0 : i32
      %dma_start3A_251 = tpu.memref_slice %arg13[%multiple_of3A_239, %dma_start3A_250] : memref<10240x128xf32, #tpu.memory_space<vmem_shared>> -> memref<80x128xf32, #tpu.memory_space<vmem_shared>>
      %dma_start3A_252 = arith.constant 0 : i32
      %dma_start3A_253 = tpu.memref_slice %arg13[%multiple_of3A_239, %dma_start3A_252] : memref<10240x128xf32, #tpu.memory_space<vmem_shared>> -> memref<80x128xf32, #tpu.memory_space<vmem_shared>>
      tpu.enqueue_dma source(%dma_start3A_253 : memref<80x128xf32, #tpu.memory_space<vmem_shared>>) target(%arg12 : memref<80x128xf32, #tpu.memory_space<vmem>>) target_semaphore(%arg15 : memref<!tpu.dma_semaphore, #tpu.memory_space<semaphore_mem>>)
      %dma_wait3A_254 = arith.constant 0 : i32
      %dma_wait3A_255 = tpu.memref_slice %arg13[%multiple_of3A_239, %dma_wait3A_254] : memref<10240x128xf32, #tpu.memory_space<vmem_shared>> -> memref<80x128xf32, #tpu.memory_space<vmem_shared>>
      %dma_wait3A_256 = arith.constant 0 : i32
      %dma_wait3A_257 = tpu.memref_slice %arg13[%multiple_of3A_239, %dma_wait3A_256] : memref<10240x128xf32, #tpu.memory_space<vmem_shared>> -> memref<80x128xf32, #tpu.memory_space<vmem_shared>>
      tpu.wait_dma2 semaphore(%arg15 : memref<!tpu.dma_semaphore, #tpu.memory_space<semaphore_mem>>) src(%dma_wait3A_257 : memref<80x128xf32, #tpu.memory_space<vmem_shared>>) dst(%arg12 : memref<80x128xf32, #tpu.memory_space<vmem>>)
      %dma_start3A_258 = arith.constant 0 : i32
      %dma_start3A_259 = tpu.memref_slice %arg6[%multiple_of3A_242, %dma_start3A_258] : memref<20000x128xf32, #tpu.memory_space<hbm>> -> memref<80x128xf32, #tpu.memory_space<hbm>>
      %dma_start3A_260 = arith.constant 0 : i32
      %dma_start3A_261 = tpu.memref_slice %arg6[%multiple_of3A_242, %dma_start3A_260] : memref<20000x128xf32, #tpu.memory_space<hbm>> -> memref<80x128xf32, #tpu.memory_space<hbm>>
      tpu.enqueue_dma source(%arg12 : memref<80x128xf32, #tpu.memory_space<vmem>>) target(%dma_start3A_261 : memref<80x128xf32, #tpu.memory_space<hbm>>) target_semaphore(%arg17 : memref<!tpu.dma_semaphore, #tpu.memory_space<semaphore_mem>>)
      %add3A_262 = arith.constant 480 : i32
      %add3A_263 = arith.addi %multiple_of3A_69, %add3A_262 : i32
      %multiple_of3A_264 = tpu.assume_multiple %add3A_263, 8 : i32
      %dma_wait3A_265 = arith.constant 0 : i32
      %dma_wait3A_266 = tpu.memref_slice %arg6[%multiple_of3A_264, %dma_wait3A_265] : memref<20000x128xf32, #tpu.memory_space<hbm>> -> memref<80x128xf32, #tpu.memory_space<hbm>>
      %dma_wait3A_267 = arith.constant 0 : i32
      %dma_wait3A_268 = tpu.memref_slice %arg6[%multiple_of3A_264, %dma_wait3A_267] : memref<20000x128xf32, #tpu.memory_space<hbm>> -> memref<80x128xf32, #tpu.memory_space<hbm>>
      tpu.wait_dma2 semaphore(%arg16 : memref<!tpu.dma_semaphore, #tpu.memory_space<semaphore_mem>>) src(%arg9 : memref<80x128xf32, #tpu.memory_space<vmem>>) dst(%dma_wait3A_268 : memref<80x128xf32, #tpu.memory_space<hbm>>)
      %add3A_269 = arith.constant 560 : i32
      %add3A_270 = arith.addi %multiple_of3A_69, %add3A_269 : i32
      %multiple_of3A_271 = tpu.assume_multiple %add3A_270, 8 : i32
      %dma_wait3A_272 = arith.constant 0 : i32
      %dma_wait3A_273 = tpu.memref_slice %arg6[%multiple_of3A_271, %dma_wait3A_272] : memref<20000x128xf32, #tpu.memory_space<hbm>> -> memref<80x128xf32, #tpu.memory_space<hbm>>
      %dma_wait3A_274 = arith.constant 0 : i32
      %dma_wait3A_275 = tpu.memref_slice %arg6[%multiple_of3A_271, %dma_wait3A_274] : memref<20000x128xf32, #tpu.memory_space<hbm>> -> memref<80x128xf32, #tpu.memory_space<hbm>>
      tpu.wait_dma2 semaphore(%arg17 : memref<!tpu.dma_semaphore, #tpu.memory_space<semaphore_mem>>) src(%arg12 : memref<80x128xf32, #tpu.memory_space<vmem>>) dst(%dma_wait3A_275 : memref<80x128xf32, #tpu.memory_space<hbm>>)
    } else {
    }
    %eq3A = arith.constant 15 : i32
    %eq3A_72 = arith.cmpi eq, %arg1, %eq3A : i32
    %convert_element_type3A_73 = arith.extui %eq3A_72 : i1 to i32
    %cond3A_74 = arith.constant 0 : i32
    %cond3A_75 = arith.cmpi ne, %convert_element_type3A_73, %cond3A_74 : i32
    scf.if %cond3A_75 {
      %add3A_76 = arith.constant 0 : i32
      %add3A_77 = arith.addi %multiple_of3A, %add3A_76 : i32
      %multiple_of3A_78 = tpu.assume_multiple %add3A_77, 8 : i32
      %add3A_79 = arith.constant 0 : i32
      %add3A_80 = arith.addi %multiple_of3A_69, %add3A_79 : i32
      %multiple_of3A_81 = tpu.assume_multiple %add3A_80, 8 : i32
      %dma_start3A_82 = arith.constant 0 : i32
      %dma_start3A_83 = tpu.memref_slice %arg13[%multiple_of3A_78, %dma_start3A_82] : memref<10240x128xf32, #tpu.memory_space<vmem_shared>> -> memref<80x128xf32, #tpu.memory_space<vmem_shared>>
      %dma_start3A_84 = arith.constant 0 : i32
      %dma_start3A_85 = tpu.memref_slice %arg13[%multiple_of3A_78, %dma_start3A_84] : memref<10240x128xf32, #tpu.memory_space<vmem_shared>> -> memref<80x128xf32, #tpu.memory_space<vmem_shared>>
      tpu.enqueue_dma source(%dma_start3A_85 : memref<80x128xf32, #tpu.memory_space<vmem_shared>>) target(%arg9 : memref<80x128xf32, #tpu.memory_space<vmem>>) target_semaphore(%arg14 : memref<!tpu.dma_semaphore, #tpu.memory_space<semaphore_mem>>)
      %dma_wait3A_86 = arith.constant 0 : i32
      %dma_wait3A_87 = tpu.memref_slice %arg13[%multiple_of3A_78, %dma_wait3A_86] : memref<10240x128xf32, #tpu.memory_space<vmem_shared>> -> memref<80x128xf32, #tpu.memory_space<vmem_shared>>
      %dma_wait3A_88 = arith.constant 0 : i32
      %dma_wait3A_89 = tpu.memref_slice %arg13[%multiple_of3A_78, %dma_wait3A_88] : memref<10240x128xf32, #tpu.memory_space<vmem_shared>> -> memref<80x128xf32, #tpu.memory_space<vmem_shared>>
      tpu.wait_dma2 semaphore(%arg14 : memref<!tpu.dma_semaphore, #tpu.memory_space<semaphore_mem>>) src(%dma_wait3A_89 : memref<80x128xf32, #tpu.memory_space<vmem_shared>>) dst(%arg9 : memref<80x128xf32, #tpu.memory_space<vmem>>)
      %dma_start3A_90 = arith.constant 0 : i32
      %dma_start3A_91 = tpu.memref_slice %arg6[%multiple_of3A_81, %dma_start3A_90] : memref<20000x128xf32, #tpu.memory_space<hbm>> -> memref<80x128xf32, #tpu.memory_space<hbm>>
      %dma_start3A_92 = arith.constant 0 : i32
      %dma_start3A_93 = tpu.memref_slice %arg6[%multiple_of3A_81, %dma_start3A_92] : memref<20000x128xf32, #tpu.memory_space<hbm>> -> memref<80x128xf32, #tpu.memory_space<hbm>>
      tpu.enqueue_dma source(%arg9 : memref<80x128xf32, #tpu.memory_space<vmem>>) target(%dma_start3A_93 : memref<80x128xf32, #tpu.memory_space<hbm>>) target_semaphore(%arg16 : memref<!tpu.dma_semaphore, #tpu.memory_space<semaphore_mem>>)
      %add3A_94 = arith.constant 80 : i32
      %add3A_95 = arith.addi %multiple_of3A, %add3A_94 : i32
      %multiple_of3A_96 = tpu.assume_multiple %add3A_95, 8 : i32
      %add3A_97 = arith.constant 80 : i32
      %add3A_98 = arith.addi %multiple_of3A_69, %add3A_97 : i32
      %multiple_of3A_99 = tpu.assume_multiple %add3A_98, 8 : i32
      %dma_start3A_100 = arith.constant 0 : i32
      %dma_start3A_101 = tpu.memref_slice %arg13[%multiple_of3A_96, %dma_start3A_100] : memref<10240x128xf32, #tpu.memory_space<vmem_shared>> -> memref<80x128xf32, #tpu.memory_space<vmem_shared>>
      %dma_start3A_102 = arith.constant 0 : i32
      %dma_start3A_103 = tpu.memref_slice %arg13[%multiple_of3A_96, %dma_start3A_102] : memref<10240x128xf32, #tpu.memory_space<vmem_shared>> -> memref<80x128xf32, #tpu.memory_space<vmem_shared>>
      tpu.enqueue_dma source(%dma_start3A_103 : memref<80x128xf32, #tpu.memory_space<vmem_shared>>) target(%arg12 : memref<80x128xf32, #tpu.memory_space<vmem>>) target_semaphore(%arg15 : memref<!tpu.dma_semaphore, #tpu.memory_space<semaphore_mem>>)
      %dma_wait3A_104 = arith.constant 0 : i32
      %dma_wait3A_105 = tpu.memref_slice %arg13[%multiple_of3A_96, %dma_wait3A_104] : memref<10240x128xf32, #tpu.memory_space<vmem_shared>> -> memref<80x128xf32, #tpu.memory_space<vmem_shared>>
      %dma_wait3A_106 = arith.constant 0 : i32
      %dma_wait3A_107 = tpu.memref_slice %arg13[%multiple_of3A_96, %dma_wait3A_106] : memref<10240x128xf32, #tpu.memory_space<vmem_shared>> -> memref<80x128xf32, #tpu.memory_space<vmem_shared>>
      tpu.wait_dma2 semaphore(%arg15 : memref<!tpu.dma_semaphore, #tpu.memory_space<semaphore_mem>>) src(%dma_wait3A_107 : memref<80x128xf32, #tpu.memory_space<vmem_shared>>) dst(%arg12 : memref<80x128xf32, #tpu.memory_space<vmem>>)
      %dma_start3A_108 = arith.constant 0 : i32
      %dma_start3A_109 = tpu.memref_slice %arg6[%multiple_of3A_99, %dma_start3A_108] : memref<20000x128xf32, #tpu.memory_space<hbm>> -> memref<80x128xf32, #tpu.memory_space<hbm>>
      %dma_start3A_110 = arith.constant 0 : i32
      %dma_start3A_111 = tpu.memref_slice %arg6[%multiple_of3A_99, %dma_start3A_110] : memref<20000x128xf32, #tpu.memory_space<hbm>> -> memref<80x128xf32, #tpu.memory_space<hbm>>
      tpu.enqueue_dma source(%arg12 : memref<80x128xf32, #tpu.memory_space<vmem>>) target(%dma_start3A_111 : memref<80x128xf32, #tpu.memory_space<hbm>>) target_semaphore(%arg17 : memref<!tpu.dma_semaphore, #tpu.memory_space<semaphore_mem>>)
      %add3A_112 = arith.constant 160 : i32
      %add3A_113 = arith.addi %multiple_of3A, %add3A_112 : i32
      %multiple_of3A_114 = tpu.assume_multiple %add3A_113, 8 : i32
      %add3A_115 = arith.constant 160 : i32
      %add3A_116 = arith.addi %multiple_of3A_69, %add3A_115 : i32
      %multiple_of3A_117 = tpu.assume_multiple %add3A_116, 8 : i32
      %add3A_118 = arith.constant 0 : i32
      %add3A_119 = arith.addi %multiple_of3A_69, %add3A_118 : i32
      %multiple_of3A_120 = tpu.assume_multiple %add3A_119, 8 : i32
      %dma_wait3A_121 = arith.constant 0 : i32
      %dma_wait3A_122 = tpu.memref_slice %arg6[%multiple_of3A_120, %dma_wait3A_121] : memref<20000x128xf32, #tpu.memory_space<hbm>> -> memref<80x128xf32, #tpu.memory_space<hbm>>
      %dma_wait3A_123 = arith.constant 0 : i32
      %dma_wait3A_124 = tpu.memref_slice %arg6[%multiple_of3A_120, %dma_wait3A_123] : memref<20000x128xf32, #tpu.memory_space<hbm>> -> memref<80x128xf32, #tpu.memory_space<hbm>>
      tpu.wait_dma2 semaphore(%arg16 : memref<!tpu.dma_semaphore, #tpu.memory_space<semaphore_mem>>) src(%arg9 : memref<80x128xf32, #tpu.memory_space<vmem>>) dst(%dma_wait3A_124 : memref<80x128xf32, #tpu.memory_space<hbm>>)
      %dma_start3A_125 = arith.constant 0 : i32
      %dma_start3A_126 = tpu.memref_slice %arg13[%multiple_of3A_114, %dma_start3A_125] : memref<10240x128xf32, #tpu.memory_space<vmem_shared>> -> memref<80x128xf32, #tpu.memory_space<vmem_shared>>
      %dma_start3A_127 = arith.constant 0 : i32
      %dma_start3A_128 = tpu.memref_slice %arg13[%multiple_of3A_114, %dma_start3A_127] : memref<10240x128xf32, #tpu.memory_space<vmem_shared>> -> memref<80x128xf32, #tpu.memory_space<vmem_shared>>
      tpu.enqueue_dma source(%dma_start3A_128 : memref<80x128xf32, #tpu.memory_space<vmem_shared>>) target(%arg9 : memref<80x128xf32, #tpu.memory_space<vmem>>) target_semaphore(%arg14 : memref<!tpu.dma_semaphore, #tpu.memory_space<semaphore_mem>>)
      %dma_wait3A_129 = arith.constant 0 : i32
      %dma_wait3A_130 = tpu.memref_slice %arg13[%multiple_of3A_114, %dma_wait3A_129] : memref<10240x128xf32, #tpu.memory_space<vmem_shared>> -> memref<80x128xf32, #tpu.memory_space<vmem_shared>>
      %dma_wait3A_131 = arith.constant 0 : i32
      %dma_wait3A_132 = tpu.memref_slice %arg13[%multiple_of3A_114, %dma_wait3A_131] : memref<10240x128xf32, #tpu.memory_space<vmem_shared>> -> memref<80x128xf32, #tpu.memory_space<vmem_shared>>
      tpu.wait_dma2 semaphore(%arg14 : memref<!tpu.dma_semaphore, #tpu.memory_space<semaphore_mem>>) src(%dma_wait3A_132 : memref<80x128xf32, #tpu.memory_space<vmem_shared>>) dst(%arg9 : memref<80x128xf32, #tpu.memory_space<vmem>>)
      %dma_start3A_133 = arith.constant 0 : i32
      %dma_start3A_134 = tpu.memref_slice %arg6[%multiple_of3A_117, %dma_start3A_133] : memref<20000x128xf32, #tpu.memory_space<hbm>> -> memref<80x128xf32, #tpu.memory_space<hbm>>
      %dma_start3A_135 = arith.constant 0 : i32
      %dma_start3A_136 = tpu.memref_slice %arg6[%multiple_of3A_117, %dma_start3A_135] : memref<20000x128xf32, #tpu.memory_space<hbm>> -> memref<80x128xf32, #tpu.memory_space<hbm>>
      tpu.enqueue_dma source(%arg9 : memref<80x128xf32, #tpu.memory_space<vmem>>) target(%dma_start3A_136 : memref<80x128xf32, #tpu.memory_space<hbm>>) target_semaphore(%arg16 : memref<!tpu.dma_semaphore, #tpu.memory_space<semaphore_mem>>)
      %add3A_137 = arith.constant 240 : i32
      %add3A_138 = arith.addi %multiple_of3A, %add3A_137 : i32
      %multiple_of3A_139 = tpu.assume_multiple %add3A_138, 8 : i32
      %add3A_140 = arith.constant 240 : i32
      %add3A_141 = arith.addi %multiple_of3A_69, %add3A_140 : i32
      %multiple_of3A_142 = tpu.assume_multiple %add3A_141, 8 : i32
      %add3A_143 = arith.constant 80 : i32
      %add3A_144 = arith.addi %multiple_of3A_69, %add3A_143 : i32
      %multiple_of3A_145 = tpu.assume_multiple %add3A_144, 8 : i32
      %dma_wait3A_146 = arith.constant 0 : i32
      %dma_wait3A_147 = tpu.memref_slice %arg6[%multiple_of3A_145, %dma_wait3A_146] : memref<20000x128xf32, #tpu.memory_space<hbm>> -> memref<80x128xf32, #tpu.memory_space<hbm>>
      %dma_wait3A_148 = arith.constant 0 : i32
      %dma_wait3A_149 = tpu.memref_slice %arg6[%multiple_of3A_145, %dma_wait3A_148] : memref<20000x128xf32, #tpu.memory_space<hbm>> -> memref<80x128xf32, #tpu.memory_space<hbm>>
      tpu.wait_dma2 semaphore(%arg17 : memref<!tpu.dma_semaphore, #tpu.memory_space<semaphore_mem>>) src(%arg12 : memref<80x128xf32, #tpu.memory_space<vmem>>) dst(%dma_wait3A_149 : memref<80x128xf32, #tpu.memory_space<hbm>>)
      %dma_start3A_150 = arith.constant 0 : i32
      %dma_start3A_151 = tpu.memref_slice %arg13[%multiple_of3A_139, %dma_start3A_150] : memref<10240x128xf32, #tpu.memory_space<vmem_shared>> -> memref<80x128xf32, #tpu.memory_space<vmem_shared>>
      %dma_start3A_152 = arith.constant 0 : i32
      %dma_start3A_153 = tpu.memref_slice %arg13[%multiple_of3A_139, %dma_start3A_152] : memref<10240x128xf32, #tpu.memory_space<vmem_shared>> -> memref<80x128xf32, #tpu.memory_space<vmem_shared>>
      tpu.enqueue_dma source(%dma_start3A_153 : memref<80x128xf32, #tpu.memory_space<vmem_shared>>) target(%arg12 : memref<80x128xf32, #tpu.memory_space<vmem>>) target_semaphore(%arg15 : memref<!tpu.dma_semaphore, #tpu.memory_space<semaphore_mem>>)
      %dma_wait3A_154 = arith.constant 0 : i32
      %dma_wait3A_155 = tpu.memref_slice %arg13[%multiple_of3A_139, %dma_wait3A_154] : memref<10240x128xf32, #tpu.memory_space<vmem_shared>> -> memref<80x128xf32, #tpu.memory_space<vmem_shared>>
      %dma_wait3A_156 = arith.constant 0 : i32
      %dma_wait3A_157 = tpu.memref_slice %arg13[%multiple_of3A_139, %dma_wait3A_156] : memref<10240x128xf32, #tpu.memory_space<vmem_shared>> -> memref<80x128xf32, #tpu.memory_space<vmem_shared>>
      tpu.wait_dma2 semaphore(%arg15 : memref<!tpu.dma_semaphore, #tpu.memory_space<semaphore_mem>>) src(%dma_wait3A_157 : memref<80x128xf32, #tpu.memory_space<vmem_shared>>) dst(%arg12 : memref<80x128xf32, #tpu.memory_space<vmem>>)
      %dma_start3A_158 = arith.constant 0 : i32
      %dma_start3A_159 = tpu.memref_slice %arg6[%multiple_of3A_142, %dma_start3A_158] : memref<20000x128xf32, #tpu.memory_space<hbm>> -> memref<80x128xf32, #tpu.memory_space<hbm>>
      %dma_start3A_160 = arith.constant 0 : i32
      %dma_start3A_161 = tpu.memref_slice %arg6[%multiple_of3A_142, %dma_start3A_160] : memref<20000x128xf32, #tpu.memory_space<hbm>> -> memref<80x128xf32, #tpu.memory_space<hbm>>
      tpu.enqueue_dma source(%arg12 : memref<80x128xf32, #tpu.memory_space<vmem>>) target(%dma_start3A_161 : memref<80x128xf32, #tpu.memory_space<hbm>>) target_semaphore(%arg17 : memref<!tpu.dma_semaphore, #tpu.memory_space<semaphore_mem>>)
      %add3A_162 = arith.constant 320 : i32
      %add3A_163 = arith.addi %multiple_of3A, %add3A_162 : i32
      %multiple_of3A_164 = tpu.assume_multiple %add3A_163, 8 : i32
      %add3A_165 = arith.constant 320 : i32
      %add3A_166 = arith.addi %multiple_of3A_69, %add3A_165 : i32
      %multiple_of3A_167 = tpu.assume_multiple %add3A_166, 8 : i32
      %add3A_168 = arith.constant 160 : i32
      %add3A_169 = arith.addi %multiple_of3A_69, %add3A_168 : i32
      %multiple_of3A_170 = tpu.assume_multiple %add3A_169, 8 : i32
      %dma_wait3A_171 = arith.constant 0 : i32
      %dma_wait3A_172 = tpu.memref_slice %arg6[%multiple_of3A_170, %dma_wait3A_171] : memref<20000x128xf32, #tpu.memory_space<hbm>> -> memref<80x128xf32, #tpu.memory_space<hbm>>
      %dma_wait3A_173 = arith.constant 0 : i32
      %dma_wait3A_174 = tpu.memref_slice %arg6[%multiple_of3A_170, %dma_wait3A_173] : memref<20000x128xf32, #tpu.memory_space<hbm>> -> memref<80x128xf32, #tpu.memory_space<hbm>>
      tpu.wait_dma2 semaphore(%arg16 : memref<!tpu.dma_semaphore, #tpu.memory_space<semaphore_mem>>) src(%arg9 : memref<80x128xf32, #tpu.memory_space<vmem>>) dst(%dma_wait3A_174 : memref<80x128xf32, #tpu.memory_space<hbm>>)
      %dma_start3A_175 = arith.constant 0 : i32
      %dma_start3A_176 = tpu.memref_slice %arg13[%multiple_of3A_164, %dma_start3A_175] : memref<10240x128xf32, #tpu.memory_space<vmem_shared>> -> memref<80x128xf32, #tpu.memory_space<vmem_shared>>
      %dma_start3A_177 = arith.constant 0 : i32
      %dma_start3A_178 = tpu.memref_slice %arg13[%multiple_of3A_164, %dma_start3A_177] : memref<10240x128xf32, #tpu.memory_space<vmem_shared>> -> memref<80x128xf32, #tpu.memory_space<vmem_shared>>
      tpu.enqueue_dma source(%dma_start3A_178 : memref<80x128xf32, #tpu.memory_space<vmem_shared>>) target(%arg9 : memref<80x128xf32, #tpu.memory_space<vmem>>) target_semaphore(%arg14 : memref<!tpu.dma_semaphore, #tpu.memory_space<semaphore_mem>>)
      %dma_wait3A_179 = arith.constant 0 : i32
      %dma_wait3A_180 = tpu.memref_slice %arg13[%multiple_of3A_164, %dma_wait3A_179] : memref<10240x128xf32, #tpu.memory_space<vmem_shared>> -> memref<80x128xf32, #tpu.memory_space<vmem_shared>>
      %dma_wait3A_181 = arith.constant 0 : i32
      %dma_wait3A_182 = tpu.memref_slice %arg13[%multiple_of3A_164, %dma_wait3A_181] : memref<10240x128xf32, #tpu.memory_space<vmem_shared>> -> memref<80x128xf32, #tpu.memory_space<vmem_shared>>
      tpu.wait_dma2 semaphore(%arg14 : memref<!tpu.dma_semaphore, #tpu.memory_space<semaphore_mem>>) src(%dma_wait3A_182 : memref<80x128xf32, #tpu.memory_space<vmem_shared>>) dst(%arg9 : memref<80x128xf32, #tpu.memory_space<vmem>>)
      %dma_start3A_183 = arith.constant 0 : i32
      %dma_start3A_184 = tpu.memref_slice %arg6[%multiple_of3A_167, %dma_start3A_183] : memref<20000x128xf32, #tpu.memory_space<hbm>> -> memref<80x128xf32, #tpu.memory_space<hbm>>
      %dma_start3A_185 = arith.constant 0 : i32
      %dma_start3A_186 = tpu.memref_slice %arg6[%multiple_of3A_167, %dma_start3A_185] : memref<20000x128xf32, #tpu.memory_space<hbm>> -> memref<80x128xf32, #tpu.memory_space<hbm>>
      tpu.enqueue_dma source(%arg9 : memref<80x128xf32, #tpu.memory_space<vmem>>) target(%dma_start3A_186 : memref<80x128xf32, #tpu.memory_space<hbm>>) target_semaphore(%arg16 : memref<!tpu.dma_semaphore, #tpu.memory_space<semaphore_mem>>)
      %add3A_187 = arith.constant 240 : i32
      %add3A_188 = arith.addi %multiple_of3A_69, %add3A_187 : i32
      %multiple_of3A_189 = tpu.assume_multiple %add3A_188, 8 : i32
      %dma_wait3A_190 = arith.constant 0 : i32
      %dma_wait3A_191 = tpu.memref_slice %arg6[%multiple_of3A_189, %dma_wait3A_190] : memref<20000x128xf32, #tpu.memory_space<hbm>> -> memref<80x128xf32, #tpu.memory_space<hbm>>
      %dma_wait3A_192 = arith.constant 0 : i32
      %dma_wait3A_193 = tpu.memref_slice %arg6[%multiple_of3A_189, %dma_wait3A_192] : memref<20000x128xf32, #tpu.memory_space<hbm>> -> memref<80x128xf32, #tpu.memory_space<hbm>>
      tpu.wait_dma2 semaphore(%arg17 : memref<!tpu.dma_semaphore, #tpu.memory_space<semaphore_mem>>) src(%arg12 : memref<80x128xf32, #tpu.memory_space<vmem>>) dst(%dma_wait3A_193 : memref<80x128xf32, #tpu.memory_space<hbm>>)
      %add3A_194 = arith.constant 320 : i32
      %add3A_195 = arith.addi %multiple_of3A_69, %add3A_194 : i32
      %multiple_of3A_196 = tpu.assume_multiple %add3A_195, 8 : i32
      %dma_wait3A_197 = arith.constant 0 : i32
      %dma_wait3A_198 = tpu.memref_slice %arg6[%multiple_of3A_196, %dma_wait3A_197] : memref<20000x128xf32, #tpu.memory_space<hbm>> -> memref<80x128xf32, #tpu.memory_space<hbm>>
      %dma_wait3A_199 = arith.constant 0 : i32
      %dma_wait3A_200 = tpu.memref_slice %arg6[%multiple_of3A_196, %dma_wait3A_199] : memref<20000x128xf32, #tpu.memory_space<hbm>> -> memref<80x128xf32, #tpu.memory_space<hbm>>
      tpu.wait_dma2 semaphore(%arg16 : memref<!tpu.dma_semaphore, #tpu.memory_space<semaphore_mem>>) src(%arg9 : memref<80x128xf32, #tpu.memory_space<vmem>>) dst(%dma_wait3A_200 : memref<80x128xf32, #tpu.memory_space<hbm>>)
    } else {
    }
    return
  }
}

#map = affine_map<(d0, d1) -> (0, 0)>
#map1 = affine_map<(d0, d1) -> (0)>
module attributes {stable_mosaic.version = 14 : i64} {
  func.func @_mean_body(%arg0: i32, %arg1: i32, %arg2: memref<20000x128xf32, #tpu.memory_space<hbm>>, %arg3: memref<320000xi32, #tpu.memory_space<hbm>>, %arg4: memref<160000xi32, #tpu.memory_space<hbm>>, %arg5: memref<80x128xf32, #tpu.memory_space<hbm>>, %arg6: memref<20000x128xf32, #tpu.memory_space<hbm>>, %arg7: memref<80xi32, #tpu.memory_space<vmem>>, %arg8: memref<80xi32, #tpu.memory_space<vmem>>, %arg9: memref<80x128xf32, #tpu.memory_space<vmem>>, %arg10: memref<80xi32, #tpu.memory_space<vmem>>, %arg11: memref<80xi32, #tpu.memory_space<vmem>>, %arg12: memref<80x128xf32, #tpu.memory_space<vmem>>, %arg13: memref<10240x128xf32, #tpu.memory_space<vmem_shared>>, %arg14: memref<!tpu.dma_semaphore, #tpu.memory_space<semaphore_mem>>, %arg15: memref<!tpu.dma_semaphore, #tpu.memory_space<semaphore_mem>>, %arg16: memref<!tpu.dma_semaphore, #tpu.memory_space<semaphore_mem>>, %arg17: memref<!tpu.dma_semaphore, #tpu.memory_space<semaphore_mem>>) attributes {dimension_semantics = [#tpu.dimension_semantics<core_parallel>, #tpu.dimension_semantics<subcore_parallel>], iteration_bounds = array<i64: 2, 16>, scalar_prefetch = 0 : i64, scratch_operands = 11 : i64, tpu.core_type = #tpu.core_type<sc_vector_subcore>, window_params = [{transform_indices = #map}, {transform_indices = #map1}, {transform_indices = #map1}, {transform_indices = #map}, {transform_indices = #map}]} {
    %mul3A = arith.constant 640 : i32
    %mul3A_0 = arith.muli %arg1, %mul3A : i32
    %multiple_of3A = tpu.assume_multiple %mul3A_0, 8 : i32
    "tpu.region"() ({
      %run_scoped3A = tpu.sem_alloc : memref<!tpu.dma_semaphore, #tpu.memory_space<semaphore_mem>>
      tpu.enqueue_dma source(%arg5 : memref<80x128xf32, #tpu.memory_space<hbm>>) target(%arg9 : memref<80x128xf32, #tpu.memory_space<vmem>>) target_semaphore(%run_scoped3A : memref<!tpu.dma_semaphore, #tpu.memory_space<semaphore_mem>>)
      tpu.wait_dma2 semaphore(%run_scoped3A : memref<!tpu.dma_semaphore, #tpu.memory_space<semaphore_mem>>) src(%arg5 : memref<80x128xf32, #tpu.memory_space<hbm>>) dst(%arg9 : memref<80x128xf32, #tpu.memory_space<vmem>>)
      tpu.yield
    }) : () -> ()
    %add3A = arith.constant 0 : i32
    %add3A_1 = arith.addi %multiple_of3A, %add3A : i32
    %multiple_of3A_2 = tpu.assume_multiple %add3A_1, 8 : i32
    "tpu.region"() ({
      %run_scoped3A = tpu.sem_alloc : memref<!tpu.dma_semaphore, #tpu.memory_space<semaphore_mem>>
      %dma_start3A_76 = arith.constant 0 : i32
      %dma_start3A_77 = tpu.memref_slice %arg13[%multiple_of3A_2, %dma_start3A_76] : memref<10240x128xf32, #tpu.memory_space<vmem_shared>> -> memref<80x128xf32, #tpu.memory_space<vmem_shared>>
      %dma_start3A_78 = arith.constant 0 : i32
      %dma_start3A_79 = tpu.memref_slice %arg13[%multiple_of3A_2, %dma_start3A_78] : memref<10240x128xf32, #tpu.memory_space<vmem_shared>> -> memref<80x128xf32, #tpu.memory_space<vmem_shared>>
      tpu.enqueue_dma source(%arg9 : memref<80x128xf32, #tpu.memory_space<vmem>>) target(%dma_start3A_79 : memref<80x128xf32, #tpu.memory_space<vmem_shared>>) target_semaphore(%run_scoped3A : memref<!tpu.dma_semaphore, #tpu.memory_space<semaphore_mem>>)
      %dma_wait3A_80 = arith.constant 0 : i32
      %dma_wait3A_81 = tpu.memref_slice %arg13[%multiple_of3A_2, %dma_wait3A_80] : memref<10240x128xf32, #tpu.memory_space<vmem_shared>> -> memref<80x128xf32, #tpu.memory_space<vmem_shared>>
      %dma_wait3A_82 = arith.constant 0 : i32
      %dma_wait3A_83 = tpu.memref_slice %arg13[%multiple_of3A_2, %dma_wait3A_82] : memref<10240x128xf32, #tpu.memory_space<vmem_shared>> -> memref<80x128xf32, #tpu.memory_space<vmem_shared>>
      tpu.wait_dma2 semaphore(%run_scoped3A : memref<!tpu.dma_semaphore, #tpu.memory_space<semaphore_mem>>) src(%arg9 : memref<80x128xf32, #tpu.memory_space<vmem>>) dst(%dma_wait3A_83 : memref<80x128xf32, #tpu.memory_space<vmem_shared>>)
      tpu.yield
    }) : () -> ()
    %add3A_3 = arith.constant 80 : i32
    %add3A_4 = arith.addi %multiple_of3A, %add3A_3 : i32
    %multiple_of3A_5 = tpu.assume_multiple %add3A_4, 8 : i32
    "tpu.region"() ({
      %run_scoped3A = tpu.sem_alloc : memref<!tpu.dma_semaphore, #tpu.memory_space<semaphore_mem>>
      %dma_start3A_76 = arith.constant 0 : i32
      %dma_start3A_77 = tpu.memref_slice %arg13[%multiple_of3A_5, %dma_start3A_76] : memref<10240x128xf32, #tpu.memory_space<vmem_shared>> -> memref<80x128xf32, #tpu.memory_space<vmem_shared>>
      %dma_start3A_78 = arith.constant 0 : i32
      %dma_start3A_79 = tpu.memref_slice %arg13[%multiple_of3A_5, %dma_start3A_78] : memref<10240x128xf32, #tpu.memory_space<vmem_shared>> -> memref<80x128xf32, #tpu.memory_space<vmem_shared>>
      tpu.enqueue_dma source(%arg9 : memref<80x128xf32, #tpu.memory_space<vmem>>) target(%dma_start3A_79 : memref<80x128xf32, #tpu.memory_space<vmem_shared>>) target_semaphore(%run_scoped3A : memref<!tpu.dma_semaphore, #tpu.memory_space<semaphore_mem>>)
      %dma_wait3A_80 = arith.constant 0 : i32
      %dma_wait3A_81 = tpu.memref_slice %arg13[%multiple_of3A_5, %dma_wait3A_80] : memref<10240x128xf32, #tpu.memory_space<vmem_shared>> -> memref<80x128xf32, #tpu.memory_space<vmem_shared>>
      %dma_wait3A_82 = arith.constant 0 : i32
      %dma_wait3A_83 = tpu.memref_slice %arg13[%multiple_of3A_5, %dma_wait3A_82] : memref<10240x128xf32, #tpu.memory_space<vmem_shared>> -> memref<80x128xf32, #tpu.memory_space<vmem_shared>>
      tpu.wait_dma2 semaphore(%run_scoped3A : memref<!tpu.dma_semaphore, #tpu.memory_space<semaphore_mem>>) src(%arg9 : memref<80x128xf32, #tpu.memory_space<vmem>>) dst(%dma_wait3A_83 : memref<80x128xf32, #tpu.memory_space<vmem_shared>>)
      tpu.yield
    }) : () -> ()
    %add3A_6 = arith.constant 160 : i32
    %add3A_7 = arith.addi %multiple_of3A, %add3A_6 : i32
    %multiple_of3A_8 = tpu.assume_multiple %add3A_7, 8 : i32
    "tpu.region"() ({
      %run_scoped3A = tpu.sem_alloc : memref<!tpu.dma_semaphore, #tpu.memory_space<semaphore_mem>>
      %dma_start3A_76 = arith.constant 0 : i32
      %dma_start3A_77 = tpu.memref_slice %arg13[%multiple_of3A_8, %dma_start3A_76] : memref<10240x128xf32, #tpu.memory_space<vmem_shared>> -> memref<80x128xf32, #tpu.memory_space<vmem_shared>>
      %dma_start3A_78 = arith.constant 0 : i32
      %dma_start3A_79 = tpu.memref_slice %arg13[%multiple_of3A_8, %dma_start3A_78] : memref<10240x128xf32, #tpu.memory_space<vmem_shared>> -> memref<80x128xf32, #tpu.memory_space<vmem_shared>>
      tpu.enqueue_dma source(%arg9 : memref<80x128xf32, #tpu.memory_space<vmem>>) target(%dma_start3A_79 : memref<80x128xf32, #tpu.memory_space<vmem_shared>>) target_semaphore(%run_scoped3A : memref<!tpu.dma_semaphore, #tpu.memory_space<semaphore_mem>>)
      %dma_wait3A_80 = arith.constant 0 : i32
      %dma_wait3A_81 = tpu.memref_slice %arg13[%multiple_of3A_8, %dma_wait3A_80] : memref<10240x128xf32, #tpu.memory_space<vmem_shared>> -> memref<80x128xf32, #tpu.memory_space<vmem_shared>>
      %dma_wait3A_82 = arith.constant 0 : i32
      %dma_wait3A_83 = tpu.memref_slice %arg13[%multiple_of3A_8, %dma_wait3A_82] : memref<10240x128xf32, #tpu.memory_space<vmem_shared>> -> memref<80x128xf32, #tpu.memory_space<vmem_shared>>
      tpu.wait_dma2 semaphore(%run_scoped3A : memref<!tpu.dma_semaphore, #tpu.memory_space<semaphore_mem>>) src(%arg9 : memref<80x128xf32, #tpu.memory_space<vmem>>) dst(%dma_wait3A_83 : memref<80x128xf32, #tpu.memory_space<vmem_shared>>)
      tpu.yield
    }) : () -> ()
    %add3A_9 = arith.constant 240 : i32
    %add3A_10 = arith.addi %multiple_of3A, %add3A_9 : i32
    %multiple_of3A_11 = tpu.assume_multiple %add3A_10, 8 : i32
    "tpu.region"() ({
      %run_scoped3A = tpu.sem_alloc : memref<!tpu.dma_semaphore, #tpu.memory_space<semaphore_mem>>
      %dma_start3A_76 = arith.constant 0 : i32
      %dma_start3A_77 = tpu.memref_slice %arg13[%multiple_of3A_11, %dma_start3A_76] : memref<10240x128xf32, #tpu.memory_space<vmem_shared>> -> memref<80x128xf32, #tpu.memory_space<vmem_shared>>
      %dma_start3A_78 = arith.constant 0 : i32
      %dma_start3A_79 = tpu.memref_slice %arg13[%multiple_of3A_11, %dma_start3A_78] : memref<10240x128xf32, #tpu.memory_space<vmem_shared>> -> memref<80x128xf32, #tpu.memory_space<vmem_shared>>
      tpu.enqueue_dma source(%arg9 : memref<80x128xf32, #tpu.memory_space<vmem>>) target(%dma_start3A_79 : memref<80x128xf32, #tpu.memory_space<vmem_shared>>) target_semaphore(%run_scoped3A : memref<!tpu.dma_semaphore, #tpu.memory_space<semaphore_mem>>)
      %dma_wait3A_80 = arith.constant 0 : i32
      %dma_wait3A_81 = tpu.memref_slice %arg13[%multiple_of3A_11, %dma_wait3A_80] : memref<10240x128xf32, #tpu.memory_space<vmem_shared>> -> memref<80x128xf32, #tpu.memory_space<vmem_shared>>
      %dma_wait3A_82 = arith.constant 0 : i32
      %dma_wait3A_83 = tpu.memref_slice %arg13[%multiple_of3A_11, %dma_wait3A_82] : memref<10240x128xf32, #tpu.memory_space<vmem_shared>> -> memref<80x128xf32, #tpu.memory_space<vmem_shared>>
      tpu.wait_dma2 semaphore(%run_scoped3A : memref<!tpu.dma_semaphore, #tpu.memory_space<semaphore_mem>>) src(%arg9 : memref<80x128xf32, #tpu.memory_space<vmem>>) dst(%dma_wait3A_83 : memref<80x128xf32, #tpu.memory_space<vmem_shared>>)
      tpu.yield
    }) : () -> ()
    %add3A_12 = arith.constant 320 : i32
    %add3A_13 = arith.addi %multiple_of3A, %add3A_12 : i32
    %multiple_of3A_14 = tpu.assume_multiple %add3A_13, 8 : i32
    "tpu.region"() ({
      %run_scoped3A = tpu.sem_alloc : memref<!tpu.dma_semaphore, #tpu.memory_space<semaphore_mem>>
      %dma_start3A_76 = arith.constant 0 : i32
      %dma_start3A_77 = tpu.memref_slice %arg13[%multiple_of3A_14, %dma_start3A_76] : memref<10240x128xf32, #tpu.memory_space<vmem_shared>> -> memref<80x128xf32, #tpu.memory_space<vmem_shared>>
      %dma_start3A_78 = arith.constant 0 : i32
      %dma_start3A_79 = tpu.memref_slice %arg13[%multiple_of3A_14, %dma_start3A_78] : memref<10240x128xf32, #tpu.memory_space<vmem_shared>> -> memref<80x128xf32, #tpu.memory_space<vmem_shared>>
      tpu.enqueue_dma source(%arg9 : memref<80x128xf32, #tpu.memory_space<vmem>>) target(%dma_start3A_79 : memref<80x128xf32, #tpu.memory_space<vmem_shared>>) target_semaphore(%run_scoped3A : memref<!tpu.dma_semaphore, #tpu.memory_space<semaphore_mem>>)
      %dma_wait3A_80 = arith.constant 0 : i32
      %dma_wait3A_81 = tpu.memref_slice %arg13[%multiple_of3A_14, %dma_wait3A_80] : memref<10240x128xf32, #tpu.memory_space<vmem_shared>> -> memref<80x128xf32, #tpu.memory_space<vmem_shared>>
      %dma_wait3A_82 = arith.constant 0 : i32
      %dma_wait3A_83 = tpu.memref_slice %arg13[%multiple_of3A_14, %dma_wait3A_82] : memref<10240x128xf32, #tpu.memory_space<vmem_shared>> -> memref<80x128xf32, #tpu.memory_space<vmem_shared>>
      tpu.wait_dma2 semaphore(%run_scoped3A : memref<!tpu.dma_semaphore, #tpu.memory_space<semaphore_mem>>) src(%arg9 : memref<80x128xf32, #tpu.memory_space<vmem>>) dst(%dma_wait3A_83 : memref<80x128xf32, #tpu.memory_space<vmem_shared>>)
      tpu.yield
    }) : () -> ()
    %add3A_15 = arith.constant 400 : i32
    %add3A_16 = arith.addi %multiple_of3A, %add3A_15 : i32
    %multiple_of3A_17 = tpu.assume_multiple %add3A_16, 8 : i32
    "tpu.region"() ({
      %run_scoped3A = tpu.sem_alloc : memref<!tpu.dma_semaphore, #tpu.memory_space<semaphore_mem>>
      %dma_start3A_76 = arith.constant 0 : i32
      %dma_start3A_77 = tpu.memref_slice %arg13[%multiple_of3A_17, %dma_start3A_76] : memref<10240x128xf32, #tpu.memory_space<vmem_shared>> -> memref<80x128xf32, #tpu.memory_space<vmem_shared>>
      %dma_start3A_78 = arith.constant 0 : i32
      %dma_start3A_79 = tpu.memref_slice %arg13[%multiple_of3A_17, %dma_start3A_78] : memref<10240x128xf32, #tpu.memory_space<vmem_shared>> -> memref<80x128xf32, #tpu.memory_space<vmem_shared>>
      tpu.enqueue_dma source(%arg9 : memref<80x128xf32, #tpu.memory_space<vmem>>) target(%dma_start3A_79 : memref<80x128xf32, #tpu.memory_space<vmem_shared>>) target_semaphore(%run_scoped3A : memref<!tpu.dma_semaphore, #tpu.memory_space<semaphore_mem>>)
      %dma_wait3A_80 = arith.constant 0 : i32
      %dma_wait3A_81 = tpu.memref_slice %arg13[%multiple_of3A_17, %dma_wait3A_80] : memref<10240x128xf32, #tpu.memory_space<vmem_shared>> -> memref<80x128xf32, #tpu.memory_space<vmem_shared>>
      %dma_wait3A_82 = arith.constant 0 : i32
      %dma_wait3A_83 = tpu.memref_slice %arg13[%multiple_of3A_17, %dma_wait3A_82] : memref<10240x128xf32, #tpu.memory_space<vmem_shared>> -> memref<80x128xf32, #tpu.memory_space<vmem_shared>>
      tpu.wait_dma2 semaphore(%run_scoped3A : memref<!tpu.dma_semaphore, #tpu.memory_space<semaphore_mem>>) src(%arg9 : memref<80x128xf32, #tpu.memory_space<vmem>>) dst(%dma_wait3A_83 : memref<80x128xf32, #tpu.memory_space<vmem_shared>>)
      tpu.yield
    }) : () -> ()
    %add3A_18 = arith.constant 480 : i32
    %add3A_19 = arith.addi %multiple_of3A, %add3A_18 : i32
    %multiple_of3A_20 = tpu.assume_multiple %add3A_19, 8 : i32
    "tpu.region"() ({
      %run_scoped3A = tpu.sem_alloc : memref<!tpu.dma_semaphore, #tpu.memory_space<semaphore_mem>>
      %dma_start3A_76 = arith.constant 0 : i32
      %dma_start3A_77 = tpu.memref_slice %arg13[%multiple_of3A_20, %dma_start3A_76] : memref<10240x128xf32, #tpu.memory_space<vmem_shared>> -> memref<80x128xf32, #tpu.memory_space<vmem_shared>>
      %dma_start3A_78 = arith.constant 0 : i32
      %dma_start3A_79 = tpu.memref_slice %arg13[%multiple_of3A_20, %dma_start3A_78] : memref<10240x128xf32, #tpu.memory_space<vmem_shared>> -> memref<80x128xf32, #tpu.memory_space<vmem_shared>>
      tpu.enqueue_dma source(%arg9 : memref<80x128xf32, #tpu.memory_space<vmem>>) target(%dma_start3A_79 : memref<80x128xf32, #tpu.memory_space<vmem_shared>>) target_semaphore(%run_scoped3A : memref<!tpu.dma_semaphore, #tpu.memory_space<semaphore_mem>>)
      %dma_wait3A_80 = arith.constant 0 : i32
      %dma_wait3A_81 = tpu.memref_slice %arg13[%multiple_of3A_20, %dma_wait3A_80] : memref<10240x128xf32, #tpu.memory_space<vmem_shared>> -> memref<80x128xf32, #tpu.memory_space<vmem_shared>>
      %dma_wait3A_82 = arith.constant 0 : i32
      %dma_wait3A_83 = tpu.memref_slice %arg13[%multiple_of3A_20, %dma_wait3A_82] : memref<10240x128xf32, #tpu.memory_space<vmem_shared>> -> memref<80x128xf32, #tpu.memory_space<vmem_shared>>
      tpu.wait_dma2 semaphore(%run_scoped3A : memref<!tpu.dma_semaphore, #tpu.memory_space<semaphore_mem>>) src(%arg9 : memref<80x128xf32, #tpu.memory_space<vmem>>) dst(%dma_wait3A_83 : memref<80x128xf32, #tpu.memory_space<vmem_shared>>)
      tpu.yield
    }) : () -> ()
    %add3A_21 = arith.constant 560 : i32
    %add3A_22 = arith.addi %multiple_of3A, %add3A_21 : i32
    %multiple_of3A_23 = tpu.assume_multiple %add3A_22, 8 : i32
    "tpu.region"() ({
      %run_scoped3A = tpu.sem_alloc : memref<!tpu.dma_semaphore, #tpu.memory_space<semaphore_mem>>
      %dma_start3A_76 = arith.constant 0 : i32
      %dma_start3A_77 = tpu.memref_slice %arg13[%multiple_of3A_23, %dma_start3A_76] : memref<10240x128xf32, #tpu.memory_space<vmem_shared>> -> memref<80x128xf32, #tpu.memory_space<vmem_shared>>
      %dma_start3A_78 = arith.constant 0 : i32
      %dma_start3A_79 = tpu.memref_slice %arg13[%multiple_of3A_23, %dma_start3A_78] : memref<10240x128xf32, #tpu.memory_space<vmem_shared>> -> memref<80x128xf32, #tpu.memory_space<vmem_shared>>
      tpu.enqueue_dma source(%arg9 : memref<80x128xf32, #tpu.memory_space<vmem>>) target(%dma_start3A_79 : memref<80x128xf32, #tpu.memory_space<vmem_shared>>) target_semaphore(%run_scoped3A : memref<!tpu.dma_semaphore, #tpu.memory_space<semaphore_mem>>)
      %dma_wait3A_80 = arith.constant 0 : i32
      %dma_wait3A_81 = tpu.memref_slice %arg13[%multiple_of3A_23, %dma_wait3A_80] : memref<10240x128xf32, #tpu.memory_space<vmem_shared>> -> memref<80x128xf32, #tpu.memory_space<vmem_shared>>
      %dma_wait3A_82 = arith.constant 0 : i32
      %dma_wait3A_83 = tpu.memref_slice %arg13[%multiple_of3A_23, %dma_wait3A_82] : memref<10240x128xf32, #tpu.memory_space<vmem_shared>> -> memref<80x128xf32, #tpu.memory_space<vmem_shared>>
      tpu.wait_dma2 semaphore(%run_scoped3A : memref<!tpu.dma_semaphore, #tpu.memory_space<semaphore_mem>>) src(%arg9 : memref<80x128xf32, #tpu.memory_space<vmem>>) dst(%dma_wait3A_83 : memref<80x128xf32, #tpu.memory_space<vmem_shared>>)
      tpu.yield
    }) : () -> ()
    %barrier3A = arith.constant 0 : index
    tpu.barrier barrier_id(%barrier3A)
    %mul3A_24 = arith.constant 10000 : i32
    %mul3A_25 = arith.muli %arg1, %mul3A_24 : i32
    %add3A_26 = arith.constant 0 : i32
    %add3A_27 = arith.addi %mul3A_25, %add3A_26 : i32
    %multiple_of3A_28 = tpu.assume_multiple %add3A_27, 8 : i32
    %mul3A_29 = arith.constant 160000 : i32
    %mul3A_30 = arith.muli %arg0, %mul3A_29 : i32
    %mul3A_31 = arith.constant 10000 : i32
    %mul3A_32 = arith.muli %arg1, %mul3A_31 : i32
    %add3A_33 = arith.addi %mul3A_30, %mul3A_32 : i32
    %add3A_34 = arith.constant 0 : i32
    %add3A_35 = arith.addi %add3A_33, %add3A_34 : i32
    %multiple_of3A_36 = tpu.assume_multiple %add3A_35, 8 : i32
    "tpu.region"() ({
      %run_scoped3A = tpu.sem_alloc : memref<!tpu.dma_semaphore, #tpu.memory_space<semaphore_mem>>
      %dma_start3A_76 = tpu.memref_slice %arg3[%multiple_of3A_36] : memref<320000xi32, #tpu.memory_space<hbm>> -> memref<80xi32, #tpu.memory_space<hbm>>
      %dma_start3A_77 = tpu.memref_slice %arg3[%multiple_of3A_36] : memref<320000xi32, #tpu.memory_space<hbm>> -> memref<80xi32, #tpu.memory_space<hbm>>
      tpu.enqueue_dma source(%dma_start3A_77 : memref<80xi32, #tpu.memory_space<hbm>>) target(%arg7 : memref<80xi32, #tpu.memory_space<vmem>>) target_semaphore(%run_scoped3A : memref<!tpu.dma_semaphore, #tpu.memory_space<semaphore_mem>>)
      %dma_wait3A_78 = tpu.memref_slice %arg3[%multiple_of3A_36] : memref<320000xi32, #tpu.memory_space<hbm>> -> memref<80xi32, #tpu.memory_space<hbm>>
      %dma_wait3A_79 = tpu.memref_slice %arg3[%multiple_of3A_36] : memref<320000xi32, #tpu.memory_space<hbm>> -> memref<80xi32, #tpu.memory_space<hbm>>
      tpu.wait_dma2 semaphore(%run_scoped3A : memref<!tpu.dma_semaphore, #tpu.memory_space<semaphore_mem>>) src(%dma_wait3A_79 : memref<80xi32, #tpu.memory_space<hbm>>) dst(%arg7 : memref<80xi32, #tpu.memory_space<vmem>>)
      tpu.yield
    }) : () -> ()
    "tpu.region"() ({
      %run_scoped3A = tpu.sem_alloc : memref<!tpu.dma_semaphore, #tpu.memory_space<semaphore_mem>>
      %dma_start3A_76 = tpu.memref_slice %arg4[%multiple_of3A_28] : memref<160000xi32, #tpu.memory_space<hbm>> -> memref<80xi32, #tpu.memory_space<hbm>>
      %dma_start3A_77 = tpu.memref_slice %arg4[%multiple_of3A_28] : memref<160000xi32, #tpu.memory_space<hbm>> -> memref<80xi32, #tpu.memory_space<hbm>>
      tpu.enqueue_dma source(%dma_start3A_77 : memref<80xi32, #tpu.memory_space<hbm>>) target(%arg8 : memref<80xi32, #tpu.memory_space<vmem>>) target_semaphore(%run_scoped3A : memref<!tpu.dma_semaphore, #tpu.memory_space<semaphore_mem>>)
      %dma_wait3A_78 = tpu.memref_slice %arg4[%multiple_of3A_28] : memref<160000xi32, #tpu.memory_space<hbm>> -> memref<80xi32, #tpu.memory_space<hbm>>
      %dma_wait3A_79 = tpu.memref_slice %arg4[%multiple_of3A_28] : memref<160000xi32, #tpu.memory_space<hbm>> -> memref<80xi32, #tpu.memory_space<hbm>>
      tpu.wait_dma2 semaphore(%run_scoped3A : memref<!tpu.dma_semaphore, #tpu.memory_space<semaphore_mem>>) src(%dma_wait3A_79 : memref<80xi32, #tpu.memory_space<hbm>>) dst(%arg8 : memref<80xi32, #tpu.memory_space<vmem>>)
      tpu.yield
    }) : () -> ()
    %dma_start3A = arith.constant 0 : i32
    %dma_start3A_37 = arith.constant 0 : i32
    %dma_start3A_38 = tpu.memref_slice %arg2[%dma_start3A, %dma_start3A_37] : memref<20000x128xf32, #tpu.memory_space<hbm>> -> memref<20000x128xf32, #tpu.memory_space<hbm>>
    tpu.enqueue_indirect_dma source(%dma_start3A_38 : memref<20000x128xf32, #tpu.memory_space<hbm>>) target(%arg9 : memref<80x128xf32, #tpu.memory_space<vmem>>) offsets(%arg7 : memref<80xi32, #tpu.memory_space<vmem>>) semaphore(%arg14 : memref<!tpu.dma_semaphore, #tpu.memory_space<semaphore_mem>>)
    %mul3A_39 = arith.constant 10000 : i32
    %mul3A_40 = arith.muli %arg1, %mul3A_39 : i32
    %add3A_41 = arith.constant 80 : i32
    %add3A_42 = arith.addi %mul3A_40, %add3A_41 : i32
    %multiple_of3A_43 = tpu.assume_multiple %add3A_42, 8 : i32
    %mul3A_44 = arith.constant 160000 : i32
    %mul3A_45 = arith.muli %arg0, %mul3A_44 : i32
    %mul3A_46 = arith.constant 10000 : i32
    %mul3A_47 = arith.muli %arg1, %mul3A_46 : i32
    %add3A_48 = arith.addi %mul3A_45, %mul3A_47 : i32
    %add3A_49 = arith.constant 80 : i32
    %add3A_50 = arith.addi %add3A_48, %add3A_49 : i32
    %multiple_of3A_51 = tpu.assume_multiple %add3A_50, 8 : i32
    %dma_start3A_52 = tpu.memref_slice %arg3[%multiple_of3A_51] : memref<320000xi32, #tpu.memory_space<hbm>> -> memref<80xi32, #tpu.memory_space<hbm>>
    %dma_start3A_53 = tpu.memref_slice %arg3[%multiple_of3A_51] : memref<320000xi32, #tpu.memory_space<hbm>> -> memref<80xi32, #tpu.memory_space<hbm>>
    tpu.enqueue_dma source(%dma_start3A_53 : memref<80xi32, #tpu.memory_space<hbm>>) target(%arg10 : memref<80xi32, #tpu.memory_space<vmem>>) target_semaphore(%arg17 : memref<!tpu.dma_semaphore, #tpu.memory_space<semaphore_mem>>)
    %dma_start3A_54 = tpu.memref_slice %arg4[%multiple_of3A_43] : memref<160000xi32, #tpu.memory_space<hbm>> -> memref<80xi32, #tpu.memory_space<hbm>>
    %dma_start3A_55 = tpu.memref_slice %arg4[%multiple_of3A_43] : memref<160000xi32, #tpu.memory_space<hbm>> -> memref<80xi32, #tpu.memory_space<hbm>>
    tpu.enqueue_dma source(%dma_start3A_55 : memref<80xi32, #tpu.memory_space<hbm>>) target(%arg11 : memref<80xi32, #tpu.memory_space<vmem>>) target_semaphore(%arg17 : memref<!tpu.dma_semaphore, #tpu.memory_space<semaphore_mem>>)
    %scan3A = arith.constant 0 : i32
    %scan3A_56 = arith.constant 0 : i32
    %scan3A_57 = arith.constant 62 : i32
    %scan3A_58 = arith.addi %scan3A_56, %scan3A_57 : i32
    %scan3A_59 = arith.constant 1 : i32
    scf.for %scan3A_76 = %scan3A_56 to %scan3A_58 step %scan3A_59  : i32 {
      %mul3A_77 = arith.constant 2 : i32
      %mul3A_78 = arith.muli %mul3A_77, %scan3A_76 : i32
      %add3A_79 = arith.constant 1 : i32
      %add3A_80 = arith.addi %mul3A_78, %add3A_79 : i32
      %mul3A_81 = arith.constant 160000 : i32
      %mul3A_82 = arith.muli %arg0, %mul3A_81 : i32
      %mul3A_83 = arith.constant 10000 : i32
      %mul3A_84 = arith.muli %arg1, %mul3A_83 : i32
      %add3A_85 = arith.addi %mul3A_82, %mul3A_84 : i32
      %mul3A_86 = arith.constant 80 : i32
      %mul3A_87 = arith.muli %add3A_80, %mul3A_86 : i32
      %add3A_88 = arith.addi %add3A_85, %mul3A_87 : i32
      %multiple_of3A_89 = tpu.assume_multiple %add3A_88, 8 : i32
      %mul3A_90 = arith.constant 10000 : i32
      %mul3A_91 = arith.muli %arg1, %mul3A_90 : i32
      %mul3A_92 = arith.constant 80 : i32
      %mul3A_93 = arith.muli %add3A_80, %mul3A_92 : i32
      %add3A_94 = arith.addi %mul3A_91, %mul3A_93 : i32
      %multiple_of3A_95 = tpu.assume_multiple %add3A_94, 8 : i32
      %dma_wait3A_96 = tpu.memref_slice %arg3[%multiple_of3A_89] : memref<320000xi32, #tpu.memory_space<hbm>> -> memref<80xi32, #tpu.memory_space<hbm>>
      %dma_wait3A_97 = tpu.memref_slice %arg3[%multiple_of3A_89] : memref<320000xi32, #tpu.memory_space<hbm>> -> memref<80xi32, #tpu.memory_space<hbm>>
      tpu.wait_dma2 semaphore(%arg17 : memref<!tpu.dma_semaphore, #tpu.memory_space<semaphore_mem>>) src(%dma_wait3A_97 : memref<80xi32, #tpu.memory_space<hbm>>) dst(%arg10 : memref<80xi32, #tpu.memory_space<vmem>>)
      %dma_wait3A_98 = tpu.memref_slice %arg4[%multiple_of3A_95] : memref<160000xi32, #tpu.memory_space<hbm>> -> memref<80xi32, #tpu.memory_space<hbm>>
      %dma_wait3A_99 = tpu.memref_slice %arg4[%multiple_of3A_95] : memref<160000xi32, #tpu.memory_space<hbm>> -> memref<80xi32, #tpu.memory_space<hbm>>
      tpu.wait_dma2 semaphore(%arg17 : memref<!tpu.dma_semaphore, #tpu.memory_space<semaphore_mem>>) src(%dma_wait3A_99 : memref<80xi32, #tpu.memory_space<hbm>>) dst(%arg11 : memref<80xi32, #tpu.memory_space<vmem>>)
      %dma_start3A_100 = arith.constant 0 : i32
      %dma_start3A_101 = arith.constant 0 : i32
      %dma_start3A_102 = tpu.memref_slice %arg2[%dma_start3A_100, %dma_start3A_101] : memref<20000x128xf32, #tpu.memory_space<hbm>> -> memref<20000x128xf32, #tpu.memory_space<hbm>>
      tpu.enqueue_indirect_dma source(%dma_start3A_102 : memref<20000x128xf32, #tpu.memory_space<hbm>>) target(%arg12 : memref<80x128xf32, #tpu.memory_space<vmem>>) offsets(%arg10 : memref<80xi32, #tpu.memory_space<vmem>>) semaphore(%arg15 : memref<!tpu.dma_semaphore, #tpu.memory_space<semaphore_mem>>)
      %dma_wait3A_103 = arith.constant 0 : i32
      %dma_wait3A_104 = arith.constant 0 : i32
      %dma_wait3A_105 = tpu.memref_slice %arg2[%dma_wait3A_103, %dma_wait3A_104] : memref<20000x128xf32, #tpu.memory_space<hbm>> -> memref<20000x128xf32, #tpu.memory_space<hbm>>
      tpu.wait_indirect_dma semaphore(%arg14 : memref<!tpu.dma_semaphore, #tpu.memory_space<semaphore_mem>>) src(%dma_wait3A_105 : memref<20000x128xf32, #tpu.memory_space<hbm>>) dst(%arg9 : memref<80x128xf32, #tpu.memory_space<vmem>>)
      "tpu.region"() ({
        %run_scoped3A = tpu.sem_alloc : memref<!tpu.dma_semaphore, #tpu.memory_space<semaphore_mem>>
        %dma_start3A_161 = arith.constant 0 : i32
        %dma_start3A_162 = arith.constant 0 : i32
        %dma_start3A_163 = tpu.memref_slice %arg13[%dma_start3A_161, %dma_start3A_162] : memref<10240x128xf32, #tpu.memory_space<vmem_shared>> -> memref<10240x128xf32, #tpu.memory_space<vmem_shared>>
        tpu.enqueue_indirect_dma source(%arg9 : memref<80x128xf32, #tpu.memory_space<vmem>>) target(%dma_start3A_163 : memref<10240x128xf32, #tpu.memory_space<vmem_shared>>) offsets(%arg8 : memref<80xi32, #tpu.memory_space<vmem>>) semaphore(%run_scoped3A : memref<!tpu.dma_semaphore, #tpu.memory_space<semaphore_mem>>) {add = true}
        %dma_wait3A_164 = arith.constant 0 : i32
        %dma_wait3A_165 = arith.constant 0 : i32
        %dma_wait3A_166 = tpu.memref_slice %arg13[%dma_wait3A_164, %dma_wait3A_165] : memref<10240x128xf32, #tpu.memory_space<vmem_shared>> -> memref<10240x128xf32, #tpu.memory_space<vmem_shared>>
        tpu.wait_indirect_dma semaphore(%run_scoped3A : memref<!tpu.dma_semaphore, #tpu.memory_space<semaphore_mem>>) src(%arg9 : memref<80x128xf32, #tpu.memory_space<vmem>>) dst(%dma_wait3A_166 : memref<10240x128xf32, #tpu.memory_space<vmem_shared>>)
        tpu.yield
      }) : () -> ()
      %add3A_106 = arith.constant 1 : i32
      %add3A_107 = arith.addi %add3A_80, %add3A_106 : i32
      %mul3A_108 = arith.constant 10000 : i32
      %mul3A_109 = arith.muli %arg1, %mul3A_108 : i32
      %mul3A_110 = arith.constant 80 : i32
      %mul3A_111 = arith.muli %add3A_107, %mul3A_110 : i32
      %add3A_112 = arith.addi %mul3A_109, %mul3A_111 : i32
      %multiple_of3A_113 = tpu.assume_multiple %add3A_112, 8 : i32
      %mul3A_114 = arith.constant 160000 : i32
      %mul3A_115 = arith.muli %arg0, %mul3A_114 : i32
      %mul3A_116 = arith.constant 10000 : i32
      %mul3A_117 = arith.muli %arg1, %mul3A_116 : i32
      %add3A_118 = arith.addi %mul3A_115, %mul3A_117 : i32
      %mul3A_119 = arith.constant 80 : i32
      %mul3A_120 = arith.muli %add3A_107, %mul3A_119 : i32
      %add3A_121 = arith.addi %add3A_118, %mul3A_120 : i32
      %multiple_of3A_122 = tpu.assume_multiple %add3A_121, 8 : i32
      %dma_start3A_123 = tpu.memref_slice %arg3[%multiple_of3A_122] : memref<320000xi32, #tpu.memory_space<hbm>> -> memref<80xi32, #tpu.memory_space<hbm>>
      %dma_start3A_124 = tpu.memref_slice %arg3[%multiple_of3A_122] : memref<320000xi32, #tpu.memory_space<hbm>> -> memref<80xi32, #tpu.memory_space<hbm>>
      tpu.enqueue_dma source(%dma_start3A_124 : memref<80xi32, #tpu.memory_space<hbm>>) target(%arg7 : memref<80xi32, #tpu.memory_space<vmem>>) target_semaphore(%arg16 : memref<!tpu.dma_semaphore, #tpu.memory_space<semaphore_mem>>)
      %dma_start3A_125 = tpu.memref_slice %arg4[%multiple_of3A_113] : memref<160000xi32, #tpu.memory_space<hbm>> -> memref<80xi32, #tpu.memory_space<hbm>>
      %dma_start3A_126 = tpu.memref_slice %arg4[%multiple_of3A_113] : memref<160000xi32, #tpu.memory_space<hbm>> -> memref<80xi32, #tpu.memory_space<hbm>>
      tpu.enqueue_dma source(%dma_start3A_126 : memref<80xi32, #tpu.memory_space<hbm>>) target(%arg8 : memref<80xi32, #tpu.memory_space<vmem>>) target_semaphore(%arg16 : memref<!tpu.dma_semaphore, #tpu.memory_space<semaphore_mem>>)
      %add3A_127 = arith.constant 1 : i32
      %add3A_128 = arith.addi %add3A_80, %add3A_127 : i32
      %mul3A_129 = arith.constant 160000 : i32
      %mul3A_130 = arith.muli %arg0, %mul3A_129 : i32
      %mul3A_131 = arith.constant 10000 : i32
      %mul3A_132 = arith.muli %arg1, %mul3A_131 : i32
      %add3A_133 = arith.addi %mul3A_130, %mul3A_132 : i32
      %mul3A_134 = arith.constant 80 : i32
      %mul3A_135 = arith.muli %add3A_128, %mul3A_134 : i32
      %add3A_136 = arith.addi %add3A_133, %mul3A_135 : i32
      %multiple_of3A_137 = tpu.assume_multiple %add3A_136, 8 : i32
      %mul3A_138 = arith.constant 10000 : i32
      %mul3A_139 = arith.muli %arg1, %mul3A_138 : i32
      %mul3A_140 = arith.constant 80 : i32
      %mul3A_141 = arith.muli %add3A_128, %mul3A_140 : i32
      %add3A_142 = arith.addi %mul3A_139, %mul3A_141 : i32
      %multiple_of3A_143 = tpu.assume_multiple %add3A_142, 8 : i32
      %dma_wait3A_144 = tpu.memref_slice %arg3[%multiple_of3A_137] : memref<320000xi32, #tpu.memory_space<hbm>> -> memref<80xi32, #tpu.memory_space<hbm>>
      %dma_wait3A_145 = tpu.memref_slice %arg3[%multiple_of3A_137] : memref<320000xi32, #tpu.memory_space<hbm>> -> memref<80xi32, #tpu.memory_space<hbm>>
      tpu.wait_dma2 semaphore(%arg16 : memref<!tpu.dma_semaphore, #tpu.memory_space<semaphore_mem>>) src(%dma_wait3A_145 : memref<80xi32, #tpu.memory_space<hbm>>) dst(%arg7 : memref<80xi32, #tpu.memory_space<vmem>>)
      %dma_wait3A_146 = tpu.memref_slice %arg4[%multiple_of3A_143] : memref<160000xi32, #tpu.memory_space<hbm>> -> memref<80xi32, #tpu.memory_space<hbm>>
      %dma_wait3A_147 = tpu.memref_slice %arg4[%multiple_of3A_143] : memref<160000xi32, #tpu.memory_space<hbm>> -> memref<80xi32, #tpu.memory_space<hbm>>
      tpu.wait_dma2 semaphore(%arg16 : memref<!tpu.dma_semaphore, #tpu.memory_space<semaphore_mem>>) src(%dma_wait3A_147 : memref<80xi32, #tpu.memory_space<hbm>>) dst(%arg8 : memref<80xi32, #tpu.memory_space<vmem>>)
      %dma_start3A_148 = arith.constant 0 : i32
      %dma_start3A_149 = arith.constant 0 : i32
      %dma_start3A_150 = tpu.memref_slice %arg2[%dma_start3A_148, %dma_start3A_149] : memref<20000x128xf32, #tpu.memory_space<hbm>> -> memref<20000x128xf32, #tpu.memory_space<hbm>>
      tpu.enqueue_indirect_dma source(%dma_start3A_150 : memref<20000x128xf32, #tpu.memory_space<hbm>>) target(%arg9 : memref<80x128xf32, #tpu.memory_space<vmem>>) offsets(%arg7 : memref<80xi32, #tpu.memory_space<vmem>>) semaphore(%arg14 : memref<!tpu.dma_semaphore, #tpu.memory_space<semaphore_mem>>)
      %dma_wait3A_151 = arith.constant 0 : i32
      %dma_wait3A_152 = arith.constant 0 : i32
      %dma_wait3A_153 = tpu.memref_slice %arg2[%dma_wait3A_151, %dma_wait3A_152] : memref<20000x128xf32, #tpu.memory_space<hbm>> -> memref<20000x128xf32, #tpu.memory_space<hbm>>
      tpu.wait_indirect_dma semaphore(%arg15 : memref<!tpu.dma_semaphore, #tpu.memory_space<semaphore_mem>>) src(%dma_wait3A_153 : memref<20000x128xf32, #tpu.memory_space<hbm>>) dst(%arg12 : memref<80x128xf32, #tpu.memory_space<vmem>>)
      "tpu.region"() ({
        %run_scoped3A = tpu.sem_alloc : memref<!tpu.dma_semaphore, #tpu.memory_space<semaphore_mem>>
        %dma_start3A_161 = arith.constant 0 : i32
        %dma_start3A_162 = arith.constant 0 : i32
        %dma_start3A_163 = tpu.memref_slice %arg13[%dma_start3A_161, %dma_start3A_162] : memref<10240x128xf32, #tpu.memory_space<vmem_shared>> -> memref<10240x128xf32, #tpu.memory_space<vmem_shared>>
        tpu.enqueue_indirect_dma source(%arg12 : memref<80x128xf32, #tpu.memory_space<vmem>>) target(%dma_start3A_163 : memref<10240x128xf32, #tpu.memory_space<vmem_shared>>) offsets(%arg11 : memref<80xi32, #tpu.memory_space<vmem>>) semaphore(%run_scoped3A : memref<!tpu.dma_semaphore, #tpu.memory_space<semaphore_mem>>) {add = true}
        %dma_wait3A_164 = arith.constant 0 : i32
        %dma_wait3A_165 = arith.constant 0 : i32
        %dma_wait3A_166 = tpu.memref_slice %arg13[%dma_wait3A_164, %dma_wait3A_165] : memref<10240x128xf32, #tpu.memory_space<vmem_shared>> -> memref<10240x128xf32, #tpu.memory_space<vmem_shared>>
        tpu.wait_indirect_dma semaphore(%run_scoped3A : memref<!tpu.dma_semaphore, #tpu.memory_space<semaphore_mem>>) src(%arg12 : memref<80x128xf32, #tpu.memory_space<vmem>>) dst(%dma_wait3A_166 : memref<10240x128xf32, #tpu.memory_space<vmem_shared>>)
        tpu.yield
      }) : () -> ()
      %add3A_154 = arith.constant 2 : i32
      %add3A_155 = arith.addi %add3A_80, %add3A_154 : i32
      %lt3A_156 = arith.constant 125 : i32
      %lt3A_157 = arith.cmpi slt, %add3A_155, %lt3A_156 : i32
      %convert_element_type3A_158 = arith.extui %lt3A_157 : i1 to i32
      %cond3A_159 = arith.constant 0 : i32
      %cond3A_160 = arith.cmpi ne, %convert_element_type3A_158, %cond3A_159 : i32
      scf.if %cond3A_160 {
        %add3A_161 = arith.constant 2 : i32
        %add3A_162 = arith.addi %add3A_80, %add3A_161 : i32
        %mul3A_163 = arith.constant 10000 : i32
        %mul3A_164 = arith.muli %arg1, %mul3A_163 : i32
        %mul3A_165 = arith.constant 80 : i32
        %mul3A_166 = arith.muli %add3A_162, %mul3A_165 : i32
        %add3A_167 = arith.addi %mul3A_164, %mul3A_166 : i32
        %multiple_of3A_168 = tpu.assume_multiple %add3A_167, 8 : i32
        %mul3A_169 = arith.constant 160000 : i32
        %mul3A_170 = arith.muli %arg0, %mul3A_169 : i32
        %mul3A_171 = arith.constant 10000 : i32
        %mul3A_172 = arith.muli %arg1, %mul3A_171 : i32
        %add3A_173 = arith.addi %mul3A_170, %mul3A_172 : i32
        %mul3A_174 = arith.constant 80 : i32
        %mul3A_175 = arith.muli %add3A_162, %mul3A_174 : i32
        %add3A_176 = arith.addi %add3A_173, %mul3A_175 : i32
        %multiple_of3A_177 = tpu.assume_multiple %add3A_176, 8 : i32
        %dma_start3A_178 = tpu.memref_slice %arg3[%multiple_of3A_177] : memref<320000xi32, #tpu.memory_space<hbm>> -> memref<80xi32, #tpu.memory_space<hbm>>
        %dma_start3A_179 = tpu.memref_slice %arg3[%multiple_of3A_177] : memref<320000xi32, #tpu.memory_space<hbm>> -> memref<80xi32, #tpu.memory_space<hbm>>
        tpu.enqueue_dma source(%dma_start3A_179 : memref<80xi32, #tpu.memory_space<hbm>>) target(%arg10 : memref<80xi32, #tpu.memory_space<vmem>>) target_semaphore(%arg17 : memref<!tpu.dma_semaphore, #tpu.memory_space<semaphore_mem>>)
        %dma_start3A_180 = tpu.memref_slice %arg4[%multiple_of3A_168] : memref<160000xi32, #tpu.memory_space<hbm>> -> memref<80xi32, #tpu.memory_space<hbm>>
        %dma_start3A_181 = tpu.memref_slice %arg4[%multiple_of3A_168] : memref<160000xi32, #tpu.memory_space<hbm>> -> memref<80xi32, #tpu.memory_space<hbm>>
        tpu.enqueue_dma source(%dma_start3A_181 : memref<80xi32, #tpu.memory_space<hbm>>) target(%arg11 : memref<80xi32, #tpu.memory_space<vmem>>) target_semaphore(%arg17 : memref<!tpu.dma_semaphore, #tpu.memory_space<semaphore_mem>>)
      } else {
      }
    }
    %scan3A_60 = arith.constant 62 : i32
    %dma_wait3A = arith.constant 0 : i32
    %dma_wait3A_61 = arith.constant 0 : i32
    %dma_wait3A_62 = tpu.memref_slice %arg2[%dma_wait3A, %dma_wait3A_61] : memref<20000x128xf32, #tpu.memory_space<hbm>> -> memref<20000x128xf32, #tpu.memory_space<hbm>>
    tpu.wait_indirect_dma semaphore(%arg14 : memref<!tpu.dma_semaphore, #tpu.memory_space<semaphore_mem>>) src(%dma_wait3A_62 : memref<20000x128xf32, #tpu.memory_space<hbm>>) dst(%arg9 : memref<80x128xf32, #tpu.memory_space<vmem>>)
    "tpu.region"() ({
      %run_scoped3A = tpu.sem_alloc : memref<!tpu.dma_semaphore, #tpu.memory_space<semaphore_mem>>
      %dma_start3A_76 = arith.constant 0 : i32
      %dma_start3A_77 = arith.constant 0 : i32
      %dma_start3A_78 = tpu.memref_slice %arg13[%dma_start3A_76, %dma_start3A_77] : memref<10240x128xf32, #tpu.memory_space<vmem_shared>> -> memref<10240x128xf32, #tpu.memory_space<vmem_shared>>
      tpu.enqueue_indirect_dma source(%arg9 : memref<80x128xf32, #tpu.memory_space<vmem>>) target(%dma_start3A_78 : memref<10240x128xf32, #tpu.memory_space<vmem_shared>>) offsets(%arg8 : memref<80xi32, #tpu.memory_space<vmem>>) semaphore(%run_scoped3A : memref<!tpu.dma_semaphore, #tpu.memory_space<semaphore_mem>>) {add = true}
      %dma_wait3A_79 = arith.constant 0 : i32
      %dma_wait3A_80 = arith.constant 0 : i32
      %dma_wait3A_81 = tpu.memref_slice %arg13[%dma_wait3A_79, %dma_wait3A_80] : memref<10240x128xf32, #tpu.memory_space<vmem_shared>> -> memref<10240x128xf32, #tpu.memory_space<vmem_shared>>
      tpu.wait_indirect_dma semaphore(%run_scoped3A : memref<!tpu.dma_semaphore, #tpu.memory_space<semaphore_mem>>) src(%arg9 : memref<80x128xf32, #tpu.memory_space<vmem>>) dst(%dma_wait3A_81 : memref<10240x128xf32, #tpu.memory_space<vmem_shared>>)
      tpu.yield
    }) : () -> ()
    %barrier3A_63 = arith.constant 0 : index
    tpu.barrier barrier_id(%barrier3A_63)
    %mul3A_64 = arith.constant 10000 : i32
    %mul3A_65 = arith.muli %arg0, %mul3A_64 : i32
    %mul3A_66 = arith.constant 640 : i32
    %mul3A_67 = arith.muli %arg1, %mul3A_66 : i32
    %add3A_68 = arith.addi %mul3A_65, %mul3A_67 : i32
    %multiple_of3A_69 = tpu.assume_multiple %add3A_68, 8 : i32
    %lt3A = arith.constant 15 : i32
    %lt3A_70 = arith.cmpi slt, %arg1, %lt3A : i32
    %convert_element_type3A = arith.extui %lt3A_70 : i1 to i32
    %cond3A = arith.constant 0 : i32
    %cond3A_71 = arith.cmpi ne, %convert_element_type3A, %cond3A : i32
    scf.if %cond3A_71 {
      %add3A_76 = arith.constant 0 : i32
      %add3A_77 = arith.addi %multiple_of3A, %add3A_76 : i32
      %multiple_of3A_78 = tpu.assume_multiple %add3A_77, 8 : i32
      %add3A_79 = arith.constant 0 : i32
      %add3A_80 = arith.addi %multiple_of3A_69, %add3A_79 : i32
      %multiple_of3A_81 = tpu.assume_multiple %add3A_80, 8 : i32
      %dma_start3A_82 = arith.constant 0 : i32
      %dma_start3A_83 = tpu.memref_slice %arg13[%multiple_of3A_78, %dma_start3A_82] : memref<10240x128xf32, #tpu.memory_space<vmem_shared>> -> memref<80x128xf32, #tpu.memory_space<vmem_shared>>
      %dma_start3A_84 = arith.constant 0 : i32
      %dma_start3A_85 = tpu.memref_slice %arg13[%multiple_of3A_78, %dma_start3A_84] : memref<10240x128xf32, #tpu.memory_space<vmem_shared>> -> memref<80x128xf32, #tpu.memory_space<vmem_shared>>
      tpu.enqueue_dma source(%dma_start3A_85 : memref<80x128xf32, #tpu.memory_space<vmem_shared>>) target(%arg9 : memref<80x128xf32, #tpu.memory_space<vmem>>) target_semaphore(%arg14 : memref<!tpu.dma_semaphore, #tpu.memory_space<semaphore_mem>>)
      %dma_wait3A_86 = arith.constant 0 : i32
      %dma_wait3A_87 = tpu.memref_slice %arg13[%multiple_of3A_78, %dma_wait3A_86] : memref<10240x128xf32, #tpu.memory_space<vmem_shared>> -> memref<80x128xf32, #tpu.memory_space<vmem_shared>>
      %dma_wait3A_88 = arith.constant 0 : i32
      %dma_wait3A_89 = tpu.memref_slice %arg13[%multiple_of3A_78, %dma_wait3A_88] : memref<10240x128xf32, #tpu.memory_space<vmem_shared>> -> memref<80x128xf32, #tpu.memory_space<vmem_shared>>
      tpu.wait_dma2 semaphore(%arg14 : memref<!tpu.dma_semaphore, #tpu.memory_space<semaphore_mem>>) src(%dma_wait3A_89 : memref<80x128xf32, #tpu.memory_space<vmem_shared>>) dst(%arg9 : memref<80x128xf32, #tpu.memory_space<vmem>>)
      %dma_start3A_90 = arith.constant 0 : i32
      %dma_start3A_91 = tpu.memref_slice %arg6[%multiple_of3A_81, %dma_start3A_90] : memref<20000x128xf32, #tpu.memory_space<hbm>> -> memref<80x128xf32, #tpu.memory_space<hbm>>
      %dma_start3A_92 = arith.constant 0 : i32
      %dma_start3A_93 = tpu.memref_slice %arg6[%multiple_of3A_81, %dma_start3A_92] : memref<20000x128xf32, #tpu.memory_space<hbm>> -> memref<80x128xf32, #tpu.memory_space<hbm>>
      tpu.enqueue_dma source(%arg9 : memref<80x128xf32, #tpu.memory_space<vmem>>) target(%dma_start3A_93 : memref<80x128xf32, #tpu.memory_space<hbm>>) target_semaphore(%arg16 : memref<!tpu.dma_semaphore, #tpu.memory_space<semaphore_mem>>)
      %add3A_94 = arith.constant 80 : i32
      %add3A_95 = arith.addi %multiple_of3A, %add3A_94 : i32
      %multiple_of3A_96 = tpu.assume_multiple %add3A_95, 8 : i32
      %add3A_97 = arith.constant 80 : i32
      %add3A_98 = arith.addi %multiple_of3A_69, %add3A_97 : i32
      %multiple_of3A_99 = tpu.assume_multiple %add3A_98, 8 : i32
      %dma_start3A_100 = arith.constant 0 : i32
      %dma_start3A_101 = tpu.memref_slice %arg13[%multiple_of3A_96, %dma_start3A_100] : memref<10240x128xf32, #tpu.memory_space<vmem_shared>> -> memref<80x128xf32, #tpu.memory_space<vmem_shared>>
      %dma_start3A_102 = arith.constant 0 : i32
      %dma_start3A_103 = tpu.memref_slice %arg13[%multiple_of3A_96, %dma_start3A_102] : memref<10240x128xf32, #tpu.memory_space<vmem_shared>> -> memref<80x128xf32, #tpu.memory_space<vmem_shared>>
      tpu.enqueue_dma source(%dma_start3A_103 : memref<80x128xf32, #tpu.memory_space<vmem_shared>>) target(%arg12 : memref<80x128xf32, #tpu.memory_space<vmem>>) target_semaphore(%arg15 : memref<!tpu.dma_semaphore, #tpu.memory_space<semaphore_mem>>)
      %dma_wait3A_104 = arith.constant 0 : i32
      %dma_wait3A_105 = tpu.memref_slice %arg13[%multiple_of3A_96, %dma_wait3A_104] : memref<10240x128xf32, #tpu.memory_space<vmem_shared>> -> memref<80x128xf32, #tpu.memory_space<vmem_shared>>
      %dma_wait3A_106 = arith.constant 0 : i32
      %dma_wait3A_107 = tpu.memref_slice %arg13[%multiple_of3A_96, %dma_wait3A_106] : memref<10240x128xf32, #tpu.memory_space<vmem_shared>> -> memref<80x128xf32, #tpu.memory_space<vmem_shared>>
      tpu.wait_dma2 semaphore(%arg15 : memref<!tpu.dma_semaphore, #tpu.memory_space<semaphore_mem>>) src(%dma_wait3A_107 : memref<80x128xf32, #tpu.memory_space<vmem_shared>>) dst(%arg12 : memref<80x128xf32, #tpu.memory_space<vmem>>)
      %dma_start3A_108 = arith.constant 0 : i32
      %dma_start3A_109 = tpu.memref_slice %arg6[%multiple_of3A_99, %dma_start3A_108] : memref<20000x128xf32, #tpu.memory_space<hbm>> -> memref<80x128xf32, #tpu.memory_space<hbm>>
      %dma_start3A_110 = arith.constant 0 : i32
      %dma_start3A_111 = tpu.memref_slice %arg6[%multiple_of3A_99, %dma_start3A_110] : memref<20000x128xf32, #tpu.memory_space<hbm>> -> memref<80x128xf32, #tpu.memory_space<hbm>>
      tpu.enqueue_dma source(%arg12 : memref<80x128xf32, #tpu.memory_space<vmem>>) target(%dma_start3A_111 : memref<80x128xf32, #tpu.memory_space<hbm>>) target_semaphore(%arg17 : memref<!tpu.dma_semaphore, #tpu.memory_space<semaphore_mem>>)
      %add3A_112 = arith.constant 160 : i32
      %add3A_113 = arith.addi %multiple_of3A, %add3A_112 : i32
      %multiple_of3A_114 = tpu.assume_multiple %add3A_113, 8 : i32
      %add3A_115 = arith.constant 160 : i32
      %add3A_116 = arith.addi %multiple_of3A_69, %add3A_115 : i32
      %multiple_of3A_117 = tpu.assume_multiple %add3A_116, 8 : i32
      %add3A_118 = arith.constant 0 : i32
      %add3A_119 = arith.addi %multiple_of3A_69, %add3A_118 : i32
      %multiple_of3A_120 = tpu.assume_multiple %add3A_119, 8 : i32
      %dma_wait3A_121 = arith.constant 0 : i32
      %dma_wait3A_122 = tpu.memref_slice %arg6[%multiple_of3A_120, %dma_wait3A_121] : memref<20000x128xf32, #tpu.memory_space<hbm>> -> memref<80x128xf32, #tpu.memory_space<hbm>>
      %dma_wait3A_123 = arith.constant 0 : i32
      %dma_wait3A_124 = tpu.memref_slice %arg6[%multiple_of3A_120, %dma_wait3A_123] : memref<20000x128xf32, #tpu.memory_space<hbm>> -> memref<80x128xf32, #tpu.memory_space<hbm>>
      tpu.wait_dma2 semaphore(%arg16 : memref<!tpu.dma_semaphore, #tpu.memory_space<semaphore_mem>>) src(%arg9 : memref<80x128xf32, #tpu.memory_space<vmem>>) dst(%dma_wait3A_124 : memref<80x128xf32, #tpu.memory_space<hbm>>)
      %dma_start3A_125 = arith.constant 0 : i32
      %dma_start3A_126 = tpu.memref_slice %arg13[%multiple_of3A_114, %dma_start3A_125] : memref<10240x128xf32, #tpu.memory_space<vmem_shared>> -> memref<80x128xf32, #tpu.memory_space<vmem_shared>>
      %dma_start3A_127 = arith.constant 0 : i32
      %dma_start3A_128 = tpu.memref_slice %arg13[%multiple_of3A_114, %dma_start3A_127] : memref<10240x128xf32, #tpu.memory_space<vmem_shared>> -> memref<80x128xf32, #tpu.memory_space<vmem_shared>>
      tpu.enqueue_dma source(%dma_start3A_128 : memref<80x128xf32, #tpu.memory_space<vmem_shared>>) target(%arg9 : memref<80x128xf32, #tpu.memory_space<vmem>>) target_semaphore(%arg14 : memref<!tpu.dma_semaphore, #tpu.memory_space<semaphore_mem>>)
      %dma_wait3A_129 = arith.constant 0 : i32
      %dma_wait3A_130 = tpu.memref_slice %arg13[%multiple_of3A_114, %dma_wait3A_129] : memref<10240x128xf32, #tpu.memory_space<vmem_shared>> -> memref<80x128xf32, #tpu.memory_space<vmem_shared>>
      %dma_wait3A_131 = arith.constant 0 : i32
      %dma_wait3A_132 = tpu.memref_slice %arg13[%multiple_of3A_114, %dma_wait3A_131] : memref<10240x128xf32, #tpu.memory_space<vmem_shared>> -> memref<80x128xf32, #tpu.memory_space<vmem_shared>>
      tpu.wait_dma2 semaphore(%arg14 : memref<!tpu.dma_semaphore, #tpu.memory_space<semaphore_mem>>) src(%dma_wait3A_132 : memref<80x128xf32, #tpu.memory_space<vmem_shared>>) dst(%arg9 : memref<80x128xf32, #tpu.memory_space<vmem>>)
      %dma_start3A_133 = arith.constant 0 : i32
      %dma_start3A_134 = tpu.memref_slice %arg6[%multiple_of3A_117, %dma_start3A_133] : memref<20000x128xf32, #tpu.memory_space<hbm>> -> memref<80x128xf32, #tpu.memory_space<hbm>>
      %dma_start3A_135 = arith.constant 0 : i32
      %dma_start3A_136 = tpu.memref_slice %arg6[%multiple_of3A_117, %dma_start3A_135] : memref<20000x128xf32, #tpu.memory_space<hbm>> -> memref<80x128xf32, #tpu.memory_space<hbm>>
      tpu.enqueue_dma source(%arg9 : memref<80x128xf32, #tpu.memory_space<vmem>>) target(%dma_start3A_136 : memref<80x128xf32, #tpu.memory_space<hbm>>) target_semaphore(%arg16 : memref<!tpu.dma_semaphore, #tpu.memory_space<semaphore_mem>>)
      %add3A_137 = arith.constant 240 : i32
      %add3A_138 = arith.addi %multiple_of3A, %add3A_137 : i32
      %multiple_of3A_139 = tpu.assume_multiple %add3A_138, 8 : i32
      %add3A_140 = arith.constant 240 : i32
      %add3A_141 = arith.addi %multiple_of3A_69, %add3A_140 : i32
      %multiple_of3A_142 = tpu.assume_multiple %add3A_141, 8 : i32
      %add3A_143 = arith.constant 80 : i32
      %add3A_144 = arith.addi %multiple_of3A_69, %add3A_143 : i32
      %multiple_of3A_145 = tpu.assume_multiple %add3A_144, 8 : i32
      %dma_wait3A_146 = arith.constant 0 : i32
      %dma_wait3A_147 = tpu.memref_slice %arg6[%multiple_of3A_145, %dma_wait3A_146] : memref<20000x128xf32, #tpu.memory_space<hbm>> -> memref<80x128xf32, #tpu.memory_space<hbm>>
      %dma_wait3A_148 = arith.constant 0 : i32
      %dma_wait3A_149 = tpu.memref_slice %arg6[%multiple_of3A_145, %dma_wait3A_148] : memref<20000x128xf32, #tpu.memory_space<hbm>> -> memref<80x128xf32, #tpu.memory_space<hbm>>
      tpu.wait_dma2 semaphore(%arg17 : memref<!tpu.dma_semaphore, #tpu.memory_space<semaphore_mem>>) src(%arg12 : memref<80x128xf32, #tpu.memory_space<vmem>>) dst(%dma_wait3A_149 : memref<80x128xf32, #tpu.memory_space<hbm>>)
      %dma_start3A_150 = arith.constant 0 : i32
      %dma_start3A_151 = tpu.memref_slice %arg13[%multiple_of3A_139, %dma_start3A_150] : memref<10240x128xf32, #tpu.memory_space<vmem_shared>> -> memref<80x128xf32, #tpu.memory_space<vmem_shared>>
      %dma_start3A_152 = arith.constant 0 : i32
      %dma_start3A_153 = tpu.memref_slice %arg13[%multiple_of3A_139, %dma_start3A_152] : memref<10240x128xf32, #tpu.memory_space<vmem_shared>> -> memref<80x128xf32, #tpu.memory_space<vmem_shared>>
      tpu.enqueue_dma source(%dma_start3A_153 : memref<80x128xf32, #tpu.memory_space<vmem_shared>>) target(%arg12 : memref<80x128xf32, #tpu.memory_space<vmem>>) target_semaphore(%arg15 : memref<!tpu.dma_semaphore, #tpu.memory_space<semaphore_mem>>)
      %dma_wait3A_154 = arith.constant 0 : i32
      %dma_wait3A_155 = tpu.memref_slice %arg13[%multiple_of3A_139, %dma_wait3A_154] : memref<10240x128xf32, #tpu.memory_space<vmem_shared>> -> memref<80x128xf32, #tpu.memory_space<vmem_shared>>
      %dma_wait3A_156 = arith.constant 0 : i32
      %dma_wait3A_157 = tpu.memref_slice %arg13[%multiple_of3A_139, %dma_wait3A_156] : memref<10240x128xf32, #tpu.memory_space<vmem_shared>> -> memref<80x128xf32, #tpu.memory_space<vmem_shared>>
      tpu.wait_dma2 semaphore(%arg15 : memref<!tpu.dma_semaphore, #tpu.memory_space<semaphore_mem>>) src(%dma_wait3A_157 : memref<80x128xf32, #tpu.memory_space<vmem_shared>>) dst(%arg12 : memref<80x128xf32, #tpu.memory_space<vmem>>)
      %dma_start3A_158 = arith.constant 0 : i32
      %dma_start3A_159 = tpu.memref_slice %arg6[%multiple_of3A_142, %dma_start3A_158] : memref<20000x128xf32, #tpu.memory_space<hbm>> -> memref<80x128xf32, #tpu.memory_space<hbm>>
      %dma_start3A_160 = arith.constant 0 : i32
      %dma_start3A_161 = tpu.memref_slice %arg6[%multiple_of3A_142, %dma_start3A_160] : memref<20000x128xf32, #tpu.memory_space<hbm>> -> memref<80x128xf32, #tpu.memory_space<hbm>>
      tpu.enqueue_dma source(%arg12 : memref<80x128xf32, #tpu.memory_space<vmem>>) target(%dma_start3A_161 : memref<80x128xf32, #tpu.memory_space<hbm>>) target_semaphore(%arg17 : memref<!tpu.dma_semaphore, #tpu.memory_space<semaphore_mem>>)
      %add3A_162 = arith.constant 320 : i32
      %add3A_163 = arith.addi %multiple_of3A, %add3A_162 : i32
      %multiple_of3A_164 = tpu.assume_multiple %add3A_163, 8 : i32
      %add3A_165 = arith.constant 320 : i32
      %add3A_166 = arith.addi %multiple_of3A_69, %add3A_165 : i32
      %multiple_of3A_167 = tpu.assume_multiple %add3A_166, 8 : i32
      %add3A_168 = arith.constant 160 : i32
      %add3A_169 = arith.addi %multiple_of3A_69, %add3A_168 : i32
      %multiple_of3A_170 = tpu.assume_multiple %add3A_169, 8 : i32
      %dma_wait3A_171 = arith.constant 0 : i32
      %dma_wait3A_172 = tpu.memref_slice %arg6[%multiple_of3A_170, %dma_wait3A_171] : memref<20000x128xf32, #tpu.memory_space<hbm>> -> memref<80x128xf32, #tpu.memory_space<hbm>>
      %dma_wait3A_173 = arith.constant 0 : i32
      %dma_wait3A_174 = tpu.memref_slice %arg6[%multiple_of3A_170, %dma_wait3A_173] : memref<20000x128xf32, #tpu.memory_space<hbm>> -> memref<80x128xf32, #tpu.memory_space<hbm>>
      tpu.wait_dma2 semaphore(%arg16 : memref<!tpu.dma_semaphore, #tpu.memory_space<semaphore_mem>>) src(%arg9 : memref<80x128xf32, #tpu.memory_space<vmem>>) dst(%dma_wait3A_174 : memref<80x128xf32, #tpu.memory_space<hbm>>)
      %dma_start3A_175 = arith.constant 0 : i32
      %dma_start3A_176 = tpu.memref_slice %arg13[%multiple_of3A_164, %dma_start3A_175] : memref<10240x128xf32, #tpu.memory_space<vmem_shared>> -> memref<80x128xf32, #tpu.memory_space<vmem_shared>>
      %dma_start3A_177 = arith.constant 0 : i32
      %dma_start3A_178 = tpu.memref_slice %arg13[%multiple_of3A_164, %dma_start3A_177] : memref<10240x128xf32, #tpu.memory_space<vmem_shared>> -> memref<80x128xf32, #tpu.memory_space<vmem_shared>>
      tpu.enqueue_dma source(%dma_start3A_178 : memref<80x128xf32, #tpu.memory_space<vmem_shared>>) target(%arg9 : memref<80x128xf32, #tpu.memory_space<vmem>>) target_semaphore(%arg14 : memref<!tpu.dma_semaphore, #tpu.memory_space<semaphore_mem>>)
      %dma_wait3A_179 = arith.constant 0 : i32
      %dma_wait3A_180 = tpu.memref_slice %arg13[%multiple_of3A_164, %dma_wait3A_179] : memref<10240x128xf32, #tpu.memory_space<vmem_shared>> -> memref<80x128xf32, #tpu.memory_space<vmem_shared>>
      %dma_wait3A_181 = arith.constant 0 : i32
      %dma_wait3A_182 = tpu.memref_slice %arg13[%multiple_of3A_164, %dma_wait3A_181] : memref<10240x128xf32, #tpu.memory_space<vmem_shared>> -> memref<80x128xf32, #tpu.memory_space<vmem_shared>>
      tpu.wait_dma2 semaphore(%arg14 : memref<!tpu.dma_semaphore, #tpu.memory_space<semaphore_mem>>) src(%dma_wait3A_182 : memref<80x128xf32, #tpu.memory_space<vmem_shared>>) dst(%arg9 : memref<80x128xf32, #tpu.memory_space<vmem>>)
      %dma_start3A_183 = arith.constant 0 : i32
      %dma_start3A_184 = tpu.memref_slice %arg6[%multiple_of3A_167, %dma_start3A_183] : memref<20000x128xf32, #tpu.memory_space<hbm>> -> memref<80x128xf32, #tpu.memory_space<hbm>>
      %dma_start3A_185 = arith.constant 0 : i32
      %dma_start3A_186 = tpu.memref_slice %arg6[%multiple_of3A_167, %dma_start3A_185] : memref<20000x128xf32, #tpu.memory_space<hbm>> -> memref<80x128xf32, #tpu.memory_space<hbm>>
      tpu.enqueue_dma source(%arg9 : memref<80x128xf32, #tpu.memory_space<vmem>>) target(%dma_start3A_186 : memref<80x128xf32, #tpu.memory_space<hbm>>) target_semaphore(%arg16 : memref<!tpu.dma_semaphore, #tpu.memory_space<semaphore_mem>>)
      %add3A_187 = arith.constant 400 : i32
      %add3A_188 = arith.addi %multiple_of3A, %add3A_187 : i32
      %multiple_of3A_189 = tpu.assume_multiple %add3A_188, 8 : i32
      %add3A_190 = arith.constant 400 : i32
      %add3A_191 = arith.addi %multiple_of3A_69, %add3A_190 : i32
      %multiple_of3A_192 = tpu.assume_multiple %add3A_191, 8 : i32
      %add3A_193 = arith.constant 240 : i32
      %add3A_194 = arith.addi %multiple_of3A_69, %add3A_193 : i32
      %multiple_of3A_195 = tpu.assume_multiple %add3A_194, 8 : i32
      %dma_wait3A_196 = arith.constant 0 : i32
      %dma_wait3A_197 = tpu.memref_slice %arg6[%multiple_of3A_195, %dma_wait3A_196] : memref<20000x128xf32, #tpu.memory_space<hbm>> -> memref<80x128xf32, #tpu.memory_space<hbm>>
      %dma_wait3A_198 = arith.constant 0 : i32
      %dma_wait3A_199 = tpu.memref_slice %arg6[%multiple_of3A_195, %dma_wait3A_198] : memref<20000x128xf32, #tpu.memory_space<hbm>> -> memref<80x128xf32, #tpu.memory_space<hbm>>
      tpu.wait_dma2 semaphore(%arg17 : memref<!tpu.dma_semaphore, #tpu.memory_space<semaphore_mem>>) src(%arg12 : memref<80x128xf32, #tpu.memory_space<vmem>>) dst(%dma_wait3A_199 : memref<80x128xf32, #tpu.memory_space<hbm>>)
      %dma_start3A_200 = arith.constant 0 : i32
      %dma_start3A_201 = tpu.memref_slice %arg13[%multiple_of3A_189, %dma_start3A_200] : memref<10240x128xf32, #tpu.memory_space<vmem_shared>> -> memref<80x128xf32, #tpu.memory_space<vmem_shared>>
      %dma_start3A_202 = arith.constant 0 : i32
      %dma_start3A_203 = tpu.memref_slice %arg13[%multiple_of3A_189, %dma_start3A_202] : memref<10240x128xf32, #tpu.memory_space<vmem_shared>> -> memref<80x128xf32, #tpu.memory_space<vmem_shared>>
      tpu.enqueue_dma source(%dma_start3A_203 : memref<80x128xf32, #tpu.memory_space<vmem_shared>>) target(%arg12 : memref<80x128xf32, #tpu.memory_space<vmem>>) target_semaphore(%arg15 : memref<!tpu.dma_semaphore, #tpu.memory_space<semaphore_mem>>)
      %dma_wait3A_204 = arith.constant 0 : i32
      %dma_wait3A_205 = tpu.memref_slice %arg13[%multiple_of3A_189, %dma_wait3A_204] : memref<10240x128xf32, #tpu.memory_space<vmem_shared>> -> memref<80x128xf32, #tpu.memory_space<vmem_shared>>
      %dma_wait3A_206 = arith.constant 0 : i32
      %dma_wait3A_207 = tpu.memref_slice %arg13[%multiple_of3A_189, %dma_wait3A_206] : memref<10240x128xf32, #tpu.memory_space<vmem_shared>> -> memref<80x128xf32, #tpu.memory_space<vmem_shared>>
      tpu.wait_dma2 semaphore(%arg15 : memref<!tpu.dma_semaphore, #tpu.memory_space<semaphore_mem>>) src(%dma_wait3A_207 : memref<80x128xf32, #tpu.memory_space<vmem_shared>>) dst(%arg12 : memref<80x128xf32, #tpu.memory_space<vmem>>)
      %dma_start3A_208 = arith.constant 0 : i32
      %dma_start3A_209 = tpu.memref_slice %arg6[%multiple_of3A_192, %dma_start3A_208] : memref<20000x128xf32, #tpu.memory_space<hbm>> -> memref<80x128xf32, #tpu.memory_space<hbm>>
      %dma_start3A_210 = arith.constant 0 : i32
      %dma_start3A_211 = tpu.memref_slice %arg6[%multiple_of3A_192, %dma_start3A_210] : memref<20000x128xf32, #tpu.memory_space<hbm>> -> memref<80x128xf32, #tpu.memory_space<hbm>>
      tpu.enqueue_dma source(%arg12 : memref<80x128xf32, #tpu.memory_space<vmem>>) target(%dma_start3A_211 : memref<80x128xf32, #tpu.memory_space<hbm>>) target_semaphore(%arg17 : memref<!tpu.dma_semaphore, #tpu.memory_space<semaphore_mem>>)
      %add3A_212 = arith.constant 480 : i32
      %add3A_213 = arith.addi %multiple_of3A, %add3A_212 : i32
      %multiple_of3A_214 = tpu.assume_multiple %add3A_213, 8 : i32
      %add3A_215 = arith.constant 480 : i32
      %add3A_216 = arith.addi %multiple_of3A_69, %add3A_215 : i32
      %multiple_of3A_217 = tpu.assume_multiple %add3A_216, 8 : i32
      %add3A_218 = arith.constant 320 : i32
      %add3A_219 = arith.addi %multiple_of3A_69, %add3A_218 : i32
      %multiple_of3A_220 = tpu.assume_multiple %add3A_219, 8 : i32
      %dma_wait3A_221 = arith.constant 0 : i32
      %dma_wait3A_222 = tpu.memref_slice %arg6[%multiple_of3A_220, %dma_wait3A_221] : memref<20000x128xf32, #tpu.memory_space<hbm>> -> memref<80x128xf32, #tpu.memory_space<hbm>>
      %dma_wait3A_223 = arith.constant 0 : i32
      %dma_wait3A_224 = tpu.memref_slice %arg6[%multiple_of3A_220, %dma_wait3A_223] : memref<20000x128xf32, #tpu.memory_space<hbm>> -> memref<80x128xf32, #tpu.memory_space<hbm>>
      tpu.wait_dma2 semaphore(%arg16 : memref<!tpu.dma_semaphore, #tpu.memory_space<semaphore_mem>>) src(%arg9 : memref<80x128xf32, #tpu.memory_space<vmem>>) dst(%dma_wait3A_224 : memref<80x128xf32, #tpu.memory_space<hbm>>)
      %dma_start3A_225 = arith.constant 0 : i32
      %dma_start3A_226 = tpu.memref_slice %arg13[%multiple_of3A_214, %dma_start3A_225] : memref<10240x128xf32, #tpu.memory_space<vmem_shared>> -> memref<80x128xf32, #tpu.memory_space<vmem_shared>>
      %dma_start3A_227 = arith.constant 0 : i32
      %dma_start3A_228 = tpu.memref_slice %arg13[%multiple_of3A_214, %dma_start3A_227] : memref<10240x128xf32, #tpu.memory_space<vmem_shared>> -> memref<80x128xf32, #tpu.memory_space<vmem_shared>>
      tpu.enqueue_dma source(%dma_start3A_228 : memref<80x128xf32, #tpu.memory_space<vmem_shared>>) target(%arg9 : memref<80x128xf32, #tpu.memory_space<vmem>>) target_semaphore(%arg14 : memref<!tpu.dma_semaphore, #tpu.memory_space<semaphore_mem>>)
      %dma_wait3A_229 = arith.constant 0 : i32
      %dma_wait3A_230 = tpu.memref_slice %arg13[%multiple_of3A_214, %dma_wait3A_229] : memref<10240x128xf32, #tpu.memory_space<vmem_shared>> -> memref<80x128xf32, #tpu.memory_space<vmem_shared>>
      %dma_wait3A_231 = arith.constant 0 : i32
      %dma_wait3A_232 = tpu.memref_slice %arg13[%multiple_of3A_214, %dma_wait3A_231] : memref<10240x128xf32, #tpu.memory_space<vmem_shared>> -> memref<80x128xf32, #tpu.memory_space<vmem_shared>>
      tpu.wait_dma2 semaphore(%arg14 : memref<!tpu.dma_semaphore, #tpu.memory_space<semaphore_mem>>) src(%dma_wait3A_232 : memref<80x128xf32, #tpu.memory_space<vmem_shared>>) dst(%arg9 : memref<80x128xf32, #tpu.memory_space<vmem>>)
      %dma_start3A_233 = arith.constant 0 : i32
      %dma_start3A_234 = tpu.memref_slice %arg6[%multiple_of3A_217, %dma_start3A_233] : memref<20000x128xf32, #tpu.memory_space<hbm>> -> memref<80x128xf32, #tpu.memory_space<hbm>>
      %dma_start3A_235 = arith.constant 0 : i32
      %dma_start3A_236 = tpu.memref_slice %arg6[%multiple_of3A_217, %dma_start3A_235] : memref<20000x128xf32, #tpu.memory_space<hbm>> -> memref<80x128xf32, #tpu.memory_space<hbm>>
      tpu.enqueue_dma source(%arg9 : memref<80x128xf32, #tpu.memory_space<vmem>>) target(%dma_start3A_236 : memref<80x128xf32, #tpu.memory_space<hbm>>) target_semaphore(%arg16 : memref<!tpu.dma_semaphore, #tpu.memory_space<semaphore_mem>>)
      %add3A_237 = arith.constant 560 : i32
      %add3A_238 = arith.addi %multiple_of3A, %add3A_237 : i32
      %multiple_of3A_239 = tpu.assume_multiple %add3A_238, 8 : i32
      %add3A_240 = arith.constant 560 : i32
      %add3A_241 = arith.addi %multiple_of3A_69, %add3A_240 : i32
      %multiple_of3A_242 = tpu.assume_multiple %add3A_241, 8 : i32
      %add3A_243 = arith.constant 400 : i32
      %add3A_244 = arith.addi %multiple_of3A_69, %add3A_243 : i32
      %multiple_of3A_245 = tpu.assume_multiple %add3A_244, 8 : i32
      %dma_wait3A_246 = arith.constant 0 : i32
      %dma_wait3A_247 = tpu.memref_slice %arg6[%multiple_of3A_245, %dma_wait3A_246] : memref<20000x128xf32, #tpu.memory_space<hbm>> -> memref<80x128xf32, #tpu.memory_space<hbm>>
      %dma_wait3A_248 = arith.constant 0 : i32
      %dma_wait3A_249 = tpu.memref_slice %arg6[%multiple_of3A_245, %dma_wait3A_248] : memref<20000x128xf32, #tpu.memory_space<hbm>> -> memref<80x128xf32, #tpu.memory_space<hbm>>
      tpu.wait_dma2 semaphore(%arg17 : memref<!tpu.dma_semaphore, #tpu.memory_space<semaphore_mem>>) src(%arg12 : memref<80x128xf32, #tpu.memory_space<vmem>>) dst(%dma_wait3A_249 : memref<80x128xf32, #tpu.memory_space<hbm>>)
      %dma_start3A_250 = arith.constant 0 : i32
      %dma_start3A_251 = tpu.memref_slice %arg13[%multiple_of3A_239, %dma_start3A_250] : memref<10240x128xf32, #tpu.memory_space<vmem_shared>> -> memref<80x128xf32, #tpu.memory_space<vmem_shared>>
      %dma_start3A_252 = arith.constant 0 : i32
      %dma_start3A_253 = tpu.memref_slice %arg13[%multiple_of3A_239, %dma_start3A_252] : memref<10240x128xf32, #tpu.memory_space<vmem_shared>> -> memref<80x128xf32, #tpu.memory_space<vmem_shared>>
      tpu.enqueue_dma source(%dma_start3A_253 : memref<80x128xf32, #tpu.memory_space<vmem_shared>>) target(%arg12 : memref<80x128xf32, #tpu.memory_space<vmem>>) target_semaphore(%arg15 : memref<!tpu.dma_semaphore, #tpu.memory_space<semaphore_mem>>)
      %dma_wait3A_254 = arith.constant 0 : i32
      %dma_wait3A_255 = tpu.memref_slice %arg13[%multiple_of3A_239, %dma_wait3A_254] : memref<10240x128xf32, #tpu.memory_space<vmem_shared>> -> memref<80x128xf32, #tpu.memory_space<vmem_shared>>
      %dma_wait3A_256 = arith.constant 0 : i32
      %dma_wait3A_257 = tpu.memref_slice %arg13[%multiple_of3A_239, %dma_wait3A_256] : memref<10240x128xf32, #tpu.memory_space<vmem_shared>> -> memref<80x128xf32, #tpu.memory_space<vmem_shared>>
      tpu.wait_dma2 semaphore(%arg15 : memref<!tpu.dma_semaphore, #tpu.memory_space<semaphore_mem>>) src(%dma_wait3A_257 : memref<80x128xf32, #tpu.memory_space<vmem_shared>>) dst(%arg12 : memref<80x128xf32, #tpu.memory_space<vmem>>)
      %dma_start3A_258 = arith.constant 0 : i32
      %dma_start3A_259 = tpu.memref_slice %arg6[%multiple_of3A_242, %dma_start3A_258] : memref<20000x128xf32, #tpu.memory_space<hbm>> -> memref<80x128xf32, #tpu.memory_space<hbm>>
      %dma_start3A_260 = arith.constant 0 : i32
      %dma_start3A_261 = tpu.memref_slice %arg6[%multiple_of3A_242, %dma_start3A_260] : memref<20000x128xf32, #tpu.memory_space<hbm>> -> memref<80x128xf32, #tpu.memory_space<hbm>>
      tpu.enqueue_dma source(%arg12 : memref<80x128xf32, #tpu.memory_space<vmem>>) target(%dma_start3A_261 : memref<80x128xf32, #tpu.memory_space<hbm>>) target_semaphore(%arg17 : memref<!tpu.dma_semaphore, #tpu.memory_space<semaphore_mem>>)
      %add3A_262 = arith.constant 480 : i32
      %add3A_263 = arith.addi %multiple_of3A_69, %add3A_262 : i32
      %multiple_of3A_264 = tpu.assume_multiple %add3A_263, 8 : i32
      %dma_wait3A_265 = arith.constant 0 : i32
      %dma_wait3A_266 = tpu.memref_slice %arg6[%multiple_of3A_264, %dma_wait3A_265] : memref<20000x128xf32, #tpu.memory_space<hbm>> -> memref<80x128xf32, #tpu.memory_space<hbm>>
      %dma_wait3A_267 = arith.constant 0 : i32
      %dma_wait3A_268 = tpu.memref_slice %arg6[%multiple_of3A_264, %dma_wait3A_267] : memref<20000x128xf32, #tpu.memory_space<hbm>> -> memref<80x128xf32, #tpu.memory_space<hbm>>
      tpu.wait_dma2 semaphore(%arg16 : memref<!tpu.dma_semaphore, #tpu.memory_space<semaphore_mem>>) src(%arg9 : memref<80x128xf32, #tpu.memory_space<vmem>>) dst(%dma_wait3A_268 : memref<80x128xf32, #tpu.memory_space<hbm>>)
      %add3A_269 = arith.constant 560 : i32
      %add3A_270 = arith.addi %multiple_of3A_69, %add3A_269 : i32
      %multiple_of3A_271 = tpu.assume_multiple %add3A_270, 8 : i32
      %dma_wait3A_272 = arith.constant 0 : i32
      %dma_wait3A_273 = tpu.memref_slice %arg6[%multiple_of3A_271, %dma_wait3A_272] : memref<20000x128xf32, #tpu.memory_space<hbm>> -> memref<80x128xf32, #tpu.memory_space<hbm>>
      %dma_wait3A_274 = arith.constant 0 : i32
      %dma_wait3A_275 = tpu.memref_slice %arg6[%multiple_of3A_271, %dma_wait3A_274] : memref<20000x128xf32, #tpu.memory_space<hbm>> -> memref<80x128xf32, #tpu.memory_space<hbm>>
      tpu.wait_dma2 semaphore(%arg17 : memref<!tpu.dma_semaphore, #tpu.memory_space<semaphore_mem>>) src(%arg12 : memref<80x128xf32, #tpu.memory_space<vmem>>) dst(%dma_wait3A_275 : memref<80x128xf32, #tpu.memory_space<hbm>>)
    } else {
    }
    %eq3A = arith.constant 15 : i32
    %eq3A_72 = arith.cmpi eq, %arg1, %eq3A : i32
    %convert_element_type3A_73 = arith.extui %eq3A_72 : i1 to i32
    %cond3A_74 = arith.constant 0 : i32
    %cond3A_75 = arith.cmpi ne, %convert_element_type3A_73, %cond3A_74 : i32
    scf.if %cond3A_75 {
      %add3A_76 = arith.constant 0 : i32
      %add3A_77 = arith.addi %multiple_of3A, %add3A_76 : i32
      %multiple_of3A_78 = tpu.assume_multiple %add3A_77, 8 : i32
      %add3A_79 = arith.constant 0 : i32
      %add3A_80 = arith.addi %multiple_of3A_69, %add3A_79 : i32
      %multiple_of3A_81 = tpu.assume_multiple %add3A_80, 8 : i32
      %dma_start3A_82 = arith.constant 0 : i32
      %dma_start3A_83 = tpu.memref_slice %arg13[%multiple_of3A_78, %dma_start3A_82] : memref<10240x128xf32, #tpu.memory_space<vmem_shared>> -> memref<80x128xf32, #tpu.memory_space<vmem_shared>>
      %dma_start3A_84 = arith.constant 0 : i32
      %dma_start3A_85 = tpu.memref_slice %arg13[%multiple_of3A_78, %dma_start3A_84] : memref<10240x128xf32, #tpu.memory_space<vmem_shared>> -> memref<80x128xf32, #tpu.memory_space<vmem_shared>>
      tpu.enqueue_dma source(%dma_start3A_85 : memref<80x128xf32, #tpu.memory_space<vmem_shared>>) target(%arg9 : memref<80x128xf32, #tpu.memory_space<vmem>>) target_semaphore(%arg14 : memref<!tpu.dma_semaphore, #tpu.memory_space<semaphore_mem>>)
      %dma_wait3A_86 = arith.constant 0 : i32
      %dma_wait3A_87 = tpu.memref_slice %arg13[%multiple_of3A_78, %dma_wait3A_86] : memref<10240x128xf32, #tpu.memory_space<vmem_shared>> -> memref<80x128xf32, #tpu.memory_space<vmem_shared>>
      %dma_wait3A_88 = arith.constant 0 : i32
      %dma_wait3A_89 = tpu.memref_slice %arg13[%multiple_of3A_78, %dma_wait3A_88] : memref<10240x128xf32, #tpu.memory_space<vmem_shared>> -> memref<80x128xf32, #tpu.memory_space<vmem_shared>>
      tpu.wait_dma2 semaphore(%arg14 : memref<!tpu.dma_semaphore, #tpu.memory_space<semaphore_mem>>) src(%dma_wait3A_89 : memref<80x128xf32, #tpu.memory_space<vmem_shared>>) dst(%arg9 : memref<80x128xf32, #tpu.memory_space<vmem>>)
      %dma_start3A_90 = arith.constant 0 : i32
      %dma_start3A_91 = tpu.memref_slice %arg6[%multiple_of3A_81, %dma_start3A_90] : memref<20000x128xf32, #tpu.memory_space<hbm>> -> memref<80x128xf32, #tpu.memory_space<hbm>>
      %dma_start3A_92 = arith.constant 0 : i32
      %dma_start3A_93 = tpu.memref_slice %arg6[%multiple_of3A_81, %dma_start3A_92] : memref<20000x128xf32, #tpu.memory_space<hbm>> -> memref<80x128xf32, #tpu.memory_space<hbm>>
      tpu.enqueue_dma source(%arg9 : memref<80x128xf32, #tpu.memory_space<vmem>>) target(%dma_start3A_93 : memref<80x128xf32, #tpu.memory_space<hbm>>) target_semaphore(%arg16 : memref<!tpu.dma_semaphore, #tpu.memory_space<semaphore_mem>>)
      %add3A_94 = arith.constant 80 : i32
      %add3A_95 = arith.addi %multiple_of3A, %add3A_94 : i32
      %multiple_of3A_96 = tpu.assume_multiple %add3A_95, 8 : i32
      %add3A_97 = arith.constant 80 : i32
      %add3A_98 = arith.addi %multiple_of3A_69, %add3A_97 : i32
      %multiple_of3A_99 = tpu.assume_multiple %add3A_98, 8 : i32
      %dma_start3A_100 = arith.constant 0 : i32
      %dma_start3A_101 = tpu.memref_slice %arg13[%multiple_of3A_96, %dma_start3A_100] : memref<10240x128xf32, #tpu.memory_space<vmem_shared>> -> memref<80x128xf32, #tpu.memory_space<vmem_shared>>
      %dma_start3A_102 = arith.constant 0 : i32
      %dma_start3A_103 = tpu.memref_slice %arg13[%multiple_of3A_96, %dma_start3A_102] : memref<10240x128xf32, #tpu.memory_space<vmem_shared>> -> memref<80x128xf32, #tpu.memory_space<vmem_shared>>
      tpu.enqueue_dma source(%dma_start3A_103 : memref<80x128xf32, #tpu.memory_space<vmem_shared>>) target(%arg12 : memref<80x128xf32, #tpu.memory_space<vmem>>) target_semaphore(%arg15 : memref<!tpu.dma_semaphore, #tpu.memory_space<semaphore_mem>>)
      %dma_wait3A_104 = arith.constant 0 : i32
      %dma_wait3A_105 = tpu.memref_slice %arg13[%multiple_of3A_96, %dma_wait3A_104] : memref<10240x128xf32, #tpu.memory_space<vmem_shared>> -> memref<80x128xf32, #tpu.memory_space<vmem_shared>>
      %dma_wait3A_106 = arith.constant 0 : i32
      %dma_wait3A_107 = tpu.memref_slice %arg13[%multiple_of3A_96, %dma_wait3A_106] : memref<10240x128xf32, #tpu.memory_space<vmem_shared>> -> memref<80x128xf32, #tpu.memory_space<vmem_shared>>
      tpu.wait_dma2 semaphore(%arg15 : memref<!tpu.dma_semaphore, #tpu.memory_space<semaphore_mem>>) src(%dma_wait3A_107 : memref<80x128xf32, #tpu.memory_space<vmem_shared>>) dst(%arg12 : memref<80x128xf32, #tpu.memory_space<vmem>>)
      %dma_start3A_108 = arith.constant 0 : i32
      %dma_start3A_109 = tpu.memref_slice %arg6[%multiple_of3A_99, %dma_start3A_108] : memref<20000x128xf32, #tpu.memory_space<hbm>> -> memref<80x128xf32, #tpu.memory_space<hbm>>
      %dma_start3A_110 = arith.constant 0 : i32
      %dma_start3A_111 = tpu.memref_slice %arg6[%multiple_of3A_99, %dma_start3A_110] : memref<20000x128xf32, #tpu.memory_space<hbm>> -> memref<80x128xf32, #tpu.memory_space<hbm>>
      tpu.enqueue_dma source(%arg12 : memref<80x128xf32, #tpu.memory_space<vmem>>) target(%dma_start3A_111 : memref<80x128xf32, #tpu.memory_space<hbm>>) target_semaphore(%arg17 : memref<!tpu.dma_semaphore, #tpu.memory_space<semaphore_mem>>)
      %add3A_112 = arith.constant 160 : i32
      %add3A_113 = arith.addi %multiple_of3A, %add3A_112 : i32
      %multiple_of3A_114 = tpu.assume_multiple %add3A_113, 8 : i32
      %add3A_115 = arith.constant 160 : i32
      %add3A_116 = arith.addi %multiple_of3A_69, %add3A_115 : i32
      %multiple_of3A_117 = tpu.assume_multiple %add3A_116, 8 : i32
      %add3A_118 = arith.constant 0 : i32
      %add3A_119 = arith.addi %multiple_of3A_69, %add3A_118 : i32
      %multiple_of3A_120 = tpu.assume_multiple %add3A_119, 8 : i32
      %dma_wait3A_121 = arith.constant 0 : i32
      %dma_wait3A_122 = tpu.memref_slice %arg6[%multiple_of3A_120, %dma_wait3A_121] : memref<20000x128xf32, #tpu.memory_space<hbm>> -> memref<80x128xf32, #tpu.memory_space<hbm>>
      %dma_wait3A_123 = arith.constant 0 : i32
      %dma_wait3A_124 = tpu.memref_slice %arg6[%multiple_of3A_120, %dma_wait3A_123] : memref<20000x128xf32, #tpu.memory_space<hbm>> -> memref<80x128xf32, #tpu.memory_space<hbm>>
      tpu.wait_dma2 semaphore(%arg16 : memref<!tpu.dma_semaphore, #tpu.memory_space<semaphore_mem>>) src(%arg9 : memref<80x128xf32, #tpu.memory_space<vmem>>) dst(%dma_wait3A_124 : memref<80x128xf32, #tpu.memory_space<hbm>>)
      %dma_start3A_125 = arith.constant 0 : i32
      %dma_start3A_126 = tpu.memref_slice %arg13[%multiple_of3A_114, %dma_start3A_125] : memref<10240x128xf32, #tpu.memory_space<vmem_shared>> -> memref<80x128xf32, #tpu.memory_space<vmem_shared>>
      %dma_start3A_127 = arith.constant 0 : i32
      %dma_start3A_128 = tpu.memref_slice %arg13[%multiple_of3A_114, %dma_start3A_127] : memref<10240x128xf32, #tpu.memory_space<vmem_shared>> -> memref<80x128xf32, #tpu.memory_space<vmem_shared>>
      tpu.enqueue_dma source(%dma_start3A_128 : memref<80x128xf32, #tpu.memory_space<vmem_shared>>) target(%arg9 : memref<80x128xf32, #tpu.memory_space<vmem>>) target_semaphore(%arg14 : memref<!tpu.dma_semaphore, #tpu.memory_space<semaphore_mem>>)
      %dma_wait3A_129 = arith.constant 0 : i32
      %dma_wait3A_130 = tpu.memref_slice %arg13[%multiple_of3A_114, %dma_wait3A_129] : memref<10240x128xf32, #tpu.memory_space<vmem_shared>> -> memref<80x128xf32, #tpu.memory_space<vmem_shared>>
      %dma_wait3A_131 = arith.constant 0 : i32
      %dma_wait3A_132 = tpu.memref_slice %arg13[%multiple_of3A_114, %dma_wait3A_131] : memref<10240x128xf32, #tpu.memory_space<vmem_shared>> -> memref<80x128xf32, #tpu.memory_space<vmem_shared>>
      tpu.wait_dma2 semaphore(%arg14 : memref<!tpu.dma_semaphore, #tpu.memory_space<semaphore_mem>>) src(%dma_wait3A_132 : memref<80x128xf32, #tpu.memory_space<vmem_shared>>) dst(%arg9 : memref<80x128xf32, #tpu.memory_space<vmem>>)
      %dma_start3A_133 = arith.constant 0 : i32
      %dma_start3A_134 = tpu.memref_slice %arg6[%multiple_of3A_117, %dma_start3A_133] : memref<20000x128xf32, #tpu.memory_space<hbm>> -> memref<80x128xf32, #tpu.memory_space<hbm>>
      %dma_start3A_135 = arith.constant 0 : i32
      %dma_start3A_136 = tpu.memref_slice %arg6[%multiple_of3A_117, %dma_start3A_135] : memref<20000x128xf32, #tpu.memory_space<hbm>> -> memref<80x128xf32, #tpu.memory_space<hbm>>
      tpu.enqueue_dma source(%arg9 : memref<80x128xf32, #tpu.memory_space<vmem>>) target(%dma_start3A_136 : memref<80x128xf32, #tpu.memory_space<hbm>>) target_semaphore(%arg16 : memref<!tpu.dma_semaphore, #tpu.memory_space<semaphore_mem>>)
      %add3A_137 = arith.constant 240 : i32
      %add3A_138 = arith.addi %multiple_of3A, %add3A_137 : i32
      %multiple_of3A_139 = tpu.assume_multiple %add3A_138, 8 : i32
      %add3A_140 = arith.constant 240 : i32
      %add3A_141 = arith.addi %multiple_of3A_69, %add3A_140 : i32
      %multiple_of3A_142 = tpu.assume_multiple %add3A_141, 8 : i32
      %add3A_143 = arith.constant 80 : i32
      %add3A_144 = arith.addi %multiple_of3A_69, %add3A_143 : i32
      %multiple_of3A_145 = tpu.assume_multiple %add3A_144, 8 : i32
      %dma_wait3A_146 = arith.constant 0 : i32
      %dma_wait3A_147 = tpu.memref_slice %arg6[%multiple_of3A_145, %dma_wait3A_146] : memref<20000x128xf32, #tpu.memory_space<hbm>> -> memref<80x128xf32, #tpu.memory_space<hbm>>
      %dma_wait3A_148 = arith.constant 0 : i32
      %dma_wait3A_149 = tpu.memref_slice %arg6[%multiple_of3A_145, %dma_wait3A_148] : memref<20000x128xf32, #tpu.memory_space<hbm>> -> memref<80x128xf32, #tpu.memory_space<hbm>>
      tpu.wait_dma2 semaphore(%arg17 : memref<!tpu.dma_semaphore, #tpu.memory_space<semaphore_mem>>) src(%arg12 : memref<80x128xf32, #tpu.memory_space<vmem>>) dst(%dma_wait3A_149 : memref<80x128xf32, #tpu.memory_space<hbm>>)
      %dma_start3A_150 = arith.constant 0 : i32
      %dma_start3A_151 = tpu.memref_slice %arg13[%multiple_of3A_139, %dma_start3A_150] : memref<10240x128xf32, #tpu.memory_space<vmem_shared>> -> memref<80x128xf32, #tpu.memory_space<vmem_shared>>
      %dma_start3A_152 = arith.constant 0 : i32
      %dma_start3A_153 = tpu.memref_slice %arg13[%multiple_of3A_139, %dma_start3A_152] : memref<10240x128xf32, #tpu.memory_space<vmem_shared>> -> memref<80x128xf32, #tpu.memory_space<vmem_shared>>
      tpu.enqueue_dma source(%dma_start3A_153 : memref<80x128xf32, #tpu.memory_space<vmem_shared>>) target(%arg12 : memref<80x128xf32, #tpu.memory_space<vmem>>) target_semaphore(%arg15 : memref<!tpu.dma_semaphore, #tpu.memory_space<semaphore_mem>>)
      %dma_wait3A_154 = arith.constant 0 : i32
      %dma_wait3A_155 = tpu.memref_slice %arg13[%multiple_of3A_139, %dma_wait3A_154] : memref<10240x128xf32, #tpu.memory_space<vmem_shared>> -> memref<80x128xf32, #tpu.memory_space<vmem_shared>>
      %dma_wait3A_156 = arith.constant 0 : i32
      %dma_wait3A_157 = tpu.memref_slice %arg13[%multiple_of3A_139, %dma_wait3A_156] : memref<10240x128xf32, #tpu.memory_space<vmem_shared>> -> memref<80x128xf32, #tpu.memory_space<vmem_shared>>
      tpu.wait_dma2 semaphore(%arg15 : memref<!tpu.dma_semaphore, #tpu.memory_space<semaphore_mem>>) src(%dma_wait3A_157 : memref<80x128xf32, #tpu.memory_space<vmem_shared>>) dst(%arg12 : memref<80x128xf32, #tpu.memory_space<vmem>>)
      %dma_start3A_158 = arith.constant 0 : i32
      %dma_start3A_159 = tpu.memref_slice %arg6[%multiple_of3A_142, %dma_start3A_158] : memref<20000x128xf32, #tpu.memory_space<hbm>> -> memref<80x128xf32, #tpu.memory_space<hbm>>
      %dma_start3A_160 = arith.constant 0 : i32
      %dma_start3A_161 = tpu.memref_slice %arg6[%multiple_of3A_142, %dma_start3A_160] : memref<20000x128xf32, #tpu.memory_space<hbm>> -> memref<80x128xf32, #tpu.memory_space<hbm>>
      tpu.enqueue_dma source(%arg12 : memref<80x128xf32, #tpu.memory_space<vmem>>) target(%dma_start3A_161 : memref<80x128xf32, #tpu.memory_space<hbm>>) target_semaphore(%arg17 : memref<!tpu.dma_semaphore, #tpu.memory_space<semaphore_mem>>)
      %add3A_162 = arith.constant 320 : i32
      %add3A_163 = arith.addi %multiple_of3A, %add3A_162 : i32
      %multiple_of3A_164 = tpu.assume_multiple %add3A_163, 8 : i32
      %add3A_165 = arith.constant 320 : i32
      %add3A_166 = arith.addi %multiple_of3A_69, %add3A_165 : i32
      %multiple_of3A_167 = tpu.assume_multiple %add3A_166, 8 : i32
      %add3A_168 = arith.constant 160 : i32
      %add3A_169 = arith.addi %multiple_of3A_69, %add3A_168 : i32
      %multiple_of3A_170 = tpu.assume_multiple %add3A_169, 8 : i32
      %dma_wait3A_171 = arith.constant 0 : i32
      %dma_wait3A_172 = tpu.memref_slice %arg6[%multiple_of3A_170, %dma_wait3A_171] : memref<20000x128xf32, #tpu.memory_space<hbm>> -> memref<80x128xf32, #tpu.memory_space<hbm>>
      %dma_wait3A_173 = arith.constant 0 : i32
      %dma_wait3A_174 = tpu.memref_slice %arg6[%multiple_of3A_170, %dma_wait3A_173] : memref<20000x128xf32, #tpu.memory_space<hbm>> -> memref<80x128xf32, #tpu.memory_space<hbm>>
      tpu.wait_dma2 semaphore(%arg16 : memref<!tpu.dma_semaphore, #tpu.memory_space<semaphore_mem>>) src(%arg9 : memref<80x128xf32, #tpu.memory_space<vmem>>) dst(%dma_wait3A_174 : memref<80x128xf32, #tpu.memory_space<hbm>>)
      %dma_start3A_175 = arith.constant 0 : i32
      %dma_start3A_176 = tpu.memref_slice %arg13[%multiple_of3A_164, %dma_start3A_175] : memref<10240x128xf32, #tpu.memory_space<vmem_shared>> -> memref<80x128xf32, #tpu.memory_space<vmem_shared>>
      %dma_start3A_177 = arith.constant 0 : i32
      %dma_start3A_178 = tpu.memref_slice %arg13[%multiple_of3A_164, %dma_start3A_177] : memref<10240x128xf32, #tpu.memory_space<vmem_shared>> -> memref<80x128xf32, #tpu.memory_space<vmem_shared>>
      tpu.enqueue_dma source(%dma_start3A_178 : memref<80x128xf32, #tpu.memory_space<vmem_shared>>) target(%arg9 : memref<80x128xf32, #tpu.memory_space<vmem>>) target_semaphore(%arg14 : memref<!tpu.dma_semaphore, #tpu.memory_space<semaphore_mem>>)
      %dma_wait3A_179 = arith.constant 0 : i32
      %dma_wait3A_180 = tpu.memref_slice %arg13[%multiple_of3A_164, %dma_wait3A_179] : memref<10240x128xf32, #tpu.memory_space<vmem_shared>> -> memref<80x128xf32, #tpu.memory_space<vmem_shared>>
      %dma_wait3A_181 = arith.constant 0 : i32
      %dma_wait3A_182 = tpu.memref_slice %arg13[%multiple_of3A_164, %dma_wait3A_181] : memref<10240x128xf32, #tpu.memory_space<vmem_shared>> -> memref<80x128xf32, #tpu.memory_space<vmem_shared>>
      tpu.wait_dma2 semaphore(%arg14 : memref<!tpu.dma_semaphore, #tpu.memory_space<semaphore_mem>>) src(%dma_wait3A_182 : memref<80x128xf32, #tpu.memory_space<vmem_shared>>) dst(%arg9 : memref<80x128xf32, #tpu.memory_space<vmem>>)
      %dma_start3A_183 = arith.constant 0 : i32
      %dma_start3A_184 = tpu.memref_slice %arg6[%multiple_of3A_167, %dma_start3A_183] : memref<20000x128xf32, #tpu.memory_space<hbm>> -> memref<80x128xf32, #tpu.memory_space<hbm>>
      %dma_start3A_185 = arith.constant 0 : i32
      %dma_start3A_186 = tpu.memref_slice %arg6[%multiple_of3A_167, %dma_start3A_185] : memref<20000x128xf32, #tpu.memory_space<hbm>> -> memref<80x128xf32, #tpu.memory_space<hbm>>
      tpu.enqueue_dma source(%arg9 : memref<80x128xf32, #tpu.memory_space<vmem>>) target(%dma_start3A_186 : memref<80x128xf32, #tpu.memory_space<hbm>>) target_semaphore(%arg16 : memref<!tpu.dma_semaphore, #tpu.memory_space<semaphore_mem>>)
      %add3A_187 = arith.constant 240 : i32
      %add3A_188 = arith.addi %multiple_of3A_69, %add3A_187 : i32
      %multiple_of3A_189 = tpu.assume_multiple %add3A_188, 8 : i32
      %dma_wait3A_190 = arith.constant 0 : i32
      %dma_wait3A_191 = tpu.memref_slice %arg6[%multiple_of3A_189, %dma_wait3A_190] : memref<20000x128xf32, #tpu.memory_space<hbm>> -> memref<80x128xf32, #tpu.memory_space<hbm>>
      %dma_wait3A_192 = arith.constant 0 : i32
      %dma_wait3A_193 = tpu.memref_slice %arg6[%multiple_of3A_189, %dma_wait3A_192] : memref<20000x128xf32, #tpu.memory_space<hbm>> -> memref<80x128xf32, #tpu.memory_space<hbm>>
      tpu.wait_dma2 semaphore(%arg17 : memref<!tpu.dma_semaphore, #tpu.memory_space<semaphore_mem>>) src(%arg12 : memref<80x128xf32, #tpu.memory_space<vmem>>) dst(%dma_wait3A_193 : memref<80x128xf32, #tpu.memory_space<hbm>>)
      %add3A_194 = arith.constant 320 : i32
      %add3A_195 = arith.addi %multiple_of3A_69, %add3A_194 : i32
      %multiple_of3A_196 = tpu.assume_multiple %add3A_195, 8 : i32
      %dma_wait3A_197 = arith.constant 0 : i32
      %dma_wait3A_198 = tpu.memref_slice %arg6[%multiple_of3A_196, %dma_wait3A_197] : memref<20000x128xf32, #tpu.memory_space<hbm>> -> memref<80x128xf32, #tpu.memory_space<hbm>>
      %dma_wait3A_199 = arith.constant 0 : i32
      %dma_wait3A_200 = tpu.memref_slice %arg6[%multiple_of3A_196, %dma_wait3A_199] : memref<20000x128xf32, #tpu.memory_space<hbm>> -> memref<80x128xf32, #tpu.memory_space<hbm>>
      tpu.wait_dma2 semaphore(%arg16 : memref<!tpu.dma_semaphore, #tpu.memory_space<semaphore_mem>>) src(%arg9 : memref<80x128xf32, #tpu.memory_space<vmem>>) dst(%dma_wait3A_200 : memref<80x128xf32, #tpu.memory_space<hbm>>)
    } else {
    }
    return
  }
}

module attributes {stable_mosaic.version = 14 : i64} {
  func.func @_tc1_body(%arg0: i32, %arg1: memref<400x128xf32, #tpu.memory_space<vmem>>, %arg2: memref<400x128xf32, #tpu.memory_space<vmem>>, %arg3: memref<400x128xf32, #tpu.memory_space<vmem>>, %arg4: memref<400x128xf32, #tpu.memory_space<vmem>>, %arg5: memref<400x256xf32, #tpu.memory_space<vmem>>, %arg6: memref<256x512xf32, #tpu.memory_space<vmem>>, %arg7: memref<256x512xf32, #tpu.memory_space<vmem>>, %arg8: memref<1x512xf32, #tpu.memory_space<vmem>>, %arg9: memref<512x256xf32, #tpu.memory_space<vmem>>, %arg10: memref<512x256xf32, #tpu.memory_space<vmem>>, %arg11: memref<1x256xf32, #tpu.memory_space<vmem>>, %arg12: memref<400x512xf32, #tpu.memory_space<vmem>>, %arg13: memref<400x256xf32, #tpu.memory_space<vmem>>, %arg14: memref<400x256xf32, #tpu.memory_space<vmem>>) attributes {dimension_semantics = [#tpu.dimension_semantics<arbitrary>], iteration_bounds = array<i64: 25>, scalar_prefetch = 0 : i64, scratch_operands = 0 : i64, tpu.core_type = #tpu.core_type<tc>, window_params = [{transform_indices = @transform_0, window_bounds = array<i64: 400, 128>}, {transform_indices = @transform_1, window_bounds = array<i64: 400, 128>}, {transform_indices = @transform_2, window_bounds = array<i64: 400, 128>}, {transform_indices = @transform_3, window_bounds = array<i64: 400, 128>}, {transform_indices = @transform_4, window_bounds = array<i64: 400, 256>}, {pipeline_mode = #tpu.pipeline_mode<synchronous>, transform_indices = @transform_5, window_bounds = array<i64: 256, 512>}, {pipeline_mode = #tpu.pipeline_mode<synchronous>, transform_indices = @transform_6, window_bounds = array<i64: 256, 512>}, {pipeline_mode = #tpu.pipeline_mode<synchronous>, transform_indices = @transform_7, window_bounds = array<i64: 1, 512>}, {pipeline_mode = #tpu.pipeline_mode<synchronous>, transform_indices = @transform_8, window_bounds = array<i64: 512, 256>}, {pipeline_mode = #tpu.pipeline_mode<synchronous>, transform_indices = @transform_9, window_bounds = array<i64: 512, 256>}, {pipeline_mode = #tpu.pipeline_mode<synchronous>, transform_indices = @transform_10, window_bounds = array<i64: 1, 256>}, {transform_indices = @transform_11, window_bounds = array<i64: 400, 512>}, {transform_indices = @transform_12, window_bounds = array<i64: 400, 256>}, {transform_indices = @transform_13, window_bounds = array<i64: 400, 256>}]} {
    %get3A = arith.constant 0 : index
    %get3A_0 = arith.constant 0 : index
    %get3A_1 = vector.load %arg3[%get3A, %get3A_0] : memref<400x128xf32, #tpu.memory_space<vmem>>, vector<400x128xf32>
    %slice3A = vector.extract_strided_slice %get3A_1 {offsets = [0, 0], sizes = [400, 1], strides = [1, 1]} : vector<400x128xf32> to vector<400x1xf32>
    %get3A_2 = arith.constant 0 : index
    %get3A_3 = arith.constant 0 : index
    %get3A_4 = vector.load %arg4[%get3A_2, %get3A_3] : memref<400x128xf32, #tpu.memory_space<vmem>>, vector<400x128xf32>
    %slice3A_5 = vector.extract_strided_slice %get3A_4 {offsets = [0, 0], sizes = [400, 1], strides = [1, 1]} : vector<400x128xf32> to vector<400x1xf32>
    %add3A = arith.addf %slice3A, %slice3A_5 : vector<400x1xf32>
    %max3A = arith.constant 1.000000e+00 : f32
    %max3A_6 = vector.broadcast %max3A : f32 to vector<400x1xf32>
    %max3A_7 = arith.maximumf %add3A, %max3A_6 : vector<400x1xf32>
    %div3A = arith.constant 1.000000e+00 : f32
    %div3A_8 = vector.broadcast %div3A : f32 to vector<400x1xf32>
    %div3A_9 = arith.divf %div3A_8, %max3A_7 : vector<400x1xf32>
    %get3A_10 = arith.constant 0 : index
    %get3A_11 = arith.constant 0 : index
    %get3A_12 = vector.load %arg1[%get3A_10, %get3A_11] : memref<400x128xf32, #tpu.memory_space<vmem>>, vector<400x128xf32>
    %get3A_13 = arith.constant 0 : index
    %get3A_14 = arith.constant 0 : index
    %get3A_15 = vector.load %arg2[%get3A_13, %get3A_14] : memref<400x128xf32, #tpu.memory_space<vmem>>, vector<400x128xf32>
    %concatenate3A = tpu.concatenate %get3A_12, %get3A_15 in 1 : vector<400x128xf32>, vector<400x128xf32> -> vector<400x256xf32>
    %mul3A = vector.broadcast %div3A_9 : vector<400x1xf32> to vector<400x256xf32>
    %mul3A_16 = arith.mulf %concatenate3A, %mul3A : vector<400x256xf32>
    %get3A_17 = arith.constant 0 : index
    %get3A_18 = arith.constant 0 : index
    %get3A_19 = vector.load %arg6[%get3A_17, %get3A_18] : memref<256x512xf32, #tpu.memory_space<vmem>>, vector<256x512xf32>
    %dot_general3A = arith.constant dense<0.000000e+00> : vector<400x512xf32>
    %dot_general3A_20 = tpu.matmul %mul3A_16, %get3A_19, %dot_general3A {dimension_numbers = #tpu.dot_dimension_numbers<[1], [0], [0], [1], [0, 0, 1, 1], [], []>, transpose_lhs_hint = false} : vector<400x256xf32>, vector<256x512xf32>, vector<400x512xf32> -> vector<400x512xf32>
    %get3A_21 = arith.constant 0 : index
    %get3A_22 = arith.constant 0 : index
    %get3A_23 = vector.load %arg5[%get3A_21, %get3A_22] : memref<400x256xf32, #tpu.memory_space<vmem>>, vector<400x256xf32>
    %get3A_24 = arith.constant 0 : index
    %get3A_25 = arith.constant 0 : index
    %get3A_26 = vector.load %arg7[%get3A_24, %get3A_25] : memref<256x512xf32, #tpu.memory_space<vmem>>, vector<256x512xf32>
    %dot_general3A_27 = arith.constant dense<0.000000e+00> : vector<400x512xf32>
    %dot_general3A_28 = tpu.matmul %get3A_23, %get3A_26, %dot_general3A_27 {dimension_numbers = #tpu.dot_dimension_numbers<[1], [0], [0], [1], [0, 0, 1, 1], [], []>, transpose_lhs_hint = false} : vector<400x256xf32>, vector<256x512xf32>, vector<400x512xf32> -> vector<400x512xf32>
    %add3A_29 = arith.addf %dot_general3A_20, %dot_general3A_28 : vector<400x512xf32>
    %get3A_30 = arith.constant 0 : index
    %get3A_31 = arith.constant 0 : index
    %get3A_32 = vector.load %arg8[%get3A_30, %get3A_31] : memref<1x512xf32, #tpu.memory_space<vmem>>, vector<1x512xf32>
    %add3A_33 = vector.broadcast %get3A_32 : vector<1x512xf32> to vector<400x512xf32>
    %add3A_34 = arith.addf %add3A_29, %add3A_33 : vector<400x512xf32>
    %max3A_35 = arith.constant 0.000000e+00 : f32
    %max3A_36 = vector.broadcast %max3A_35 : f32 to vector<400x512xf32>
    %max3A_37 = arith.maximumf %add3A_34, %max3A_36 : vector<400x512xf32>
    %swap3A = arith.constant 0 : index
    %swap3A_38 = arith.constant 0 : index
    %swap3A_39 = vector.load %arg12[%swap3A, %swap3A_38] : memref<400x512xf32, #tpu.memory_space<vmem>>, vector<400x512xf32>
    tpu.vector_store %arg12[%swap3A, %swap3A_38], %max3A_37 {strides = array<i32>} : memref<400x512xf32, #tpu.memory_space<vmem>>, vector<400x512xf32>,
    %get3A_40 = arith.constant 0 : index
    %get3A_41 = arith.constant 0 : index
    %get3A_42 = vector.load %arg9[%get3A_40, %get3A_41] : memref<512x256xf32, #tpu.memory_space<vmem>>, vector<512x256xf32>
    %dot_general3A_43 = arith.constant dense<0.000000e+00> : vector<400x256xf32>
    %dot_general3A_44 = tpu.matmul %max3A_37, %get3A_42, %dot_general3A_43 {dimension_numbers = #tpu.dot_dimension_numbers<[1], [0], [0], [1], [0, 0, 1, 1], [], []>, transpose_lhs_hint = false} : vector<400x512xf32>, vector<512x256xf32>, vector<400x256xf32> -> vector<400x256xf32>
    %swap3A_45 = arith.constant 0 : index
    %swap3A_46 = arith.constant 0 : index
    %swap3A_47 = vector.load %arg13[%swap3A_45, %swap3A_46] : memref<400x256xf32, #tpu.memory_space<vmem>>, vector<400x256xf32>
    tpu.vector_store %arg13[%swap3A_45, %swap3A_46], %dot_general3A_44 {strides = array<i32>} : memref<400x256xf32, #tpu.memory_space<vmem>>, vector<400x256xf32>,
    %get3A_48 = arith.constant 0 : index
    %get3A_49 = arith.constant 0 : index
    %get3A_50 = vector.load %arg10[%get3A_48, %get3A_49] : memref<512x256xf32, #tpu.memory_space<vmem>>, vector<512x256xf32>
    %dot_general3A_51 = arith.constant dense<0.000000e+00> : vector<400x256xf32>
    %dot_general3A_52 = tpu.matmul %max3A_37, %get3A_50, %dot_general3A_51 {dimension_numbers = #tpu.dot_dimension_numbers<[1], [0], [0], [1], [0, 0, 1, 1], [], []>, transpose_lhs_hint = false} : vector<400x512xf32>, vector<512x256xf32>, vector<400x256xf32> -> vector<400x256xf32>
    %get3A_53 = arith.constant 0 : index
    %get3A_54 = arith.constant 0 : index
    %get3A_55 = vector.load %arg11[%get3A_53, %get3A_54] : memref<1x256xf32, #tpu.memory_space<vmem>>, vector<1x256xf32>
    %add3A_56 = vector.broadcast %get3A_55 : vector<1x256xf32> to vector<400x256xf32>
    %add3A_57 = arith.addf %dot_general3A_52, %add3A_56 : vector<400x256xf32>
    %swap3A_58 = arith.constant 0 : index
    %swap3A_59 = arith.constant 0 : index
    %swap3A_60 = vector.load %arg14[%swap3A_58, %swap3A_59] : memref<400x256xf32, #tpu.memory_space<vmem>>, vector<400x256xf32>
    tpu.vector_store %arg14[%swap3A_58, %swap3A_59], %add3A_57 {strides = array<i32>} : memref<400x256xf32, #tpu.memory_space<vmem>>, vector<400x256xf32>,
    return
  }
  func.func @transform_0(%arg0: i32) -> (i32, i32) {
    %c0_i32 = arith.constant 0 : i32
    %c0_i32_0 = arith.constant 0 : i32
    return %arg0, %c0_i32 : i32, i32
  }
  func.func @transform_1(%arg0: i32) -> (i32, i32) {
    %add3A = arith.constant 25 : i32
    %add3A_0 = arith.addi %arg0, %add3A : i32
    %c0_i32 = arith.constant 0 : i32
    %c0_i32_1 = arith.constant 0 : i32
    return %add3A_0, %c0_i32 : i32, i32
  }
  func.func @transform_2(%arg0: i32) -> (i32, i32) {
    %c0_i32 = arith.constant 0 : i32
    %c0_i32_0 = arith.constant 0 : i32
    return %arg0, %c0_i32 : i32, i32
  }
  func.func @transform_3(%arg0: i32) -> (i32, i32) {
    %add3A = arith.constant 25 : i32
    %add3A_0 = arith.addi %arg0, %add3A : i32
    %c0_i32 = arith.constant 0 : i32
    %c0_i32_1 = arith.constant 0 : i32
    return %add3A_0, %c0_i32 : i32, i32
  }
  func.func @transform_4(%arg0: i32) -> (i32, i32) {
    %c0_i32 = arith.constant 0 : i32
    %c0_i32_0 = arith.constant 0 : i32
    return %arg0, %c0_i32 : i32, i32
  }
  func.func @transform_5(%arg0: i32) -> (i32, i32) {
    %c0_i32 = arith.constant 0 : i32
    %c0_i32_0 = arith.constant 0 : i32
    %c0_i32_1 = arith.constant 0 : i32
    return %c0_i32, %c0_i32_0 : i32, i32
  }
  func.func @transform_6(%arg0: i32) -> (i32, i32) {
    %c0_i32 = arith.constant 0 : i32
    %c0_i32_0 = arith.constant 0 : i32
    %c0_i32_1 = arith.constant 0 : i32
    return %c0_i32, %c0_i32_0 : i32, i32
  }
  func.func @transform_7(%arg0: i32) -> (i32, i32) {
    %c0_i32 = arith.constant 0 : i32
    %c0_i32_0 = arith.constant 0 : i32
    %c0_i32_1 = arith.constant 0 : i32
    return %c0_i32, %c0_i32_0 : i32, i32
  }
  func.func @transform_8(%arg0: i32) -> (i32, i32) {
    %c0_i32 = arith.constant 0 : i32
    %c0_i32_0 = arith.constant 0 : i32
    %c0_i32_1 = arith.constant 0 : i32
    return %c0_i32, %c0_i32_0 : i32, i32
  }
  func.func @transform_9(%arg0: i32) -> (i32, i32) {
    %c0_i32 = arith.constant 0 : i32
    %c0_i32_0 = arith.constant 0 : i32
    %c0_i32_1 = arith.constant 0 : i32
    return %c0_i32, %c0_i32_0 : i32, i32
  }
  func.func @transform_10(%arg0: i32) -> (i32, i32) {
    %c0_i32 = arith.constant 0 : i32
    %c0_i32_0 = arith.constant 0 : i32
    %c0_i32_1 = arith.constant 0 : i32
    return %c0_i32, %c0_i32_0 : i32, i32
  }
  func.func @transform_11(%arg0: i32) -> (i32, i32) {
    %c0_i32 = arith.constant 0 : i32
    %c0_i32_0 = arith.constant 0 : i32
    return %arg0, %c0_i32 : i32, i32
  }
  func.func @transform_12(%arg0: i32) -> (i32, i32) {
    %c0_i32 = arith.constant 0 : i32
    %c0_i32_0 = arith.constant 0 : i32
    return %arg0, %c0_i32 : i32, i32
  }
  func.func @transform_13(%arg0: i32) -> (i32, i32) {
    %c0_i32 = arith.constant 0 : i32
    %c0_i32_0 = arith.constant 0 : i32
    return %arg0, %c0_i32 : i32, i32
  }
}

module attributes {stable_mosaic.version = 14 : i64} {
  func.func @_tc2_body(%arg0: i32, %arg1: memref<400x128xf32, #tpu.memory_space<vmem>>, %arg2: memref<400x128xf32, #tpu.memory_space<vmem>>, %arg3: memref<400x128xf32, #tpu.memory_space<vmem>>, %arg4: memref<400x128xf32, #tpu.memory_space<vmem>>, %arg5: memref<400x256xf32, #tpu.memory_space<vmem>>, %arg6: memref<400x256xf32, #tpu.memory_space<vmem>>) attributes {dimension_semantics = [#tpu.dimension_semantics<arbitrary>], iteration_bounds = array<i64: 25>, scalar_prefetch = 0 : i64, scratch_operands = 0 : i64, tpu.core_type = #tpu.core_type<tc>, window_params = [{transform_indices = @transform_0, window_bounds = array<i64: 400, 128>}, {transform_indices = @transform_1, window_bounds = array<i64: 400, 128>}, {transform_indices = @transform_2, window_bounds = array<i64: 400, 128>}, {transform_indices = @transform_3, window_bounds = array<i64: 400, 128>}, {transform_indices = @transform_4, window_bounds = array<i64: 400, 256>}, {transform_indices = @transform_5, window_bounds = array<i64: 400, 256>}]} {
    %get3A = arith.constant 0 : index
    %get3A_0 = arith.constant 0 : index
    %get3A_1 = vector.load %arg3[%get3A, %get3A_0] : memref<400x128xf32, #tpu.memory_space<vmem>>, vector<400x128xf32>
    %slice3A = vector.extract_strided_slice %get3A_1 {offsets = [0, 0], sizes = [400, 1], strides = [1, 1]} : vector<400x128xf32> to vector<400x1xf32>
    %get3A_2 = arith.constant 0 : index
    %get3A_3 = arith.constant 0 : index
    %get3A_4 = vector.load %arg4[%get3A_2, %get3A_3] : memref<400x128xf32, #tpu.memory_space<vmem>>, vector<400x128xf32>
    %slice3A_5 = vector.extract_strided_slice %get3A_4 {offsets = [0, 0], sizes = [400, 1], strides = [1, 1]} : vector<400x128xf32> to vector<400x1xf32>
    %add3A = arith.addf %slice3A, %slice3A_5 : vector<400x1xf32>
    %max3A = arith.constant 1.000000e+00 : f32
    %max3A_6 = vector.broadcast %max3A : f32 to vector<400x1xf32>
    %max3A_7 = arith.maximumf %add3A, %max3A_6 : vector<400x1xf32>
    %div3A = arith.constant 1.000000e+00 : f32
    %div3A_8 = vector.broadcast %div3A : f32 to vector<400x1xf32>
    %div3A_9 = arith.divf %div3A_8, %max3A_7 : vector<400x1xf32>
    %get3A_10 = arith.constant 0 : index
    %get3A_11 = arith.constant 0 : index
    %get3A_12 = vector.load %arg1[%get3A_10, %get3A_11] : memref<400x128xf32, #tpu.memory_space<vmem>>, vector<400x128xf32>
    %get3A_13 = arith.constant 0 : index
    %get3A_14 = arith.constant 0 : index
    %get3A_15 = vector.load %arg2[%get3A_13, %get3A_14] : memref<400x128xf32, #tpu.memory_space<vmem>>, vector<400x128xf32>
    %concatenate3A = tpu.concatenate %get3A_12, %get3A_15 in 1 : vector<400x128xf32>, vector<400x128xf32> -> vector<400x256xf32>
    %mul3A = vector.broadcast %div3A_9 : vector<400x1xf32> to vector<400x256xf32>
    %mul3A_16 = arith.mulf %concatenate3A, %mul3A : vector<400x256xf32>
    %get3A_17 = arith.constant 0 : index
    %get3A_18 = arith.constant 0 : index
    %get3A_19 = vector.load %arg5[%get3A_17, %get3A_18] : memref<400x256xf32, #tpu.memory_space<vmem>>, vector<400x256xf32>
    %add3A_20 = arith.addf %mul3A_16, %get3A_19 : vector<400x256xf32>
    %swap3A = arith.constant 0 : index
    %swap3A_21 = arith.constant 0 : index
    %swap3A_22 = vector.load %arg6[%swap3A, %swap3A_21] : memref<400x256xf32, #tpu.memory_space<vmem>>, vector<400x256xf32>
    tpu.vector_store %arg6[%swap3A, %swap3A_21], %add3A_20 {strides = array<i32>} : memref<400x256xf32, #tpu.memory_space<vmem>>, vector<400x256xf32>,
    return
  }
  func.func @transform_0(%arg0: i32) -> (i32, i32) {
    %c0_i32 = arith.constant 0 : i32
    %c0_i32_0 = arith.constant 0 : i32
    return %arg0, %c0_i32 : i32, i32
  }
  func.func @transform_1(%arg0: i32) -> (i32, i32) {
    %add3A = arith.constant 25 : i32
    %add3A_0 = arith.addi %arg0, %add3A : i32
    %c0_i32 = arith.constant 0 : i32
    %c0_i32_1 = arith.constant 0 : i32
    return %add3A_0, %c0_i32 : i32, i32
  }
  func.func @transform_2(%arg0: i32) -> (i32, i32) {
    %c0_i32 = arith.constant 0 : i32
    %c0_i32_0 = arith.constant 0 : i32
    return %arg0, %c0_i32 : i32, i32
  }
  func.func @transform_3(%arg0: i32) -> (i32, i32) {
    %add3A = arith.constant 25 : i32
    %add3A_0 = arith.addi %arg0, %add3A : i32
    %c0_i32 = arith.constant 0 : i32
    %c0_i32_1 = arith.constant 0 : i32
    return %add3A_0, %c0_i32 : i32, i32
  }
  func.func @transform_4(%arg0: i32) -> (i32, i32) {
    %c0_i32 = arith.constant 0 : i32
    %c0_i32_0 = arith.constant 0 : i32
    return %arg0, %c0_i32 : i32, i32
  }
  func.func @transform_5(%arg0: i32) -> (i32, i32) {
    %c0_i32 = arith.constant 0 : i32
    %c0_i32_0 = arith.constant 0 : i32
    return %arg0, %c0_i32 : i32, i32
  }
}

</mosaic_0001>

<sc_bundles>
// kernel: kernel.10.cloned.1.call-start
scs
__scs_entry_jumppad:
0x0: {  	(pc) =	sbr.rel $0x88, $3  }
0x1: {  	(tag) =	ssettag $0x0;
	lr =	simm.s32 $0x1  }
0x2: {  	[smem:$0x3F99] =	sst lr;
	_ =	strace $0xD0000000  }
0x3: {  	_ = 	snop  }
0x4: {  	_ = 	snop  }
0x5: {  	_ = 	snop  }
0x6: {  	_ = 	snop  }
0x7: {  	_ = 	snop  }
__scs_overlays_trampoline_lowered:
0x8: {  	[smem:$0x3FA8] =	sst s0  }
0x9: {  	[smem:$0x3FA9] =	sst s1  }
0xa: {  	[smem:$0x3FAA] =	sst s2  }
0xb: {  	[smem:$0x3FAB] =	sst s3  }
0xc: {  	[smem:$0x3FAC] =	sst s4  }
0xd: {  	[smem:$0x3FAD] =	sst s5  }
0xe: {  	[smem:$0x3FAE] =	sst s6  }
0xf: {  	[smem:$0x3FAF] =	sst s7  }
0x10: {  	[smem:$0x3FB0] =	sst s8  }
0x11: {  	[smem:$0x3FB1] =	sst s9;
	s0 =	simm.s32 @!p0 $0x0  }
0x12: {  	s1 =	sld [smem:$0x3F97];
	s0 =	simm.s32 @p0 $0x1  }
0x13: {  	[smem:$0x3FB2] =	sst s0;
	s0 =	simm.s32 @!p1 $0x0  }
0x14: {  	s2 =	sld [smem:$0x3F96];
	s0 =	simm.s32 @p1 $0x1  }
0x15: {  	[smem:$0x3FB3] =	sst s0;
	s0 =	simm.s32 @!p2 $0x0  }
0x16: {  	s3 =	sld [smem:$0x3FDB];
	s0 =	simm.s32 @p2 $0x1  }
0x17: {  	s4 =	simm.s32 $0x1BF5;
	[smem:$0x3FB5] =	sst s0  }
0x18: {  	s0 =	sld [smem:$0x3F98];
	_ =	swait.ge [sflag:s4], $0x0  }
0x19: {  	s7 =	sld [smem:$0x3F99]  }
0x1a: {  	s8 =	sadd.s32 $0xFFFFE003, lr  }
0x1b: {  	s9 =	sadd.s32 $0xFFFFFEF7, lr;
	s5 =	simm.s32 $0xFFFFFFFF;
	p2 =	slt.u32 s8, $0xFFFFF086  }
0x1c: {  	p1 =	slt.u32 s9, $0xF7A;
	s5 =	simm.s32 @!p2 $0x0  }
0x1d: {  	s5 =	simm.s32 @p1 $0x1;
	p0 =	seq.s32 s7, s2  }
0x1e: {  	s7 =	smul.u32 @!p0 $0xF7A, s2;
	p2 =	seq.s32 @!p0 s5, $0x0  }
0x1f: {  	s9 =	smul.u32 $0xF7A, s1;
	s8 =	simm.s32 @!p0 $0x1BF5;
	p2 =	por !p2, p0  }
0x20: {  	[sflag:s8] =	ssyncset.s32 @!p0 $0xFFFFF086;
	s6 =	sadd.s32 @!p0 s3, s7;
	s7 =	simm.s32 @!p0 $0x108  }
0x21: {  	s3 =	sadd.s32 s3, s9;
	s6 =	sadd.s32 @!p0 $0x88, s6;
	s7 =	simm.s32 @p2 $0x1082  }
0x22: {  	[simem:s7], [sflag:s8] =	dma.local @!p0 [hbm:s6], $0xF7A  }
0x23: {  	s9 =	sor.u32 $0xD0000000, s2;
	s6 =	simm.s32 $0x108;
	_ =	swait.ge @!p0 [sflag:s8], $0x0  }
0x24: {  	s3 =	sadd.s32 $0x88, s3;
	s6 =	simm.s32 @!p1 $0x1082;
	[sflag:s4] =	ssyncset.s32 $0xFFFFF086  }
0x25: {  	[simem:s6], [sflag:s4] =	dma.local [hbm:s3], $0xF7A  }
0x26: {  	[smem:$0x3F99] =	sst s1;
	(tag) =	ssettag s2;
	_ =	strace s9  }
0x27: {  	s1 =	sld [smem:$0x3FA9]  }
0x28: {  	s2 =	sld [smem:$0x3FAA]  }
0x29: {  	s4 =	sld [smem:$0x3FAC]  }
0x2a: {  	p0 =	seq.s32 s5, $0x0;
	s5 =	sld [smem:$0x3FAD]  }
0x2b: {  	s6 =	sld [smem:$0x3FAE]  }
0x2c: {  	s7 =	sld [smem:$0x3FAF]  }
0x2d: {  	s3 =	simm.s32 $0x108;
	s8 =	sld [smem:$0x3FB0]  }
0x2e: {  	s3 =	simm.s32 @!p0 $0x1082;
	s9 =	sld [smem:$0x3FB1]  }
0x2f: {  	lr =	sadd.s32 s0, s3;
	s0 =	sld [smem:$0x3FA8]  }
0x30: {  	s3 =	sld [smem:$0x3FAB]  }
0x31: {  	[smem:$0x3FB4] =	sst s10  }
0x32: {  	s10 =	sld [smem:$0x3FB2];
	_ =	sdelay $0x3  }
0x33: {  	p0 =	seq.s32 s10, $0x1;
	s10 =	sld [smem:$0x3FB4];
	_ =	sdelay $0x3  }
0x34: {  	[smem:$0x3FB4] =	sst s10  }
0x35: {  	s10 =	sld [smem:$0x3FB3];
	_ =	sdelay $0x3  }
0x36: {  	p1 =	seq.s32 s10, $0x1;
	s10 =	sld [smem:$0x3FB4];
	_ =	sdelay $0x3  }
0x37: {  	[smem:$0x3FB4] =	sst s10  }
0x38: {  	s10 =	sld [smem:$0x3FB5]  }
0x39: {  	_ = 	snop;
	(pc) =	sbr.ind lr, $3  }
0x3a: {  	_ = 	snop  }
0x3b: {  	_ = 	snop  }
0x3c: {  	p2 =	seq.s32 s10, $0x1;
	s10 =	sld [smem:$0x3FB4]  }
0x3d: {  	_ =	shalt  }
0x3e: {  	_ =	shalt  }
0x3f: {  	_ =	shalt  }
0x40: {  	_ =	shalt  }
0x41: {  	_ =	shalt  }
0x42: {  	_ =	shalt  }
0x43: {  	_ =	shalt  }
0x44: {  	_ =	shalt  }
0x45: {  	_ =	shalt  }
0x46: {  	_ =	shalt  }
0x47: {  	_ =	shalt  }
0x48: {  	_ =	shalt  }
0x49: {  	_ =	shalt  }
0x4a: {  	_ =	shalt  }
0x4b: {  	_ =	shalt  }
0x4c: {  	_ =	shalt  }
0x4d: {  	_ =	shalt  }
0x4e: {  	_ =	shalt  }
0x4f: {  	_ =	shalt  }
0x50: {  	_ =	shalt  }
0x51: {  	_ =	shalt  }
0x52: {  	_ =	shalt  }
0x53: {  	_ =	shalt  }
0x54: {  	_ =	shalt  }
0x55: {  	_ =	shalt  }
0x56: {  	_ =	shalt  }
0x57: {  	_ =	shalt  }
0x58: {  	_ =	shalt  }
0x59: {  	_ =	shalt  }
0x5a: {  	_ =	shalt  }
0x5b: {  	_ =	shalt  }
0x5c: {  	_ =	shalt  }
0x5d: {  	_ =	shalt  }
0x5e: {  	_ =	shalt  }
0x5f: {  	_ =	shalt  }
0x60: {  	_ =	shalt  }
0x61: {  	_ =	shalt  }
0x62: {  	_ =	shalt  }
0x63: {  	_ =	shalt  }
0x64: {  	_ =	shalt  }
0x65: {  	_ =	shalt  }
0x66: {  	_ =	shalt  }
0x67: {  	_ =	shalt  }
0x68: {  	_ =	shalt  }
0x69: {  	_ =	shalt  }
0x6a: {  	_ =	shalt  }
0x6b: {  	_ =	shalt  }
0x6c: {  	_ =	shalt  }
0x6d: {  	_ =	shalt  }
0x6e: {  	_ =	shalt  }
0x6f: {  	_ =	shalt  }
0x70: {  	_ =	shalt  }
0x71: {  	_ =	shalt  }
0x72: {  	_ =	shalt  }
0x73: {  	_ =	shalt  }
0x74: {  	_ =	shalt  }
0x75: {  	_ =	shalt  }
0x76: {  	_ =	shalt  }
0x77: {  	_ =	shalt  }
0x78: {  	_ =	shalt  }
0x79: {  	_ =	shalt  }
0x7a: {  	_ =	shalt  }
0x7b: {  	_ =	shalt  }
0x7c: {  	_ =	shalt  }
0x7d: {  	_ =	shalt  }
0x7e: {  	_ =	shalt  }
0x7f: {  	_ =	shalt  }
0x80: {  	_ =	shalt  }
0x81: {  	_ =	shalt  }
0x82: {  	_ =	shalt  }
0x83: {  	_ =	shalt  }
0x84: {  	_ =	shalt  }
0x85: {  	_ =	shalt  }
0x86: {  	_ =	shalt  }
0x87: {  	_ =	shalt  }
.Lfunc_end0:
.L_simem_size_0:
called_computation.1_lowered:
.L_overlay_start_0:
0x88: {  	s2 =	sld [smem:$0x3FD9]  }
0x89: {  	s3 =	sld [smem:$0x3FFE];
	_ =	sdelay $0x1  }
0x8a: {  	s1 =	srdreg.scid  }
0x8b: {  	s0 =	sand.u32 $0x1, s1  }
0x8c: {  	s14 =	sshll.u32 s0, $0xA;
	s2 =	sadd.s32 s3, s2  }
0x8d: {  	s2 =	sadd.s32 s2, s14  }
0x8e: {  	[smem:$0x3FC0] =	sst s2  }
0x8f: {  	_ = 	snop  }
0x90: {  	s2 =	sld [smem:$0x3FD0];
	_ =	sdelay $0x2  }
0x91: {  	s15 =	simm.s32 $0xB;
	s4 =	simm.s32 $0x10  }
0x92: {  	[smem:s4], [sflag:s15] =	dma.local [hbm:s2], $0x1  }
0x93: {  	_ =	swait.eq [sflag:s15], $0x1  }
0x94: {  	[sflag:s15] =	ssyncset.done $0x0  }
0x95: {  	[sflag:s15] =	ssyncadd.s32 $0xFFFFFFFF  }
0x96: {  	s16 =	sld [smem:$0x11];
	(tm) =	ssettm $0x1  }
0x97: {  	s17 =	sld [smem:$0x3FFB];
	_ =	sdelay $0x3  }
0x98: {  	_ =	strace s17  }
0x99: {  	s3 =	sld [smem:$0x3FFC];
	_ =	sdelay $0x3  }
0x9a: {  	_ =	strace s3  }
0x9b: {  	s3 =	sld [smem:$0x3FFD];
	_ =	sdelay $0x3  }
0x9c: {  	_ =	strace s3  }
0x9d: {  	_ =	strace $0x8FFFFFFF  }
0x9e: {  	s18 =	sld [smem:$0x3FDB];
	_ =	sdelay $0x1  }
0x9f: {  	s19 =	simm.s32 $_scs_section_size  }
0xa0: {  	s5 =	simm.s32 $_size__tile_overlayer_lowered;
	s6 =	simm.s32 $_tile_overlayer_lowered  }
0xa1: {  	s22 =	simm.s32 $0x1BFF;
	s21 =	sshll.u32 s6, $0x1;
	s3 =	sadd.s32 s19, s18  }
0xa2: {  	s7 =	simm.s32 $0x0;
	s20 =	sshll.u32 s5, $0x1;
	s5 =	sadd.s32 s21, s3  }
0xa3: {  	[timem:s7], [sflag:s22] =	dma.local [hbm:s5], s20  }
0xa4: {  	_ =	swait.ge [sflag:s22], s20  }
0xa5: {  	s4 =	ssub.s32 $0x0, s20;
	[sflag:s22] =	ssyncset.done $0x0  }
0xa6: {  	[sflag:s22] =	ssyncadd.s32 s4;
	_ =	sdelay $0x1  }
0xa7: {  	s23 =	simm.s32 $0x1B8B  }
0xa8: {  	_ =	swait.ge [sflag:s23], $0x1  }
0xa9: {  	[sflag:s23] =	ssyncset.done $0x0  }
0xaa: {  	s25 =	simm.s32 $0x1B8E;
	s24 =	sld [smem:$0x3FFE];
	[sflag:s23] =	ssyncadd.s32 $0xFFFFFFFF  }
0xab: {  	s26 =	simm.s32 $execute0_lowered;
	[smem:$0x3FD2] =	sst s25  }
0xac: {  	s5 =	sshll.u32 s26, $0x1;
	_ =	strace $0x80000046;
	[dreg:$0x1] =	wrdreg $0xFFFFFFFF  }
0xad: {  	s28 =	simm.s32 $_size_execute0_lowered;
	s3 =	sadd.s32 s3, s5;
	[dreg:$0x0] =	wrdreg $0x0  }
0xae: {  	s5 =	sshll.u32 s28, $0x1;
	[dreg:$0x2] =	wrdreg s3  }
0xaf: {  	[dreg:$0x3] =	wrdreg s5  }
0xb0: {  	[dreg:$0x4] =	wrdreg $0xC0  }
0xb1: {  	_ =	task [dreg:s7], $0x5FFFF  }
0xb2: {  	[dreg:$0x1] =	wrdreg $0xFFFFFFFF  }
0xb3: {  	[dreg:$0x0] =	wrdreg $0x60  }
0xb4: {  	[dreg:$0x2] =	wrdreg s16  }
0xb5: {  	[dreg:$0x3] =	wrdreg s24  }
0xb6: {  	[dreg:$0x4] =	wrdreg $0x52000  }
0xb7: {  	[dreg:$0x5] =	wrdreg $0xA  }
0xb8: {  	_ =	task.clear_ibuf [dreg:s7], $0x6FFFF;
	_ =	strace $0x90000046  }
0xb9: {  	s29 =	simm.s32 $0xA;
	_ =	strace $0x80000048  }
0xba: {  	_ =	swait.ge [sflag:s29], $0x1  }
0xbb: {  	[sflag:s29] =	ssyncadd.s32 $0xFFFFFFFF  }
0xbc: {  	_ =	strace $0x90000048  }
0xbd: {  	_ =	sfence  }
0xbe: {  	s30 =	sld [smem:$0x0];
	_ =	sdelay $0x2  }
0xbf: {  	s31 =	sshll.u32 s1, $0xD;
	s1 =	sshrl.u32 s1, $0x2  }
0xc0: {  	s3 =	sand.u32 $0x4000, s31;
	s1 =	sadd.s32 s1, s30  }
0xc1: {  	s0 =	sor.u32 s3, s0;
	s1 =	sshll.u32 s1, $0x11  }
0xc2: {  	s0 =	sor.u32 s1, s0  }
0xc3: {  	s0 =	sadd.s32 $0x8F2B, s0  }
0xc4: {  	[sflag:s0] =	ssyncadd.remote.s32 $0x1  }
0xc5: {  	_ =	sfence.sel $0xFFFF  }
0xc6: {  	[dreg:$0x0] =	wrdreg $0xFFFFFFFF;
	(pc) =	sbr.abs _section_cstart, $3  }
0xc7: {  	[dreg:$0x1] =	wrdreg $0xFFFFFFFF  }
0xc8: {  	_ =	task.clear_ibuf [dreg:s7], $0x2FFFF;
	_ =	strace $0x9FFFFFFF  }
0xc9: {  	(tm) =	ssettm $0x7FFFFFFF  }
tec
execute0_lowered:
.L_overlay_start_1:
0x0: {  	(tag) =	ssettag $0x1  }
0x1: {  	s1 =	rddreg [dreg:$0x0]  }
0x2: {  	s0 =	rddreg [dreg:$0x1]  }
0x3: {  	s3 =	rddreg [dreg:$0x2];
	s9 =	stileid.u32  }
0x4: {  	s2 =	srdreg.scid;
	s6 =	smul.u32 $0x280, s9  }
0x5: {  	s4 =	simm.s32 $0x0;
	s2 =	sand.u32 $0x1, s2;
	s20 =	smul.u32 $0x50000, s9  }
0x6: {  	[smem:$0x7FF] =	sst s4;
	s5 =	sadd.s32 $0x7200, s0;
	s13 =	smul.u32 $0x2710, s9  }
0x7: {  	s12 =	sadd.s32 $0x2200, s0;
	s8 =	sadd.s32 $0x11000, s0;
	s29 =	smul.u32 $0x4E2, s9  }
0x8: {  	p0 =	seq.s32 s9, $0xF;
	s7 =	smul.u32 $0x2710, s2;
	_ =	strace $0x80000047  }
0x9: {  	[dreg:$0x4] =	wrdreg s8;
	s21 =	ssub.s32 $0x2, s2;
	s2 =	smul.u32 $0x27100, s2  }
0xa: {  	s22 =	sshrl.u32 s21, $0x1;
	s6 =	sadd.s32 s6, s7;
	s7 =	sshrl.u32 s20, $0x2  }
0xb: {  	s2 =	sadd.s32 s13, s2;
	s13 =	sshrl.u32 s13, $0x3;
	s20 =	sadd.s32 s29, s12  }
0xc: {  	s6 =	sshll.u32 s6, $0x4;
	s25 =	sadd.s32 s7, s3;
	s14 =	sshrl.u32 s2, $0x3  }
0xd: {  	s15 =	sadd.s32 s12, s13;
	s17 =	sadd.s32 $0xF0, s2;
	s0 =	sadd.s32 s6, s0  }
0xe: {  	s6 =	ssub.s32 s21, s22;
	s22 =	sadd.s32 $0xA0, s2;
	[dreg:$0x6] =	wrdreg s15  }
0xf: {  	s12 =	simm.s32 $0x2;
	s11 =	sadd.s32 s5, s14;
	[dreg:$0x10] =	wrdreg s22  }
0x10: {  	s10 =	sadd.s32 $0x2800, s25;
	s29 =	sadd.s32 $0x4D8, s15;
	[dreg:$0x5] =	wrdreg s11  }
0x11: {  	s8 =	sadd.s32 $0x5000, s25;
	s23 =	sadd.s32 $0x11600, s0;
	[dreg:$0x15] =	wrdreg s29  }
0x12: {  	s30 =	sadd.s32 $0x7800, s25;
	s24 =	sadd.s32 $0x11B00, s0;
	[dreg:$0x7] =	wrdreg s23  }
0x13: {  	s31 =	sadd.s32 $0xA000, s25;
	s26 =	sadd.s32 $0x12000, s0;
	[dreg:$0x8] =	wrdreg s24  }
0x14: {  	s19 =	sshrl.u32 s17, $0x3;
	s28 =	sadd.s32 $0x12500, s0;
	[dreg:$0x9] =	wrdreg s26  }
0x15: {  	s2 =	sadd.s32 $0xC800, s25;
	s7 =	sadd.s32 $0x12A00, s0;
	[dreg:$0xa] =	wrdreg s28  }
0x16: {  	s9 =	sadd.s32 $0xF000, s25;
	s16 =	sadd.s32 $0x12F00, s0;
	[dreg:$0xb] =	wrdreg s7  }
0x17: {  	s14 =	simm.s32 $0x5;
	s18 =	sadd.s32 $0x13400, s0;
	[dreg:$0xc] =	wrdreg s16  }
0x18: {  	s17 =	simm.s32 $0x2900;
	s0 =	sadd.s32 $0x13900, s0;
	[dreg:$0xd] =	wrdreg s18  }
0x19: {  	s21 =	smax.u32 s6, $0x1;
	s6 =	simm.s32 $0x100;
	[dreg:$0xe] =	wrdreg s0  }
0x1a: {  	s22 =	simm.s32 $0x1;
	[dreg:$0xf] =	wrdreg s21;
	s24 =	sadd.s32 s19, s5  }
0x1b: {  	s7 =	sadd.s32 $0x11800, s25;
	s23 =	sadd.s32 $0xA, s11;
	s26 =	sadd.s32 $0xA, s15  }
0x1c: {  	s28 =	sadd.s32 $0x4D8, s11;
	s15 =	simm.s32 $0x80;
	[dreg:$0x12] =	wrdreg s23  }
0x1d: {  	s16 =	simm.s32 $0x50;
	s18 =	simm.s32 $0x2980;
	[dreg:$0x13] =	wrdreg s26  }
0x1e: {  	s19 =	simm.s32 $0x4;
	s21 =	simm.s32 $0x2A00;
	[dreg:$0x14] =	wrdreg s28  }
0x1f: {  	s11 =	simm.s32 $0x0;
	s23 =	simm.s32 $0x3;
	[dreg:$0x11] =	wrdreg s7  }
.LBB2_1:
0x20: {  	[dreg:$0x16] =	wrdreg s11  }
0x21: {  	s0 =	rddreg [dreg:$0x4]  }
0x22: {  	[tilespmem:s6], [sflag:$0x5] =	stream.linear.gather [hbm4b:s0+s4], $0x2800, $0x38;
	[tilespmem:$0x19200] =	vst v63  }
0x23: {  	_ =	swait.ge [sflag:s14], $0x2800  }
0x24: {  	[sflag:s14] =	ssyncset.done $0x0  }
0x25: {  	[sflag:s14] =	ssyncadd.s32 $0xFFFFD800  }
0x26: {  	[spmem:s25] =	stream.linear.scatter [tilespmem:s6], [sflag:$0x5], $0x2800, $0x38;
	[tilespmem:$0x19200] =	vst v63  }
0x27: {  	_ =	swait.ge [sflag:s14], $0x2800  }
0x28: {  	[sflag:s14] =	ssyncset.done $0x0  }
0x29: {  	[sflag:s14] =	ssyncadd.s32 $0xFFFFD800  }
0x2a: {  	[spmem:s10] =	stream.linear.scatter [tilespmem:s6], [sflag:$0x5], $0x2800, $0x38;
	[tilespmem:$0x19200] =	vst v63  }
0x2b: {  	_ =	swait.ge [sflag:s14], $0x2800  }
0x2c: {  	[sflag:s14] =	ssyncset.done $0x0  }
0x2d: {  	[sflag:s14] =	ssyncadd.s32 $0xFFFFD800  }
0x2e: {  	[spmem:s8] =	stream.linear.scatter [tilespmem:s6], [sflag:$0x5], $0x2800, $0x38;
	[tilespmem:$0x19200] =	vst v63  }
0x2f: {  	_ =	swait.ge [sflag:s14], $0x2800  }
0x30: {  	[sflag:s14] =	ssyncset.done $0x0  }
0x31: {  	[sflag:s14] =	ssyncadd.s32 $0xFFFFD800  }
0x32: {  	[spmem:s30] =	stream.linear.scatter [tilespmem:s6], [sflag:$0x5], $0x2800, $0x38;
	[tilespmem:$0x19200] =	vst v63  }
0x33: {  	_ =	swait.ge [sflag:s14], $0x2800  }
0x34: {  	[sflag:s14] =	ssyncset.done $0x0  }
0x35: {  	[sflag:s14] =	ssyncadd.s32 $0xFFFFD800  }
0x36: {  	[spmem:s31] =	stream.linear.scatter [tilespmem:s6], [sflag:$0x5], $0x2800, $0x38;
	[tilespmem:$0x19200] =	vst v63  }
0x37: {  	_ =	swait.ge [sflag:s14], $0x2800  }
0x38: {  	[sflag:s14] =	ssyncset.done $0x0  }
0x39: {  	[sflag:s14] =	ssyncadd.s32 $0xFFFFD800  }
0x3a: {  	[spmem:s2] =	stream.linear.scatter [tilespmem:s6], [sflag:$0x5], $0x2800, $0x38;
	[tilespmem:$0x19200] =	vst v63  }
0x3b: {  	_ =	swait.ge [sflag:s14], $0x2800  }
0x3c: {  	[sflag:s14] =	ssyncset.done $0x0  }
0x3d: {  	[sflag:s14] =	ssyncadd.s32 $0xFFFFD800  }
0x3e: {  	[spmem:s9] =	stream.linear.scatter [tilespmem:s6], [sflag:$0x5], $0x2800, $0x38;
	[tilespmem:$0x19200] =	vst v63  }
0x3f: {  	_ =	swait.ge [sflag:s14], $0x2800  }
0x40: {  	[sflag:s14] =	ssyncset.done $0x0  }
0x41: {  	s29 =	smov.u32 s7;
	[sflag:s14] =	ssyncadd.s32 $0xFFFFD800  }
0x42: {  	[spmem:s29] =	stream.linear.scatter [tilespmem:s6], [sflag:$0x5], $0x2800, $0x38;
	[tilespmem:$0x19200] =	vst v63  }
0x43: {  	_ =	swait.ge [sflag:s14], $0x2800  }
0x44: {  	[sflag:s14] =	ssyncset.done $0x0  }
0x45: {  	[sflag:s14] =	ssyncadd.s32 $0xFFFFD800  }
0x46: {  	[bflag:$0x0] =	sbarrier.arrive $0xFFFF  }
0x47: {  	s11 =	smov.u32 s8;
	s8 =	rddreg [dreg:$0x5]  }
0x48: {  	[tilespmem:s4], [sflag:$0x5] =	stream.linear.gather [hbm4b:s8+s4], $0x50, $0x38;
	[tilespmem:$0x19200] =	vst v63  }
0x49: {  	_ =	swait.ge [sflag:s14], $0x50  }
0x4a: {  	[sflag:s14] =	ssyncset.done $0x0  }
0x4b: {  	s7 =	smov.u32 s9;
	s9 =	rddreg [dreg:$0x6];
	[sflag:s14] =	ssyncadd.s32 $0xFFFFFFB0  }
0x4c: {  	[tilespmem:s15], [sflag:$0x5] =	stream.linear.gather [hbm4b:s9+s4], $0x50, $0x38;
	[tilespmem:$0x19200] =	vst v63  }
0x4d: {  	_ =	swait.ge [sflag:s14], $0x50  }
0x4e: {  	[sflag:s14] =	ssyncset.done $0x0  }
0x4f: {  	[sflag:s14] =	ssyncadd.s32 $0xFFFFFFB0  }
0x50: {  	[tilespmem:s6], [sflag:$0x1] =	stream.indirect.gather [hbm4b:s1+s16], $0x80, s4, s16, $0xb8;
	[tilespmem:$0x19200] =	vst v63  }
0x51: {  	s29 =	rddreg [dreg:$0x12]  }
0x52: {  	[tilespmem:s17], [sflag:$0x4] =	stream.linear.gather [hbm4b:s29+s4], $0x50, $0x38;
	[tilespmem:$0x19200] =	vst v63  }
0x53: {  	s28 =	smov.u32 s2;
	s2 =	rddreg [dreg:$0x13]  }
0x54: {  	[tilespmem:s18], [sflag:$0x4] =	stream.linear.gather [hbm4b:s2+s4], $0x50, $0x38;
	[tilespmem:$0x19200] =	vst v63  }
0x55: {  	_ =	swait.ge [sflag:s19], $0x50  }
0x56: {  	[sflag:s19] =	ssyncset.done $0x0  }
0x57: {  	[sflag:s19] =	ssyncadd.s32 $0xFFFFFFB0  }
0x58: {  	_ =	swait.ge [sflag:s19], $0x50  }
0x59: {  	[sflag:s19] =	ssyncset.done $0x0  }
0x5a: {  	[sflag:s19] =	ssyncadd.s32 $0xFFFFFFB0  }
0x5b: {  	[tilespmem:s21], [sflag:$0x2] =	stream.indirect.gather [hbm4b:s1+s16], $0x80, s17, s16, $0xb8;
	[tilespmem:$0x19200] =	vst v63  }
0x5c: {  	_ =	swait.ge [sflag:s22], $0x2800  }
0x5d: {  	[sflag:s22] =	ssyncset.done $0x0  }
0x5e: {  	[sflag:s22] =	ssyncadd.s32 $0xFFFFD800  }
0x5f: {  	[spmem:s3] =	stream.indirect.scatter.add.f32 [tilespmem:s6], [sflag:$0x5], $0x80, s15, s16, $0xb8;
	[tilespmem:$0x19200] =	vst v63  }
0x60: {  	_ =	swait.ge [sflag:s14], $0x2800  }
0x61: {  	s2 =	rddreg [dreg:$0x10]  }
0x62: {  	s26 =	smov.u32 s31;
	[sflag:s14] =	ssyncset.done $0x0;
	s8 =	sshrl.u32 s2, $0x3  }
0x63: {  	s31 =	sadd.s32 $0x0, s20;
	[sflag:s14] =	ssyncadd.s32 $0xFFFFD800;
	s0 =	sadd.s32 s5, s8  }
0x64: {  	[tilespmem:s4], [sflag:$0x3] =	stream.linear.gather [hbm4b:s0+s4], $0x50, $0x38;
	[tilespmem:$0x19200] =	vst v63  }
0x65: {  	s9 =	sadd.s32 $0x14, s31  }
0x66: {  	[tilespmem:s15], [sflag:$0x3] =	stream.linear.gather [hbm4b:s9+s4], $0x50, $0x38;
	[tilespmem:$0x19200] =	vst v63  }
0x67: {  	_ =	swait.ge [sflag:s23], $0x50  }
0x68: {  	[sflag:s23] =	ssyncset.done $0x0  }
0x69: {  	[sflag:s23] =	ssyncadd.s32 $0xFFFFFFB0  }
0x6a: {  	_ =	swait.ge [sflag:s23], $0x50  }
0x6b: {  	[sflag:s23] =	ssyncset.done $0x0  }
0x6c: {  	[sflag:s23] =	ssyncadd.s32 $0xFFFFFFB0  }
0x6d: {  	[tilespmem:s6], [sflag:$0x1] =	stream.indirect.gather [hbm4b:s1+s16], $0x80, s4, s16, $0xb8;
	[tilespmem:$0x19200] =	vst v63  }
0x6e: {  	_ =	swait.ge [sflag:s12], $0x2800  }
0x6f: {  	[sflag:s12] =	ssyncset.done $0x0  }
0x70: {  	s13 =	smov.u32 s25;
	[sflag:s12] =	ssyncadd.s32 $0xFFFFD800  }
0x71: {  	[spmem:s3] =	stream.indirect.scatter.add.f32 [tilespmem:s21], [sflag:$0x5], $0x80, s18, s16, $0xb8;
	[tilespmem:$0x19200] =	vst v63  }
0x72: {  	s25 =	smov.u32 s30;
	s30 =	simm.s32 $0x14;
	_ =	swait.ge [sflag:s14], $0x2800  }
0x73: {  	s29 =	sadd.s32 $0x0, s24;
	s0 =	sadd.s32 $0x1E, s31;
	[sflag:s14] =	ssyncset.done $0x0  }
0x74: {  	s31 =	sadd.s32 $0xA0, s2;
	s9 =	smov.u32 s10;
	[sflag:s14] =	ssyncadd.s32 $0xFFFFD800  }
0x75: {  	[tilespmem:s17], [sflag:$0x4] =	stream.linear.gather [hbm4b:s29+s4], $0x50, $0x38;
	[tilespmem:$0x19200] =	vst v63  }
.LBB2_2:
0x76: {  	[tilespmem:s18], [sflag:$0x4] =	stream.linear.gather [hbm4b:s0+s4], $0x50, $0x38;
	[tilespmem:$0x19200] =	vst v63  }
0x77: {  	s0 =	smov.u32 s30  }
0x78: {  	p1 =	sne.s32 s30, $0x4B0;
	s30 =	sadd.s32 $0x14, s30;
	_ =	swait.ge [sflag:s19], $0x50  }
0x79: {  	[sflag:s19] =	ssyncset.done $0x0  }
0x7a: {  	[sflag:s19] =	ssyncadd.s32 $0xFFFFFFB0  }
0x7b: {  	_ =	swait.ge [sflag:s19], $0x50  }
0x7c: {  	[sflag:s19] =	ssyncset.done $0x0  }
0x7d: {  	[sflag:s19] =	ssyncadd.s32 $0xFFFFFFB0  }
0x7e: {  	[tilespmem:s21], [sflag:$0x2] =	stream.indirect.gather [hbm4b:s1+s16], $0x80, s17, s16, $0xb8;
	[tilespmem:$0x19200] =	vst v63  }
0x7f: {  	_ =	swait.ge [sflag:s22], $0x2800  }
0x80: {  	[sflag:s22] =	ssyncset.done $0x0  }
0x81: {  	[sflag:s22] =	ssyncadd.s32 $0xFFFFD800  }
0x82: {  	[spmem:s3] =	stream.indirect.scatter.add.f32 [tilespmem:s6], [sflag:$0x5], $0x80, s15, s16, $0xb8;
	[tilespmem:$0x19200] =	vst v63  }
0x83: {  	_ =	swait.ge [sflag:s14], $0x2800  }
0x84: {  	s2 =	sshrl.u32 s31, $0x3;
	[sflag:s14] =	ssyncset.done $0x0  }
0x85: {  	s2 =	sadd.s32 s5, s2;
	s8 =	sadd.s32 s0, s20;
	[sflag:s14] =	ssyncadd.s32 $0xFFFFD800  }
0x86: {  	[tilespmem:s4], [sflag:$0x3] =	stream.linear.gather [hbm4b:s2+s4], $0x50, $0x38;
	[tilespmem:$0x19200] =	vst v63  }
0x87: {  	s2 =	sadd.s32 $0x14, s8  }
0x88: {  	[tilespmem:s15], [sflag:$0x3] =	stream.linear.gather [hbm4b:s2+s4], $0x50, $0x38;
	[tilespmem:$0x19200] =	vst v63  }
0x89: {  	_ =	swait.ge [sflag:s23], $0x50  }
0x8a: {  	[sflag:s23] =	ssyncset.done $0x0  }
0x8b: {  	[sflag:s23] =	ssyncadd.s32 $0xFFFFFFB0  }
0x8c: {  	_ =	swait.ge [sflag:s23], $0x50  }
0x8d: {  	[sflag:s23] =	ssyncset.done $0x0  }
0x8e: {  	[sflag:s23] =	ssyncadd.s32 $0xFFFFFFB0  }
0x8f: {  	[tilespmem:s6], [sflag:$0x1] =	stream.indirect.gather [hbm4b:s1+s16], $0x80, s4, s16, $0xb8;
	[tilespmem:$0x19200] =	vst v63  }
0x90: {  	_ =	swait.ge [sflag:s12], $0x2800  }
0x91: {  	[sflag:s12] =	ssyncset.done $0x0  }
0x92: {  	[sflag:s12] =	ssyncadd.s32 $0xFFFFD800  }
0x93: {  	[spmem:s3] =	stream.indirect.scatter.add.f32 [tilespmem:s21], [sflag:$0x5], $0x80, s18, s16, $0xb8;
	[tilespmem:$0x19200] =	vst v63  }
.Ltmp0:
0x94: {  	_ =	swait.ge [sflag:s14], $0x2800;
	(pc) =	sbr.rel @p1 .LBB2_2-.Ltmp0, $4  }
0x95: {  	[sflag:s14] =	ssyncset.done $0x0  }
0x96: {  	s0 =	sadd.s32 s0, s24;
	[sflag:s14] =	ssyncadd.s32 $0xFFFFD800  }
0x97: {  	[tilespmem:s17], [sflag:$0x4] =	stream.linear.gather [hbm4b:s0+s4], $0x50, $0x38;
	[tilespmem:$0x19200] =	vst v63  }
0x98: {  	s31 =	sadd.s32 $0xA0, s31;
	s0 =	sadd.s32 $0x1E, s8  }
0x99: {  	[tilespmem:s18], [sflag:$0x4] =	stream.linear.gather [hbm4b:s0+s4], $0x50, $0x38;
	[tilespmem:$0x19200] =	vst v63  }
0x9a: {  	_ =	swait.ge [sflag:s19], $0x50  }
0x9b: {  	[sflag:s19] =	ssyncset.done $0x0  }
0x9c: {  	[sflag:s19] =	ssyncadd.s32 $0xFFFFFFB0  }
0x9d: {  	_ =	swait.ge [sflag:s19], $0x50  }
0x9e: {  	[sflag:s19] =	ssyncset.done $0x0  }
0x9f: {  	[sflag:s19] =	ssyncadd.s32 $0xFFFFFFB0  }
0xa0: {  	[tilespmem:s21], [sflag:$0x2] =	stream.indirect.gather [hbm4b:s1+s16], $0x80, s17, s16, $0xb8;
	[tilespmem:$0x19200] =	vst v63  }
0xa1: {  	_ =	swait.ge [sflag:s22], $0x2800  }
0xa2: {  	[sflag:s22] =	ssyncset.done $0x0  }
0xa3: {  	[sflag:s22] =	ssyncadd.s32 $0xFFFFD800  }
0xa4: {  	[spmem:s3] =	stream.indirect.scatter.add.f32 [tilespmem:s6], [sflag:$0x5], $0x80, s15, s16, $0xb8;
	[tilespmem:$0x19200] =	vst v63  }
0xa5: {  	_ =	swait.ge [sflag:s14], $0x2800  }
0xa6: {  	[sflag:s14] =	ssyncset.done $0x0  }
0xa7: {  	s2 =	rddreg [dreg:$0x14];
	[sflag:s14] =	ssyncadd.s32 $0xFFFFD800  }
0xa8: {  	[tilespmem:s4], [sflag:$0x3] =	stream.linear.gather [hbm4b:s2+s4], $0x50, $0x38;
	[tilespmem:$0x19200] =	vst v63  }
0xa9: {  	s8 =	rddreg [dreg:$0x15]  }
0xaa: {  	[tilespmem:s15], [sflag:$0x3] =	stream.linear.gather [hbm4b:s8+s4], $0x50, $0x38;
	[tilespmem:$0x19200] =	vst v63  }
0xab: {  	_ =	swait.ge [sflag:s23], $0x50  }
0xac: {  	[sflag:s23] =	ssyncset.done $0x0  }
0xad: {  	[sflag:s23] =	ssyncadd.s32 $0xFFFFFFB0  }
0xae: {  	_ =	swait.ge [sflag:s23], $0x50  }
0xaf: {  	[sflag:s23] =	ssyncset.done $0x0  }
0xb0: {  	[sflag:s23] =	ssyncadd.s32 $0xFFFFFFB0  }
0xb1: {  	[tilespmem:s6], [sflag:$0x1] =	stream.indirect.gather [hbm4b:s1+s16], $0x80, s4, s16, $0xb8;
	[tilespmem:$0x19200] =	vst v63  }
0xb2: {  	_ =	swait.ge [sflag:s12], $0x2800  }
0xb3: {  	[sflag:s12] =	ssyncset.done $0x0  }
0xb4: {  	[sflag:s12] =	ssyncadd.s32 $0xFFFFD800  }
0xb5: {  	[spmem:s3] =	stream.indirect.scatter.add.f32 [tilespmem:s21], [sflag:$0x5], $0x80, s18, s16, $0xb8;
	[tilespmem:$0x19200] =	vst v63  }
0xb6: {  	_ =	swait.ge [sflag:s14], $0x2800  }
0xb7: {  	[sflag:s14] =	ssyncset.done $0x0  }
0xb8: {  	[sflag:s14] =	ssyncadd.s32 $0xFFFFD800  }
0xb9: {  	_ =	swait.ge [sflag:s22], $0x2800  }
0xba: {  	[sflag:s22] =	ssyncset.done $0x0  }
0xbb: {  	[sflag:s22] =	ssyncadd.s32 $0xFFFFD800  }
0xbc: {  	[spmem:s3] =	stream.indirect.scatter.add.f32 [tilespmem:s6], [sflag:$0x5], $0x80, s15, s16, $0xb8;
	[tilespmem:$0x19200] =	vst v63  }
0xbd: {  	_ =	swait.ge [sflag:s14], $0x2800  }
0xbe: {  	[sflag:s14] =	ssyncset.done $0x0  }
0xbf: {  	[sflag:s14] =	ssyncadd.s32 $0xFFFFD800  }
0xc0: {  	[bflag:$0x0] =	sbarrier.arrive $0xFFFF  }
0xc1: {  	[tilespmem:s6], [sflag:$0x1] =	stream.linear.gather [spmem:s13], $0x2800, $0x38;
	[tilespmem:$0x19200] =	vst v63  }
0xc2: {  	_ =	swait.ge [sflag:s22], $0x2800  }
0xc3: {  	[sflag:s22] =	ssyncset.done $0x0  }
0xc4: {  	s10 =	rddreg [dreg:$0x7];
	[sflag:s22] =	ssyncadd.s32 $0xFFFFD800  }
0xc5: {  	[hbm4b:s10+s4] =	stream.linear.scatter [tilespmem:s6], [sflag:$0x3], $0x2800, $0x38;
	[tilespmem:$0x19200] =	vst v63  }
0xc6: {  	_ = 	snop  }
0xc7: {  	[tilespmem:s21], [sflag:$0x2] =	stream.linear.gather [spmem:s9], $0x2800, $0x38;
	[tilespmem:$0x19200] =	vst v63  }
0xc8: {  	_ =	swait.ge [sflag:s12], $0x2800  }
0xc9: {  	[sflag:s12] =	ssyncset.done $0x0  }
0xca: {  	s29 =	rddreg [dreg:$0x8];
	[sflag:s12] =	ssyncadd.s32 $0xFFFFD800  }
0xcb: {  	[hbm4b:s29+s4] =	stream.linear.scatter [tilespmem:s21], [sflag:$0x4], $0x2800, $0x38;
	[tilespmem:$0x19200] =	vst v63  }
0xcc: {  	_ =	swait.ge [sflag:s23], $0x2800  }
0xcd: {  	[sflag:s23] =	ssyncset.done $0x0  }
0xce: {  	[sflag:s23] =	ssyncadd.s32 $0xFFFFD800  }
0xcf: {  	[tilespmem:s6], [sflag:$0x1] =	stream.linear.gather [spmem:s11], $0x2800, $0x38;
	[tilespmem:$0x19200] =	vst v63  }
0xd0: {  	_ =	swait.ge [sflag:s22], $0x2800  }
0xd1: {  	[sflag:s22] =	ssyncset.done $0x0  }
0xd2: {  	s2 =	rddreg [dreg:$0x9];
	[sflag:s22] =	ssyncadd.s32 $0xFFFFD800  }
0xd3: {  	[hbm4b:s2+s4] =	stream.linear.scatter [tilespmem:s6], [sflag:$0x3], $0x2800, $0x38;
	[tilespmem:$0x19200] =	vst v63  }
0xd4: {  	_ =	swait.ge [sflag:s19], $0x2800  }
0xd5: {  	[sflag:s19] =	ssyncset.done $0x0  }
0xd6: {  	[sflag:s19] =	ssyncadd.s32 $0xFFFFD800  }
0xd7: {  	[tilespmem:s21], [sflag:$0x2] =	stream.linear.gather [spmem:s25], $0x2800, $0x38;
	[tilespmem:$0x19200] =	vst v63  }
0xd8: {  	_ =	swait.ge [sflag:s12], $0x2800  }
0xd9: {  	[sflag:s12] =	ssyncset.done $0x0  }
0xda: {  	s8 =	rddreg [dreg:$0xa];
	[sflag:s12] =	ssyncadd.s32 $0xFFFFD800  }
0xdb: {  	[hbm4b:s8+s4] =	stream.linear.scatter [tilespmem:s21], [sflag:$0x4], $0x2800, $0x38;
	[tilespmem:$0x19200] =	vst v63  }
0xdc: {  	_ =	swait.ge [sflag:s23], $0x2800  }
0xdd: {  	[sflag:s23] =	ssyncset.done $0x0  }
0xde: {  	[sflag:s23] =	ssyncadd.s32 $0xFFFFD800  }
0xdf: {  	[tilespmem:s6], [sflag:$0x1] =	stream.linear.gather [spmem:s26], $0x2800, $0x38;
	[tilespmem:$0x19200] =	vst v63  }
0xe0: {  	_ =	swait.ge [sflag:s22], $0x2800  }
0xe1: {  	[sflag:s22] =	ssyncset.done $0x0  }
0xe2: {  	s10 =	rddreg [dreg:$0xb];
	[sflag:s22] =	ssyncadd.s32 $0xFFFFD800  }
0xe3: {  	[hbm4b:s10+s4] =	stream.linear.scatter [tilespmem:s6], [sflag:$0x3], $0x2800, $0x38;
	[tilespmem:$0x19200] =	vst v63  }
0xe4: {  	_ =	swait.ge [sflag:s19], $0x2800  }
0xe5: {  	[sflag:s19] =	ssyncset.done $0x0  }
0xe6: {  	s0 =	simm.s32 @!p0 $0x2A00;
	s2 =	simm.s32 @!p0 $0x2;
	[sflag:s19] =	ssyncadd.s32 $0xFFFFD800  }
0xe7: {  	[tilespmem:s0], [sflag:$0x2] =	stream.linear.gather @!p0 [spmem:s28], $0x2800, $0x38;
	[tilespmem:$0x19200] =	vst v63  }
0xe8: {  	_ =	swait.ge @!p0 [sflag:s2], $0x2800  }
0xe9: {  	s30 =	simm.s32 @!p0 $0x3;
	[sflag:s2] =	ssyncset.done @!p0 $0x0  }
0xea: {  	s8 =	simm.s32 @!p0 $0x0;
	s10 =	rddreg [dreg:$0xc];
	[sflag:s2] =	ssyncadd.s32 @!p0 $0xFFFFD800  }
0xeb: {  	[hbm4b:s10+s8] =	stream.linear.scatter @!p0 [tilespmem:s0], [sflag:$0x4], $0x2800, $0x38;
	[tilespmem:$0x19200] =	vst v63  }
0xec: {  	_ =	swait.ge @!p0 [sflag:s30], $0x2800  }
0xed: {  	s31 =	simm.s32 @!p0 $0x100;
	[sflag:s30] =	ssyncset.done @!p0 $0x0  }
0xee: {  	s10 =	smov.u32 s9;
	s9 =	simm.s32 @!p0 $0x1;
	[sflag:s30] =	ssyncadd.s32 @!p0 $0xFFFFD800  }
0xef: {  	[tilespmem:s31], [sflag:$0x1] =	stream.linear.gather @!p0 [spmem:s7], $0x2800, $0x38;
	[tilespmem:$0x19200] =	vst v63  }
0xf0: {  	_ =	swait.ge @!p0 [sflag:s9], $0x2800  }
0xf1: {  	[sflag:s9] =	ssyncset.done @!p0 $0x0  }
0xf2: {  	[sflag:s9] =	ssyncadd.s32 @!p0 $0xFFFFD800;
	s9 =	rddreg [dreg:$0xd]  }
0xf3: {  	[hbm4b:s9+s8] =	stream.linear.scatter @!p0 [tilespmem:s31], [sflag:$0x3], $0x2800, $0x38;
	[tilespmem:$0x19200] =	vst v63  }
0xf4: {  	s9 =	simm.s32 @!p0 $0x4  }
0xf5: {  	_ =	swait.ge @!p0 [sflag:s9], $0x2800  }
0xf6: {  	[sflag:s9] =	ssyncset.done @!p0 $0x0  }
0xf7: {  	s29 =	smov.u32 s7;
	s7 =	rddreg [dreg:$0x11];
	[sflag:s9] =	ssyncadd.s32 @!p0 $0xFFFFD800  }
0xf8: {  	[tilespmem:s0], [sflag:$0x2] =	stream.linear.gather @!p0 [spmem:s7], $0x2800, $0x38;
	[tilespmem:$0x19200] =	vst v63  }
0xf9: {  	_ =	swait.ge @!p0 [sflag:s2], $0x2800  }
0xfa: {  	[sflag:s2] =	ssyncset.done @!p0 $0x0  }
0xfb: {  	[sflag:s2] =	ssyncadd.s32 @!p0 $0xFFFFD800;
	s2 =	rddreg [dreg:$0xe]  }
0xfc: {  	[hbm4b:s2+s8] =	stream.linear.scatter @!p0 [tilespmem:s0], [sflag:$0x4], $0x2800, $0x38;
	[tilespmem:$0x19200] =	vst v63  }
0xfd: {  	_ =	swait.ge @!p0 [sflag:s30], $0x2800  }
0xfe: {  	[sflag:s30] =	ssyncset.done @!p0 $0x0  }
0xff: {  	s9 =	simm.s32 @p0 $0x3;
	[sflag:s30] =	ssyncadd.s32 @!p0 $0xFFFFD800  }
0x100: {  	_ =	swait.ge [sflag:s9], $0x2800  }
0x101: {  	s31 =	smov.u32 s26;
	s2 =	smov.u32 s28;
	s26 =	rddreg [dreg:$0x16]  }
0x102: {  	s8 =	smov.u32 s11;
	s28 =	rddreg [dreg:$0xf];
	s11 =	sadd.s32 $0x1, s26  }
0x103: {  	p1 =	sne.s32 s11, s28  }
.Ltmp1:
0x104: {  	_ = 	snop;
	(pc) =	sbr.rel @p1 .LBB2_1-.Ltmp1, $3  }
0x105: {  	_ =	sdelay $0x1  }
0x106: {  	s30 =	smov.u32 s25;
	[sflag:s9] =	ssyncset.done $0x0  }
0x107: {  	s25 =	smov.u32 s13;
	[sflag:s9] =	ssyncadd.s32 $0xFFFFD800;
	s9 =	smov.u32 s29  }
0x108: {  	_ =	sfence.sel $0x180000  }
0x109: {  	[bflag:$0x0] =	sbarrier.arrive $0xFFFF  }
0x10a: {  	_ =	strace $0x90000047  }
0x10b: {  	s0 =	stileid.u32;
	[bflag:$0x2] =	sbarrier.arrive $0xFFFF  }
0x10c: {  	p0 =	sne.s32 s0, $0x0;
	s0 =	rddreg [dreg:$0x3]  }
0x10d: {  	s0 =	sadd.s32 @!p0 $0x100000, s0  }
0x10e: {  	[sflag:s0] =	ssyncadd.tile.s32 @!p0 $0x1;
	_ =	shalt  }
.Lfunc_end2:
_tile_overlayer_lowered:
.L_overlay_start_2:
0x10f: {  	(tag) =	ssettag $0x2  }
0x110: {  	s0 =	rddreg [dreg:$0x0];
	s2 =	stileid.u32  }
0x111: {  	s1 =	rddreg [dreg:$0x1];
	p0 =	sne.s32 s2, $0x0  }
0x112: {  	s3 =	rddreg [dreg:$0x2];
	[bflag:$0x3] =	sbarrier.arrive $0xFFFF;
	s2 =	simm.s32 @!p0 $0x1C05  }
0x113: {  	[timem:s3], [sflag:s2] =	dma.local @!p0 [hbm:s0], s1  }
0x114: {  	s0 =	simm.s32 @!p0 $0x5  }
0x115: {  	_ =	swait.ge @!p0 [sflag:s0], s1  }
0x116: {  	s1 =	ssub.s32 @!p0 $0x0, s1;
	[sflag:s0] =	ssyncset.done @!p0 $0x0  }
0x117: {  	[sflag:s0] =	ssyncadd.s32 @!p0 s1  }
0x118: {  	[bflag:$0x3] =	sbarrier.arrive $0xFFFF  }
0x119: {  	_ =	shalt  }

// kernel: kernel.13.cloned.1.call-start
scs
__scs_entry_jumppad:
0x0: {  	(pc) =	sbr.rel $0x88, $3  }
0x1: {  	(tag) =	ssettag $0x0;
	lr =	simm.s32 $0x1  }
0x2: {  	[smem:$0x3F99] =	sst lr;
	_ =	strace $0xD0000000  }
0x3: {  	_ = 	snop  }
0x4: {  	_ = 	snop  }
0x5: {  	_ = 	snop  }
0x6: {  	_ = 	snop  }
0x7: {  	_ = 	snop  }
__scs_overlays_trampoline_lowered:
0x8: {  	[smem:$0x3FA8] =	sst s0  }
0x9: {  	[smem:$0x3FA9] =	sst s1  }
0xa: {  	[smem:$0x3FAA] =	sst s2  }
0xb: {  	[smem:$0x3FAB] =	sst s3  }
0xc: {  	[smem:$0x3FAC] =	sst s4  }
0xd: {  	[smem:$0x3FAD] =	sst s5  }
0xe: {  	[smem:$0x3FAE] =	sst s6  }
0xf: {  	[smem:$0x3FAF] =	sst s7  }
0x10: {  	[smem:$0x3FB0] =	sst s8  }
0x11: {  	[smem:$0x3FB1] =	sst s9;
	s0 =	simm.s32 @!p0 $0x0  }
0x12: {  	s1 =	sld [smem:$0x3F97];
	s0 =	simm.s32 @p0 $0x1  }
0x13: {  	[smem:$0x3FB2] =	sst s0;
	s0 =	simm.s32 @!p1 $0x0  }
0x14: {  	s2 =	sld [smem:$0x3F96];
	s0 =	simm.s32 @p1 $0x1  }
0x15: {  	[smem:$0x3FB3] =	sst s0;
	s0 =	simm.s32 @!p2 $0x0  }
0x16: {  	s3 =	sld [smem:$0x3FDB];
	s0 =	simm.s32 @p2 $0x1  }
0x17: {  	s4 =	simm.s32 $0x1BF5;
	[smem:$0x3FB5] =	sst s0  }
0x18: {  	s0 =	sld [smem:$0x3F98];
	_ =	swait.ge [sflag:s4], $0x0  }
0x19: {  	s7 =	sld [smem:$0x3F99]  }
0x1a: {  	s8 =	sadd.s32 $0xFFFFE003, lr  }
0x1b: {  	s9 =	sadd.s32 $0xFFFFFEF7, lr;
	s5 =	simm.s32 $0xFFFFFFFF;
	p2 =	slt.u32 s8, $0xFFFFF086  }
0x1c: {  	p1 =	slt.u32 s9, $0xF7A;
	s5 =	simm.s32 @!p2 $0x0  }
0x1d: {  	s5 =	simm.s32 @p1 $0x1;
	p0 =	seq.s32 s7, s2  }
0x1e: {  	s7 =	smul.u32 @!p0 $0xF7A, s2;
	p2 =	seq.s32 @!p0 s5, $0x0  }
0x1f: {  	s9 =	smul.u32 $0xF7A, s1;
	s8 =	simm.s32 @!p0 $0x1BF5;
	p2 =	por !p2, p0  }
0x20: {  	[sflag:s8] =	ssyncset.s32 @!p0 $0xFFFFF086;
	s6 =	sadd.s32 @!p0 s3, s7;
	s7 =	simm.s32 @!p0 $0x108  }
0x21: {  	s3 =	sadd.s32 s3, s9;
	s6 =	sadd.s32 @!p0 $0x88, s6;
	s7 =	simm.s32 @p2 $0x1082  }
0x22: {  	[simem:s7], [sflag:s8] =	dma.local @!p0 [hbm:s6], $0xF7A  }
0x23: {  	s9 =	sor.u32 $0xD0000000, s2;
	s6 =	simm.s32 $0x108;
	_ =	swait.ge @!p0 [sflag:s8], $0x0  }
0x24: {  	s3 =	sadd.s32 $0x88, s3;
	s6 =	simm.s32 @!p1 $0x1082;
	[sflag:s4] =	ssyncset.s32 $0xFFFFF086  }
0x25: {  	[simem:s6], [sflag:s4] =	dma.local [hbm:s3], $0xF7A  }
0x26: {  	[smem:$0x3F99] =	sst s1;
	(tag) =	ssettag s2;
	_ =	strace s9  }
0x27: {  	s1 =	sld [smem:$0x3FA9]  }
0x28: {  	s2 =	sld [smem:$0x3FAA]  }
0x29: {  	s4 =	sld [smem:$0x3FAC]  }
0x2a: {  	p0 =	seq.s32 s5, $0x0;
	s5 =	sld [smem:$0x3FAD]  }
0x2b: {  	s6 =	sld [smem:$0x3FAE]  }
0x2c: {  	s7 =	sld [smem:$0x3FAF]  }
0x2d: {  	s3 =	simm.s32 $0x108;
	s8 =	sld [smem:$0x3FB0]  }
0x2e: {  	s3 =	simm.s32 @!p0 $0x1082;
	s9 =	sld [smem:$0x3FB1]  }
0x2f: {  	lr =	sadd.s32 s0, s3;
	s0 =	sld [smem:$0x3FA8]  }
0x30: {  	s3 =	sld [smem:$0x3FAB]  }
0x31: {  	[smem:$0x3FB4] =	sst s10  }
0x32: {  	s10 =	sld [smem:$0x3FB2];
	_ =	sdelay $0x3  }
0x33: {  	p0 =	seq.s32 s10, $0x1;
	s10 =	sld [smem:$0x3FB4];
	_ =	sdelay $0x3  }
0x34: {  	[smem:$0x3FB4] =	sst s10  }
0x35: {  	s10 =	sld [smem:$0x3FB3];
	_ =	sdelay $0x3  }
0x36: {  	p1 =	seq.s32 s10, $0x1;
	s10 =	sld [smem:$0x3FB4];
	_ =	sdelay $0x3  }
0x37: {  	[smem:$0x3FB4] =	sst s10  }
0x38: {  	s10 =	sld [smem:$0x3FB5]  }
0x39: {  	_ = 	snop;
	(pc) =	sbr.ind lr, $3  }
0x3a: {  	_ = 	snop  }
0x3b: {  	_ = 	snop  }
0x3c: {  	p2 =	seq.s32 s10, $0x1;
	s10 =	sld [smem:$0x3FB4]  }
0x3d: {  	_ =	shalt  }
0x3e: {  	_ =	shalt  }
0x3f: {  	_ =	shalt  }
0x40: {  	_ =	shalt  }
0x41: {  	_ =	shalt  }
0x42: {  	_ =	shalt  }
0x43: {  	_ =	shalt  }
0x44: {  	_ =	shalt  }
0x45: {  	_ =	shalt  }
0x46: {  	_ =	shalt  }
0x47: {  	_ =	shalt  }
0x48: {  	_ =	shalt  }
0x49: {  	_ =	shalt  }
0x4a: {  	_ =	shalt  }
0x4b: {  	_ =	shalt  }
0x4c: {  	_ =	shalt  }
0x4d: {  	_ =	shalt  }
0x4e: {  	_ =	shalt  }
0x4f: {  	_ =	shalt  }
0x50: {  	_ =	shalt  }
0x51: {  	_ =	shalt  }
0x52: {  	_ =	shalt  }
0x53: {  	_ =	shalt  }
0x54: {  	_ =	shalt  }
0x55: {  	_ =	shalt  }
0x56: {  	_ =	shalt  }
0x57: {  	_ =	shalt  }
0x58: {  	_ =	shalt  }
0x59: {  	_ =	shalt  }
0x5a: {  	_ =	shalt  }
0x5b: {  	_ =	shalt  }
0x5c: {  	_ =	shalt  }
0x5d: {  	_ =	shalt  }
0x5e: {  	_ =	shalt  }
0x5f: {  	_ =	shalt  }
0x60: {  	_ =	shalt  }
0x61: {  	_ =	shalt  }
0x62: {  	_ =	shalt  }
0x63: {  	_ =	shalt  }
0x64: {  	_ =	shalt  }
0x65: {  	_ =	shalt  }
0x66: {  	_ =	shalt  }
0x67: {  	_ =	shalt  }
0x68: {  	_ =	shalt  }
0x69: {  	_ =	shalt  }
0x6a: {  	_ =	shalt  }
0x6b: {  	_ =	shalt  }
0x6c: {  	_ =	shalt  }
0x6d: {  	_ =	shalt  }
0x6e: {  	_ =	shalt  }
0x6f: {  	_ =	shalt  }
0x70: {  	_ =	shalt  }
0x71: {  	_ =	shalt  }
0x72: {  	_ =	shalt  }
0x73: {  	_ =	shalt  }
0x74: {  	_ =	shalt  }
0x75: {  	_ =	shalt  }
0x76: {  	_ =	shalt  }
0x77: {  	_ =	shalt  }
0x78: {  	_ =	shalt  }
0x79: {  	_ =	shalt  }
0x7a: {  	_ =	shalt  }
0x7b: {  	_ =	shalt  }
0x7c: {  	_ =	shalt  }
0x7d: {  	_ =	shalt  }
0x7e: {  	_ =	shalt  }
0x7f: {  	_ =	shalt  }
0x80: {  	_ =	shalt  }
0x81: {  	_ =	shalt  }
0x82: {  	_ =	shalt  }
0x83: {  	_ =	shalt  }
0x84: {  	_ =	shalt  }
0x85: {  	_ =	shalt  }
0x86: {  	_ =	shalt  }
0x87: {  	_ =	shalt  }
.Lfunc_end0:
.L_simem_size_0:
called_computation.2_lowered:
.L_overlay_start_0:
0x88: {  	s2 =	sld [smem:$0x3FD9]  }
0x89: {  	s3 =	sld [smem:$0x3FFE];
	_ =	sdelay $0x1  }
0x8a: {  	s1 =	srdreg.scid  }
0x8b: {  	s0 =	sand.u32 $0x1, s1  }
0x8c: {  	s14 =	sshll.u32 s0, $0xA;
	s2 =	sadd.s32 s3, s2  }
0x8d: {  	s2 =	sadd.s32 s2, s14  }
0x8e: {  	[smem:$0x3FC0] =	sst s2  }
0x8f: {  	_ = 	snop  }
0x90: {  	s2 =	sld [smem:$0x3FD0];
	_ =	sdelay $0x2  }
0x91: {  	s15 =	simm.s32 $0xB;
	s4 =	simm.s32 $0x10  }
0x92: {  	[smem:s4], [sflag:s15] =	dma.local [hbm:s2], $0x1  }
0x93: {  	_ =	swait.eq [sflag:s15], $0x1  }
0x94: {  	[sflag:s15] =	ssyncset.done $0x0  }
0x95: {  	[sflag:s15] =	ssyncadd.s32 $0xFFFFFFFF  }
0x96: {  	s16 =	sld [smem:$0x11];
	(tm) =	ssettm $0x1  }
0x97: {  	s17 =	sld [smem:$0x3FFB];
	_ =	sdelay $0x3  }
0x98: {  	_ =	strace s17  }
0x99: {  	s3 =	sld [smem:$0x3FFC];
	_ =	sdelay $0x3  }
0x9a: {  	_ =	strace s3  }
0x9b: {  	s3 =	sld [smem:$0x3FFD];
	_ =	sdelay $0x3  }
0x9c: {  	_ =	strace s3  }
0x9d: {  	_ =	strace $0x8FFFFFFF  }
0x9e: {  	s18 =	sld [smem:$0x3FDB];
	_ =	sdelay $0x1  }
0x9f: {  	s19 =	simm.s32 $_scs_section_size  }
0xa0: {  	s5 =	simm.s32 $_size__tile_overlayer_lowered;
	s6 =	simm.s32 $_tile_overlayer_lowered  }
0xa1: {  	s22 =	simm.s32 $0x1BFF;
	s21 =	sshll.u32 s6, $0x1;
	s3 =	sadd.s32 s19, s18  }
0xa2: {  	s7 =	simm.s32 $0x0;
	s20 =	sshll.u32 s5, $0x1;
	s5 =	sadd.s32 s21, s3  }
0xa3: {  	[timem:s7], [sflag:s22] =	dma.local [hbm:s5], s20  }
0xa4: {  	_ =	swait.ge [sflag:s22], s20  }
0xa5: {  	s4 =	ssub.s32 $0x0, s20;
	[sflag:s22] =	ssyncset.done $0x0  }
0xa6: {  	[sflag:s22] =	ssyncadd.s32 s4;
	_ =	sdelay $0x1  }
0xa7: {  	s23 =	simm.s32 $0x1B8B  }
0xa8: {  	_ =	swait.ge [sflag:s23], $0x1  }
0xa9: {  	[sflag:s23] =	ssyncset.done $0x0  }
0xaa: {  	s25 =	simm.s32 $0x1B8E;
	s24 =	sld [smem:$0x3FFE];
	[sflag:s23] =	ssyncadd.s32 $0xFFFFFFFF  }
0xab: {  	s26 =	simm.s32 $execute0_lowered;
	[smem:$0x3FD2] =	sst s25  }
0xac: {  	s5 =	sshll.u32 s26, $0x1;
	_ =	strace $0x8000004C;
	[dreg:$0x1] =	wrdreg $0xFFFFFFFF  }
0xad: {  	s28 =	simm.s32 $_size_execute0_lowered;
	s3 =	sadd.s32 s3, s5;
	[dreg:$0x0] =	wrdreg $0x0  }
0xae: {  	s5 =	sshll.u32 s28, $0x1;
	[dreg:$0x2] =	wrdreg s3  }
0xaf: {  	[dreg:$0x3] =	wrdreg s5  }
0xb0: {  	[dreg:$0x4] =	wrdreg $0xC0  }
0xb1: {  	_ =	task [dreg:s7], $0x5FFFF  }
0xb2: {  	[dreg:$0x1] =	wrdreg $0xFFFFFFFF  }
0xb3: {  	[dreg:$0x0] =	wrdreg $0x60  }
0xb4: {  	[dreg:$0x2] =	wrdreg s16  }
0xb5: {  	[dreg:$0x3] =	wrdreg s24  }
0xb6: {  	[dreg:$0x4] =	wrdreg $0x52000  }
0xb7: {  	[dreg:$0x5] =	wrdreg $0x9  }
0xb8: {  	_ =	task.clear_ibuf [dreg:s7], $0x6FFFF;
	_ =	strace $0x9000004C  }
0xb9: {  	s29 =	simm.s32 $0x9;
	_ =	strace $0x8000004E  }
0xba: {  	_ =	swait.ge [sflag:s29], $0x1  }
0xbb: {  	[sflag:s29] =	ssyncadd.s32 $0xFFFFFFFF  }
0xbc: {  	_ =	strace $0x9000004E  }
0xbd: {  	_ =	sfence  }
0xbe: {  	s30 =	sld [smem:$0x0];
	_ =	sdelay $0x2  }
0xbf: {  	s31 =	sshll.u32 s1, $0xD;
	s1 =	sshrl.u32 s1, $0x2  }
0xc0: {  	s3 =	sand.u32 $0x4000, s31;
	s1 =	sadd.s32 s1, s30  }
0xc1: {  	s0 =	sor.u32 s3, s0;
	s1 =	sshll.u32 s1, $0x11  }
0xc2: {  	s0 =	sor.u32 s1, s0  }
0xc3: {  	s0 =	sadd.s32 $0x8F2B, s0  }
0xc4: {  	[sflag:s0] =	ssyncadd.remote.s32 $0x1  }
0xc5: {  	_ =	sfence.sel $0xFFFF  }
0xc6: {  	[dreg:$0x0] =	wrdreg $0xFFFFFFFF;
	(pc) =	sbr.abs _section_cstart, $3  }
0xc7: {  	[dreg:$0x1] =	wrdreg $0xFFFFFFFF  }
0xc8: {  	_ =	task.clear_ibuf [dreg:s7], $0x2FFFF;
	_ =	strace $0x9FFFFFFF  }
0xc9: {  	(tm) =	ssettm $0x7FFFFFFF  }
tec
execute0_lowered:
.L_overlay_start_1:
0x0: {  	(tag) =	ssettag $0x1  }
0x1: {  	s1 =	rddreg [dreg:$0x0]  }
0x2: {  	s0 =	rddreg [dreg:$0x1]  }
0x3: {  	s3 =	rddreg [dreg:$0x2];
	s9 =	stileid.u32  }
0x4: {  	s2 =	srdreg.scid;
	s6 =	smul.u32 $0x280, s9  }
0x5: {  	s4 =	simm.s32 $0x0;
	s2 =	sand.u32 $0x1, s2;
	s20 =	smul.u32 $0x50000, s9  }
0x6: {  	[smem:$0x7FF] =	sst s4;
	s5 =	sadd.s32 $0x7200, s0;
	s13 =	smul.u32 $0x2710, s9  }
0x7: {  	s12 =	sadd.s32 $0x2200, s0;
	s8 =	sadd.s32 $0x11000, s0;
	s29 =	smul.u32 $0x4E2, s9  }
0x8: {  	p0 =	seq.s32 s9, $0xF;
	s7 =	smul.u32 $0x2710, s2;
	_ =	strace $0x8000004D  }
0x9: {  	[dreg:$0x4] =	wrdreg s8;
	s21 =	ssub.s32 $0x2, s2;
	s2 =	smul.u32 $0x27100, s2  }
0xa: {  	s22 =	sshrl.u32 s21, $0x1;
	s6 =	sadd.s32 s6, s7;
	s7 =	sshrl.u32 s20, $0x2  }
0xb: {  	s2 =	sadd.s32 s13, s2;
	s13 =	sshrl.u32 s13, $0x3;
	s20 =	sadd.s32 s29, s12  }
0xc: {  	s6 =	sshll.u32 s6, $0x4;
	s25 =	sadd.s32 s7, s3;
	s14 =	sshrl.u32 s2, $0x3  }
0xd: {  	s15 =	sadd.s32 s12, s13;
	s17 =	sadd.s32 $0xF0, s2;
	s0 =	sadd.s32 s6, s0  }
0xe: {  	s6 =	ssub.s32 s21, s22;
	s22 =	sadd.s32 $0xA0, s2;
	[dreg:$0x6] =	wrdreg s15  }
0xf: {  	s12 =	simm.s32 $0x2;
	s11 =	sadd.s32 s5, s14;
	[dreg:$0x10] =	wrdreg s22  }
0x10: {  	s10 =	sadd.s32 $0x2800, s25;
	s29 =	sadd.s32 $0x4D8, s15;
	[dreg:$0x5] =	wrdreg s11  }
0x11: {  	s8 =	sadd.s32 $0x5000, s25;
	s23 =	sadd.s32 $0xADA00, s0;
	[dreg:$0x15] =	wrdreg s29  }
0x12: {  	s30 =	sadd.s32 $0x7800, s25;
	s24 =	sadd.s32 $0xADF00, s0;
	[dreg:$0x7] =	wrdreg s23  }
0x13: {  	s31 =	sadd.s32 $0xA000, s25;
	s26 =	sadd.s32 $0xAE400, s0;
	[dreg:$0x8] =	wrdreg s24  }
0x14: {  	s19 =	sshrl.u32 s17, $0x3;
	s28 =	sadd.s32 $0xAE900, s0;
	[dreg:$0x9] =	wrdreg s26  }
0x15: {  	s2 =	sadd.s32 $0xC800, s25;
	s7 =	sadd.s32 $0xAEE00, s0;
	[dreg:$0xa] =	wrdreg s28  }
0x16: {  	s9 =	sadd.s32 $0xF000, s25;
	s16 =	sadd.s32 $0xAF300, s0;
	[dreg:$0xb] =	wrdreg s7  }
0x17: {  	s14 =	simm.s32 $0x5;
	s18 =	sadd.s32 $0xAF800, s0;
	[dreg:$0xc] =	wrdreg s16  }
0x18: {  	s17 =	simm.s32 $0x2900;
	s0 =	sadd.s32 $0xAFD00, s0;
	[dreg:$0xd] =	wrdreg s18  }
0x19: {  	s21 =	smax.u32 s6, $0x1;
	s6 =	simm.s32 $0x100;
	[dreg:$0xe] =	wrdreg s0  }
0x1a: {  	s22 =	simm.s32 $0x1;
	[dreg:$0xf] =	wrdreg s21;
	s24 =	sadd.s32 s19, s5  }
0x1b: {  	s7 =	sadd.s32 $0x11800, s25;
	s23 =	sadd.s32 $0xA, s11;
	s26 =	sadd.s32 $0xA, s15  }
0x1c: {  	s28 =	sadd.s32 $0x4D8, s11;
	s15 =	simm.s32 $0x80;
	[dreg:$0x12] =	wrdreg s23  }
0x1d: {  	s16 =	simm.s32 $0x50;
	s18 =	simm.s32 $0x2980;
	[dreg:$0x13] =	wrdreg s26  }
0x1e: {  	s19 =	simm.s32 $0x4;
	s21 =	simm.s32 $0x2A00;
	[dreg:$0x14] =	wrdreg s28  }
0x1f: {  	s11 =	simm.s32 $0x0;
	s23 =	simm.s32 $0x3;
	[dreg:$0x11] =	wrdreg s7  }
.LBB2_1:
0x20: {  	[dreg:$0x16] =	wrdreg s11  }
0x21: {  	s0 =	rddreg [dreg:$0x4]  }
0x22: {  	[tilespmem:s6], [sflag:$0x5] =	stream.linear.gather [hbm4b:s0+s4], $0x2800, $0x38;
	[tilespmem:$0x19200] =	vst v63  }
0x23: {  	_ =	swait.ge [sflag:s14], $0x2800  }
0x24: {  	[sflag:s14] =	ssyncset.done $0x0  }
0x25: {  	[sflag:s14] =	ssyncadd.s32 $0xFFFFD800  }
0x26: {  	[spmem:s25] =	stream.linear.scatter [tilespmem:s6], [sflag:$0x5], $0x2800, $0x38;
	[tilespmem:$0x19200] =	vst v63  }
0x27: {  	_ =	swait.ge [sflag:s14], $0x2800  }
0x28: {  	[sflag:s14] =	ssyncset.done $0x0  }
0x29: {  	[sflag:s14] =	ssyncadd.s32 $0xFFFFD800  }
0x2a: {  	[spmem:s10] =	stream.linear.scatter [tilespmem:s6], [sflag:$0x5], $0x2800, $0x38;
	[tilespmem:$0x19200] =	vst v63  }
0x2b: {  	_ =	swait.ge [sflag:s14], $0x2800  }
0x2c: {  	[sflag:s14] =	ssyncset.done $0x0  }
0x2d: {  	[sflag:s14] =	ssyncadd.s32 $0xFFFFD800  }
0x2e: {  	[spmem:s8] =	stream.linear.scatter [tilespmem:s6], [sflag:$0x5], $0x2800, $0x38;
	[tilespmem:$0x19200] =	vst v63  }
0x2f: {  	_ =	swait.ge [sflag:s14], $0x2800  }
0x30: {  	[sflag:s14] =	ssyncset.done $0x0  }
0x31: {  	[sflag:s14] =	ssyncadd.s32 $0xFFFFD800  }
0x32: {  	[spmem:s30] =	stream.linear.scatter [tilespmem:s6], [sflag:$0x5], $0x2800, $0x38;
	[tilespmem:$0x19200] =	vst v63  }
0x33: {  	_ =	swait.ge [sflag:s14], $0x2800  }
0x34: {  	[sflag:s14] =	ssyncset.done $0x0  }
0x35: {  	[sflag:s14] =	ssyncadd.s32 $0xFFFFD800  }
0x36: {  	[spmem:s31] =	stream.linear.scatter [tilespmem:s6], [sflag:$0x5], $0x2800, $0x38;
	[tilespmem:$0x19200] =	vst v63  }
0x37: {  	_ =	swait.ge [sflag:s14], $0x2800  }
0x38: {  	[sflag:s14] =	ssyncset.done $0x0  }
0x39: {  	[sflag:s14] =	ssyncadd.s32 $0xFFFFD800  }
0x3a: {  	[spmem:s2] =	stream.linear.scatter [tilespmem:s6], [sflag:$0x5], $0x2800, $0x38;
	[tilespmem:$0x19200] =	vst v63  }
0x3b: {  	_ =	swait.ge [sflag:s14], $0x2800  }
0x3c: {  	[sflag:s14] =	ssyncset.done $0x0  }
0x3d: {  	[sflag:s14] =	ssyncadd.s32 $0xFFFFD800  }
0x3e: {  	[spmem:s9] =	stream.linear.scatter [tilespmem:s6], [sflag:$0x5], $0x2800, $0x38;
	[tilespmem:$0x19200] =	vst v63  }
0x3f: {  	_ =	swait.ge [sflag:s14], $0x2800  }
0x40: {  	[sflag:s14] =	ssyncset.done $0x0  }
0x41: {  	s29 =	smov.u32 s7;
	[sflag:s14] =	ssyncadd.s32 $0xFFFFD800  }
0x42: {  	[spmem:s29] =	stream.linear.scatter [tilespmem:s6], [sflag:$0x5], $0x2800, $0x38;
	[tilespmem:$0x19200] =	vst v63  }
0x43: {  	_ =	swait.ge [sflag:s14], $0x2800  }
0x44: {  	[sflag:s14] =	ssyncset.done $0x0  }
0x45: {  	[sflag:s14] =	ssyncadd.s32 $0xFFFFD800  }
0x46: {  	[bflag:$0x0] =	sbarrier.arrive $0xFFFF  }
0x47: {  	s11 =	smov.u32 s8;
	s8 =	rddreg [dreg:$0x5]  }
0x48: {  	[tilespmem:s4], [sflag:$0x5] =	stream.linear.gather [hbm4b:s8+s4], $0x50, $0x38;
	[tilespmem:$0x19200] =	vst v63  }
0x49: {  	_ =	swait.ge [sflag:s14], $0x50  }
0x4a: {  	[sflag:s14] =	ssyncset.done $0x0  }
0x4b: {  	s7 =	smov.u32 s9;
	s9 =	rddreg [dreg:$0x6];
	[sflag:s14] =	ssyncadd.s32 $0xFFFFFFB0  }
0x4c: {  	[tilespmem:s15], [sflag:$0x5] =	stream.linear.gather [hbm4b:s9+s4], $0x50, $0x38;
	[tilespmem:$0x19200] =	vst v63  }
0x4d: {  	_ =	swait.ge [sflag:s14], $0x50  }
0x4e: {  	[sflag:s14] =	ssyncset.done $0x0  }
0x4f: {  	[sflag:s14] =	ssyncadd.s32 $0xFFFFFFB0  }
0x50: {  	[tilespmem:s6], [sflag:$0x1] =	stream.indirect.gather [hbm4b:s1+s16], $0x80, s4, s16, $0xb8;
	[tilespmem:$0x19200] =	vst v63  }
0x51: {  	s29 =	rddreg [dreg:$0x12]  }
0x52: {  	[tilespmem:s17], [sflag:$0x4] =	stream.linear.gather [hbm4b:s29+s4], $0x50, $0x38;
	[tilespmem:$0x19200] =	vst v63  }
0x53: {  	s28 =	smov.u32 s2;
	s2 =	rddreg [dreg:$0x13]  }
0x54: {  	[tilespmem:s18], [sflag:$0x4] =	stream.linear.gather [hbm4b:s2+s4], $0x50, $0x38;
	[tilespmem:$0x19200] =	vst v63  }
0x55: {  	_ =	swait.ge [sflag:s19], $0x50  }
0x56: {  	[sflag:s19] =	ssyncset.done $0x0  }
0x57: {  	[sflag:s19] =	ssyncadd.s32 $0xFFFFFFB0  }
0x58: {  	_ =	swait.ge [sflag:s19], $0x50  }
0x59: {  	[sflag:s19] =	ssyncset.done $0x0  }
0x5a: {  	[sflag:s19] =	ssyncadd.s32 $0xFFFFFFB0  }
0x5b: {  	[tilespmem:s21], [sflag:$0x2] =	stream.indirect.gather [hbm4b:s1+s16], $0x80, s17, s16, $0xb8;
	[tilespmem:$0x19200] =	vst v63  }
0x5c: {  	_ =	swait.ge [sflag:s22], $0x2800  }
0x5d: {  	[sflag:s22] =	ssyncset.done $0x0  }
0x5e: {  	[sflag:s22] =	ssyncadd.s32 $0xFFFFD800  }
0x5f: {  	[spmem:s3] =	stream.indirect.scatter.add.f32 [tilespmem:s6], [sflag:$0x5], $0x80, s15, s16, $0xb8;
	[tilespmem:$0x19200] =	vst v63  }
0x60: {  	_ =	swait.ge [sflag:s14], $0x2800  }
0x61: {  	s2 =	rddreg [dreg:$0x10]  }
0x62: {  	s26 =	smov.u32 s31;
	[sflag:s14] =	ssyncset.done $0x0;
	s8 =	sshrl.u32 s2, $0x3  }
0x63: {  	s31 =	sadd.s32 $0x0, s20;
	[sflag:s14] =	ssyncadd.s32 $0xFFFFD800;
	s0 =	sadd.s32 s5, s8  }
0x64: {  	[tilespmem:s4], [sflag:$0x3] =	stream.linear.gather [hbm4b:s0+s4], $0x50, $0x38;
	[tilespmem:$0x19200] =	vst v63  }
0x65: {  	s9 =	sadd.s32 $0x14, s31  }
0x66: {  	[tilespmem:s15], [sflag:$0x3] =	stream.linear.gather [hbm4b:s9+s4], $0x50, $0x38;
	[tilespmem:$0x19200] =	vst v63  }
0x67: {  	_ =	swait.ge [sflag:s23], $0x50  }
0x68: {  	[sflag:s23] =	ssyncset.done $0x0  }
0x69: {  	[sflag:s23] =	ssyncadd.s32 $0xFFFFFFB0  }
0x6a: {  	_ =	swait.ge [sflag:s23], $0x50  }
0x6b: {  	[sflag:s23] =	ssyncset.done $0x0  }
0x6c: {  	[sflag:s23] =	ssyncadd.s32 $0xFFFFFFB0  }
0x6d: {  	[tilespmem:s6], [sflag:$0x1] =	stream.indirect.gather [hbm4b:s1+s16], $0x80, s4, s16, $0xb8;
	[tilespmem:$0x19200] =	vst v63  }
0x6e: {  	_ =	swait.ge [sflag:s12], $0x2800  }
0x6f: {  	[sflag:s12] =	ssyncset.done $0x0  }
0x70: {  	s13 =	smov.u32 s25;
	[sflag:s12] =	ssyncadd.s32 $0xFFFFD800  }
0x71: {  	[spmem:s3] =	stream.indirect.scatter.add.f32 [tilespmem:s21], [sflag:$0x5], $0x80, s18, s16, $0xb8;
	[tilespmem:$0x19200] =	vst v63  }
0x72: {  	s25 =	smov.u32 s30;
	s30 =	simm.s32 $0x14;
	_ =	swait.ge [sflag:s14], $0x2800  }
0x73: {  	s29 =	sadd.s32 $0x0, s24;
	s0 =	sadd.s32 $0x1E, s31;
	[sflag:s14] =	ssyncset.done $0x0  }
0x74: {  	s31 =	sadd.s32 $0xA0, s2;
	s9 =	smov.u32 s10;
	[sflag:s14] =	ssyncadd.s32 $0xFFFFD800  }
0x75: {  	[tilespmem:s17], [sflag:$0x4] =	stream.linear.gather [hbm4b:s29+s4], $0x50, $0x38;
	[tilespmem:$0x19200] =	vst v63  }
.LBB2_2:
0x76: {  	[tilespmem:s18], [sflag:$0x4] =	stream.linear.gather [hbm4b:s0+s4], $0x50, $0x38;
	[tilespmem:$0x19200] =	vst v63  }
0x77: {  	s0 =	smov.u32 s30  }
0x78: {  	p1 =	sne.s32 s30, $0x4B0;
	s30 =	sadd.s32 $0x14, s30;
	_ =	swait.ge [sflag:s19], $0x50  }
0x79: {  	[sflag:s19] =	ssyncset.done $0x0  }
0x7a: {  	[sflag:s19] =	ssyncadd.s32 $0xFFFFFFB0  }
0x7b: {  	_ =	swait.ge [sflag:s19], $0x50  }
0x7c: {  	[sflag:s19] =	ssyncset.done $0x0  }
0x7d: {  	[sflag:s19] =	ssyncadd.s32 $0xFFFFFFB0  }
0x7e: {  	[tilespmem:s21], [sflag:$0x2] =	stream.indirect.gather [hbm4b:s1+s16], $0x80, s17, s16, $0xb8;
	[tilespmem:$0x19200] =	vst v63  }
0x7f: {  	_ =	swait.ge [sflag:s22], $0x2800  }
0x80: {  	[sflag:s22] =	ssyncset.done $0x0  }
0x81: {  	[sflag:s22] =	ssyncadd.s32 $0xFFFFD800  }
0x82: {  	[spmem:s3] =	stream.indirect.scatter.add.f32 [tilespmem:s6], [sflag:$0x5], $0x80, s15, s16, $0xb8;
	[tilespmem:$0x19200] =	vst v63  }
0x83: {  	_ =	swait.ge [sflag:s14], $0x2800  }
0x84: {  	s2 =	sshrl.u32 s31, $0x3;
	[sflag:s14] =	ssyncset.done $0x0  }
0x85: {  	s2 =	sadd.s32 s5, s2;
	s8 =	sadd.s32 s0, s20;
	[sflag:s14] =	ssyncadd.s32 $0xFFFFD800  }
0x86: {  	[tilespmem:s4], [sflag:$0x3] =	stream.linear.gather [hbm4b:s2+s4], $0x50, $0x38;
	[tilespmem:$0x19200] =	vst v63  }
0x87: {  	s2 =	sadd.s32 $0x14, s8  }
0x88: {  	[tilespmem:s15], [sflag:$0x3] =	stream.linear.gather [hbm4b:s2+s4], $0x50, $0x38;
	[tilespmem:$0x19200] =	vst v63  }
0x89: {  	_ =	swait.ge [sflag:s23], $0x50  }
0x8a: {  	[sflag:s23] =	ssyncset.done $0x0  }
0x8b: {  	[sflag:s23] =	ssyncadd.s32 $0xFFFFFFB0  }
0x8c: {  	_ =	swait.ge [sflag:s23], $0x50  }
0x8d: {  	[sflag:s23] =	ssyncset.done $0x0  }
0x8e: {  	[sflag:s23] =	ssyncadd.s32 $0xFFFFFFB0  }
0x8f: {  	[tilespmem:s6], [sflag:$0x1] =	stream.indirect.gather [hbm4b:s1+s16], $0x80, s4, s16, $0xb8;
	[tilespmem:$0x19200] =	vst v63  }
0x90: {  	_ =	swait.ge [sflag:s12], $0x2800  }
0x91: {  	[sflag:s12] =	ssyncset.done $0x0  }
0x92: {  	[sflag:s12] =	ssyncadd.s32 $0xFFFFD800  }
0x93: {  	[spmem:s3] =	stream.indirect.scatter.add.f32 [tilespmem:s21], [sflag:$0x5], $0x80, s18, s16, $0xb8;
	[tilespmem:$0x19200] =	vst v63  }
.Ltmp0:
0x94: {  	_ =	swait.ge [sflag:s14], $0x2800;
	(pc) =	sbr.rel @p1 .LBB2_2-.Ltmp0, $4  }
0x95: {  	[sflag:s14] =	ssyncset.done $0x0  }
0x96: {  	s0 =	sadd.s32 s0, s24;
	[sflag:s14] =	ssyncadd.s32 $0xFFFFD800  }
0x97: {  	[tilespmem:s17], [sflag:$0x4] =	stream.linear.gather [hbm4b:s0+s4], $0x50, $0x38;
	[tilespmem:$0x19200] =	vst v63  }
0x98: {  	s31 =	sadd.s32 $0xA0, s31;
	s0 =	sadd.s32 $0x1E, s8  }
0x99: {  	[tilespmem:s18], [sflag:$0x4] =	stream.linear.gather [hbm4b:s0+s4], $0x50, $0x38;
	[tilespmem:$0x19200] =	vst v63  }
0x9a: {  	_ =	swait.ge [sflag:s19], $0x50  }
0x9b: {  	[sflag:s19] =	ssyncset.done $0x0  }
0x9c: {  	[sflag:s19] =	ssyncadd.s32 $0xFFFFFFB0  }
0x9d: {  	_ =	swait.ge [sflag:s19], $0x50  }
0x9e: {  	[sflag:s19] =	ssyncset.done $0x0  }
0x9f: {  	[sflag:s19] =	ssyncadd.s32 $0xFFFFFFB0  }
0xa0: {  	[tilespmem:s21], [sflag:$0x2] =	stream.indirect.gather [hbm4b:s1+s16], $0x80, s17, s16, $0xb8;
	[tilespmem:$0x19200] =	vst v63  }
0xa1: {  	_ =	swait.ge [sflag:s22], $0x2800  }
0xa2: {  	[sflag:s22] =	ssyncset.done $0x0  }
0xa3: {  	[sflag:s22] =	ssyncadd.s32 $0xFFFFD800  }
0xa4: {  	[spmem:s3] =	stream.indirect.scatter.add.f32 [tilespmem:s6], [sflag:$0x5], $0x80, s15, s16, $0xb8;
	[tilespmem:$0x19200] =	vst v63  }
0xa5: {  	_ =	swait.ge [sflag:s14], $0x2800  }
0xa6: {  	[sflag:s14] =	ssyncset.done $0x0  }
0xa7: {  	s2 =	rddreg [dreg:$0x14];
	[sflag:s14] =	ssyncadd.s32 $0xFFFFD800  }
0xa8: {  	[tilespmem:s4], [sflag:$0x3] =	stream.linear.gather [hbm4b:s2+s4], $0x50, $0x38;
	[tilespmem:$0x19200] =	vst v63  }
0xa9: {  	s8 =	rddreg [dreg:$0x15]  }
0xaa: {  	[tilespmem:s15], [sflag:$0x3] =	stream.linear.gather [hbm4b:s8+s4], $0x50, $0x38;
	[tilespmem:$0x19200] =	vst v63  }
0xab: {  	_ =	swait.ge [sflag:s23], $0x50  }
0xac: {  	[sflag:s23] =	ssyncset.done $0x0  }
0xad: {  	[sflag:s23] =	ssyncadd.s32 $0xFFFFFFB0  }
0xae: {  	_ =	swait.ge [sflag:s23], $0x50  }
0xaf: {  	[sflag:s23] =	ssyncset.done $0x0  }
0xb0: {  	[sflag:s23] =	ssyncadd.s32 $0xFFFFFFB0  }
0xb1: {  	[tilespmem:s6], [sflag:$0x1] =	stream.indirect.gather [hbm4b:s1+s16], $0x80, s4, s16, $0xb8;
	[tilespmem:$0x19200] =	vst v63  }
0xb2: {  	_ =	swait.ge [sflag:s12], $0x2800  }
0xb3: {  	[sflag:s12] =	ssyncset.done $0x0  }
0xb4: {  	[sflag:s12] =	ssyncadd.s32 $0xFFFFD800  }
0xb5: {  	[spmem:s3] =	stream.indirect.scatter.add.f32 [tilespmem:s21], [sflag:$0x5], $0x80, s18, s16, $0xb8;
	[tilespmem:$0x19200] =	vst v63  }
0xb6: {  	_ =	swait.ge [sflag:s14], $0x2800  }
0xb7: {  	[sflag:s14] =	ssyncset.done $0x0  }
0xb8: {  	[sflag:s14] =	ssyncadd.s32 $0xFFFFD800  }
0xb9: {  	_ =	swait.ge [sflag:s22], $0x2800  }
0xba: {  	[sflag:s22] =	ssyncset.done $0x0  }
0xbb: {  	[sflag:s22] =	ssyncadd.s32 $0xFFFFD800  }
0xbc: {  	[spmem:s3] =	stream.indirect.scatter.add.f32 [tilespmem:s6], [sflag:$0x5], $0x80, s15, s16, $0xb8;
	[tilespmem:$0x19200] =	vst v63  }
0xbd: {  	_ =	swait.ge [sflag:s14], $0x2800  }
0xbe: {  	[sflag:s14] =	ssyncset.done $0x0  }
0xbf: {  	[sflag:s14] =	ssyncadd.s32 $0xFFFFD800  }
0xc0: {  	[bflag:$0x0] =	sbarrier.arrive $0xFFFF  }
0xc1: {  	[tilespmem:s6], [sflag:$0x1] =	stream.linear.gather [spmem:s13], $0x2800, $0x38;
	[tilespmem:$0x19200] =	vst v63  }
0xc2: {  	_ =	swait.ge [sflag:s22], $0x2800  }
0xc3: {  	[sflag:s22] =	ssyncset.done $0x0  }
0xc4: {  	s10 =	rddreg [dreg:$0x7];
	[sflag:s22] =	ssyncadd.s32 $0xFFFFD800  }
0xc5: {  	[hbm4b:s10+s4] =	stream.linear.scatter [tilespmem:s6], [sflag:$0x3], $0x2800, $0x38;
	[tilespmem:$0x19200] =	vst v63  }
0xc6: {  	_ = 	snop  }
0xc7: {  	[tilespmem:s21], [sflag:$0x2] =	stream.linear.gather [spmem:s9], $0x2800, $0x38;
	[tilespmem:$0x19200] =	vst v63  }
0xc8: {  	_ =	swait.ge [sflag:s12], $0x2800  }
0xc9: {  	[sflag:s12] =	ssyncset.done $0x0  }
0xca: {  	s29 =	rddreg [dreg:$0x8];
	[sflag:s12] =	ssyncadd.s32 $0xFFFFD800  }
0xcb: {  	[hbm4b:s29+s4] =	stream.linear.scatter [tilespmem:s21], [sflag:$0x4], $0x2800, $0x38;
	[tilespmem:$0x19200] =	vst v63  }
0xcc: {  	_ =	swait.ge [sflag:s23], $0x2800  }
0xcd: {  	[sflag:s23] =	ssyncset.done $0x0  }
0xce: {  	[sflag:s23] =	ssyncadd.s32 $0xFFFFD800  }
0xcf: {  	[tilespmem:s6], [sflag:$0x1] =	stream.linear.gather [spmem:s11], $0x2800, $0x38;
	[tilespmem:$0x19200] =	vst v63  }
0xd0: {  	_ =	swait.ge [sflag:s22], $0x2800  }
0xd1: {  	[sflag:s22] =	ssyncset.done $0x0  }
0xd2: {  	s2 =	rddreg [dreg:$0x9];
	[sflag:s22] =	ssyncadd.s32 $0xFFFFD800  }
0xd3: {  	[hbm4b:s2+s4] =	stream.linear.scatter [tilespmem:s6], [sflag:$0x3], $0x2800, $0x38;
	[tilespmem:$0x19200] =	vst v63  }
0xd4: {  	_ =	swait.ge [sflag:s19], $0x2800  }
0xd5: {  	[sflag:s19] =	ssyncset.done $0x0  }
0xd6: {  	[sflag:s19] =	ssyncadd.s32 $0xFFFFD800  }
0xd7: {  	[tilespmem:s21], [sflag:$0x2] =	stream.linear.gather [spmem:s25], $0x2800, $0x38;
	[tilespmem:$0x19200] =	vst v63  }
0xd8: {  	_ =	swait.ge [sflag:s12], $0x2800  }
0xd9: {  	[sflag:s12] =	ssyncset.done $0x0  }
0xda: {  	s8 =	rddreg [dreg:$0xa];
	[sflag:s12] =	ssyncadd.s32 $0xFFFFD800  }
0xdb: {  	[hbm4b:s8+s4] =	stream.linear.scatter [tilespmem:s21], [sflag:$0x4], $0x2800, $0x38;
	[tilespmem:$0x19200] =	vst v63  }
0xdc: {  	_ =	swait.ge [sflag:s23], $0x2800  }
0xdd: {  	[sflag:s23] =	ssyncset.done $0x0  }
0xde: {  	[sflag:s23] =	ssyncadd.s32 $0xFFFFD800  }
0xdf: {  	[tilespmem:s6], [sflag:$0x1] =	stream.linear.gather [spmem:s26], $0x2800, $0x38;
	[tilespmem:$0x19200] =	vst v63  }
0xe0: {  	_ =	swait.ge [sflag:s22], $0x2800  }
0xe1: {  	[sflag:s22] =	ssyncset.done $0x0  }
0xe2: {  	s10 =	rddreg [dreg:$0xb];
	[sflag:s22] =	ssyncadd.s32 $0xFFFFD800  }
0xe3: {  	[hbm4b:s10+s4] =	stream.linear.scatter [tilespmem:s6], [sflag:$0x3], $0x2800, $0x38;
	[tilespmem:$0x19200] =	vst v63  }
0xe4: {  	_ =	swait.ge [sflag:s19], $0x2800  }
0xe5: {  	[sflag:s19] =	ssyncset.done $0x0  }
0xe6: {  	s0 =	simm.s32 @!p0 $0x2A00;
	s2 =	simm.s32 @!p0 $0x2;
	[sflag:s19] =	ssyncadd.s32 $0xFFFFD800  }
0xe7: {  	[tilespmem:s0], [sflag:$0x2] =	stream.linear.gather @!p0 [spmem:s28], $0x2800, $0x38;
	[tilespmem:$0x19200] =	vst v63  }
0xe8: {  	_ =	swait.ge @!p0 [sflag:s2], $0x2800  }
0xe9: {  	s30 =	simm.s32 @!p0 $0x3;
	[sflag:s2] =	ssyncset.done @!p0 $0x0  }
0xea: {  	s8 =	simm.s32 @!p0 $0x0;
	s10 =	rddreg [dreg:$0xc];
	[sflag:s2] =	ssyncadd.s32 @!p0 $0xFFFFD800  }
0xeb: {  	[hbm4b:s10+s8] =	stream.linear.scatter @!p0 [tilespmem:s0], [sflag:$0x4], $0x2800, $0x38;
	[tilespmem:$0x19200] =	vst v63  }
0xec: {  	_ =	swait.ge @!p0 [sflag:s30], $0x2800  }
0xed: {  	s31 =	simm.s32 @!p0 $0x100;
	[sflag:s30] =	ssyncset.done @!p0 $0x0  }
0xee: {  	s10 =	smov.u32 s9;
	s9 =	simm.s32 @!p0 $0x1;
	[sflag:s30] =	ssyncadd.s32 @!p0 $0xFFFFD800  }
0xef: {  	[tilespmem:s31], [sflag:$0x1] =	stream.linear.gather @!p0 [spmem:s7], $0x2800, $0x38;
	[tilespmem:$0x19200] =	vst v63  }
0xf0: {  	_ =	swait.ge @!p0 [sflag:s9], $0x2800  }
0xf1: {  	[sflag:s9] =	ssyncset.done @!p0 $0x0  }
0xf2: {  	[sflag:s9] =	ssyncadd.s32 @!p0 $0xFFFFD800;
	s9 =	rddreg [dreg:$0xd]  }
0xf3: {  	[hbm4b:s9+s8] =	stream.linear.scatter @!p0 [tilespmem:s31], [sflag:$0x3], $0x2800, $0x38;
	[tilespmem:$0x19200] =	vst v63  }
0xf4: {  	s9 =	simm.s32 @!p0 $0x4  }
0xf5: {  	_ =	swait.ge @!p0 [sflag:s9], $0x2800  }
0xf6: {  	[sflag:s9] =	ssyncset.done @!p0 $0x0  }
0xf7: {  	s29 =	smov.u32 s7;
	s7 =	rddreg [dreg:$0x11];
	[sflag:s9] =	ssyncadd.s32 @!p0 $0xFFFFD800  }
0xf8: {  	[tilespmem:s0], [sflag:$0x2] =	stream.linear.gather @!p0 [spmem:s7], $0x2800, $0x38;
	[tilespmem:$0x19200] =	vst v63  }
0xf9: {  	_ =	swait.ge @!p0 [sflag:s2], $0x2800  }
0xfa: {  	[sflag:s2] =	ssyncset.done @!p0 $0x0  }
0xfb: {  	[sflag:s2] =	ssyncadd.s32 @!p0 $0xFFFFD800;
	s2 =	rddreg [dreg:$0xe]  }
0xfc: {  	[hbm4b:s2+s8] =	stream.linear.scatter @!p0 [tilespmem:s0], [sflag:$0x4], $0x2800, $0x38;
	[tilespmem:$0x19200] =	vst v63  }
0xfd: {  	_ =	swait.ge @!p0 [sflag:s30], $0x2800  }
0xfe: {  	[sflag:s30] =	ssyncset.done @!p0 $0x0  }
0xff: {  	s9 =	simm.s32 @p0 $0x3;
	[sflag:s30] =	ssyncadd.s32 @!p0 $0xFFFFD800  }
0x100: {  	_ =	swait.ge [sflag:s9], $0x2800  }
0x101: {  	s31 =	smov.u32 s26;
	s2 =	smov.u32 s28;
	s26 =	rddreg [dreg:$0x16]  }
0x102: {  	s8 =	smov.u32 s11;
	s28 =	rddreg [dreg:$0xf];
	s11 =	sadd.s32 $0x1, s26  }
0x103: {  	p1 =	sne.s32 s11, s28  }
.Ltmp1:
0x104: {  	_ = 	snop;
	(pc) =	sbr.rel @p1 .LBB2_1-.Ltmp1, $3  }
0x105: {  	_ =	sdelay $0x1  }
0x106: {  	s30 =	smov.u32 s25;
	[sflag:s9] =	ssyncset.done $0x0  }
0x107: {  	s25 =	smov.u32 s13;
	[sflag:s9] =	ssyncadd.s32 $0xFFFFD800;
	s9 =	smov.u32 s29  }
0x108: {  	_ =	sfence.sel $0x180000  }
0x109: {  	[bflag:$0x0] =	sbarrier.arrive $0xFFFF  }
0x10a: {  	_ =	strace $0x9000004D  }
0x10b: {  	s0 =	stileid.u32;
	[bflag:$0x2] =	sbarrier.arrive $0xFFFF  }
0x10c: {  	p0 =	sne.s32 s0, $0x0;
	s0 =	rddreg [dreg:$0x3]  }
0x10d: {  	s0 =	sadd.s32 @!p0 $0x100000, s0  }
0x10e: {  	[sflag:s0] =	ssyncadd.tile.s32 @!p0 $0x1;
	_ =	shalt  }
.Lfunc_end2:
_tile_overlayer_lowered:
.L_overlay_start_2:
0x10f: {  	(tag) =	ssettag $0x2  }
0x110: {  	s0 =	rddreg [dreg:$0x0];
	s2 =	stileid.u32  }
0x111: {  	s1 =	rddreg [dreg:$0x1];
	p0 =	sne.s32 s2, $0x0  }
0x112: {  	s3 =	rddreg [dreg:$0x2];
	[bflag:$0x3] =	sbarrier.arrive $0xFFFF;
	s2 =	simm.s32 @!p0 $0x1C05  }
0x113: {  	[timem:s3], [sflag:s2] =	dma.local @!p0 [hbm:s0], s1  }
0x114: {  	s0 =	simm.s32 @!p0 $0x5  }
0x115: {  	_ =	swait.ge @!p0 [sflag:s0], s1  }
0x116: {  	s1 =	ssub.s32 @!p0 $0x0, s1;
	[sflag:s0] =	ssyncset.done @!p0 $0x0  }
0x117: {  	[sflag:s0] =	ssyncadd.s32 @!p0 s1  }
0x118: {  	[bflag:$0x3] =	sbarrier.arrive $0xFFFF  }
0x119: {  	_ =	shalt  }

// kernel: kernel.7.cloned.1.call-start
scs
__scs_entry_jumppad:
0x0: {  	(pc) =	sbr.rel $0x88, $3  }
0x1: {  	(tag) =	ssettag $0x0;
	lr =	simm.s32 $0x1  }
0x2: {  	[smem:$0x3F99] =	sst lr;
	_ =	strace $0xD0000000  }
0x3: {  	_ = 	snop  }
0x4: {  	_ = 	snop  }
0x5: {  	_ = 	snop  }
0x6: {  	_ = 	snop  }
0x7: {  	_ = 	snop  }
__scs_overlays_trampoline_lowered:
0x8: {  	[smem:$0x3FA8] =	sst s0  }
0x9: {  	[smem:$0x3FA9] =	sst s1  }
0xa: {  	[smem:$0x3FAA] =	sst s2  }
0xb: {  	[smem:$0x3FAB] =	sst s3  }
0xc: {  	[smem:$0x3FAC] =	sst s4  }
0xd: {  	[smem:$0x3FAD] =	sst s5  }
0xe: {  	[smem:$0x3FAE] =	sst s6  }
0xf: {  	[smem:$0x3FAF] =	sst s7  }
0x10: {  	[smem:$0x3FB0] =	sst s8  }
0x11: {  	[smem:$0x3FB1] =	sst s9;
	s0 =	simm.s32 @!p0 $0x0  }
0x12: {  	s1 =	sld [smem:$0x3F97];
	s0 =	simm.s32 @p0 $0x1  }
0x13: {  	[smem:$0x3FB2] =	sst s0;
	s0 =	simm.s32 @!p1 $0x0  }
0x14: {  	s2 =	sld [smem:$0x3F96];
	s0 =	simm.s32 @p1 $0x1  }
0x15: {  	[smem:$0x3FB3] =	sst s0;
	s0 =	simm.s32 @!p2 $0x0  }
0x16: {  	s3 =	sld [smem:$0x3FDB];
	s0 =	simm.s32 @p2 $0x1  }
0x17: {  	s4 =	simm.s32 $0x1BF5;
	[smem:$0x3FB5] =	sst s0  }
0x18: {  	s0 =	sld [smem:$0x3F98];
	_ =	swait.ge [sflag:s4], $0x0  }
0x19: {  	s7 =	sld [smem:$0x3F99]  }
0x1a: {  	s8 =	sadd.s32 $0xFFFFE003, lr  }
0x1b: {  	s9 =	sadd.s32 $0xFFFFFEF7, lr;
	s5 =	simm.s32 $0xFFFFFFFF;
	p2 =	slt.u32 s8, $0xFFFFF086  }
0x1c: {  	p1 =	slt.u32 s9, $0xF7A;
	s5 =	simm.s32 @!p2 $0x0  }
0x1d: {  	s5 =	simm.s32 @p1 $0x1;
	p0 =	seq.s32 s7, s2  }
0x1e: {  	s7 =	smul.u32 @!p0 $0xF7A, s2;
	p2 =	seq.s32 @!p0 s5, $0x0  }
0x1f: {  	s9 =	smul.u32 $0xF7A, s1;
	s8 =	simm.s32 @!p0 $0x1BF5;
	p2 =	por !p2, p0  }
0x20: {  	[sflag:s8] =	ssyncset.s32 @!p0 $0xFFFFF086;
	s6 =	sadd.s32 @!p0 s3, s7;
	s7 =	simm.s32 @!p0 $0x108  }
0x21: {  	s3 =	sadd.s32 s3, s9;
	s6 =	sadd.s32 @!p0 $0x88, s6;
	s7 =	simm.s32 @p2 $0x1082  }
0x22: {  	[simem:s7], [sflag:s8] =	dma.local @!p0 [hbm:s6], $0xF7A  }
0x23: {  	s9 =	sor.u32 $0xD0000000, s2;
	s6 =	simm.s32 $0x108;
	_ =	swait.ge @!p0 [sflag:s8], $0x0  }
0x24: {  	s3 =	sadd.s32 $0x88, s3;
	s6 =	simm.s32 @!p1 $0x1082;
	[sflag:s4] =	ssyncset.s32 $0xFFFFF086  }
0x25: {  	[simem:s6], [sflag:s4] =	dma.local [hbm:s3], $0xF7A  }
0x26: {  	[smem:$0x3F99] =	sst s1;
	(tag) =	ssettag s2;
	_ =	strace s9  }
0x27: {  	s1 =	sld [smem:$0x3FA9]  }
0x28: {  	s2 =	sld [smem:$0x3FAA]  }
0x29: {  	s4 =	sld [smem:$0x3FAC]  }
0x2a: {  	p0 =	seq.s32 s5, $0x0;
	s5 =	sld [smem:$0x3FAD]  }
0x2b: {  	s6 =	sld [smem:$0x3FAE]  }
0x2c: {  	s7 =	sld [smem:$0x3FAF]  }
0x2d: {  	s3 =	simm.s32 $0x108;
	s8 =	sld [smem:$0x3FB0]  }
0x2e: {  	s3 =	simm.s32 @!p0 $0x1082;
	s9 =	sld [smem:$0x3FB1]  }
0x2f: {  	lr =	sadd.s32 s0, s3;
	s0 =	sld [smem:$0x3FA8]  }
0x30: {  	s3 =	sld [smem:$0x3FAB]  }
0x31: {  	[smem:$0x3FB4] =	sst s10  }
0x32: {  	s10 =	sld [smem:$0x3FB2];
	_ =	sdelay $0x3  }
0x33: {  	p0 =	seq.s32 s10, $0x1;
	s10 =	sld [smem:$0x3FB4];
	_ =	sdelay $0x3  }
0x34: {  	[smem:$0x3FB4] =	sst s10  }
0x35: {  	s10 =	sld [smem:$0x3FB3];
	_ =	sdelay $0x3  }
0x36: {  	p1 =	seq.s32 s10, $0x1;
	s10 =	sld [smem:$0x3FB4];
	_ =	sdelay $0x3  }
0x37: {  	[smem:$0x3FB4] =	sst s10  }
0x38: {  	s10 =	sld [smem:$0x3FB5]  }
0x39: {  	_ = 	snop;
	(pc) =	sbr.ind lr, $3  }
0x3a: {  	_ = 	snop  }
0x3b: {  	_ = 	snop  }
0x3c: {  	p2 =	seq.s32 s10, $0x1;
	s10 =	sld [smem:$0x3FB4]  }
0x3d: {  	_ =	shalt  }
0x3e: {  	_ =	shalt  }
0x3f: {  	_ =	shalt  }
0x40: {  	_ =	shalt  }
0x41: {  	_ =	shalt  }
0x42: {  	_ =	shalt  }
0x43: {  	_ =	shalt  }
0x44: {  	_ =	shalt  }
0x45: {  	_ =	shalt  }
0x46: {  	_ =	shalt  }
0x47: {  	_ =	shalt  }
0x48: {  	_ =	shalt  }
0x49: {  	_ =	shalt  }
0x4a: {  	_ =	shalt  }
0x4b: {  	_ =	shalt  }
0x4c: {  	_ =	shalt  }
0x4d: {  	_ =	shalt  }
0x4e: {  	_ =	shalt  }
0x4f: {  	_ =	shalt  }
0x50: {  	_ =	shalt  }
0x51: {  	_ =	shalt  }
0x52: {  	_ =	shalt  }
0x53: {  	_ =	shalt  }
0x54: {  	_ =	shalt  }
0x55: {  	_ =	shalt  }
0x56: {  	_ =	shalt  }
0x57: {  	_ =	shalt  }
0x58: {  	_ =	shalt  }
0x59: {  	_ =	shalt  }
0x5a: {  	_ =	shalt  }
0x5b: {  	_ =	shalt  }
0x5c: {  	_ =	shalt  }
0x5d: {  	_ =	shalt  }
0x5e: {  	_ =	shalt  }
0x5f: {  	_ =	shalt  }
0x60: {  	_ =	shalt  }
0x61: {  	_ =	shalt  }
0x62: {  	_ =	shalt  }
0x63: {  	_ =	shalt  }
0x64: {  	_ =	shalt  }
0x65: {  	_ =	shalt  }
0x66: {  	_ =	shalt  }
0x67: {  	_ =	shalt  }
0x68: {  	_ =	shalt  }
0x69: {  	_ =	shalt  }
0x6a: {  	_ =	shalt  }
0x6b: {  	_ =	shalt  }
0x6c: {  	_ =	shalt  }
0x6d: {  	_ =	shalt  }
0x6e: {  	_ =	shalt  }
0x6f: {  	_ =	shalt  }
0x70: {  	_ =	shalt  }
0x71: {  	_ =	shalt  }
0x72: {  	_ =	shalt  }
0x73: {  	_ =	shalt  }
0x74: {  	_ =	shalt  }
0x75: {  	_ =	shalt  }
0x76: {  	_ =	shalt  }
0x77: {  	_ =	shalt  }
0x78: {  	_ =	shalt  }
0x79: {  	_ =	shalt  }
0x7a: {  	_ =	shalt  }
0x7b: {  	_ =	shalt  }
0x7c: {  	_ =	shalt  }
0x7d: {  	_ =	shalt  }
0x7e: {  	_ =	shalt  }
0x7f: {  	_ =	shalt  }
0x80: {  	_ =	shalt  }
0x81: {  	_ =	shalt  }
0x82: {  	_ =	shalt  }
0x83: {  	_ =	shalt  }
0x84: {  	_ =	shalt  }
0x85: {  	_ =	shalt  }
0x86: {  	_ =	shalt  }
0x87: {  	_ =	shalt  }
.Lfunc_end0:
.L_simem_size_0:
called_computation_lowered:
.L_overlay_start_0:
0x88: {  	s2 =	sld [smem:$0x3FD9]  }
0x89: {  	s3 =	sld [smem:$0x3FFE];
	_ =	sdelay $0x1  }
0x8a: {  	s1 =	srdreg.scid  }
0x8b: {  	s0 =	sand.u32 $0x1, s1  }
0x8c: {  	s15 =	sshll.u32 s0, $0xA;
	s2 =	sadd.s32 s3, s2  }
0x8d: {  	s2 =	sadd.s32 s2, s15  }
0x8e: {  	[smem:$0x3FC0] =	sst s2  }
0x8f: {  	_ = 	snop  }
0x90: {  	s2 =	sld [smem:$0x3FD0];
	_ =	sdelay $0x2  }
0x91: {  	s16 =	simm.s32 $0xB;
	s4 =	simm.s32 $0x10  }
0x92: {  	[smem:s4], [sflag:s16] =	dma.local [hbm:s2], $0x1  }
0x93: {  	_ =	swait.eq [sflag:s16], $0x1  }
0x94: {  	[sflag:s16] =	ssyncset.done $0x0  }
0x95: {  	[sflag:s16] =	ssyncadd.s32 $0xFFFFFFFF  }
0x96: {  	s17 =	sld [smem:$0x10];
	(tm) =	ssettm $0x1  }
0x97: {  	s18 =	sld [smem:$0x3FFB];
	_ =	sdelay $0x3  }
0x98: {  	_ =	strace s18  }
0x99: {  	s2 =	sld [smem:$0x3FFC];
	_ =	sdelay $0x3  }
0x9a: {  	_ =	strace s2  }
0x9b: {  	s2 =	sld [smem:$0x3FFD];
	_ =	sdelay $0x3  }
0x9c: {  	_ =	strace s2  }
0x9d: {  	_ =	strace $0x8FFFFFFF  }
0x9e: {  	s19 =	sld [smem:$0x3FDB];
	_ =	sdelay $0x1  }
0x9f: {  	s20 =	simm.s32 $_scs_section_size  }
0xa0: {  	s5 =	simm.s32 $_size__tile_overlayer_lowered;
	s6 =	simm.s32 $_tile_overlayer_lowered  }
0xa1: {  	s7 =	simm.s32 $0x1BFF;
	s21 =	sshll.u32 s6, $0x1;
	s4 =	sadd.s32 s20, s19  }
0xa2: {  	s22 =	simm.s32 $0x0;
	s5 =	sshll.u32 s5, $0x1;
	s6 =	sadd.s32 s21, s4  }
0xa3: {  	[timem:s22], [sflag:s7] =	dma.local [hbm:s6], s5  }
0xa4: {  	_ =	swait.ge [sflag:s7], s5  }
0xa5: {  	s5 =	ssub.s32 $0x0, s5;
	[sflag:s7] =	ssyncset.done $0x0  }
0xa6: {  	[sflag:s7] =	ssyncadd.s32 s5;
	_ =	sdelay $0x1  }
0xa7: {  	s23 =	simm.s32 $0x1B8B  }
0xa8: {  	_ =	swait.ge [sflag:s23], $0x1  }
0xa9: {  	[sflag:s23] =	ssyncset.done $0x0  }
0xaa: {  	[sflag:s23] =	ssyncadd.s32 $0xFFFFFFFF  }
0xab: {  	s5 =	sld [smem:$0x0]  }
0xac: {  	s6 =	sand.u32 $0xFFFFFFFE, s1  }
0xad: {  	p0 =	sne.s32 s1, s6  }
0xae: {  	s6 =	sshll.u32 @p0 s6, $0xE  }
0xaf: {  	s6 =	sadd.s32 @p0 $0x11B8D, s6;
	s7 =	sshll.u32 @p0 s5, $0x11  }
0xb0: {  	s6 =	sor.u32 @p0 s7, s6  }
0xb1: {  	[sflag:s6] =	ssyncadd.remote.s32 @p0 $0x1;
	_ =	sdelay $0x1  }
0xb2: {  	s6 =	simm.s32 @p0 $0x1B8D  }
0xb3: {  	_ =	swait.eq @p0 [sflag:s6], $0x1  }
0xb4: {  	[sflag:s6] =	ssyncadd.s32 @p0 $0xFFFFFFFF  }
0xb5: {  	s7 =	sshll.u32 @!p0 s1, $0xE  }
0xb6: {  	s7 =	sor.u32 @!p0 $0x4000, s7;
	s6 =	simm.s32 @!p0 $0x1B8D  }
0xb7: {  	s5 =	sshll.u32 @!p0 s5, $0x11;
	s7 =	sadd.s32 @!p0 $0x11B8D, s7;
	_ =	swait.eq @!p0 [sflag:s6], $0x1  }
0xb8: {  	s5 =	sor.u32 @!p0 s5, s7;
	[sflag:s6] =	ssyncadd.s32 @!p0 $0xFFFFFFFF  }
0xb9: {  	s25 =	simm.s32 $0x1B8E;
	s24 =	sld [smem:$0x3FFE];
	[sflag:s5] =	ssyncadd.remote.s32 @!p0 $0x1  }
0xba: {  	s26 =	simm.s32 $execute0_lowered;
	[smem:$0x3FD2] =	sst s25  }
0xbb: {  	s6 =	sshll.u32 s26, $0x1;
	_ =	strace $0x80000049;
	[dreg:$0x1] =	wrdreg $0xFFFFFFFF  }
0xbc: {  	s28 =	simm.s32 $_size_execute0_lowered;
	s4 =	sadd.s32 s4, s6;
	[dreg:$0x0] =	wrdreg $0x0  }
0xbd: {  	s6 =	sshll.u32 s28, $0x1;
	[dreg:$0x2] =	wrdreg s4  }
0xbe: {  	[dreg:$0x3] =	wrdreg s6  }
0xbf: {  	[dreg:$0x4] =	wrdreg $0xC0  }
0xc0: {  	_ =	task [dreg:s22], $0x5FFFF  }
0xc1: {  	[dreg:$0x1] =	wrdreg $0xFFFFFFFF  }
0xc2: {  	[dreg:$0x0] =	wrdreg $0x60  }
0xc3: {  	[dreg:$0x2] =	wrdreg s24  }
0xc4: {  	[dreg:$0x3] =	wrdreg s17  }
0xc5: {  	[dreg:$0x4] =	wrdreg $0x29000  }
0xc6: {  	[dreg:$0x5] =	wrdreg $0x9  }
0xc7: {  	_ =	task.clear_ibuf [dreg:s22], $0x6FFFF;
	_ =	strace $0x90000049  }
0xc8: {  	s29 =	simm.s32 $0x9;
	_ =	strace $0x8000004B  }
0xc9: {  	_ =	swait.ge [sflag:s29], $0x1  }
0xca: {  	[sflag:s29] =	ssyncadd.s32 $0xFFFFFFFF  }
0xcb: {  	_ =	strace $0x9000004B  }
0xcc: {  	_ =	sfence  }
0xcd: {  	s30 =	sld [smem:$0x0];
	_ =	sdelay $0x2  }
0xce: {  	s31 =	sshll.u32 s1, $0xD;
	s1 =	sshrl.u32 s1, $0x2  }
0xcf: {  	s4 =	sand.u32 $0x4000, s31;
	s1 =	sadd.s32 s1, s30  }
0xd0: {  	s0 =	sor.u32 s4, s0;
	s1 =	sshll.u32 s1, $0x11  }
0xd1: {  	s0 =	sor.u32 s1, s0  }
0xd2: {  	s0 =	sadd.s32 $0x8F2B, s0  }
0xd3: {  	[sflag:s0] =	ssyncadd.remote.s32 $0x1  }
0xd4: {  	_ =	sfence.sel $0xFFFF  }
0xd5: {  	[dreg:$0x0] =	wrdreg $0xFFFFFFFF;
	(pc) =	sbr.abs _section_cstart, $3  }
0xd6: {  	[dreg:$0x1] =	wrdreg $0xFFFFFFFF  }
0xd7: {  	_ =	task.clear_ibuf [dreg:s22], $0x2FFFF;
	_ =	strace $0x9FFFFFFF  }
0xd8: {  	(tm) =	ssettm $0x7FFFFFFF  }
0xd9: {  	_ =	shalt  }
tec
execute0_lowered:
.L_overlay_start_1:
0x0: {  	(tag) =	ssettag $0x1  }
0x1: {  	s0 =	rddreg [dreg:$0x0]  }
0x2: {  	s1 =	srdreg.scid;
	s15 =	stileid.u32  }
0x3: {  	s3 =	rddreg [dreg:$0x2];
	s4 =	simm.s32 $0x0;
	s28 =	simm.s32 $0x100  }
0x4: {  	s29 =	simm.s32 $0x3;
	s30 =	simm.s32 $0x28;
	s2 =	smul.u32 $0x280, s15  }
0x5: {  	s31 =	simm.s32 $0x80;
	s1 =	sand.u32 $0x1, s1;
	s6 =	smul.u32 $0x50000, s15  }
0x6: {  	[smem:$0x7FF] =	sst s4;
	s7 =	sadd.s32 $0x11000, s0;
	s14 =	smul.u32 $0x1388, s15  }
0x7: {  	p0 =	seq.s32 s15, $0xF;
	s5 =	smul.u32 $0x2710, s1;
	_ =	strace $0x8000004A  }
0x8: {  	[dreg:$0x4] =	wrdreg s7;
	s22 =	ssub.s32 $0x2, s1;
	s23 =	sshll.u32 s1, $0x4  }
0x9: {  	s1 =	smul.u32 $0x13880, s1;
	s6 =	sshrl.u32 s6, $0x2;
	s8 =	sshrl.u32 s22, $0x1  }
0xa: {  	s2 =	sadd.s32 s2, s5;
	s5 =	sadd.s32 $0x2200, s0;
	s7 =	sadd.s32 s6, s3  }
0xb: {  	s6 =	sor.u32 s15, s23;
	s1 =	sadd.s32 s14, s1;
	s2 =	sshll.u32 s2, $0x4  }
0xc: {  	s9 =	sadd.s32 $0x5000, s7;
	s10 =	sadd.s32 $0x7800, s7;
	s6 =	smul.u32 $0x1388, s6  }
0xd: {  	s11 =	sadd.s32 $0xA000, s7;
	s12 =	sadd.s32 $0xC800, s7;
	s13 =	sadd.s32 $0xF000, s7  }
0xe: {  	s25 =	sadd.s32 $0x28, s1;
	s0 =	sadd.s32 s2, s0;
	s2 =	ssub.s32 s22, s8  }
0xf: {  	s8 =	sadd.s32 $0x2800, s7;
	s26 =	sshrl.u32 s25, $0x3;
	s6 =	sshrl.u32 s6, $0x3  }
0x10: {  	s24 =	sadd.s32 $0x5F800, s0;
	s16 =	sadd.s32 $0x5FD00, s0;
	s17 =	sadd.s32 $0x60200, s0  }
0x11: {  	s18 =	sadd.s32 $0x60700, s0;
	s19 =	sadd.s32 $0x60C00, s0;
	s20 =	sadd.s32 $0x61100, s0  }
0x12: {  	s21 =	sadd.s32 $0x61600, s0;
	s22 =	sadd.s32 $0x61B00, s0;
	s23 =	smax.u32 s2, $0x1  }
0x13: {  	s25 =	sadd.s32 s26, s5;
	s26 =	sadd.s32 $0x11800, s7;
	s0 =	simm.s32 $0x2  }
0x14: {  	s2 =	simm.s32 $0x0;
	s6 =	sadd.s32 s5, s6;
	[dreg:$0x6] =	wrdreg s24  }
0x15: {  	s24 =	sadd.s32 $0x50, s1;
	s1 =	simm.s32 $0x1;
	[dreg:$0x5] =	wrdreg s6  }
.LBB2_1:
0x16: {  	s6 =	rddreg [dreg:$0x4]  }
0x17: {  	[tilespmem:s28], [sflag:$0x3] =	stream.linear.gather [hbm4b:s6+s4], $0x2800, $0x38;
	[tilespmem:$0x16900] =	vst v63  }
0x18: {  	_ =	swait.ge [sflag:s29], $0x2800  }
0x19: {  	[sflag:s29] =	ssyncset.done $0x0  }
0x1a: {  	[sflag:s29] =	ssyncadd.s32 $0xFFFFD800  }
0x1b: {  	[spmem:s7] =	stream.linear.scatter [tilespmem:s28], [sflag:$0x3], $0x2800, $0x38;
	[tilespmem:$0x16900] =	vst v63  }
0x1c: {  	_ =	swait.ge [sflag:s29], $0x2800  }
0x1d: {  	[sflag:s29] =	ssyncset.done $0x0  }
0x1e: {  	[sflag:s29] =	ssyncadd.s32 $0xFFFFD800  }
0x1f: {  	[spmem:s8] =	stream.linear.scatter [tilespmem:s28], [sflag:$0x3], $0x2800, $0x38;
	[tilespmem:$0x16900] =	vst v63  }
0x20: {  	_ =	swait.ge [sflag:s29], $0x2800  }
0x21: {  	[sflag:s29] =	ssyncset.done $0x0  }
0x22: {  	[sflag:s29] =	ssyncadd.s32 $0xFFFFD800  }
0x23: {  	[spmem:s9] =	stream.linear.scatter [tilespmem:s28], [sflag:$0x3], $0x2800, $0x38;
	[tilespmem:$0x16900] =	vst v63  }
0x24: {  	_ =	swait.ge [sflag:s29], $0x2800  }
0x25: {  	[sflag:s29] =	ssyncset.done $0x0  }
0x26: {  	[sflag:s29] =	ssyncadd.s32 $0xFFFFD800  }
0x27: {  	[spmem:s10] =	stream.linear.scatter [tilespmem:s28], [sflag:$0x3], $0x2800, $0x38;
	[tilespmem:$0x16900] =	vst v63  }
0x28: {  	_ =	swait.ge [sflag:s29], $0x2800  }
0x29: {  	[sflag:s29] =	ssyncset.done $0x0  }
0x2a: {  	[sflag:s29] =	ssyncadd.s32 $0xFFFFD800  }
0x2b: {  	[spmem:s11] =	stream.linear.scatter [tilespmem:s28], [sflag:$0x3], $0x2800, $0x38;
	[tilespmem:$0x16900] =	vst v63  }
0x2c: {  	_ =	swait.ge [sflag:s29], $0x2800  }
0x2d: {  	[sflag:s29] =	ssyncset.done $0x0  }
0x2e: {  	[sflag:s29] =	ssyncadd.s32 $0xFFFFD800  }
0x2f: {  	[spmem:s12] =	stream.linear.scatter [tilespmem:s28], [sflag:$0x3], $0x2800, $0x38;
	[tilespmem:$0x16900] =	vst v63  }
0x30: {  	_ =	swait.ge [sflag:s29], $0x2800  }
0x31: {  	[sflag:s29] =	ssyncset.done $0x0  }
0x32: {  	[sflag:s29] =	ssyncadd.s32 $0xFFFFD800  }
0x33: {  	[spmem:s13] =	stream.linear.scatter [tilespmem:s28], [sflag:$0x3], $0x2800, $0x38;
	[tilespmem:$0x16900] =	vst v63  }
0x34: {  	_ =	swait.ge [sflag:s29], $0x2800  }
0x35: {  	[sflag:s29] =	ssyncset.done $0x0  }
0x36: {  	[sflag:s29] =	ssyncadd.s32 $0xFFFFD800  }
0x37: {  	[spmem:s26] =	stream.linear.scatter [tilespmem:s28], [sflag:$0x3], $0x2800, $0x38;
	[tilespmem:$0x16900] =	vst v63  }
0x38: {  	_ =	swait.ge [sflag:s29], $0x2800  }
0x39: {  	[sflag:s29] =	ssyncset.done $0x0  }
0x3a: {  	[sflag:s29] =	ssyncadd.s32 $0xFFFFD800  }
0x3b: {  	s14 =	rddreg [dreg:$0x1]  }
0x3c: {  	[tilespmem:s28], [sflag:$0x3] =	stream.linear.gather [hbm4b:s14+s4], $0x2800, $0x38;
	[tilespmem:$0x16900] =	vst v63  }
0x3d: {  	_ =	swait.ge [sflag:s29], $0x2800  }
0x3e: {  	[sflag:s29] =	ssyncset.done $0x0  }
0x3f: {  	[sflag:s29] =	ssyncadd.s32 $0xFFFFD800  }
0x40: {  	[bflag:$0x0] =	sbarrier.arrive $0xFFFF  }
0x41: {  	s15 =	rddreg [dreg:$0x5]  }
0x42: {  	[tilespmem:s4], [sflag:$0x3] =	stream.linear.gather [hbm4b:s15+s4], $0x28, $0x38;
	[tilespmem:$0x16900] =	vst v63  }
0x43: {  	_ =	swait.ge [sflag:s29], $0x28  }
0x44: {  	[sflag:s29] =	ssyncset.done $0x0  }
0x45: {  	[sflag:s29] =	ssyncadd.s32 $0xFFFFFFD8  }
0x46: {  	[spmem:s3] =	stream.indirect.scatter.add.f32 [tilespmem:s28], [sflag:$0x1], $0x80, s4, s30, $0xb8;
	[tilespmem:$0x16900] =	vst v63  }
0x47: {  	s14 =	sadd.s32 $0x0, s25  }
0x48: {  	[tilespmem:s31], [sflag:$0x3] =	stream.linear.gather [hbm4b:s14+s4], $0x28, $0x38;
	[tilespmem:$0x16900] =	vst v63  }
0x49: {  	_ =	swait.ge [sflag:s29], $0x28  }
0x4a: {  	[sflag:s29] =	ssyncset.done $0x0  }
0x4b: {  	[sflag:s29] =	ssyncadd.s32 $0xFFFFFFD8  }
0x4c: {  	_ =	swait.ge [sflag:s1], $0x1400  }
0x4d: {  	[sflag:s1] =	ssyncset.done $0x0  }
0x4e: {  	s15 =	sshrl.u32 s24, $0x3;
	[sflag:s1] =	ssyncadd.s32 $0xFFFFEC00  }
0x4f: {  	[spmem:s3] =	stream.indirect.scatter.add.f32 [tilespmem:s28], [sflag:$0x2], $0x80, s31, s30, $0xb8;
	[tilespmem:$0x16900] =	vst v63  }
0x50: {  	s6 =	sadd.s32 s5, s15  }
0x51: {  	[tilespmem:s4], [sflag:$0x3] =	stream.linear.gather [hbm4b:s6+s4], $0x28, $0x38;
	[tilespmem:$0x16900] =	vst v63  }
0x52: {  	_ =	swait.ge [sflag:s29], $0x28  }
0x53: {  	[sflag:s29] =	ssyncset.done $0x0  }
0x54: {  	[sflag:s29] =	ssyncadd.s32 $0xFFFFFFD8  }
0x55: {  	_ =	swait.ge [sflag:s0], $0x1400  }
0x56: {  	[sflag:s0] =	ssyncset.done $0x0  }
0x57: {  	s14 =	sadd.s32 $0x50, s24;
	s6 =	simm.s32 $0xA;
	[sflag:s0] =	ssyncadd.s32 $0xFFFFEC00  }
.LBB2_2:
0x58: {  	[spmem:s3] =	stream.indirect.scatter.add.f32 [tilespmem:s28], [sflag:$0x1], $0x80, s4, s30, $0xb8;
	[tilespmem:$0x16900] =	vst v63  }
0x59: {  	s15 =	sadd.s32 s6, s25;
	p1 =	sne.s32 s6, $0x262;
	s6 =	sadd.s32 $0xA, s6  }
0x5a: {  	[tilespmem:s31], [sflag:$0x3] =	stream.linear.gather [hbm4b:s15+s4], $0x28, $0x38;
	[tilespmem:$0x16900] =	vst v63  }
0x5b: {  	_ =	swait.ge [sflag:s29], $0x28  }
0x5c: {  	[sflag:s29] =	ssyncset.done $0x0  }
0x5d: {  	[sflag:s29] =	ssyncadd.s32 $0xFFFFFFD8  }
0x5e: {  	_ =	swait.ge [sflag:s1], $0x1400  }
0x5f: {  	[sflag:s1] =	ssyncset.done $0x0  }
0x60: {  	s15 =	sshrl.u32 s14, $0x3;
	[sflag:s1] =	ssyncadd.s32 $0xFFFFEC00  }
0x61: {  	[spmem:s3] =	stream.indirect.scatter.add.f32 [tilespmem:s28], [sflag:$0x2], $0x80, s31, s30, $0xb8;
	[tilespmem:$0x16900] =	vst v63  }
0x62: {  	s15 =	sadd.s32 s5, s15  }
0x63: {  	[tilespmem:s4], [sflag:$0x3] =	stream.linear.gather [hbm4b:s15+s4], $0x28, $0x38;
	[tilespmem:$0x16900] =	vst v63  }
0x64: {  	_ =	swait.ge [sflag:s29], $0x28  }
.Ltmp0:
0x65: {  	[sflag:s29] =	ssyncset.done $0x0;
	(pc) =	sbr.rel @p1 .LBB2_2-.Ltmp0, $4  }
0x66: {  	[sflag:s29] =	ssyncadd.s32 $0xFFFFFFD8  }
0x67: {  	_ =	swait.ge [sflag:s0], $0x1400  }
0x68: {  	[sflag:s0] =	ssyncset.done $0x0  }
0x69: {  	s14 =	sadd.s32 $0x50, s14;
	[sflag:s0] =	ssyncadd.s32 $0xFFFFEC00  }
0x6a: {  	[spmem:s3] =	stream.indirect.scatter.add.f32 [tilespmem:s28], [sflag:$0x1], $0x80, s4, s30, $0xb8;
	[tilespmem:$0x16900] =	vst v63  }
0x6b: {  	_ =	swait.ge [sflag:s1], $0x1400  }
0x6c: {  	[sflag:s1] =	ssyncset.done $0x0  }
0x6d: {  	[sflag:s1] =	ssyncadd.s32 $0xFFFFEC00  }
0x6e: {  	[bflag:$0x0] =	sbarrier.arrive $0xFFFF  }
0x6f: {  	[tilespmem:s28], [sflag:$0x3] =	stream.linear.gather [spmem:s7], $0x2800, $0x38;
	[tilespmem:$0x16900] =	vst v63  }
0x70: {  	_ =	swait.ge [sflag:s29], $0x2800  }
0x71: {  	[sflag:s29] =	ssyncset.done $0x0  }
0x72: {  	s6 =	rddreg [dreg:$0x6];
	[sflag:s29] =	ssyncadd.s32 $0xFFFFD800  }
0x73: {  	[hbm4b:s6+s4] =	stream.linear.scatter [tilespmem:s28], [sflag:$0x3], $0x2800, $0x38;
	[tilespmem:$0x16900] =	vst v63  }
0x74: {  	_ =	swait.ge [sflag:s29], $0x2800  }
0x75: {  	[sflag:s29] =	ssyncset.done $0x0  }
0x76: {  	[sflag:s29] =	ssyncadd.s32 $0xFFFFD800  }
0x77: {  	[tilespmem:s28], [sflag:$0x3] =	stream.linear.gather [spmem:s8], $0x2800, $0x38;
	[tilespmem:$0x16900] =	vst v63  }
0x78: {  	_ =	swait.ge [sflag:s29], $0x2800  }
0x79: {  	[sflag:s29] =	ssyncset.done $0x0  }
0x7a: {  	[sflag:s29] =	ssyncadd.s32 $0xFFFFD800  }
0x7b: {  	[hbm4b:s16+s4] =	stream.linear.scatter [tilespmem:s28], [sflag:$0x3], $0x2800, $0x38;
	[tilespmem:$0x16900] =	vst v63  }
0x7c: {  	_ =	swait.ge [sflag:s29], $0x2800  }
0x7d: {  	[sflag:s29] =	ssyncset.done $0x0  }
0x7e: {  	[sflag:s29] =	ssyncadd.s32 $0xFFFFD800  }
0x7f: {  	[tilespmem:s28], [sflag:$0x3] =	stream.linear.gather [spmem:s9], $0x2800, $0x38;
	[tilespmem:$0x16900] =	vst v63  }
0x80: {  	_ =	swait.ge [sflag:s29], $0x2800  }
0x81: {  	[sflag:s29] =	ssyncset.done $0x0  }
0x82: {  	[sflag:s29] =	ssyncadd.s32 $0xFFFFD800  }
0x83: {  	[hbm4b:s17+s4] =	stream.linear.scatter [tilespmem:s28], [sflag:$0x3], $0x2800, $0x38;
	[tilespmem:$0x16900] =	vst v63  }
0x84: {  	_ =	swait.ge [sflag:s29], $0x2800  }
0x85: {  	[sflag:s29] =	ssyncset.done $0x0  }
0x86: {  	[sflag:s29] =	ssyncadd.s32 $0xFFFFD800  }
0x87: {  	[tilespmem:s28], [sflag:$0x3] =	stream.linear.gather [spmem:s10], $0x2800, $0x38;
	[tilespmem:$0x16900] =	vst v63  }
0x88: {  	_ =	swait.ge [sflag:s29], $0x2800  }
0x89: {  	[sflag:s29] =	ssyncset.done $0x0  }
0x8a: {  	[sflag:s29] =	ssyncadd.s32 $0xFFFFD800  }
0x8b: {  	[hbm4b:s18+s4] =	stream.linear.scatter [tilespmem:s28], [sflag:$0x3], $0x2800, $0x38;
	[tilespmem:$0x16900] =	vst v63  }
0x8c: {  	_ =	swait.ge [sflag:s29], $0x2800  }
0x8d: {  	[sflag:s29] =	ssyncset.done $0x0  }
0x8e: {  	[sflag:s29] =	ssyncadd.s32 $0xFFFFD800  }
0x8f: {  	[tilespmem:s28], [sflag:$0x3] =	stream.linear.gather [spmem:s11], $0x2800, $0x38;
	[tilespmem:$0x16900] =	vst v63  }
0x90: {  	_ =	swait.ge [sflag:s29], $0x2800  }
0x91: {  	[sflag:s29] =	ssyncset.done $0x0  }
0x92: {  	[sflag:s29] =	ssyncadd.s32 $0xFFFFD800  }
0x93: {  	[hbm4b:s19+s4] =	stream.linear.scatter [tilespmem:s28], [sflag:$0x3], $0x2800, $0x38;
	[tilespmem:$0x16900] =	vst v63  }
0x94: {  	_ =	swait.ge [sflag:s29], $0x2800  }
0x95: {  	[sflag:s29] =	ssyncset.done $0x0  }
0x96: {  	s14 =	simm.s32 @!p0 $0x3;
	s6 =	simm.s32 @!p0 $0x100;
	[sflag:s29] =	ssyncadd.s32 $0xFFFFD800  }
0x97: {  	[tilespmem:s6], [sflag:$0x3] =	stream.linear.gather @!p0 [spmem:s12], $0x2800, $0x38;
	[tilespmem:$0x16900] =	vst v63  }
0x98: {  	_ =	swait.ge @!p0 [sflag:s14], $0x2800  }
0x99: {  	[sflag:s14] =	ssyncset.done @!p0 $0x0  }
0x9a: {  	s15 =	simm.s32 @!p0 $0x0;
	[sflag:s14] =	ssyncadd.s32 @!p0 $0xFFFFD800  }
0x9b: {  	[hbm4b:s20+s15] =	stream.linear.scatter @!p0 [tilespmem:s6], [sflag:$0x3], $0x2800, $0x38;
	[tilespmem:$0x16900] =	vst v63  }
0x9c: {  	_ =	swait.ge @!p0 [sflag:s14], $0x2800  }
0x9d: {  	[sflag:s14] =	ssyncset.done @!p0 $0x0  }
0x9e: {  	[sflag:s14] =	ssyncadd.s32 @!p0 $0xFFFFD800  }
0x9f: {  	[tilespmem:s6], [sflag:$0x3] =	stream.linear.gather @!p0 [spmem:s13], $0x2800, $0x38;
	[tilespmem:$0x16900] =	vst v63  }
0xa0: {  	_ =	swait.ge @!p0 [sflag:s14], $0x2800  }
0xa1: {  	[sflag:s14] =	ssyncset.done @!p0 $0x0  }
0xa2: {  	[sflag:s14] =	ssyncadd.s32 @!p0 $0xFFFFD800  }
0xa3: {  	[hbm4b:s21+s15] =	stream.linear.scatter @!p0 [tilespmem:s6], [sflag:$0x3], $0x2800, $0x38;
	[tilespmem:$0x16900] =	vst v63  }
0xa4: {  	_ =	swait.ge @!p0 [sflag:s14], $0x2800  }
0xa5: {  	[sflag:s14] =	ssyncset.done @!p0 $0x0  }
0xa6: {  	[sflag:s14] =	ssyncadd.s32 @!p0 $0xFFFFD800  }
0xa7: {  	[tilespmem:s6], [sflag:$0x3] =	stream.linear.gather @!p0 [spmem:s26], $0x2800, $0x38;
	[tilespmem:$0x16900] =	vst v63  }
0xa8: {  	s2 =	sadd.s32 $0x1, s2;
	_ =	swait.ge @!p0 [sflag:s14], $0x2800  }
0xa9: {  	p1 =	sne.s32 s2, s23;
	[sflag:s14] =	ssyncset.done @!p0 $0x0  }
.Ltmp1:
0xaa: {  	[sflag:s14] =	ssyncadd.s32 @!p0 $0xFFFFD800;
	(pc) =	sbr.rel @p1 .LBB2_1-.Ltmp1, $4  }
0xab: {  	[hbm4b:s22+s15] =	stream.linear.scatter @!p0 [tilespmem:s6], [sflag:$0x3], $0x2800, $0x38;
	[tilespmem:$0x16900] =	vst v63  }
0xac: {  	_ =	swait.ge @!p0 [sflag:s14], $0x2800  }
0xad: {  	[sflag:s14] =	ssyncset.done @!p0 $0x0  }
0xae: {  	[sflag:s14] =	ssyncadd.s32 @!p0 $0xFFFFD800  }
0xaf: {  	_ =	sfence.sel $0x180000  }
0xb0: {  	[bflag:$0x0] =	sbarrier.arrive $0xFFFF  }
0xb1: {  	_ =	strace $0x9000004A  }
0xb2: {  	s0 =	stileid.u32;
	[bflag:$0x2] =	sbarrier.arrive $0xFFFF  }
0xb3: {  	p0 =	sne.s32 s0, $0x0;
	s0 =	rddreg [dreg:$0x3]  }
0xb4: {  	s0 =	sadd.s32 @!p0 $0x100000, s0  }
0xb5: {  	[sflag:s0] =	ssyncadd.tile.s32 @!p0 $0x1;
	_ =	shalt  }
.Lfunc_end2:
_tile_overlayer_lowered:
.L_overlay_start_2:
0xb6: {  	(tag) =	ssettag $0x2  }
0xb7: {  	s0 =	rddreg [dreg:$0x0];
	s2 =	stileid.u32  }
0xb8: {  	s1 =	rddreg [dreg:$0x1];
	p0 =	sne.s32 s2, $0x0  }
0xb9: {  	s3 =	rddreg [dreg:$0x2];
	[bflag:$0x3] =	sbarrier.arrive $0xFFFF;
	s2 =	simm.s32 @!p0 $0x1C03  }
0xba: {  	[timem:s3], [sflag:s2] =	dma.local @!p0 [hbm:s0], s1  }
0xbb: {  	s0 =	simm.s32 @!p0 $0x3  }
0xbc: {  	_ =	swait.ge @!p0 [sflag:s0], s1  }
0xbd: {  	s1 =	ssub.s32 @!p0 $0x0, s1;
	[sflag:s0] =	ssyncset.done @!p0 $0x0  }
0xbe: {  	[sflag:s0] =	ssyncadd.s32 @!p0 s1  }
0xbf: {  	[bflag:$0x3] =	sbarrier.arrive $0xFFFF  }
0xc0: {  	_ =	shalt  }

</sc_bundles>
